<compile_context>
chip_gen: v7x
topology: tpu7x:2x2x1
jax: 0.10.2.dev20260603
libtpu: 0.0.44.dev20260713+nightly
codegen_flags: <defaults>
</compile_context>

<pallas_src>
import functools

import jax
import jax.numpy as jnp
from jax import lax
from jax.experimental import pallas as pl
from jax.experimental.pallas import tpu as pltpu
from jax.experimental.pallas import tpu_sc as plsc

_K = 32
_NW = 32
_EPS = 1e-5


def _stem_matmul(x, wT, b):
    R, Cin = x.shape
    Cout = wT.shape[1]
    Nb = min(512, R)

    def body(x_ref, w_ref, b_ref, o_ref):
        o_ref[...] = (
            jnp.dot(x_ref[...], w_ref[...], preferred_element_type=jnp.float32)
            + b_ref[...]
        )

    return pl.pallas_call(
        body,
        grid=(R // Nb,),
        in_specs=[
            pl.BlockSpec((Nb, Cin), lambda i: (i, 0)),
            pl.BlockSpec((Cin, Cout), lambda i: (0, 0)),
            pl.BlockSpec((1, Cout), lambda i: (0, 0)),
        ],
        out_specs=pl.BlockSpec((Nb, Cout), lambda i: (i, 0)),
        out_shape=jax.ShapeDtypeStruct((R, Cout), jnp.float32),
    )(x, wT, b)


def _knn(q_rows, sT, r2):
    B, M, _ = q_rows.shape
    N = sT.shape[2]
    Mb = min(128, M)

    def body(q_ref, s_ref, o_ref, d2_ref):
        qx = q_ref[0, :, 0:1]
        qy = q_ref[0, :, 1:2]
        qz = q_ref[0, :, 2:3]
        sx = s_ref[0, 0:1, :]
        sy = s_ref[0, 1:2, :]
        sz = s_ref[0, 2:3, :]
        dx = qx - sx
        dy = qy - sy
        dz = qz - sz
        d2_ref[...] = dx * dx + dy * dy + dz * dz

        iota_n = lax.broadcasted_iota(jnp.int32, (Mb, N), 1)
        kio = lax.broadcasted_iota(jnp.int32, (Mb, _K), 1)

        def step(k, carry):
            dl, il, acc_d, acc_i = carry
            d2v = d2_ref[...]
            later = (d2v > dl) | ((d2v == dl) & (iota_n > il))
            cand = jnp.where(later, d2v, jnp.inf)
            m = jnp.min(cand, axis=1, keepdims=True)
            selc = jnp.where(cand == m, iota_n, N)
            sel = jnp.min(selc, axis=1, keepdims=True)
            acc_d = jnp.where(kio == k, m, acc_d)
            acc_i = jnp.where(kio == k, sel, acc_i)
            return m, sel, acc_d, acc_i

        init = (
            jnp.full((Mb, 1), -jnp.inf, jnp.float32),
            jnp.full((Mb, 1), -1, jnp.int32),
            jnp.zeros((Mb, _K), jnp.float32),
            jnp.zeros((Mb, _K), jnp.int32),
        )
        _, _, acc_d, acc_i = lax.fori_loop(0, _K, step, init)
        idx0 = acc_i[:, 0:1]
        idxc = jnp.where(acc_d > r2, idx0, acc_i)
        b = pl.program_id(0)
        o_ref[0] = idxc + b * N

    return pl.pallas_call(
        body,
        grid=(B, M // Mb),
        in_specs=[
            pl.BlockSpec((1, Mb, 3), lambda b, j: (b, j, 0)),
            pl.BlockSpec((1, 3, N), lambda b, j: (b, 0, 0)),
        ],
        out_specs=pl.BlockSpec((1, Mb, _K), lambda b, j: (b, j, 0)),
        out_shape=jax.ShapeDtypeStruct((B, M, _K), jnp.int32),
        scratch_shapes=[pltpu.VMEM((Mb, N), jnp.float32)],
    )(q_rows, sT)


def _gather_rows(table, idx, qpos, Q, Wt):
    qpw = Q // _NW
    nidx = qpw * _K
    chunk_i = min(128, nidx)
    nch = nidx // chunk_i

    mesh = plsc.VectorSubcoreMesh(
        core_axis_name="c", subcore_axis_name="s", num_cores=2, num_subcores=16
    )

    @functools.partial(
        pl.kernel,
        out_type=jax.ShapeDtypeStruct((Q * _K, Wt), jnp.float32),
        mesh=mesh,
        scratch_types=[
            pltpu.VMEM((nidx,), jnp.int32),
            pltpu.VMEM((qpw, 16), jnp.float32),
            pltpu.VMEM((chunk_i, Wt), jnp.float32),
            pltpu.SemaphoreType.DMA,
        ],
    )
    def sc_kernel(t_hbm, idx_hbm, qp_hbm, out_hbm, idx_v, qp_v, rows_v, sem):
        wid = lax.axis_index("s") * 2 + lax.axis_index("c")
        pltpu.sync_copy(idx_hbm.at[pl.ds(wid * nidx, nidx)], idx_v)
        pltpu.sync_copy(qp_hbm.at[pl.ds(wid * qpw, qpw)], qp_v)
        base = wid * nidx

        def chunk(ch, _):
            pltpu.async_copy(
                t_hbm.at[idx_v.at[pl.ds(ch * chunk_i, chunk_i)]], rows_v, sem
            ).wait()

            def rfix(r, _):
                q = ch * (chunk_i // _K) + r // _K
                rows_v[r, pl.ds(0, 16)] = (
                    rows_v[r, pl.ds(0, 16)] - qp_v[q, :]
                )
                return 0

            lax.fori_loop(0, chunk_i, rfix, 0)
            pltpu.sync_copy(rows_v, out_hbm.at[pl.ds(base + ch * chunk_i,
                                                     chunk_i)])
            return 0

        lax.fori_loop(0, nch, chunk, 0)

    return sc_kernel(table, idx, qpos)


def _matmul(x, wT):
    R, Cin = x.shape
    Cout = wT.shape[1]
    Nb = min(512, R)

    def body(x_ref, w_ref, o_ref):
        o_ref[...] = jnp.dot(x_ref[...], w_ref[...],
                             preferred_element_type=jnp.float32)

    return pl.pallas_call(
        body,
        grid=(R // Nb,),
        in_specs=[
            pl.BlockSpec((Nb, Cin), lambda i: (i, 0)),
            pl.BlockSpec((Cin, Cout), lambda i: (0, 0)),
        ],
        out_specs=pl.BlockSpec((Nb, Cout), lambda i: (i, 0)),
        out_shape=jax.ShapeDtypeStruct((R, Cout), jnp.float32),
    )(x, wT)


def _colreduce(y, mean=None):
    R, C = y.shape
    Nb = min(512, R)

    def body(y_ref, m_ref, o_ref):
        i = pl.program_id(0)

        @pl.when(i == 0)
        def _():
            o_ref[...] = jnp.zeros_like(o_ref)

        d = y_ref[...] - m_ref[...]
        o_ref[...] += jnp.sum(d * d, axis=0, keepdims=True)

    def body_plain(y_ref, o_ref):
        i = pl.program_id(0)

        @pl.when(i == 0)
        def _():
            o_ref[...] = jnp.zeros_like(o_ref)

        o_ref[...] += jnp.sum(y_ref[...], axis=0, keepdims=True)

    if mean is None:
        return pl.pallas_call(
            body_plain,
            grid=(R // Nb,),
            in_specs=[pl.BlockSpec((Nb, C), lambda i: (i, 0))],
            out_specs=pl.BlockSpec((1, C), lambda i: (0, 0)),
            out_shape=jax.ShapeDtypeStruct((1, C), jnp.float32),
        )(y)
    return pl.pallas_call(
        body,
        grid=(R // Nb,),
        in_specs=[pl.BlockSpec((Nb, C), lambda i: (i, 0)),
                  pl.BlockSpec((1, C), lambda i: (0, 0))],
        out_specs=pl.BlockSpec((1, C), lambda i: (0, 0)),
        out_shape=jax.ShapeDtypeStruct((1, C), jnp.float32),
    )(y, mean)


def _bn_relu_maxpool(y3, s1, s2, gamma, beta, P):
    Q, K, C = y3.shape
    Qb = min(256, Q)

    def body(y_ref, s1_ref, s2_ref, g_ref, b_ref, o_ref):
        mean = s1_ref[...] / P
        var = s2_ref[...] / P
        yv = y_ref[...]
        bn = ((yv - mean[None]) / jnp.sqrt(var[None] + _EPS)
              * g_ref[...][None] + b_ref[...][None])
        o_ref[...] = jnp.max(jnp.maximum(bn, 0.0), axis=1)

    return pl.pallas_call(
        body,
        grid=(Q // Qb,),
        in_specs=[
            pl.BlockSpec((Qb, K, C), lambda i: (i, 0, 0)),
            pl.BlockSpec((1, C), lambda i: (0, 0)),
            pl.BlockSpec((1, C), lambda i: (0, 0)),
            pl.BlockSpec((1, C), lambda i: (0, 0)),
            pl.BlockSpec((1, C), lambda i: (0, 0)),
        ],
        out_specs=pl.BlockSpec((Qb, C), lambda i: (i, 0)),
        out_shape=jax.ShapeDtypeStruct((Q, C), jnp.float32),
    )(y3, s1, s2, gamma, beta)


def _pw_block(y, identity, w1T, g1, b1, w2T, g2, b2):
    Q, C = y.shape

    def body(y_ref, id_ref, w1_ref, g1_ref, b1_ref, w2_ref, g2_ref, b2_ref,
             o_ref):
        yv = y_ref[...]
        m1 = jnp.dot(yv, w1_ref[...], preferred_element_type=jnp.float32)
        mu1 = jnp.mean(m1, axis=0, keepdims=True)
        v1 = jnp.mean((m1 - mu1) * (m1 - mu1), axis=0, keepdims=True)
        h1 = jnp.maximum(
            (m1 - mu1) / jnp.sqrt(v1 + _EPS) * g1_ref[...] + b1_ref[...], 0.0
        )
        m2 = jnp.dot(h1, w2_ref[...], preferred_element_type=jnp.float32)
        mu2 = jnp.mean(m2, axis=0, keepdims=True)
        v2 = jnp.mean((m2 - mu2) * (m2 - mu2), axis=0, keepdims=True)
        h2 = (m2 - mu2) / jnp.sqrt(v2 + _EPS) * g2_ref[...] + b2_ref[...]
        o_ref[...] = jnp.maximum(h2 + id_ref[...], 0.0)

    return pl.pallas_call(
        body,
        out_shape=jax.ShapeDtypeStruct((Q, C), jnp.float32),
    )(y, identity, w1T, g1, b1, w2T, g2, b2)


def _group_conv(q_rows, s_rows, feats, r2, prm):
    B, M, _ = q_rows.shape
    W = prm["W"]
    Cout, Cin = W.shape
    C = Cin - 3
    Wt = 128 * ((Cin + 127) // 128)

    table = jnp.concatenate(
        [s_rows.reshape(-1, 3), feats,
         jnp.zeros((feats.shape[0], Wt - Cin), jnp.float32)], axis=1)
    sT = jnp.transpose(s_rows, (0, 2, 1))
    idx = _knn(q_rows, sT, r2)

    Q = B * M
    qpos = jnp.pad(q_rows.reshape(Q, 3), ((0, 0), (0, 13)))
    rows = _gather_rows(table, idx.reshape(-1), qpos, Q, Wt)

    wT = jnp.pad(jnp.transpose(W), ((0, Wt - Cin), (0, 0)))
    y = _matmul(rows, wT)
    s1 = _colreduce(y)
    s2 = _colreduce(y, s1 / float(Q * _K))
    return _bn_relu_maxpool(
        y.reshape(Q, _K, Cout), s1, s2,
        prm["gamma"].reshape(1, Cout), prm["beta"].reshape(1, Cout),
        float(Q * _K))


def kernel(p0, f0, params):
    B, N, _ = p0.shape
    radii = [0.1, 0.2, 0.4, 0.8]

    f0T = jnp.transpose(f0, (0, 2, 1)).reshape(B * N, -1)
    stem = params["stem"]
    x = _stem_matmul(
        f0T, jnp.transpose(stem["W"]), stem["b"].reshape(1, -1)
    )

    p_rows = p0
    for s in range(4):
        st = params["stages"][s]
        r = radii[s]
        M = N // 4
        q_rows = p_rows[:, ::4, :]
        x = _group_conv(q_rows, p_rows, x, r * r, st["sa"])
        p_rows = q_rows
        N = M
        for blk in st["blocks"]:
            y = _group_conv(p_rows, p_rows, x, 4.0 * r * r, blk["la"])
            x = _pw_block(
                y,
                x,
                jnp.transpose(blk["pw1"]["W"]),
                blk["pw1"]["gamma"].reshape(1, -1),
                blk["pw1"]["beta"].reshape(1, -1),
                jnp.transpose(blk["pw2"]["W"]),
                blk["pw2"]["gamma"].reshape(1, -1),
                blk["pw2"]["beta"].reshape(1, -1),
            )

    C = x.shape[1]
    return jnp.transpose(x.reshape(B, N, C), (0, 2, 1))

# --- scband reference (transcript-rebuilt; emitter-appended) ---
"""Pipeline reference for scband-point-next-encoder-34737695490784 (READ-ONLY COPY).

The authoritative reference and input builder live on the scoring server;
editing this copy changes nothing except your own understanding.
"""

import jax, jax.numpy as jnp
import numpy as np

NSAMPLE = 32
BLOCKS = [1, 2, 3, 2, 2]
STRIDES = [1, 4, 4, 4, 4]
WIDTHS = [32, 64, 128, 256, 512]
RADII = [0.1, 0.2, 0.4, 0.8]
EXPANSION = 4
IN_CH = 4


def _conv_bn_params(key, cin, cout):
    k1, _ = jax.random.split(key)
    return {
        'W': jax.random.normal(k1, (cout, cin), jnp.float32) / np.sqrt(cin),
        'b': jnp.zeros((cout,), jnp.float32),
        'gamma': jnp.ones((cout,), jnp.float32),
        'beta': jnp.zeros((cout,), jnp.float32),
    }


def setup_inputs(seed: int = 0) -> dict:
    key = jax.random.key(seed)
    ks = jax.random.split(key, 64)
    B, N = 2, 8192
    p0 = jax.random.uniform(ks[0], (B, N, 3), jnp.float32)
    f0 = jax.random.normal(ks[1], (B, IN_CH, N), jnp.float32)
    params = {'stem': _conv_bn_params(ks[2], IN_CH, WIDTHS[0])}
    stages = []
    ki = 3
    cin = WIDTHS[0]
    for s in range(1, 5):
        cout = WIDTHS[s]
        st = {'sa': _conv_bn_params(ks[ki], 3 + cin, cout)}
        ki += 1
        blks = []
        for _ in range(BLOCKS[s] - 1):
            blks.append({
                'la': _conv_bn_params(ks[ki], 3 + cout, cout),
                'pw1': _conv_bn_params(ks[ki + 1], cout, cout * EXPANSION),
                'pw2': _conv_bn_params(ks[ki + 2], cout * EXPANSION, cout),
            })
            ki += 3
        st['blocks'] = blks
        stages.append(st)
        cin = cout
    params['stages'] = stages
    return {'p0': p0, 'f0': f0, 'params': params}


def _conv(x, W, b):
    if x.ndim == 3:
        y = jnp.einsum('oc,bcn->bon', W, x)
    else:
        y = jnp.einsum('oc,bcmk->bomk', W, x)
    sh = [1] * x.ndim
    sh[1] = -1
    return y + b.reshape(sh)


def _bn(x, g, b):
    axes = tuple(i for i in range(x.ndim) if i != 1)
    m = jnp.mean(x, axis=axes, keepdims=True)
    v = jnp.var(x, axis=axes, keepdims=True)
    sh = [1] * x.ndim
    sh[1] = -1
    return (x - m) / jnp.sqrt(v + 1e-5) * g.reshape(sh) + b.reshape(sh)


def _cbr(x, p, act=True):
    y = _bn(_conv(x, p['W'], p['b']), p['gamma'], p['beta'])
    return jax.nn.relu(y) if act else y


def _group(qp, sp, feats, radius):
    # ball-query approximated as kNN (top_k on negative squared dist) with
    # out-of-radius neighbors clamped to the nearest point (standard trick).
    d2 = jnp.sum((qp[:, :, None, :] - sp[:, None, :, :]) ** 2, axis=-1)  # [B,M,N]
    neg, idx = jax.lax.top_k(-d2, NSAMPLE)  # [B,M,K]
    dk = -neg
    idx = jnp.where(dk > radius * radius, idx[:, :, :1], idx)
    gp = jax.vmap(lambda s, i: s[i])(sp, idx)        # [B,M,K,3]
    gx = jax.vmap(lambda f, i: f[:, i])(feats, idx)  # [B,C,M,K]
    dp = jnp.transpose(gp - qp[:, :, None, :], (0, 3, 1, 2))  # [B,3,M,K]
    return dp, gx


def _forward(p0, f0, params):
    # stem SetAbstraction (is_head): plain 1x1 conv, no norm/act
    x = _conv(f0, params['stem']['W'], params['stem']['b'])
    p = p0
    for s in range(4):
        st = params['stages'][s]
        r = RADII[s]
        stride = STRIDES[s + 1]
        M = p.shape[1] // stride
        idx = jnp.arange(M) * stride  # deterministic 'random' subsample
        new_p = p[:, idx, :]
        dp, xj = _group(new_p, p, x, r)
        y = jnp.concatenate([dp, xj], axis=1)
        y = _cbr(y, st['sa'], act=True)
        x = jnp.max(y, axis=-1)
        p = new_p
        for blk in st['blocks']:
            identity = x
            dp, xj = _group(p, p, x, r * 2.0)
            y = jnp.concatenate([dp, xj], axis=1)
            y = _cbr(y, blk['la'], act=True)
            y = jnp.max(y, axis=-1)
            y = _cbr(y, blk['pw1'], act=True)
            y = _cbr(y, blk['pw2'], act=False)
            x = jax.nn.relu(y + identity)
    return x


def reference(p0, f0, params):
    return _forward(p0, f0, params)

if __name__ == "__main__":
    import jax
    _d = setup_inputs()
    print(jax.jit(kernel)(*tuple(_d.values())))

</pallas_src>

<mosaic_0001>
#map = affine_map<(d0, d1) -> (0, 0)>
#map1 = affine_map<(d0, d1) -> (0)>
module attributes {stable_mosaic.version = 14 : i64} {
  func.func @sc_kernel(%arg0: i32, %arg1: i32, %arg2: memref<16384x128xf32, #tpu.memory_space<hbm>>, %arg3: memref<131072xi32, #tpu.memory_space<hbm>>, %arg4: memref<4096x16xf32, #tpu.memory_space<hbm>>, %arg5: memref<131072x128xf32, #tpu.memory_space<hbm>>, %arg6: memref<4096xi32, #tpu.memory_space<vmem>>, %arg7: memref<128x16xf32, #tpu.memory_space<vmem>>, %arg8: memref<128x128xf32, #tpu.memory_space<vmem>>, %arg9: memref<!tpu.dma_semaphore, #tpu.memory_space<semaphore_mem>>) attributes {dimension_semantics = [#tpu.dimension_semantics<core_parallel>, #tpu.dimension_semantics<subcore_parallel>], iteration_bounds = array<i64: 2, 16>, scalar_prefetch = 0 : i64, scratch_operands = 4 : i64, tpu.core_type = #tpu.core_type<sc_vector_subcore>, window_params = [{transform_indices = #map}, {transform_indices = #map1}, {transform_indices = #map}, {transform_indices = #map}]} {
    %mul3A = arith.constant 2 : i32
    %mul3A_0 = arith.muli %arg1, %mul3A : i32
    %add3A = arith.addi %mul3A_0, %arg0 : i32
    %mul3A_1 = arith.constant 4096 : i32
    %mul3A_2 = arith.muli %add3A, %mul3A_1 : i32
    "tpu.region"() ({
      %run_scoped3A = tpu.sem_alloc : memref<!tpu.dma_semaphore, #tpu.memory_space<semaphore_mem>>
      %dma_start3A = tpu.memref_slice %arg3[%mul3A_2] : memref<131072xi32, #tpu.memory_space<hbm>> -> memref<4096xi32, #tpu.memory_space<hbm>>
      %dma_start3A_13 = tpu.memref_slice %arg3[%mul3A_2] : memref<131072xi32, #tpu.memory_space<hbm>> -> memref<4096xi32, #tpu.memory_space<hbm>>
      tpu.enqueue_dma source(%dma_start3A_13 : memref<4096xi32, #tpu.memory_space<hbm>>) target(%arg6 : memref<4096xi32, #tpu.memory_space<vmem>>) target_semaphore(%run_scoped3A : memref<!tpu.dma_semaphore, #tpu.memory_space<semaphore_mem>>)
      %dma_wait3A = tpu.memref_slice %arg3[%mul3A_2] : memref<131072xi32, #tpu.memory_space<hbm>> -> memref<4096xi32, #tpu.memory_space<hbm>>
      %dma_wait3A_14 = tpu.memref_slice %arg3[%mul3A_2] : memref<131072xi32, #tpu.memory_space<hbm>> -> memref<4096xi32, #tpu.memory_space<hbm>>
      tpu.wait_dma2 semaphore(%run_scoped3A : memref<!tpu.dma_semaphore, #tpu.memory_space<semaphore_mem>>) src(%dma_wait3A_14 : memref<4096xi32, #tpu.memory_space<hbm>>) dst(%arg6 : memref<4096xi32, #tpu.memory_space<vmem>>)
      tpu.yield
    }) : () -> ()
    %mul3A_3 = arith.constant 128 : i32
    %mul3A_4 = arith.muli %add3A, %mul3A_3 : i32
    "tpu.region"() ({
      %run_scoped3A = tpu.sem_alloc : memref<!tpu.dma_semaphore, #tpu.memory_space<semaphore_mem>>
      %dma_start3A = arith.constant 0 : i32
      %dma_start3A_13 = tpu.memref_slice %arg4[%mul3A_4, %dma_start3A] : memref<4096x16xf32, #tpu.memory_space<hbm>> -> memref<128x16xf32, #tpu.memory_space<hbm>>
      %dma_start3A_14 = arith.constant 0 : i32
      %dma_start3A_15 = tpu.memref_slice %arg4[%mul3A_4, %dma_start3A_14] : memref<4096x16xf32, #tpu.memory_space<hbm>> -> memref<128x16xf32, #tpu.memory_space<hbm>>
      tpu.enqueue_dma source(%dma_start3A_15 : memref<128x16xf32, #tpu.memory_space<hbm>>) target(%arg7 : memref<128x16xf32, #tpu.memory_space<vmem>>) target_semaphore(%run_scoped3A : memref<!tpu.dma_semaphore, #tpu.memory_space<semaphore_mem>>)
      %dma_wait3A = arith.constant 0 : i32
      %dma_wait3A_16 = tpu.memref_slice %arg4[%mul3A_4, %dma_wait3A] : memref<4096x16xf32, #tpu.memory_space<hbm>> -> memref<128x16xf32, #tpu.memory_space<hbm>>
      %dma_wait3A_17 = arith.constant 0 : i32
      %dma_wait3A_18 = tpu.memref_slice %arg4[%mul3A_4, %dma_wait3A_17] : memref<4096x16xf32, #tpu.memory_space<hbm>> -> memref<128x16xf32, #tpu.memory_space<hbm>>
      tpu.wait_dma2 semaphore(%run_scoped3A : memref<!tpu.dma_semaphore, #tpu.memory_space<semaphore_mem>>) src(%dma_wait3A_18 : memref<128x16xf32, #tpu.memory_space<hbm>>) dst(%arg7 : memref<128x16xf32, #tpu.memory_space<vmem>>)
      tpu.yield
    }) : () -> ()
    %mul3A_5 = arith.constant 4096 : i32
    %mul3A_6 = arith.muli %add3A, %mul3A_5 : i32
    %scan3A = arith.constant 0 : i32
    %scan3A_7 = arith.constant 0 : i32
    %scan3A_8 = arith.constant 32 : i32
    %scan3A_9 = arith.addi %scan3A_7, %scan3A_8 : i32
    %scan3A_10 = arith.constant 1 : i32
    %scan3A_11 = scf.for %scan3A_13 = %scan3A_7 to %scan3A_9 step %scan3A_10 iter_args(%scan3A_14 = %scan3A) -> (i32)  : i32 {
      %mul3A_15 = arith.constant 128 : i32
      %mul3A_16 = arith.muli %scan3A_13, %mul3A_15 : i32
      %dma_start3A = tpu.memref_slice %arg6[%mul3A_16] : memref<4096xi32, #tpu.memory_space<vmem>> -> memref<128xi32, #tpu.memory_space<vmem>>
      %dma_start3A_17 = arith.constant 0 : i32
      %dma_start3A_18 = arith.constant 0 : i32
      %dma_start3A_19 = tpu.memref_slice %arg2[%dma_start3A_17, %dma_start3A_18] : memref<16384x128xf32, #tpu.memory_space<hbm>> -> memref<16384x128xf32, #tpu.memory_space<hbm>>
      tpu.enqueue_indirect_dma source(%dma_start3A_19 : memref<16384x128xf32, #tpu.memory_space<hbm>>) target(%arg8 : memref<128x128xf32, #tpu.memory_space<vmem>>) offsets(%dma_start3A : memref<128xi32, #tpu.memory_space<vmem>>) semaphore(%arg9 : memref<!tpu.dma_semaphore, #tpu.memory_space<semaphore_mem>>)
      %dma_wait3A = tpu.memref_slice %arg6[%mul3A_16] : memref<4096xi32, #tpu.memory_space<vmem>> -> memref<128xi32, #tpu.memory_space<vmem>>
      %dma_wait3A_20 = arith.constant 0 : i32
      %dma_wait3A_21 = arith.constant 0 : i32
      %dma_wait3A_22 = tpu.memref_slice %arg2[%dma_wait3A_20, %dma_wait3A_21] : memref<16384x128xf32, #tpu.memory_space<hbm>> -> memref<16384x128xf32, #tpu.memory_space<hbm>>
      tpu.wait_indirect_dma semaphore(%arg9 : memref<!tpu.dma_semaphore, #tpu.memory_space<semaphore_mem>>) src(%dma_wait3A_22 : memref<16384x128xf32, #tpu.memory_space<hbm>>) dst(%arg8 : memref<128x128xf32, #tpu.memory_space<vmem>>)
      %scan3A_23 = arith.constant 0 : i32
      %scan3A_24 = arith.constant 0 : i32
      %scan3A_25 = arith.constant 128 : i32
      %scan3A_26 = arith.addi %scan3A_24, %scan3A_25 : i32
      %scan3A_27 = arith.constant 1 : i32
      %scan3A_28 = scf.for %scan3A_34 = %scan3A_24 to %scan3A_26 step %scan3A_27 iter_args(%scan3A_35 = %scan3A_23) -> (i32)  : i32 {
        %mul3A_36 = arith.constant 4 : i32
        %mul3A_37 = arith.muli %scan3A_13, %mul3A_36 : i32
        %jit3A = arith.constant 32 : i32
        %div3A = arith.divsi %scan3A_34, %jit3A : i32
        %sign3A = arith.constant 0 : i32
        %sign3A_38 = arith.cmpi sgt, %scan3A_34, %sign3A : i32
        %sign3A_39 = arith.extui %sign3A_38 : i1 to i32
        %sign3A_40 = arith.constant 0 : i32
        %sign3A_41 = arith.cmpi slt, %scan3A_34, %sign3A_40 : i32
        %sign3A_42 = arith.extui %sign3A_41 : i1 to i32
        %sign3A_43 = arith.subi %sign3A_39, %sign3A_42 : i32
        %sign3A_44 = arith.constant 0 : i32
        %sign3A_45 = arith.cmpi sgt, %jit3A, %sign3A_44 : i32
        %sign3A_46 = arith.extui %sign3A_45 : i1 to i32
        %sign3A_47 = arith.constant 0 : i32
        %sign3A_48 = arith.cmpi slt, %jit3A, %sign3A_47 : i32
        %sign3A_49 = arith.extui %sign3A_48 : i1 to i32
        %sign3A_50 = arith.subi %sign3A_46, %sign3A_49 : i32
        %ne3A = arith.cmpi ne, %sign3A_43, %sign3A_50 : i32
        %rem3A = arith.remsi %scan3A_34, %jit3A : i32
        %ne3A_51 = arith.constant 0 : i32
        %ne3A_52 = arith.cmpi ne, %rem3A, %ne3A_51 : i32
        %and3A = arith.andi %ne3A, %ne3A_52 : i1
        %sub3A = arith.constant 1 : i32
        %sub3A_53 = arith.subi %div3A, %sub3A : i32
        %select_n3A = arith.select %and3A, %sub3A_53, %div3A : i32
        %add3A_54 = arith.addi %mul3A_37, %select_n3A : i32
        %get3A = arith.index_cast %scan3A_34 : i32 to index
        %get3A_55 = arith.constant 0 : index
        %get3A_56 = tpu.vector_load %arg8[%get3A, %get3A_55] {strides = array<i32>} : memref<128x128xf32, #tpu.memory_space<vmem>>, vector<1x16xf32>,
        %get3A_57 = vector.shape_cast %get3A_56 : vector<1x16xf32> to vector<16xf32>
        %get3A_58 = arith.index_cast %add3A_54 : i32 to index
        %get3A_59 = arith.constant 0 : index
        %get3A_60 = tpu.vector_load %arg7[%get3A_58, %get3A_59] {strides = array<i32>} : memref<128x16xf32, #tpu.memory_space<vmem>>, vector<1x16xf32>,
        %get3A_61 = vector.shape_cast %get3A_60 : vector<1x16xf32> to vector<16xf32>
        %sub3A_62 = arith.subf %get3A_57, %get3A_61 : vector<16xf32>
        %swap3A = arith.index_cast %scan3A_34 : i32 to index
        %swap3A_63 = arith.constant 0 : index
        %swap3A_64 = tpu.vector_load %arg8[%swap3A, %swap3A_63] {strides = array<i32>} : memref<128x128xf32, #tpu.memory_space<vmem>>, vector<1x16xf32>,
        %swap3A_65 = vector.shape_cast %swap3A_64 : vector<1x16xf32> to vector<16xf32>
        %swap3A_66 = vector.shape_cast %sub3A_62 : vector<16xf32> to vector<1x16xf32>
        tpu.vector_store %arg8[%swap3A, %swap3A_63], %swap3A_66 {strides = array<i32>} : memref<128x128xf32, #tpu.memory_space<vmem>>, vector<1x16xf32>,
        %scan3A_67 = arith.constant 0 : i32
        scf.yield %scan3A_67 : i32
      }
      %scan3A_29 = arith.constant 128 : i32
      %mul3A_30 = arith.constant 128 : i32
      %mul3A_31 = arith.muli %scan3A_13, %mul3A_30 : i32
      %add3A_32 = arith.addi %mul3A_6, %mul3A_31 : i32
      "tpu.region"() ({
        %run_scoped3A = tpu.sem_alloc : memref<!tpu.dma_semaphore, #tpu.memory_space<semaphore_mem>>
        %dma_start3A_34 = arith.constant 0 : i32
        %dma_start3A_35 = tpu.memref_slice %arg5[%add3A_32, %dma_start3A_34] : memref<131072x128xf32, #tpu.memory_space<hbm>> -> memref<128x128xf32, #tpu.memory_space<hbm>>
        %dma_start3A_36 = arith.constant 0 : i32
        %dma_start3A_37 = tpu.memref_slice %arg5[%add3A_32, %dma_start3A_36] : memref<131072x128xf32, #tpu.memory_space<hbm>> -> memref<128x128xf32, #tpu.memory_space<hbm>>
        tpu.enqueue_dma source(%arg8 : memref<128x128xf32, #tpu.memory_space<vmem>>) target(%dma_start3A_37 : memref<128x128xf32, #tpu.memory_space<hbm>>) target_semaphore(%run_scoped3A : memref<!tpu.dma_semaphore, #tpu.memory_space<semaphore_mem>>)
        %dma_wait3A_38 = arith.constant 0 : i32
        %dma_wait3A_39 = tpu.memref_slice %arg5[%add3A_32, %dma_wait3A_38] : memref<131072x128xf32, #tpu.memory_space<hbm>> -> memref<128x128xf32, #tpu.memory_space<hbm>>
        %dma_wait3A_40 = arith.constant 0 : i32
        %dma_wait3A_41 = tpu.memref_slice %arg5[%add3A_32, %dma_wait3A_40] : memref<131072x128xf32, #tpu.memory_space<hbm>> -> memref<128x128xf32, #tpu.memory_space<hbm>>
        tpu.wait_dma2 semaphore(%run_scoped3A : memref<!tpu.dma_semaphore, #tpu.memory_space<semaphore_mem>>) src(%arg8 : memref<128x128xf32, #tpu.memory_space<vmem>>) dst(%dma_wait3A_41 : memref<128x128xf32, #tpu.memory_space<hbm>>)
        tpu.yield
      }) : () -> ()
      %scan3A_33 = arith.constant 0 : i32
      scf.yield %scan3A_33 : i32
    }
    %scan3A_12 = arith.constant 32 : i32
    return
  }
}

#map = affine_map<(d0, d1) -> (0, 0)>
#map1 = affine_map<(d0, d1) -> (0)>
module attributes {stable_mosaic.version = 14 : i64} {
  func.func @sc_kernel(%arg0: i32, %arg1: i32, %arg2: memref<1024x256xf32, #tpu.memory_space<hbm>>, %arg3: memref<32768xi32, #tpu.memory_space<hbm>>, %arg4: memref<1024x16xf32, #tpu.memory_space<hbm>>, %arg5: memref<32768x256xf32, #tpu.memory_space<hbm>>, %arg6: memref<1024xi32, #tpu.memory_space<vmem>>, %arg7: memref<32x16xf32, #tpu.memory_space<vmem>>, %arg8: memref<128x256xf32, #tpu.memory_space<vmem>>, %arg9: memref<!tpu.dma_semaphore, #tpu.memory_space<semaphore_mem>>) attributes {dimension_semantics = [#tpu.dimension_semantics<core_parallel>, #tpu.dimension_semantics<subcore_parallel>], iteration_bounds = array<i64: 2, 16>, scalar_prefetch = 0 : i64, scratch_operands = 4 : i64, tpu.core_type = #tpu.core_type<sc_vector_subcore>, window_params = [{transform_indices = #map}, {transform_indices = #map1}, {transform_indices = #map}, {transform_indices = #map}]} {
    %mul3A = arith.constant 2 : i32
    %mul3A_0 = arith.muli %arg1, %mul3A : i32
    %add3A = arith.addi %mul3A_0, %arg0 : i32
    %mul3A_1 = arith.constant 1024 : i32
    %mul3A_2 = arith.muli %add3A, %mul3A_1 : i32
    "tpu.region"() ({
      %run_scoped3A = tpu.sem_alloc : memref<!tpu.dma_semaphore, #tpu.memory_space<semaphore_mem>>
      %dma_start3A = tpu.memref_slice %arg3[%mul3A_2] : memref<32768xi32, #tpu.memory_space<hbm>> -> memref<1024xi32, #tpu.memory_space<hbm>>
      %dma_start3A_13 = tpu.memref_slice %arg3[%mul3A_2] : memref<32768xi32, #tpu.memory_space<hbm>> -> memref<1024xi32, #tpu.memory_space<hbm>>
      tpu.enqueue_dma source(%dma_start3A_13 : memref<1024xi32, #tpu.memory_space<hbm>>) target(%arg6 : memref<1024xi32, #tpu.memory_space<vmem>>) target_semaphore(%run_scoped3A : memref<!tpu.dma_semaphore, #tpu.memory_space<semaphore_mem>>)
      %dma_wait3A = tpu.memref_slice %arg3[%mul3A_2] : memref<32768xi32, #tpu.memory_space<hbm>> -> memref<1024xi32, #tpu.memory_space<hbm>>
      %dma_wait3A_14 = tpu.memref_slice %arg3[%mul3A_2] : memref<32768xi32, #tpu.memory_space<hbm>> -> memref<1024xi32, #tpu.memory_space<hbm>>
      tpu.wait_dma2 semaphore(%run_scoped3A : memref<!tpu.dma_semaphore, #tpu.memory_space<semaphore_mem>>) src(%dma_wait3A_14 : memref<1024xi32, #tpu.memory_space<hbm>>) dst(%arg6 : memref<1024xi32, #tpu.memory_space<vmem>>)
      tpu.yield
    }) : () -> ()
    %mul3A_3 = arith.constant 32 : i32
    %mul3A_4 = arith.muli %add3A, %mul3A_3 : i32
    "tpu.region"() ({
      %run_scoped3A = tpu.sem_alloc : memref<!tpu.dma_semaphore, #tpu.memory_space<semaphore_mem>>
      %dma_start3A = arith.constant 0 : i32
      %dma_start3A_13 = tpu.memref_slice %arg4[%mul3A_4, %dma_start3A] : memref<1024x16xf32, #tpu.memory_space<hbm>> -> memref<32x16xf32, #tpu.memory_space<hbm>>
      %dma_start3A_14 = arith.constant 0 : i32
      %dma_start3A_15 = tpu.memref_slice %arg4[%mul3A_4, %dma_start3A_14] : memref<1024x16xf32, #tpu.memory_space<hbm>> -> memref<32x16xf32, #tpu.memory_space<hbm>>
      tpu.enqueue_dma source(%dma_start3A_15 : memref<32x16xf32, #tpu.memory_space<hbm>>) target(%arg7 : memref<32x16xf32, #tpu.memory_space<vmem>>) target_semaphore(%run_scoped3A : memref<!tpu.dma_semaphore, #tpu.memory_space<semaphore_mem>>)
      %dma_wait3A = arith.constant 0 : i32
      %dma_wait3A_16 = tpu.memref_slice %arg4[%mul3A_4, %dma_wait3A] : memref<1024x16xf32, #tpu.memory_space<hbm>> -> memref<32x16xf32, #tpu.memory_space<hbm>>
      %dma_wait3A_17 = arith.constant 0 : i32
      %dma_wait3A_18 = tpu.memref_slice %arg4[%mul3A_4, %dma_wait3A_17] : memref<1024x16xf32, #tpu.memory_space<hbm>> -> memref<32x16xf32, #tpu.memory_space<hbm>>
      tpu.wait_dma2 semaphore(%run_scoped3A : memref<!tpu.dma_semaphore, #tpu.memory_space<semaphore_mem>>) src(%dma_wait3A_18 : memref<32x16xf32, #tpu.memory_space<hbm>>) dst(%arg7 : memref<32x16xf32, #tpu.memory_space<vmem>>)
      tpu.yield
    }) : () -> ()
    %mul3A_5 = arith.constant 1024 : i32
    %mul3A_6 = arith.muli %add3A, %mul3A_5 : i32
    %scan3A = arith.constant 0 : i32
    %scan3A_7 = arith.constant 0 : i32
    %scan3A_8 = arith.constant 8 : i32
    %scan3A_9 = arith.addi %scan3A_7, %scan3A_8 : i32
    %scan3A_10 = arith.constant 1 : i32
    %scan3A_11 = scf.for %scan3A_13 = %scan3A_7 to %scan3A_9 step %scan3A_10 iter_args(%scan3A_14 = %scan3A) -> (i32)  : i32 {
      %mul3A_15 = arith.constant 128 : i32
      %mul3A_16 = arith.muli %scan3A_13, %mul3A_15 : i32
      %dma_start3A = tpu.memref_slice %arg6[%mul3A_16] : memref<1024xi32, #tpu.memory_space<vmem>> -> memref<128xi32, #tpu.memory_space<vmem>>
      %dma_start3A_17 = arith.constant 0 : i32
      %dma_start3A_18 = arith.constant 0 : i32
      %dma_start3A_19 = tpu.memref_slice %arg2[%dma_start3A_17, %dma_start3A_18] : memref<1024x256xf32, #tpu.memory_space<hbm>> -> memref<1024x256xf32, #tpu.memory_space<hbm>>
      tpu.enqueue_indirect_dma source(%dma_start3A_19 : memref<1024x256xf32, #tpu.memory_space<hbm>>) target(%arg8 : memref<128x256xf32, #tpu.memory_space<vmem>>) offsets(%dma_start3A : memref<128xi32, #tpu.memory_space<vmem>>) semaphore(%arg9 : memref<!tpu.dma_semaphore, #tpu.memory_space<semaphore_mem>>)
      %dma_wait3A = tpu.memref_slice %arg6[%mul3A_16] : memref<1024xi32, #tpu.memory_space<vmem>> -> memref<128xi32, #tpu.memory_space<vmem>>
      %dma_wait3A_20 = arith.constant 0 : i32
      %dma_wait3A_21 = arith.constant 0 : i32
      %dma_wait3A_22 = tpu.memref_slice %arg2[%dma_wait3A_20, %dma_wait3A_21] : memref<1024x256xf32, #tpu.memory_space<hbm>> -> memref<1024x256xf32, #tpu.memory_space<hbm>>
      tpu.wait_indirect_dma semaphore(%arg9 : memref<!tpu.dma_semaphore, #tpu.memory_space<semaphore_mem>>) src(%dma_wait3A_22 : memref<1024x256xf32, #tpu.memory_space<hbm>>) dst(%arg8 : memref<128x256xf32, #tpu.memory_space<vmem>>)
      %scan3A_23 = arith.constant 0 : i32
      %scan3A_24 = arith.constant 0 : i32
      %scan3A_25 = arith.constant 128 : i32
      %scan3A_26 = arith.addi %scan3A_24, %scan3A_25 : i32
      %scan3A_27 = arith.constant 1 : i32
      %scan3A_28 = scf.for %scan3A_34 = %scan3A_24 to %scan3A_26 step %scan3A_27 iter_args(%scan3A_35 = %scan3A_23) -> (i32)  : i32 {
        %mul3A_36 = arith.constant 4 : i32
        %mul3A_37 = arith.muli %scan3A_13, %mul3A_36 : i32
        %jit3A = arith.constant 32 : i32
        %div3A = arith.divsi %scan3A_34, %jit3A : i32
        %sign3A = arith.constant 0 : i32
        %sign3A_38 = arith.cmpi sgt, %scan3A_34, %sign3A : i32
        %sign3A_39 = arith.extui %sign3A_38 : i1 to i32
        %sign3A_40 = arith.constant 0 : i32
        %sign3A_41 = arith.cmpi slt, %scan3A_34, %sign3A_40 : i32
        %sign3A_42 = arith.extui %sign3A_41 : i1 to i32
        %sign3A_43 = arith.subi %sign3A_39, %sign3A_42 : i32
        %sign3A_44 = arith.constant 0 : i32
        %sign3A_45 = arith.cmpi sgt, %jit3A, %sign3A_44 : i32
        %sign3A_46 = arith.extui %sign3A_45 : i1 to i32
        %sign3A_47 = arith.constant 0 : i32
        %sign3A_48 = arith.cmpi slt, %jit3A, %sign3A_47 : i32
        %sign3A_49 = arith.extui %sign3A_48 : i1 to i32
        %sign3A_50 = arith.subi %sign3A_46, %sign3A_49 : i32
        %ne3A = arith.cmpi ne, %sign3A_43, %sign3A_50 : i32
        %rem3A = arith.remsi %scan3A_34, %jit3A : i32
        %ne3A_51 = arith.constant 0 : i32
        %ne3A_52 = arith.cmpi ne, %rem3A, %ne3A_51 : i32
        %and3A = arith.andi %ne3A, %ne3A_52 : i1
        %sub3A = arith.constant 1 : i32
        %sub3A_53 = arith.subi %div3A, %sub3A : i32
        %select_n3A = arith.select %and3A, %sub3A_53, %div3A : i32
        %add3A_54 = arith.addi %mul3A_37, %select_n3A : i32
        %get3A = arith.index_cast %scan3A_34 : i32 to index
        %get3A_55 = arith.constant 0 : index
        %get3A_56 = tpu.vector_load %arg8[%get3A, %get3A_55] {strides = array<i32>} : memref<128x256xf32, #tpu.memory_space<vmem>>, vector<1x16xf32>,
        %get3A_57 = vector.shape_cast %get3A_56 : vector<1x16xf32> to vector<16xf32>
        %get3A_58 = arith.index_cast %add3A_54 : i32 to index
        %get3A_59 = arith.constant 0 : index
        %get3A_60 = tpu.vector_load %arg7[%get3A_58, %get3A_59] {strides = array<i32>} : memref<32x16xf32, #tpu.memory_space<vmem>>, vector<1x16xf32>,
        %get3A_61 = vector.shape_cast %get3A_60 : vector<1x16xf32> to vector<16xf32>
        %sub3A_62 = arith.subf %get3A_57, %get3A_61 : vector<16xf32>
        %swap3A = arith.index_cast %scan3A_34 : i32 to index
        %swap3A_63 = arith.constant 0 : index
        %swap3A_64 = tpu.vector_load %arg8[%swap3A, %swap3A_63] {strides = array<i32>} : memref<128x256xf32, #tpu.memory_space<vmem>>, vector<1x16xf32>,
        %swap3A_65 = vector.shape_cast %swap3A_64 : vector<1x16xf32> to vector<16xf32>
        %swap3A_66 = vector.shape_cast %sub3A_62 : vector<16xf32> to vector<1x16xf32>
        tpu.vector_store %arg8[%swap3A, %swap3A_63], %swap3A_66 {strides = array<i32>} : memref<128x256xf32, #tpu.memory_space<vmem>>, vector<1x16xf32>,
        %scan3A_67 = arith.constant 0 : i32
        scf.yield %scan3A_67 : i32
      }
      %scan3A_29 = arith.constant 128 : i32
      %mul3A_30 = arith.constant 128 : i32
      %mul3A_31 = arith.muli %scan3A_13, %mul3A_30 : i32
      %add3A_32 = arith.addi %mul3A_6, %mul3A_31 : i32
      "tpu.region"() ({
        %run_scoped3A = tpu.sem_alloc : memref<!tpu.dma_semaphore, #tpu.memory_space<semaphore_mem>>
        %dma_start3A_34 = arith.constant 0 : i32
        %dma_start3A_35 = tpu.memref_slice %arg5[%add3A_32, %dma_start3A_34] : memref<32768x256xf32, #tpu.memory_space<hbm>> -> memref<128x256xf32, #tpu.memory_space<hbm>>
        %dma_start3A_36 = arith.constant 0 : i32
        %dma_start3A_37 = tpu.memref_slice %arg5[%add3A_32, %dma_start3A_36] : memref<32768x256xf32, #tpu.memory_space<hbm>> -> memref<128x256xf32, #tpu.memory_space<hbm>>
        tpu.enqueue_dma source(%arg8 : memref<128x256xf32, #tpu.memory_space<vmem>>) target(%dma_start3A_37 : memref<128x256xf32, #tpu.memory_space<hbm>>) target_semaphore(%run_scoped3A : memref<!tpu.dma_semaphore, #tpu.memory_space<semaphore_mem>>)
        %dma_wait3A_38 = arith.constant 0 : i32
        %dma_wait3A_39 = tpu.memref_slice %arg5[%add3A_32, %dma_wait3A_38] : memref<32768x256xf32, #tpu.memory_space<hbm>> -> memref<128x256xf32, #tpu.memory_space<hbm>>
        %dma_wait3A_40 = arith.constant 0 : i32
        %dma_wait3A_41 = tpu.memref_slice %arg5[%add3A_32, %dma_wait3A_40] : memref<32768x256xf32, #tpu.memory_space<hbm>> -> memref<128x256xf32, #tpu.memory_space<hbm>>
        tpu.wait_dma2 semaphore(%run_scoped3A : memref<!tpu.dma_semaphore, #tpu.memory_space<semaphore_mem>>) src(%arg8 : memref<128x256xf32, #tpu.memory_space<vmem>>) dst(%dma_wait3A_41 : memref<128x256xf32, #tpu.memory_space<hbm>>)
        tpu.yield
      }) : () -> ()
      %scan3A_33 = arith.constant 0 : i32
      scf.yield %scan3A_33 : i32
    }
    %scan3A_12 = arith.constant 8 : i32
    return
  }
}

#map = affine_map<(d0, d1) -> (0, 0)>
#map1 = affine_map<(d0, d1) -> (0)>
module attributes {stable_mosaic.version = 14 : i64} {
  func.func @sc_kernel(%arg0: i32, %arg1: i32, %arg2: memref<4096x128xf32, #tpu.memory_space<hbm>>, %arg3: memref<131072xi32, #tpu.memory_space<hbm>>, %arg4: memref<4096x16xf32, #tpu.memory_space<hbm>>, %arg5: memref<131072x128xf32, #tpu.memory_space<hbm>>, %arg6: memref<4096xi32, #tpu.memory_space<vmem>>, %arg7: memref<128x16xf32, #tpu.memory_space<vmem>>, %arg8: memref<128x128xf32, #tpu.memory_space<vmem>>, %arg9: memref<!tpu.dma_semaphore, #tpu.memory_space<semaphore_mem>>) attributes {dimension_semantics = [#tpu.dimension_semantics<core_parallel>, #tpu.dimension_semantics<subcore_parallel>], iteration_bounds = array<i64: 2, 16>, scalar_prefetch = 0 : i64, scratch_operands = 4 : i64, tpu.core_type = #tpu.core_type<sc_vector_subcore>, window_params = [{transform_indices = #map}, {transform_indices = #map1}, {transform_indices = #map}, {transform_indices = #map}]} {
    %mul3A = arith.constant 2 : i32
    %mul3A_0 = arith.muli %arg1, %mul3A : i32
    %add3A = arith.addi %mul3A_0, %arg0 : i32
    %mul3A_1 = arith.constant 4096 : i32
    %mul3A_2 = arith.muli %add3A, %mul3A_1 : i32
    "tpu.region"() ({
      %run_scoped3A = tpu.sem_alloc : memref<!tpu.dma_semaphore, #tpu.memory_space<semaphore_mem>>
      %dma_start3A = tpu.memref_slice %arg3[%mul3A_2] : memref<131072xi32, #tpu.memory_space<hbm>> -> memref<4096xi32, #tpu.memory_space<hbm>>
      %dma_start3A_13 = tpu.memref_slice %arg3[%mul3A_2] : memref<131072xi32, #tpu.memory_space<hbm>> -> memref<4096xi32, #tpu.memory_space<hbm>>
      tpu.enqueue_dma source(%dma_start3A_13 : memref<4096xi32, #tpu.memory_space<hbm>>) target(%arg6 : memref<4096xi32, #tpu.memory_space<vmem>>) target_semaphore(%run_scoped3A : memref<!tpu.dma_semaphore, #tpu.memory_space<semaphore_mem>>)
      %dma_wait3A = tpu.memref_slice %arg3[%mul3A_2] : memref<131072xi32, #tpu.memory_space<hbm>> -> memref<4096xi32, #tpu.memory_space<hbm>>
      %dma_wait3A_14 = tpu.memref_slice %arg3[%mul3A_2] : memref<131072xi32, #tpu.memory_space<hbm>> -> memref<4096xi32, #tpu.memory_space<hbm>>
      tpu.wait_dma2 semaphore(%run_scoped3A : memref<!tpu.dma_semaphore, #tpu.memory_space<semaphore_mem>>) src(%dma_wait3A_14 : memref<4096xi32, #tpu.memory_space<hbm>>) dst(%arg6 : memref<4096xi32, #tpu.memory_space<vmem>>)
      tpu.yield
    }) : () -> ()
    %mul3A_3 = arith.constant 128 : i32
    %mul3A_4 = arith.muli %add3A, %mul3A_3 : i32
    "tpu.region"() ({
      %run_scoped3A = tpu.sem_alloc : memref<!tpu.dma_semaphore, #tpu.memory_space<semaphore_mem>>
      %dma_start3A = arith.constant 0 : i32
      %dma_start3A_13 = tpu.memref_slice %arg4[%mul3A_4, %dma_start3A] : memref<4096x16xf32, #tpu.memory_space<hbm>> -> memref<128x16xf32, #tpu.memory_space<hbm>>
      %dma_start3A_14 = arith.constant 0 : i32
      %dma_start3A_15 = tpu.memref_slice %arg4[%mul3A_4, %dma_start3A_14] : memref<4096x16xf32, #tpu.memory_space<hbm>> -> memref<128x16xf32, #tpu.memory_space<hbm>>
      tpu.enqueue_dma source(%dma_start3A_15 : memref<128x16xf32, #tpu.memory_space<hbm>>) target(%arg7 : memref<128x16xf32, #tpu.memory_space<vmem>>) target_semaphore(%run_scoped3A : memref<!tpu.dma_semaphore, #tpu.memory_space<semaphore_mem>>)
      %dma_wait3A = arith.constant 0 : i32
      %dma_wait3A_16 = tpu.memref_slice %arg4[%mul3A_4, %dma_wait3A] : memref<4096x16xf32, #tpu.memory_space<hbm>> -> memref<128x16xf32, #tpu.memory_space<hbm>>
      %dma_wait3A_17 = arith.constant 0 : i32
      %dma_wait3A_18 = tpu.memref_slice %arg4[%mul3A_4, %dma_wait3A_17] : memref<4096x16xf32, #tpu.memory_space<hbm>> -> memref<128x16xf32, #tpu.memory_space<hbm>>
      tpu.wait_dma2 semaphore(%run_scoped3A : memref<!tpu.dma_semaphore, #tpu.memory_space<semaphore_mem>>) src(%dma_wait3A_18 : memref<128x16xf32, #tpu.memory_space<hbm>>) dst(%arg7 : memref<128x16xf32, #tpu.memory_space<vmem>>)
      tpu.yield
    }) : () -> ()
    %mul3A_5 = arith.constant 4096 : i32
    %mul3A_6 = arith.muli %add3A, %mul3A_5 : i32
    %scan3A = arith.constant 0 : i32
    %scan3A_7 = arith.constant 0 : i32
    %scan3A_8 = arith.constant 32 : i32
    %scan3A_9 = arith.addi %scan3A_7, %scan3A_8 : i32
    %scan3A_10 = arith.constant 1 : i32
    %scan3A_11 = scf.for %scan3A_13 = %scan3A_7 to %scan3A_9 step %scan3A_10 iter_args(%scan3A_14 = %scan3A) -> (i32)  : i32 {
      %mul3A_15 = arith.constant 128 : i32
      %mul3A_16 = arith.muli %scan3A_13, %mul3A_15 : i32
      %dma_start3A = tpu.memref_slice %arg6[%mul3A_16] : memref<4096xi32, #tpu.memory_space<vmem>> -> memref<128xi32, #tpu.memory_space<vmem>>
      %dma_start3A_17 = arith.constant 0 : i32
      %dma_start3A_18 = arith.constant 0 : i32
      %dma_start3A_19 = tpu.memref_slice %arg2[%dma_start3A_17, %dma_start3A_18] : memref<4096x128xf32, #tpu.memory_space<hbm>> -> memref<4096x128xf32, #tpu.memory_space<hbm>>
      tpu.enqueue_indirect_dma source(%dma_start3A_19 : memref<4096x128xf32, #tpu.memory_space<hbm>>) target(%arg8 : memref<128x128xf32, #tpu.memory_space<vmem>>) offsets(%dma_start3A : memref<128xi32, #tpu.memory_space<vmem>>) semaphore(%arg9 : memref<!tpu.dma_semaphore, #tpu.memory_space<semaphore_mem>>)
      %dma_wait3A = tpu.memref_slice %arg6[%mul3A_16] : memref<4096xi32, #tpu.memory_space<vmem>> -> memref<128xi32, #tpu.memory_space<vmem>>
      %dma_wait3A_20 = arith.constant 0 : i32
      %dma_wait3A_21 = arith.constant 0 : i32
      %dma_wait3A_22 = tpu.memref_slice %arg2[%dma_wait3A_20, %dma_wait3A_21] : memref<4096x128xf32, #tpu.memory_space<hbm>> -> memref<4096x128xf32, #tpu.memory_space<hbm>>
      tpu.wait_indirect_dma semaphore(%arg9 : memref<!tpu.dma_semaphore, #tpu.memory_space<semaphore_mem>>) src(%dma_wait3A_22 : memref<4096x128xf32, #tpu.memory_space<hbm>>) dst(%arg8 : memref<128x128xf32, #tpu.memory_space<vmem>>)
      %scan3A_23 = arith.constant 0 : i32
      %scan3A_24 = arith.constant 0 : i32
      %scan3A_25 = arith.constant 128 : i32
      %scan3A_26 = arith.addi %scan3A_24, %scan3A_25 : i32
      %scan3A_27 = arith.constant 1 : i32
      %scan3A_28 = scf.for %scan3A_34 = %scan3A_24 to %scan3A_26 step %scan3A_27 iter_args(%scan3A_35 = %scan3A_23) -> (i32)  : i32 {
        %mul3A_36 = arith.constant 4 : i32
        %mul3A_37 = arith.muli %scan3A_13, %mul3A_36 : i32
        %jit3A = arith.constant 32 : i32
        %div3A = arith.divsi %scan3A_34, %jit3A : i32
        %sign3A = arith.constant 0 : i32
        %sign3A_38 = arith.cmpi sgt, %scan3A_34, %sign3A : i32
        %sign3A_39 = arith.extui %sign3A_38 : i1 to i32
        %sign3A_40 = arith.constant 0 : i32
        %sign3A_41 = arith.cmpi slt, %scan3A_34, %sign3A_40 : i32
        %sign3A_42 = arith.extui %sign3A_41 : i1 to i32
        %sign3A_43 = arith.subi %sign3A_39, %sign3A_42 : i32
        %sign3A_44 = arith.constant 0 : i32
        %sign3A_45 = arith.cmpi sgt, %jit3A, %sign3A_44 : i32
        %sign3A_46 = arith.extui %sign3A_45 : i1 to i32
        %sign3A_47 = arith.constant 0 : i32
        %sign3A_48 = arith.cmpi slt, %jit3A, %sign3A_47 : i32
        %sign3A_49 = arith.extui %sign3A_48 : i1 to i32
        %sign3A_50 = arith.subi %sign3A_46, %sign3A_49 : i32
        %ne3A = arith.cmpi ne, %sign3A_43, %sign3A_50 : i32
        %rem3A = arith.remsi %scan3A_34, %jit3A : i32
        %ne3A_51 = arith.constant 0 : i32
        %ne3A_52 = arith.cmpi ne, %rem3A, %ne3A_51 : i32
        %and3A = arith.andi %ne3A, %ne3A_52 : i1
        %sub3A = arith.constant 1 : i32
        %sub3A_53 = arith.subi %div3A, %sub3A : i32
        %select_n3A = arith.select %and3A, %sub3A_53, %div3A : i32
        %add3A_54 = arith.addi %mul3A_37, %select_n3A : i32
        %get3A = arith.index_cast %scan3A_34 : i32 to index
        %get3A_55 = arith.constant 0 : index
        %get3A_56 = tpu.vector_load %arg8[%get3A, %get3A_55] {strides = array<i32>} : memref<128x128xf32, #tpu.memory_space<vmem>>, vector<1x16xf32>,
        %get3A_57 = vector.shape_cast %get3A_56 : vector<1x16xf32> to vector<16xf32>
        %get3A_58 = arith.index_cast %add3A_54 : i32 to index
        %get3A_59 = arith.constant 0 : index
        %get3A_60 = tpu.vector_load %arg7[%get3A_58, %get3A_59] {strides = array<i32>} : memref<128x16xf32, #tpu.memory_space<vmem>>, vector<1x16xf32>,
        %get3A_61 = vector.shape_cast %get3A_60 : vector<1x16xf32> to vector<16xf32>
        %sub3A_62 = arith.subf %get3A_57, %get3A_61 : vector<16xf32>
        %swap3A = arith.index_cast %scan3A_34 : i32 to index
        %swap3A_63 = arith.constant 0 : index
        %swap3A_64 = tpu.vector_load %arg8[%swap3A, %swap3A_63] {strides = array<i32>} : memref<128x128xf32, #tpu.memory_space<vmem>>, vector<1x16xf32>,
        %swap3A_65 = vector.shape_cast %swap3A_64 : vector<1x16xf32> to vector<16xf32>
        %swap3A_66 = vector.shape_cast %sub3A_62 : vector<16xf32> to vector<1x16xf32>
        tpu.vector_store %arg8[%swap3A, %swap3A_63], %swap3A_66 {strides = array<i32>} : memref<128x128xf32, #tpu.memory_space<vmem>>, vector<1x16xf32>,
        %scan3A_67 = arith.constant 0 : i32
        scf.yield %scan3A_67 : i32
      }
      %scan3A_29 = arith.constant 128 : i32
      %mul3A_30 = arith.constant 128 : i32
      %mul3A_31 = arith.muli %scan3A_13, %mul3A_30 : i32
      %add3A_32 = arith.addi %mul3A_6, %mul3A_31 : i32
      "tpu.region"() ({
        %run_scoped3A = tpu.sem_alloc : memref<!tpu.dma_semaphore, #tpu.memory_space<semaphore_mem>>
        %dma_start3A_34 = arith.constant 0 : i32
        %dma_start3A_35 = tpu.memref_slice %arg5[%add3A_32, %dma_start3A_34] : memref<131072x128xf32, #tpu.memory_space<hbm>> -> memref<128x128xf32, #tpu.memory_space<hbm>>
        %dma_start3A_36 = arith.constant 0 : i32
        %dma_start3A_37 = tpu.memref_slice %arg5[%add3A_32, %dma_start3A_36] : memref<131072x128xf32, #tpu.memory_space<hbm>> -> memref<128x128xf32, #tpu.memory_space<hbm>>
        tpu.enqueue_dma source(%arg8 : memref<128x128xf32, #tpu.memory_space<vmem>>) target(%dma_start3A_37 : memref<128x128xf32, #tpu.memory_space<hbm>>) target_semaphore(%run_scoped3A : memref<!tpu.dma_semaphore, #tpu.memory_space<semaphore_mem>>)
        %dma_wait3A_38 = arith.constant 0 : i32
        %dma_wait3A_39 = tpu.memref_slice %arg5[%add3A_32, %dma_wait3A_38] : memref<131072x128xf32, #tpu.memory_space<hbm>> -> memref<128x128xf32, #tpu.memory_space<hbm>>
        %dma_wait3A_40 = arith.constant 0 : i32
        %dma_wait3A_41 = tpu.memref_slice %arg5[%add3A_32, %dma_wait3A_40] : memref<131072x128xf32, #tpu.memory_space<hbm>> -> memref<128x128xf32, #tpu.memory_space<hbm>>
        tpu.wait_dma2 semaphore(%run_scoped3A : memref<!tpu.dma_semaphore, #tpu.memory_space<semaphore_mem>>) src(%arg8 : memref<128x128xf32, #tpu.memory_space<vmem>>) dst(%dma_wait3A_41 : memref<128x128xf32, #tpu.memory_space<hbm>>)
        tpu.yield
      }) : () -> ()
      %scan3A_33 = arith.constant 0 : i32
      scf.yield %scan3A_33 : i32
    }
    %scan3A_12 = arith.constant 32 : i32
    return
  }
}

#map = affine_map<(d0, d1) -> (0, 0)>
#map1 = affine_map<(d0, d1) -> (0)>
module attributes {stable_mosaic.version = 14 : i64} {
  func.func @sc_kernel(%arg0: i32, %arg1: i32, %arg2: memref<4096x128xf32, #tpu.memory_space<hbm>>, %arg3: memref<32768xi32, #tpu.memory_space<hbm>>, %arg4: memref<1024x16xf32, #tpu.memory_space<hbm>>, %arg5: memref<32768x128xf32, #tpu.memory_space<hbm>>, %arg6: memref<1024xi32, #tpu.memory_space<vmem>>, %arg7: memref<32x16xf32, #tpu.memory_space<vmem>>, %arg8: memref<128x128xf32, #tpu.memory_space<vmem>>, %arg9: memref<!tpu.dma_semaphore, #tpu.memory_space<semaphore_mem>>) attributes {dimension_semantics = [#tpu.dimension_semantics<core_parallel>, #tpu.dimension_semantics<subcore_parallel>], iteration_bounds = array<i64: 2, 16>, scalar_prefetch = 0 : i64, scratch_operands = 4 : i64, tpu.core_type = #tpu.core_type<sc_vector_subcore>, window_params = [{transform_indices = #map}, {transform_indices = #map1}, {transform_indices = #map}, {transform_indices = #map}]} {
    %mul3A = arith.constant 2 : i32
    %mul3A_0 = arith.muli %arg1, %mul3A : i32
    %add3A = arith.addi %mul3A_0, %arg0 : i32
    %mul3A_1 = arith.constant 1024 : i32
    %mul3A_2 = arith.muli %add3A, %mul3A_1 : i32
    "tpu.region"() ({
      %run_scoped3A = tpu.sem_alloc : memref<!tpu.dma_semaphore, #tpu.memory_space<semaphore_mem>>
      %dma_start3A = tpu.memref_slice %arg3[%mul3A_2] : memref<32768xi32, #tpu.memory_space<hbm>> -> memref<1024xi32, #tpu.memory_space<hbm>>
      %dma_start3A_13 = tpu.memref_slice %arg3[%mul3A_2] : memref<32768xi32, #tpu.memory_space<hbm>> -> memref<1024xi32, #tpu.memory_space<hbm>>
      tpu.enqueue_dma source(%dma_start3A_13 : memref<1024xi32, #tpu.memory_space<hbm>>) target(%arg6 : memref<1024xi32, #tpu.memory_space<vmem>>) target_semaphore(%run_scoped3A : memref<!tpu.dma_semaphore, #tpu.memory_space<semaphore_mem>>)
      %dma_wait3A = tpu.memref_slice %arg3[%mul3A_2] : memref<32768xi32, #tpu.memory_space<hbm>> -> memref<1024xi32, #tpu.memory_space<hbm>>
      %dma_wait3A_14 = tpu.memref_slice %arg3[%mul3A_2] : memref<32768xi32, #tpu.memory_space<hbm>> -> memref<1024xi32, #tpu.memory_space<hbm>>
      tpu.wait_dma2 semaphore(%run_scoped3A : memref<!tpu.dma_semaphore, #tpu.memory_space<semaphore_mem>>) src(%dma_wait3A_14 : memref<1024xi32, #tpu.memory_space<hbm>>) dst(%arg6 : memref<1024xi32, #tpu.memory_space<vmem>>)
      tpu.yield
    }) : () -> ()
    %mul3A_3 = arith.constant 32 : i32
    %mul3A_4 = arith.muli %add3A, %mul3A_3 : i32
    "tpu.region"() ({
      %run_scoped3A = tpu.sem_alloc : memref<!tpu.dma_semaphore, #tpu.memory_space<semaphore_mem>>
      %dma_start3A = arith.constant 0 : i32
      %dma_start3A_13 = tpu.memref_slice %arg4[%mul3A_4, %dma_start3A] : memref<1024x16xf32, #tpu.memory_space<hbm>> -> memref<32x16xf32, #tpu.memory_space<hbm>>
      %dma_start3A_14 = arith.constant 0 : i32
      %dma_start3A_15 = tpu.memref_slice %arg4[%mul3A_4, %dma_start3A_14] : memref<1024x16xf32, #tpu.memory_space<hbm>> -> memref<32x16xf32, #tpu.memory_space<hbm>>
      tpu.enqueue_dma source(%dma_start3A_15 : memref<32x16xf32, #tpu.memory_space<hbm>>) target(%arg7 : memref<32x16xf32, #tpu.memory_space<vmem>>) target_semaphore(%run_scoped3A : memref<!tpu.dma_semaphore, #tpu.memory_space<semaphore_mem>>)
      %dma_wait3A = arith.constant 0 : i32
      %dma_wait3A_16 = tpu.memref_slice %arg4[%mul3A_4, %dma_wait3A] : memref<1024x16xf32, #tpu.memory_space<hbm>> -> memref<32x16xf32, #tpu.memory_space<hbm>>
      %dma_wait3A_17 = arith.constant 0 : i32
      %dma_wait3A_18 = tpu.memref_slice %arg4[%mul3A_4, %dma_wait3A_17] : memref<1024x16xf32, #tpu.memory_space<hbm>> -> memref<32x16xf32, #tpu.memory_space<hbm>>
      tpu.wait_dma2 semaphore(%run_scoped3A : memref<!tpu.dma_semaphore, #tpu.memory_space<semaphore_mem>>) src(%dma_wait3A_18 : memref<32x16xf32, #tpu.memory_space<hbm>>) dst(%arg7 : memref<32x16xf32, #tpu.memory_space<vmem>>)
      tpu.yield
    }) : () -> ()
    %mul3A_5 = arith.constant 1024 : i32
    %mul3A_6 = arith.muli %add3A, %mul3A_5 : i32
    %scan3A = arith.constant 0 : i32
    %scan3A_7 = arith.constant 0 : i32
    %scan3A_8 = arith.constant 8 : i32
    %scan3A_9 = arith.addi %scan3A_7, %scan3A_8 : i32
    %scan3A_10 = arith.constant 1 : i32
    %scan3A_11 = scf.for %scan3A_13 = %scan3A_7 to %scan3A_9 step %scan3A_10 iter_args(%scan3A_14 = %scan3A) -> (i32)  : i32 {
      %mul3A_15 = arith.constant 128 : i32
      %mul3A_16 = arith.muli %scan3A_13, %mul3A_15 : i32
      %dma_start3A = tpu.memref_slice %arg6[%mul3A_16] : memref<1024xi32, #tpu.memory_space<vmem>> -> memref<128xi32, #tpu.memory_space<vmem>>
      %dma_start3A_17 = arith.constant 0 : i32
      %dma_start3A_18 = arith.constant 0 : i32
      %dma_start3A_19 = tpu.memref_slice %arg2[%dma_start3A_17, %dma_start3A_18] : memref<4096x128xf32, #tpu.memory_space<hbm>> -> memref<4096x128xf32, #tpu.memory_space<hbm>>
      tpu.enqueue_indirect_dma source(%dma_start3A_19 : memref<4096x128xf32, #tpu.memory_space<hbm>>) target(%arg8 : memref<128x128xf32, #tpu.memory_space<vmem>>) offsets(%dma_start3A : memref<128xi32, #tpu.memory_space<vmem>>) semaphore(%arg9 : memref<!tpu.dma_semaphore, #tpu.memory_space<semaphore_mem>>)
      %dma_wait3A = tpu.memref_slice %arg6[%mul3A_16] : memref<1024xi32, #tpu.memory_space<vmem>> -> memref<128xi32, #tpu.memory_space<vmem>>
      %dma_wait3A_20 = arith.constant 0 : i32
      %dma_wait3A_21 = arith.constant 0 : i32
      %dma_wait3A_22 = tpu.memref_slice %arg2[%dma_wait3A_20, %dma_wait3A_21] : memref<4096x128xf32, #tpu.memory_space<hbm>> -> memref<4096x128xf32, #tpu.memory_space<hbm>>
      tpu.wait_indirect_dma semaphore(%arg9 : memref<!tpu.dma_semaphore, #tpu.memory_space<semaphore_mem>>) src(%dma_wait3A_22 : memref<4096x128xf32, #tpu.memory_space<hbm>>) dst(%arg8 : memref<128x128xf32, #tpu.memory_space<vmem>>)
      %scan3A_23 = arith.constant 0 : i32
      %scan3A_24 = arith.constant 0 : i32
      %scan3A_25 = arith.constant 128 : i32
      %scan3A_26 = arith.addi %scan3A_24, %scan3A_25 : i32
      %scan3A_27 = arith.constant 1 : i32
      %scan3A_28 = scf.for %scan3A_34 = %scan3A_24 to %scan3A_26 step %scan3A_27 iter_args(%scan3A_35 = %scan3A_23) -> (i32)  : i32 {
        %mul3A_36 = arith.constant 4 : i32
        %mul3A_37 = arith.muli %scan3A_13, %mul3A_36 : i32
        %jit3A = arith.constant 32 : i32
        %div3A = arith.divsi %scan3A_34, %jit3A : i32
        %sign3A = arith.constant 0 : i32
        %sign3A_38 = arith.cmpi sgt, %scan3A_34, %sign3A : i32
        %sign3A_39 = arith.extui %sign3A_38 : i1 to i32
        %sign3A_40 = arith.constant 0 : i32
        %sign3A_41 = arith.cmpi slt, %scan3A_34, %sign3A_40 : i32
        %sign3A_42 = arith.extui %sign3A_41 : i1 to i32
        %sign3A_43 = arith.subi %sign3A_39, %sign3A_42 : i32
        %sign3A_44 = arith.constant 0 : i32
        %sign3A_45 = arith.cmpi sgt, %jit3A, %sign3A_44 : i32
        %sign3A_46 = arith.extui %sign3A_45 : i1 to i32
        %sign3A_47 = arith.constant 0 : i32
        %sign3A_48 = arith.cmpi slt, %jit3A, %sign3A_47 : i32
        %sign3A_49 = arith.extui %sign3A_48 : i1 to i32
        %sign3A_50 = arith.subi %sign3A_46, %sign3A_49 : i32
        %ne3A = arith.cmpi ne, %sign3A_43, %sign3A_50 : i32
        %rem3A = arith.remsi %scan3A_34, %jit3A : i32
        %ne3A_51 = arith.constant 0 : i32
        %ne3A_52 = arith.cmpi ne, %rem3A, %ne3A_51 : i32
        %and3A = arith.andi %ne3A, %ne3A_52 : i1
        %sub3A = arith.constant 1 : i32
        %sub3A_53 = arith.subi %div3A, %sub3A : i32
        %select_n3A = arith.select %and3A, %sub3A_53, %div3A : i32
        %add3A_54 = arith.addi %mul3A_37, %select_n3A : i32
        %get3A = arith.index_cast %scan3A_34 : i32 to index
        %get3A_55 = arith.constant 0 : index
        %get3A_56 = tpu.vector_load %arg8[%get3A, %get3A_55] {strides = array<i32>} : memref<128x128xf32, #tpu.memory_space<vmem>>, vector<1x16xf32>,
        %get3A_57 = vector.shape_cast %get3A_56 : vector<1x16xf32> to vector<16xf32>
        %get3A_58 = arith.index_cast %add3A_54 : i32 to index
        %get3A_59 = arith.constant 0 : index
        %get3A_60 = tpu.vector_load %arg7[%get3A_58, %get3A_59] {strides = array<i32>} : memref<32x16xf32, #tpu.memory_space<vmem>>, vector<1x16xf32>,
        %get3A_61 = vector.shape_cast %get3A_60 : vector<1x16xf32> to vector<16xf32>
        %sub3A_62 = arith.subf %get3A_57, %get3A_61 : vector<16xf32>
        %swap3A = arith.index_cast %scan3A_34 : i32 to index
        %swap3A_63 = arith.constant 0 : index
        %swap3A_64 = tpu.vector_load %arg8[%swap3A, %swap3A_63] {strides = array<i32>} : memref<128x128xf32, #tpu.memory_space<vmem>>, vector<1x16xf32>,
        %swap3A_65 = vector.shape_cast %swap3A_64 : vector<1x16xf32> to vector<16xf32>
        %swap3A_66 = vector.shape_cast %sub3A_62 : vector<16xf32> to vector<1x16xf32>
        tpu.vector_store %arg8[%swap3A, %swap3A_63], %swap3A_66 {strides = array<i32>} : memref<128x128xf32, #tpu.memory_space<vmem>>, vector<1x16xf32>,
        %scan3A_67 = arith.constant 0 : i32
        scf.yield %scan3A_67 : i32
      }
      %scan3A_29 = arith.constant 128 : i32
      %mul3A_30 = arith.constant 128 : i32
      %mul3A_31 = arith.muli %scan3A_13, %mul3A_30 : i32
      %add3A_32 = arith.addi %mul3A_6, %mul3A_31 : i32
      "tpu.region"() ({
        %run_scoped3A = tpu.sem_alloc : memref<!tpu.dma_semaphore, #tpu.memory_space<semaphore_mem>>
        %dma_start3A_34 = arith.constant 0 : i32
        %dma_start3A_35 = tpu.memref_slice %arg5[%add3A_32, %dma_start3A_34] : memref<32768x128xf32, #tpu.memory_space<hbm>> -> memref<128x128xf32, #tpu.memory_space<hbm>>
        %dma_start3A_36 = arith.constant 0 : i32
        %dma_start3A_37 = tpu.memref_slice %arg5[%add3A_32, %dma_start3A_36] : memref<32768x128xf32, #tpu.memory_space<hbm>> -> memref<128x128xf32, #tpu.memory_space<hbm>>
        tpu.enqueue_dma source(%arg8 : memref<128x128xf32, #tpu.memory_space<vmem>>) target(%dma_start3A_37 : memref<128x128xf32, #tpu.memory_space<hbm>>) target_semaphore(%run_scoped3A : memref<!tpu.dma_semaphore, #tpu.memory_space<semaphore_mem>>)
        %dma_wait3A_38 = arith.constant 0 : i32
        %dma_wait3A_39 = tpu.memref_slice %arg5[%add3A_32, %dma_wait3A_38] : memref<32768x128xf32, #tpu.memory_space<hbm>> -> memref<128x128xf32, #tpu.memory_space<hbm>>
        %dma_wait3A_40 = arith.constant 0 : i32
        %dma_wait3A_41 = tpu.memref_slice %arg5[%add3A_32, %dma_wait3A_40] : memref<32768x128xf32, #tpu.memory_space<hbm>> -> memref<128x128xf32, #tpu.memory_space<hbm>>
        tpu.wait_dma2 semaphore(%run_scoped3A : memref<!tpu.dma_semaphore, #tpu.memory_space<semaphore_mem>>) src(%arg8 : memref<128x128xf32, #tpu.memory_space<vmem>>) dst(%dma_wait3A_41 : memref<128x128xf32, #tpu.memory_space<hbm>>)
        tpu.yield
      }) : () -> ()
      %scan3A_33 = arith.constant 0 : i32
      scf.yield %scan3A_33 : i32
    }
    %scan3A_12 = arith.constant 8 : i32
    return
  }
}

#map = affine_map<(d0, d1) -> (0, 0)>
#map1 = affine_map<(d0, d1) -> (0)>
module attributes {stable_mosaic.version = 14 : i64} {
  func.func @sc_kernel(%arg0: i32, %arg1: i32, %arg2: memref<1024x256xf32, #tpu.memory_space<hbm>>, %arg3: memref<32768xi32, #tpu.memory_space<hbm>>, %arg4: memref<1024x16xf32, #tpu.memory_space<hbm>>, %arg5: memref<32768x256xf32, #tpu.memory_space<hbm>>, %arg6: memref<1024xi32, #tpu.memory_space<vmem>>, %arg7: memref<32x16xf32, #tpu.memory_space<vmem>>, %arg8: memref<128x256xf32, #tpu.memory_space<vmem>>, %arg9: memref<!tpu.dma_semaphore, #tpu.memory_space<semaphore_mem>>) attributes {dimension_semantics = [#tpu.dimension_semantics<core_parallel>, #tpu.dimension_semantics<subcore_parallel>], iteration_bounds = array<i64: 2, 16>, scalar_prefetch = 0 : i64, scratch_operands = 4 : i64, tpu.core_type = #tpu.core_type<sc_vector_subcore>, window_params = [{transform_indices = #map}, {transform_indices = #map1}, {transform_indices = #map}, {transform_indices = #map}]} {
    %mul3A = arith.constant 2 : i32
    %mul3A_0 = arith.muli %arg1, %mul3A : i32
    %add3A = arith.addi %mul3A_0, %arg0 : i32
    %mul3A_1 = arith.constant 1024 : i32
    %mul3A_2 = arith.muli %add3A, %mul3A_1 : i32
    "tpu.region"() ({
      %run_scoped3A = tpu.sem_alloc : memref<!tpu.dma_semaphore, #tpu.memory_space<semaphore_mem>>
      %dma_start3A = tpu.memref_slice %arg3[%mul3A_2] : memref<32768xi32, #tpu.memory_space<hbm>> -> memref<1024xi32, #tpu.memory_space<hbm>>
      %dma_start3A_13 = tpu.memref_slice %arg3[%mul3A_2] : memref<32768xi32, #tpu.memory_space<hbm>> -> memref<1024xi32, #tpu.memory_space<hbm>>
      tpu.enqueue_dma source(%dma_start3A_13 : memref<1024xi32, #tpu.memory_space<hbm>>) target(%arg6 : memref<1024xi32, #tpu.memory_space<vmem>>) target_semaphore(%run_scoped3A : memref<!tpu.dma_semaphore, #tpu.memory_space<semaphore_mem>>)
      %dma_wait3A = tpu.memref_slice %arg3[%mul3A_2] : memref<32768xi32, #tpu.memory_space<hbm>> -> memref<1024xi32, #tpu.memory_space<hbm>>
      %dma_wait3A_14 = tpu.memref_slice %arg3[%mul3A_2] : memref<32768xi32, #tpu.memory_space<hbm>> -> memref<1024xi32, #tpu.memory_space<hbm>>
      tpu.wait_dma2 semaphore(%run_scoped3A : memref<!tpu.dma_semaphore, #tpu.memory_space<semaphore_mem>>) src(%dma_wait3A_14 : memref<1024xi32, #tpu.memory_space<hbm>>) dst(%arg6 : memref<1024xi32, #tpu.memory_space<vmem>>)
      tpu.yield
    }) : () -> ()
    %mul3A_3 = arith.constant 32 : i32
    %mul3A_4 = arith.muli %add3A, %mul3A_3 : i32
    "tpu.region"() ({
      %run_scoped3A = tpu.sem_alloc : memref<!tpu.dma_semaphore, #tpu.memory_space<semaphore_mem>>
      %dma_start3A = arith.constant 0 : i32
      %dma_start3A_13 = tpu.memref_slice %arg4[%mul3A_4, %dma_start3A] : memref<1024x16xf32, #tpu.memory_space<hbm>> -> memref<32x16xf32, #tpu.memory_space<hbm>>
      %dma_start3A_14 = arith.constant 0 : i32
      %dma_start3A_15 = tpu.memref_slice %arg4[%mul3A_4, %dma_start3A_14] : memref<1024x16xf32, #tpu.memory_space<hbm>> -> memref<32x16xf32, #tpu.memory_space<hbm>>
      tpu.enqueue_dma source(%dma_start3A_15 : memref<32x16xf32, #tpu.memory_space<hbm>>) target(%arg7 : memref<32x16xf32, #tpu.memory_space<vmem>>) target_semaphore(%run_scoped3A : memref<!tpu.dma_semaphore, #tpu.memory_space<semaphore_mem>>)
      %dma_wait3A = arith.constant 0 : i32
      %dma_wait3A_16 = tpu.memref_slice %arg4[%mul3A_4, %dma_wait3A] : memref<1024x16xf32, #tpu.memory_space<hbm>> -> memref<32x16xf32, #tpu.memory_space<hbm>>
      %dma_wait3A_17 = arith.constant 0 : i32
      %dma_wait3A_18 = tpu.memref_slice %arg4[%mul3A_4, %dma_wait3A_17] : memref<1024x16xf32, #tpu.memory_space<hbm>> -> memref<32x16xf32, #tpu.memory_space<hbm>>
      tpu.wait_dma2 semaphore(%run_scoped3A : memref<!tpu.dma_semaphore, #tpu.memory_space<semaphore_mem>>) src(%dma_wait3A_18 : memref<32x16xf32, #tpu.memory_space<hbm>>) dst(%arg7 : memref<32x16xf32, #tpu.memory_space<vmem>>)
      tpu.yield
    }) : () -> ()
    %mul3A_5 = arith.constant 1024 : i32
    %mul3A_6 = arith.muli %add3A, %mul3A_5 : i32
    %scan3A = arith.constant 0 : i32
    %scan3A_7 = arith.constant 0 : i32
    %scan3A_8 = arith.constant 8 : i32
    %scan3A_9 = arith.addi %scan3A_7, %scan3A_8 : i32
    %scan3A_10 = arith.constant 1 : i32
    %scan3A_11 = scf.for %scan3A_13 = %scan3A_7 to %scan3A_9 step %scan3A_10 iter_args(%scan3A_14 = %scan3A) -> (i32)  : i32 {
      %mul3A_15 = arith.constant 128 : i32
      %mul3A_16 = arith.muli %scan3A_13, %mul3A_15 : i32
      %dma_start3A = tpu.memref_slice %arg6[%mul3A_16] : memref<1024xi32, #tpu.memory_space<vmem>> -> memref<128xi32, #tpu.memory_space<vmem>>
      %dma_start3A_17 = arith.constant 0 : i32
      %dma_start3A_18 = arith.constant 0 : i32
      %dma_start3A_19 = tpu.memref_slice %arg2[%dma_start3A_17, %dma_start3A_18] : memref<1024x256xf32, #tpu.memory_space<hbm>> -> memref<1024x256xf32, #tpu.memory_space<hbm>>
      tpu.enqueue_indirect_dma source(%dma_start3A_19 : memref<1024x256xf32, #tpu.memory_space<hbm>>) target(%arg8 : memref<128x256xf32, #tpu.memory_space<vmem>>) offsets(%dma_start3A : memref<128xi32, #tpu.memory_space<vmem>>) semaphore(%arg9 : memref<!tpu.dma_semaphore, #tpu.memory_space<semaphore_mem>>)
      %dma_wait3A = tpu.memref_slice %arg6[%mul3A_16] : memref<1024xi32, #tpu.memory_space<vmem>> -> memref<128xi32, #tpu.memory_space<vmem>>
      %dma_wait3A_20 = arith.constant 0 : i32
      %dma_wait3A_21 = arith.constant 0 : i32
      %dma_wait3A_22 = tpu.memref_slice %arg2[%dma_wait3A_20, %dma_wait3A_21] : memref<1024x256xf32, #tpu.memory_space<hbm>> -> memref<1024x256xf32, #tpu.memory_space<hbm>>
      tpu.wait_indirect_dma semaphore(%arg9 : memref<!tpu.dma_semaphore, #tpu.memory_space<semaphore_mem>>) src(%dma_wait3A_22 : memref<1024x256xf32, #tpu.memory_space<hbm>>) dst(%arg8 : memref<128x256xf32, #tpu.memory_space<vmem>>)
      %scan3A_23 = arith.constant 0 : i32
      %scan3A_24 = arith.constant 0 : i32
      %scan3A_25 = arith.constant 128 : i32
      %scan3A_26 = arith.addi %scan3A_24, %scan3A_25 : i32
      %scan3A_27 = arith.constant 1 : i32
      %scan3A_28 = scf.for %scan3A_34 = %scan3A_24 to %scan3A_26 step %scan3A_27 iter_args(%scan3A_35 = %scan3A_23) -> (i32)  : i32 {
        %mul3A_36 = arith.constant 4 : i32
        %mul3A_37 = arith.muli %scan3A_13, %mul3A_36 : i32
        %jit3A = arith.constant 32 : i32
        %div3A = arith.divsi %scan3A_34, %jit3A : i32
        %sign3A = arith.constant 0 : i32
        %sign3A_38 = arith.cmpi sgt, %scan3A_34, %sign3A : i32
        %sign3A_39 = arith.extui %sign3A_38 : i1 to i32
        %sign3A_40 = arith.constant 0 : i32
        %sign3A_41 = arith.cmpi slt, %scan3A_34, %sign3A_40 : i32
        %sign3A_42 = arith.extui %sign3A_41 : i1 to i32
        %sign3A_43 = arith.subi %sign3A_39, %sign3A_42 : i32
        %sign3A_44 = arith.constant 0 : i32
        %sign3A_45 = arith.cmpi sgt, %jit3A, %sign3A_44 : i32
        %sign3A_46 = arith.extui %sign3A_45 : i1 to i32
        %sign3A_47 = arith.constant 0 : i32
        %sign3A_48 = arith.cmpi slt, %jit3A, %sign3A_47 : i32
        %sign3A_49 = arith.extui %sign3A_48 : i1 to i32
        %sign3A_50 = arith.subi %sign3A_46, %sign3A_49 : i32
        %ne3A = arith.cmpi ne, %sign3A_43, %sign3A_50 : i32
        %rem3A = arith.remsi %scan3A_34, %jit3A : i32
        %ne3A_51 = arith.constant 0 : i32
        %ne3A_52 = arith.cmpi ne, %rem3A, %ne3A_51 : i32
        %and3A = arith.andi %ne3A, %ne3A_52 : i1
        %sub3A = arith.constant 1 : i32
        %sub3A_53 = arith.subi %div3A, %sub3A : i32
        %select_n3A = arith.select %and3A, %sub3A_53, %div3A : i32
        %add3A_54 = arith.addi %mul3A_37, %select_n3A : i32
        %get3A = arith.index_cast %scan3A_34 : i32 to index
        %get3A_55 = arith.constant 0 : index
        %get3A_56 = tpu.vector_load %arg8[%get3A, %get3A_55] {strides = array<i32>} : memref<128x256xf32, #tpu.memory_space<vmem>>, vector<1x16xf32>,
        %get3A_57 = vector.shape_cast %get3A_56 : vector<1x16xf32> to vector<16xf32>
        %get3A_58 = arith.index_cast %add3A_54 : i32 to index
        %get3A_59 = arith.constant 0 : index
        %get3A_60 = tpu.vector_load %arg7[%get3A_58, %get3A_59] {strides = array<i32>} : memref<32x16xf32, #tpu.memory_space<vmem>>, vector<1x16xf32>,
        %get3A_61 = vector.shape_cast %get3A_60 : vector<1x16xf32> to vector<16xf32>
        %sub3A_62 = arith.subf %get3A_57, %get3A_61 : vector<16xf32>
        %swap3A = arith.index_cast %scan3A_34 : i32 to index
        %swap3A_63 = arith.constant 0 : index
        %swap3A_64 = tpu.vector_load %arg8[%swap3A, %swap3A_63] {strides = array<i32>} : memref<128x256xf32, #tpu.memory_space<vmem>>, vector<1x16xf32>,
        %swap3A_65 = vector.shape_cast %swap3A_64 : vector<1x16xf32> to vector<16xf32>
        %swap3A_66 = vector.shape_cast %sub3A_62 : vector<16xf32> to vector<1x16xf32>
        tpu.vector_store %arg8[%swap3A, %swap3A_63], %swap3A_66 {strides = array<i32>} : memref<128x256xf32, #tpu.memory_space<vmem>>, vector<1x16xf32>,
        %scan3A_67 = arith.constant 0 : i32
        scf.yield %scan3A_67 : i32
      }
      %scan3A_29 = arith.constant 128 : i32
      %mul3A_30 = arith.constant 128 : i32
      %mul3A_31 = arith.muli %scan3A_13, %mul3A_30 : i32
      %add3A_32 = arith.addi %mul3A_6, %mul3A_31 : i32
      "tpu.region"() ({
        %run_scoped3A = tpu.sem_alloc : memref<!tpu.dma_semaphore, #tpu.memory_space<semaphore_mem>>
        %dma_start3A_34 = arith.constant 0 : i32
        %dma_start3A_35 = tpu.memref_slice %arg5[%add3A_32, %dma_start3A_34] : memref<32768x256xf32, #tpu.memory_space<hbm>> -> memref<128x256xf32, #tpu.memory_space<hbm>>
        %dma_start3A_36 = arith.constant 0 : i32
        %dma_start3A_37 = tpu.memref_slice %arg5[%add3A_32, %dma_start3A_36] : memref<32768x256xf32, #tpu.memory_space<hbm>> -> memref<128x256xf32, #tpu.memory_space<hbm>>
        tpu.enqueue_dma source(%arg8 : memref<128x256xf32, #tpu.memory_space<vmem>>) target(%dma_start3A_37 : memref<128x256xf32, #tpu.memory_space<hbm>>) target_semaphore(%run_scoped3A : memref<!tpu.dma_semaphore, #tpu.memory_space<semaphore_mem>>)
        %dma_wait3A_38 = arith.constant 0 : i32
        %dma_wait3A_39 = tpu.memref_slice %arg5[%add3A_32, %dma_wait3A_38] : memref<32768x256xf32, #tpu.memory_space<hbm>> -> memref<128x256xf32, #tpu.memory_space<hbm>>
        %dma_wait3A_40 = arith.constant 0 : i32
        %dma_wait3A_41 = tpu.memref_slice %arg5[%add3A_32, %dma_wait3A_40] : memref<32768x256xf32, #tpu.memory_space<hbm>> -> memref<128x256xf32, #tpu.memory_space<hbm>>
        tpu.wait_dma2 semaphore(%run_scoped3A : memref<!tpu.dma_semaphore, #tpu.memory_space<semaphore_mem>>) src(%arg8 : memref<128x256xf32, #tpu.memory_space<vmem>>) dst(%dma_wait3A_41 : memref<128x256xf32, #tpu.memory_space<hbm>>)
        tpu.yield
      }) : () -> ()
      %scan3A_33 = arith.constant 0 : i32
      scf.yield %scan3A_33 : i32
    }
    %scan3A_12 = arith.constant 8 : i32
    return
  }
}

#map = affine_map<(d0, d1) -> (0, 0)>
#map1 = affine_map<(d0, d1) -> (0)>
module attributes {stable_mosaic.version = 14 : i64} {
  func.func @sc_kernel(%arg0: i32, %arg1: i32, %arg2: memref<1024x256xf32, #tpu.memory_space<hbm>>, %arg3: memref<8192xi32, #tpu.memory_space<hbm>>, %arg4: memref<256x16xf32, #tpu.memory_space<hbm>>, %arg5: memref<8192x256xf32, #tpu.memory_space<hbm>>, %arg6: memref<256xi32, #tpu.memory_space<vmem>>, %arg7: memref<8x16xf32, #tpu.memory_space<vmem>>, %arg8: memref<128x256xf32, #tpu.memory_space<vmem>>, %arg9: memref<!tpu.dma_semaphore, #tpu.memory_space<semaphore_mem>>) attributes {dimension_semantics = [#tpu.dimension_semantics<core_parallel>, #tpu.dimension_semantics<subcore_parallel>], iteration_bounds = array<i64: 2, 16>, scalar_prefetch = 0 : i64, scratch_operands = 4 : i64, tpu.core_type = #tpu.core_type<sc_vector_subcore>, window_params = [{transform_indices = #map}, {transform_indices = #map1}, {transform_indices = #map}, {transform_indices = #map}]} {
    %mul3A = arith.constant 2 : i32
    %mul3A_0 = arith.muli %arg1, %mul3A : i32
    %add3A = arith.addi %mul3A_0, %arg0 : i32
    %mul3A_1 = arith.constant 256 : i32
    %mul3A_2 = arith.muli %add3A, %mul3A_1 : i32
    "tpu.region"() ({
      %run_scoped3A = tpu.sem_alloc : memref<!tpu.dma_semaphore, #tpu.memory_space<semaphore_mem>>
      %dma_start3A = tpu.memref_slice %arg3[%mul3A_2] : memref<8192xi32, #tpu.memory_space<hbm>> -> memref<256xi32, #tpu.memory_space<hbm>>
      %dma_start3A_13 = tpu.memref_slice %arg3[%mul3A_2] : memref<8192xi32, #tpu.memory_space<hbm>> -> memref<256xi32, #tpu.memory_space<hbm>>
      tpu.enqueue_dma source(%dma_start3A_13 : memref<256xi32, #tpu.memory_space<hbm>>) target(%arg6 : memref<256xi32, #tpu.memory_space<vmem>>) target_semaphore(%run_scoped3A : memref<!tpu.dma_semaphore, #tpu.memory_space<semaphore_mem>>)
      %dma_wait3A = tpu.memref_slice %arg3[%mul3A_2] : memref<8192xi32, #tpu.memory_space<hbm>> -> memref<256xi32, #tpu.memory_space<hbm>>
      %dma_wait3A_14 = tpu.memref_slice %arg3[%mul3A_2] : memref<8192xi32, #tpu.memory_space<hbm>> -> memref<256xi32, #tpu.memory_space<hbm>>
      tpu.wait_dma2 semaphore(%run_scoped3A : memref<!tpu.dma_semaphore, #tpu.memory_space<semaphore_mem>>) src(%dma_wait3A_14 : memref<256xi32, #tpu.memory_space<hbm>>) dst(%arg6 : memref<256xi32, #tpu.memory_space<vmem>>)
      tpu.yield
    }) : () -> ()
    %mul3A_3 = arith.constant 8 : i32
    %mul3A_4 = arith.muli %add3A, %mul3A_3 : i32
    "tpu.region"() ({
      %run_scoped3A = tpu.sem_alloc : memref<!tpu.dma_semaphore, #tpu.memory_space<semaphore_mem>>
      %dma_start3A = arith.constant 0 : i32
      %dma_start3A_13 = tpu.memref_slice %arg4[%mul3A_4, %dma_start3A] : memref<256x16xf32, #tpu.memory_space<hbm>> -> memref<8x16xf32, #tpu.memory_space<hbm>>
      %dma_start3A_14 = arith.constant 0 : i32
      %dma_start3A_15 = tpu.memref_slice %arg4[%mul3A_4, %dma_start3A_14] : memref<256x16xf32, #tpu.memory_space<hbm>> -> memref<8x16xf32, #tpu.memory_space<hbm>>
      tpu.enqueue_dma source(%dma_start3A_15 : memref<8x16xf32, #tpu.memory_space<hbm>>) target(%arg7 : memref<8x16xf32, #tpu.memory_space<vmem>>) target_semaphore(%run_scoped3A : memref<!tpu.dma_semaphore, #tpu.memory_space<semaphore_mem>>)
      %dma_wait3A = arith.constant 0 : i32
      %dma_wait3A_16 = tpu.memref_slice %arg4[%mul3A_4, %dma_wait3A] : memref<256x16xf32, #tpu.memory_space<hbm>> -> memref<8x16xf32, #tpu.memory_space<hbm>>
      %dma_wait3A_17 = arith.constant 0 : i32
      %dma_wait3A_18 = tpu.memref_slice %arg4[%mul3A_4, %dma_wait3A_17] : memref<256x16xf32, #tpu.memory_space<hbm>> -> memref<8x16xf32, #tpu.memory_space<hbm>>
      tpu.wait_dma2 semaphore(%run_scoped3A : memref<!tpu.dma_semaphore, #tpu.memory_space<semaphore_mem>>) src(%dma_wait3A_18 : memref<8x16xf32, #tpu.memory_space<hbm>>) dst(%arg7 : memref<8x16xf32, #tpu.memory_space<vmem>>)
      tpu.yield
    }) : () -> ()
    %mul3A_5 = arith.constant 256 : i32
    %mul3A_6 = arith.muli %add3A, %mul3A_5 : i32
    %scan3A = arith.constant 0 : i32
    %scan3A_7 = arith.constant 0 : i32
    %scan3A_8 = arith.constant 2 : i32
    %scan3A_9 = arith.addi %scan3A_7, %scan3A_8 : i32
    %scan3A_10 = arith.constant 1 : i32
    %scan3A_11 = scf.for %scan3A_13 = %scan3A_7 to %scan3A_9 step %scan3A_10 iter_args(%scan3A_14 = %scan3A) -> (i32)  : i32 {
      %mul3A_15 = arith.constant 128 : i32
      %mul3A_16 = arith.muli %scan3A_13, %mul3A_15 : i32
      %dma_start3A = tpu.memref_slice %arg6[%mul3A_16] : memref<256xi32, #tpu.memory_space<vmem>> -> memref<128xi32, #tpu.memory_space<vmem>>
      %dma_start3A_17 = arith.constant 0 : i32
      %dma_start3A_18 = arith.constant 0 : i32
      %dma_start3A_19 = tpu.memref_slice %arg2[%dma_start3A_17, %dma_start3A_18] : memref<1024x256xf32, #tpu.memory_space<hbm>> -> memref<1024x256xf32, #tpu.memory_space<hbm>>
      tpu.enqueue_indirect_dma source(%dma_start3A_19 : memref<1024x256xf32, #tpu.memory_space<hbm>>) target(%arg8 : memref<128x256xf32, #tpu.memory_space<vmem>>) offsets(%dma_start3A : memref<128xi32, #tpu.memory_space<vmem>>) semaphore(%arg9 : memref<!tpu.dma_semaphore, #tpu.memory_space<semaphore_mem>>)
      %dma_wait3A = tpu.memref_slice %arg6[%mul3A_16] : memref<256xi32, #tpu.memory_space<vmem>> -> memref<128xi32, #tpu.memory_space<vmem>>
      %dma_wait3A_20 = arith.constant 0 : i32
      %dma_wait3A_21 = arith.constant 0 : i32
      %dma_wait3A_22 = tpu.memref_slice %arg2[%dma_wait3A_20, %dma_wait3A_21] : memref<1024x256xf32, #tpu.memory_space<hbm>> -> memref<1024x256xf32, #tpu.memory_space<hbm>>
      tpu.wait_indirect_dma semaphore(%arg9 : memref<!tpu.dma_semaphore, #tpu.memory_space<semaphore_mem>>) src(%dma_wait3A_22 : memref<1024x256xf32, #tpu.memory_space<hbm>>) dst(%arg8 : memref<128x256xf32, #tpu.memory_space<vmem>>)
      %scan3A_23 = arith.constant 0 : i32
      %scan3A_24 = arith.constant 0 : i32
      %scan3A_25 = arith.constant 128 : i32
      %scan3A_26 = arith.addi %scan3A_24, %scan3A_25 : i32
      %scan3A_27 = arith.constant 1 : i32
      %scan3A_28 = scf.for %scan3A_34 = %scan3A_24 to %scan3A_26 step %scan3A_27 iter_args(%scan3A_35 = %scan3A_23) -> (i32)  : i32 {
        %mul3A_36 = arith.constant 4 : i32
        %mul3A_37 = arith.muli %scan3A_13, %mul3A_36 : i32
        %jit3A = arith.constant 32 : i32
        %div3A = arith.divsi %scan3A_34, %jit3A : i32
        %sign3A = arith.constant 0 : i32
        %sign3A_38 = arith.cmpi sgt, %scan3A_34, %sign3A : i32
        %sign3A_39 = arith.extui %sign3A_38 : i1 to i32
        %sign3A_40 = arith.constant 0 : i32
        %sign3A_41 = arith.cmpi slt, %scan3A_34, %sign3A_40 : i32
        %sign3A_42 = arith.extui %sign3A_41 : i1 to i32
        %sign3A_43 = arith.subi %sign3A_39, %sign3A_42 : i32
        %sign3A_44 = arith.constant 0 : i32
        %sign3A_45 = arith.cmpi sgt, %jit3A, %sign3A_44 : i32
        %sign3A_46 = arith.extui %sign3A_45 : i1 to i32
        %sign3A_47 = arith.constant 0 : i32
        %sign3A_48 = arith.cmpi slt, %jit3A, %sign3A_47 : i32
        %sign3A_49 = arith.extui %sign3A_48 : i1 to i32
        %sign3A_50 = arith.subi %sign3A_46, %sign3A_49 : i32
        %ne3A = arith.cmpi ne, %sign3A_43, %sign3A_50 : i32
        %rem3A = arith.remsi %scan3A_34, %jit3A : i32
        %ne3A_51 = arith.constant 0 : i32
        %ne3A_52 = arith.cmpi ne, %rem3A, %ne3A_51 : i32
        %and3A = arith.andi %ne3A, %ne3A_52 : i1
        %sub3A = arith.constant 1 : i32
        %sub3A_53 = arith.subi %div3A, %sub3A : i32
        %select_n3A = arith.select %and3A, %sub3A_53, %div3A : i32
        %add3A_54 = arith.addi %mul3A_37, %select_n3A : i32
        %get3A = arith.index_cast %scan3A_34 : i32 to index
        %get3A_55 = arith.constant 0 : index
        %get3A_56 = tpu.vector_load %arg8[%get3A, %get3A_55] {strides = array<i32>} : memref<128x256xf32, #tpu.memory_space<vmem>>, vector<1x16xf32>,
        %get3A_57 = vector.shape_cast %get3A_56 : vector<1x16xf32> to vector<16xf32>
        %get3A_58 = arith.index_cast %add3A_54 : i32 to index
        %get3A_59 = arith.constant 0 : index
        %get3A_60 = tpu.vector_load %arg7[%get3A_58, %get3A_59] {strides = array<i32>} : memref<8x16xf32, #tpu.memory_space<vmem>>, vector<1x16xf32>,
        %get3A_61 = vector.shape_cast %get3A_60 : vector<1x16xf32> to vector<16xf32>
        %sub3A_62 = arith.subf %get3A_57, %get3A_61 : vector<16xf32>
        %swap3A = arith.index_cast %scan3A_34 : i32 to index
        %swap3A_63 = arith.constant 0 : index
        %swap3A_64 = tpu.vector_load %arg8[%swap3A, %swap3A_63] {strides = array<i32>} : memref<128x256xf32, #tpu.memory_space<vmem>>, vector<1x16xf32>,
        %swap3A_65 = vector.shape_cast %swap3A_64 : vector<1x16xf32> to vector<16xf32>
        %swap3A_66 = vector.shape_cast %sub3A_62 : vector<16xf32> to vector<1x16xf32>
        tpu.vector_store %arg8[%swap3A, %swap3A_63], %swap3A_66 {strides = array<i32>} : memref<128x256xf32, #tpu.memory_space<vmem>>, vector<1x16xf32>,
        %scan3A_67 = arith.constant 0 : i32
        scf.yield %scan3A_67 : i32
      }
      %scan3A_29 = arith.constant 128 : i32
      %mul3A_30 = arith.constant 128 : i32
      %mul3A_31 = arith.muli %scan3A_13, %mul3A_30 : i32
      %add3A_32 = arith.addi %mul3A_6, %mul3A_31 : i32
      "tpu.region"() ({
        %run_scoped3A = tpu.sem_alloc : memref<!tpu.dma_semaphore, #tpu.memory_space<semaphore_mem>>
        %dma_start3A_34 = arith.constant 0 : i32
        %dma_start3A_35 = tpu.memref_slice %arg5[%add3A_32, %dma_start3A_34] : memref<8192x256xf32, #tpu.memory_space<hbm>> -> memref<128x256xf32, #tpu.memory_space<hbm>>
        %dma_start3A_36 = arith.constant 0 : i32
        %dma_start3A_37 = tpu.memref_slice %arg5[%add3A_32, %dma_start3A_36] : memref<8192x256xf32, #tpu.memory_space<hbm>> -> memref<128x256xf32, #tpu.memory_space<hbm>>
        tpu.enqueue_dma source(%arg8 : memref<128x256xf32, #tpu.memory_space<vmem>>) target(%dma_start3A_37 : memref<128x256xf32, #tpu.memory_space<hbm>>) target_semaphore(%run_scoped3A : memref<!tpu.dma_semaphore, #tpu.memory_space<semaphore_mem>>)
        %dma_wait3A_38 = arith.constant 0 : i32
        %dma_wait3A_39 = tpu.memref_slice %arg5[%add3A_32, %dma_wait3A_38] : memref<8192x256xf32, #tpu.memory_space<hbm>> -> memref<128x256xf32, #tpu.memory_space<hbm>>
        %dma_wait3A_40 = arith.constant 0 : i32
        %dma_wait3A_41 = tpu.memref_slice %arg5[%add3A_32, %dma_wait3A_40] : memref<8192x256xf32, #tpu.memory_space<hbm>> -> memref<128x256xf32, #tpu.memory_space<hbm>>
        tpu.wait_dma2 semaphore(%run_scoped3A : memref<!tpu.dma_semaphore, #tpu.memory_space<semaphore_mem>>) src(%arg8 : memref<128x256xf32, #tpu.memory_space<vmem>>) dst(%dma_wait3A_41 : memref<128x256xf32, #tpu.memory_space<hbm>>)
        tpu.yield
      }) : () -> ()
      %scan3A_33 = arith.constant 0 : i32
      scf.yield %scan3A_33 : i32
    }
    %scan3A_12 = arith.constant 2 : i32
    return
  }
}

#map = affine_map<(d0, d1) -> (0, 0)>
#map1 = affine_map<(d0, d1) -> (0)>
module attributes {stable_mosaic.version = 14 : i64} {
  func.func @sc_kernel(%arg0: i32, %arg1: i32, %arg2: memref<256x384xf32, #tpu.memory_space<hbm>>, %arg3: memref<8192xi32, #tpu.memory_space<hbm>>, %arg4: memref<256x16xf32, #tpu.memory_space<hbm>>, %arg5: memref<8192x384xf32, #tpu.memory_space<hbm>>, %arg6: memref<256xi32, #tpu.memory_space<vmem>>, %arg7: memref<8x16xf32, #tpu.memory_space<vmem>>, %arg8: memref<128x384xf32, #tpu.memory_space<vmem>>, %arg9: memref<!tpu.dma_semaphore, #tpu.memory_space<semaphore_mem>>) attributes {dimension_semantics = [#tpu.dimension_semantics<core_parallel>, #tpu.dimension_semantics<subcore_parallel>], iteration_bounds = array<i64: 2, 16>, scalar_prefetch = 0 : i64, scratch_operands = 4 : i64, tpu.core_type = #tpu.core_type<sc_vector_subcore>, window_params = [{transform_indices = #map}, {transform_indices = #map1}, {transform_indices = #map}, {transform_indices = #map}]} {
    %mul3A = arith.constant 2 : i32
    %mul3A_0 = arith.muli %arg1, %mul3A : i32
    %add3A = arith.addi %mul3A_0, %arg0 : i32
    %mul3A_1 = arith.constant 256 : i32
    %mul3A_2 = arith.muli %add3A, %mul3A_1 : i32
    "tpu.region"() ({
      %run_scoped3A = tpu.sem_alloc : memref<!tpu.dma_semaphore, #tpu.memory_space<semaphore_mem>>
      %dma_start3A = tpu.memref_slice %arg3[%mul3A_2] : memref<8192xi32, #tpu.memory_space<hbm>> -> memref<256xi32, #tpu.memory_space<hbm>>
      %dma_start3A_13 = tpu.memref_slice %arg3[%mul3A_2] : memref<8192xi32, #tpu.memory_space<hbm>> -> memref<256xi32, #tpu.memory_space<hbm>>
      tpu.enqueue_dma source(%dma_start3A_13 : memref<256xi32, #tpu.memory_space<hbm>>) target(%arg6 : memref<256xi32, #tpu.memory_space<vmem>>) target_semaphore(%run_scoped3A : memref<!tpu.dma_semaphore, #tpu.memory_space<semaphore_mem>>)
      %dma_wait3A = tpu.memref_slice %arg3[%mul3A_2] : memref<8192xi32, #tpu.memory_space<hbm>> -> memref<256xi32, #tpu.memory_space<hbm>>
      %dma_wait3A_14 = tpu.memref_slice %arg3[%mul3A_2] : memref<8192xi32, #tpu.memory_space<hbm>> -> memref<256xi32, #tpu.memory_space<hbm>>
      tpu.wait_dma2 semaphore(%run_scoped3A : memref<!tpu.dma_semaphore, #tpu.memory_space<semaphore_mem>>) src(%dma_wait3A_14 : memref<256xi32, #tpu.memory_space<hbm>>) dst(%arg6 : memref<256xi32, #tpu.memory_space<vmem>>)
      tpu.yield
    }) : () -> ()
    %mul3A_3 = arith.constant 8 : i32
    %mul3A_4 = arith.muli %add3A, %mul3A_3 : i32
    "tpu.region"() ({
      %run_scoped3A = tpu.sem_alloc : memref<!tpu.dma_semaphore, #tpu.memory_space<semaphore_mem>>
      %dma_start3A = arith.constant 0 : i32
      %dma_start3A_13 = tpu.memref_slice %arg4[%mul3A_4, %dma_start3A] : memref<256x16xf32, #tpu.memory_space<hbm>> -> memref<8x16xf32, #tpu.memory_space<hbm>>
      %dma_start3A_14 = arith.constant 0 : i32
      %dma_start3A_15 = tpu.memref_slice %arg4[%mul3A_4, %dma_start3A_14] : memref<256x16xf32, #tpu.memory_space<hbm>> -> memref<8x16xf32, #tpu.memory_space<hbm>>
      tpu.enqueue_dma source(%dma_start3A_15 : memref<8x16xf32, #tpu.memory_space<hbm>>) target(%arg7 : memref<8x16xf32, #tpu.memory_space<vmem>>) target_semaphore(%run_scoped3A : memref<!tpu.dma_semaphore, #tpu.memory_space<semaphore_mem>>)
      %dma_wait3A = arith.constant 0 : i32
      %dma_wait3A_16 = tpu.memref_slice %arg4[%mul3A_4, %dma_wait3A] : memref<256x16xf32, #tpu.memory_space<hbm>> -> memref<8x16xf32, #tpu.memory_space<hbm>>
      %dma_wait3A_17 = arith.constant 0 : i32
      %dma_wait3A_18 = tpu.memref_slice %arg4[%mul3A_4, %dma_wait3A_17] : memref<256x16xf32, #tpu.memory_space<hbm>> -> memref<8x16xf32, #tpu.memory_space<hbm>>
      tpu.wait_dma2 semaphore(%run_scoped3A : memref<!tpu.dma_semaphore, #tpu.memory_space<semaphore_mem>>) src(%dma_wait3A_18 : memref<8x16xf32, #tpu.memory_space<hbm>>) dst(%arg7 : memref<8x16xf32, #tpu.memory_space<vmem>>)
      tpu.yield
    }) : () -> ()
    %mul3A_5 = arith.constant 256 : i32
    %mul3A_6 = arith.muli %add3A, %mul3A_5 : i32
    %scan3A = arith.constant 0 : i32
    %scan3A_7 = arith.constant 0 : i32
    %scan3A_8 = arith.constant 2 : i32
    %scan3A_9 = arith.addi %scan3A_7, %scan3A_8 : i32
    %scan3A_10 = arith.constant 1 : i32
    %scan3A_11 = scf.for %scan3A_13 = %scan3A_7 to %scan3A_9 step %scan3A_10 iter_args(%scan3A_14 = %scan3A) -> (i32)  : i32 {
      %mul3A_15 = arith.constant 128 : i32
      %mul3A_16 = arith.muli %scan3A_13, %mul3A_15 : i32
      %dma_start3A = tpu.memref_slice %arg6[%mul3A_16] : memref<256xi32, #tpu.memory_space<vmem>> -> memref<128xi32, #tpu.memory_space<vmem>>
      %dma_start3A_17 = arith.constant 0 : i32
      %dma_start3A_18 = arith.constant 0 : i32
      %dma_start3A_19 = tpu.memref_slice %arg2[%dma_start3A_17, %dma_start3A_18] : memref<256x384xf32, #tpu.memory_space<hbm>> -> memref<256x384xf32, #tpu.memory_space<hbm>>
      tpu.enqueue_indirect_dma source(%dma_start3A_19 : memref<256x384xf32, #tpu.memory_space<hbm>>) target(%arg8 : memref<128x384xf32, #tpu.memory_space<vmem>>) offsets(%dma_start3A : memref<128xi32, #tpu.memory_space<vmem>>) semaphore(%arg9 : memref<!tpu.dma_semaphore, #tpu.memory_space<semaphore_mem>>)
      %dma_wait3A = tpu.memref_slice %arg6[%mul3A_16] : memref<256xi32, #tpu.memory_space<vmem>> -> memref<128xi32, #tpu.memory_space<vmem>>
      %dma_wait3A_20 = arith.constant 0 : i32
      %dma_wait3A_21 = arith.constant 0 : i32
      %dma_wait3A_22 = tpu.memref_slice %arg2[%dma_wait3A_20, %dma_wait3A_21] : memref<256x384xf32, #tpu.memory_space<hbm>> -> memref<256x384xf32, #tpu.memory_space<hbm>>
      tpu.wait_indirect_dma semaphore(%arg9 : memref<!tpu.dma_semaphore, #tpu.memory_space<semaphore_mem>>) src(%dma_wait3A_22 : memref<256x384xf32, #tpu.memory_space<hbm>>) dst(%arg8 : memref<128x384xf32, #tpu.memory_space<vmem>>)
      %scan3A_23 = arith.constant 0 : i32
      %scan3A_24 = arith.constant 0 : i32
      %scan3A_25 = arith.constant 128 : i32
      %scan3A_26 = arith.addi %scan3A_24, %scan3A_25 : i32
      %scan3A_27 = arith.constant 1 : i32
      %scan3A_28 = scf.for %scan3A_34 = %scan3A_24 to %scan3A_26 step %scan3A_27 iter_args(%scan3A_35 = %scan3A_23) -> (i32)  : i32 {
        %mul3A_36 = arith.constant 4 : i32
        %mul3A_37 = arith.muli %scan3A_13, %mul3A_36 : i32
        %jit3A = arith.constant 32 : i32
        %div3A = arith.divsi %scan3A_34, %jit3A : i32
        %sign3A = arith.constant 0 : i32
        %sign3A_38 = arith.cmpi sgt, %scan3A_34, %sign3A : i32
        %sign3A_39 = arith.extui %sign3A_38 : i1 to i32
        %sign3A_40 = arith.constant 0 : i32
        %sign3A_41 = arith.cmpi slt, %scan3A_34, %sign3A_40 : i32
        %sign3A_42 = arith.extui %sign3A_41 : i1 to i32
        %sign3A_43 = arith.subi %sign3A_39, %sign3A_42 : i32
        %sign3A_44 = arith.constant 0 : i32
        %sign3A_45 = arith.cmpi sgt, %jit3A, %sign3A_44 : i32
        %sign3A_46 = arith.extui %sign3A_45 : i1 to i32
        %sign3A_47 = arith.constant 0 : i32
        %sign3A_48 = arith.cmpi slt, %jit3A, %sign3A_47 : i32
        %sign3A_49 = arith.extui %sign3A_48 : i1 to i32
        %sign3A_50 = arith.subi %sign3A_46, %sign3A_49 : i32
        %ne3A = arith.cmpi ne, %sign3A_43, %sign3A_50 : i32
        %rem3A = arith.remsi %scan3A_34, %jit3A : i32
        %ne3A_51 = arith.constant 0 : i32
        %ne3A_52 = arith.cmpi ne, %rem3A, %ne3A_51 : i32
        %and3A = arith.andi %ne3A, %ne3A_52 : i1
        %sub3A = arith.constant 1 : i32
        %sub3A_53 = arith.subi %div3A, %sub3A : i32
        %select_n3A = arith.select %and3A, %sub3A_53, %div3A : i32
        %add3A_54 = arith.addi %mul3A_37, %select_n3A : i32
        %get3A = arith.index_cast %scan3A_34 : i32 to index
        %get3A_55 = arith.constant 0 : index
        %get3A_56 = tpu.vector_load %arg8[%get3A, %get3A_55] {strides = array<i32>} : memref<128x384xf32, #tpu.memory_space<vmem>>, vector<1x16xf32>,
        %get3A_57 = vector.shape_cast %get3A_56 : vector<1x16xf32> to vector<16xf32>
        %get3A_58 = arith.index_cast %add3A_54 : i32 to index
        %get3A_59 = arith.constant 0 : index
        %get3A_60 = tpu.vector_load %arg7[%get3A_58, %get3A_59] {strides = array<i32>} : memref<8x16xf32, #tpu.memory_space<vmem>>, vector<1x16xf32>,
        %get3A_61 = vector.shape_cast %get3A_60 : vector<1x16xf32> to vector<16xf32>
        %sub3A_62 = arith.subf %get3A_57, %get3A_61 : vector<16xf32>
        %swap3A = arith.index_cast %scan3A_34 : i32 to index
        %swap3A_63 = arith.constant 0 : index
        %swap3A_64 = tpu.vector_load %arg8[%swap3A, %swap3A_63] {strides = array<i32>} : memref<128x384xf32, #tpu.memory_space<vmem>>, vector<1x16xf32>,
        %swap3A_65 = vector.shape_cast %swap3A_64 : vector<1x16xf32> to vector<16xf32>
        %swap3A_66 = vector.shape_cast %sub3A_62 : vector<16xf32> to vector<1x16xf32>
        tpu.vector_store %arg8[%swap3A, %swap3A_63], %swap3A_66 {strides = array<i32>} : memref<128x384xf32, #tpu.memory_space<vmem>>, vector<1x16xf32>,
        %scan3A_67 = arith.constant 0 : i32
        scf.yield %scan3A_67 : i32
      }
      %scan3A_29 = arith.constant 128 : i32
      %mul3A_30 = arith.constant 128 : i32
      %mul3A_31 = arith.muli %scan3A_13, %mul3A_30 : i32
      %add3A_32 = arith.addi %mul3A_6, %mul3A_31 : i32
      "tpu.region"() ({
        %run_scoped3A = tpu.sem_alloc : memref<!tpu.dma_semaphore, #tpu.memory_space<semaphore_mem>>
        %dma_start3A_34 = arith.constant 0 : i32
        %dma_start3A_35 = tpu.memref_slice %arg5[%add3A_32, %dma_start3A_34] : memref<8192x384xf32, #tpu.memory_space<hbm>> -> memref<128x384xf32, #tpu.memory_space<hbm>>
        %dma_start3A_36 = arith.constant 0 : i32
        %dma_start3A_37 = tpu.memref_slice %arg5[%add3A_32, %dma_start3A_36] : memref<8192x384xf32, #tpu.memory_space<hbm>> -> memref<128x384xf32, #tpu.memory_space<hbm>>
        tpu.enqueue_dma source(%arg8 : memref<128x384xf32, #tpu.memory_space<vmem>>) target(%dma_start3A_37 : memref<128x384xf32, #tpu.memory_space<hbm>>) target_semaphore(%run_scoped3A : memref<!tpu.dma_semaphore, #tpu.memory_space<semaphore_mem>>)
        %dma_wait3A_38 = arith.constant 0 : i32
        %dma_wait3A_39 = tpu.memref_slice %arg5[%add3A_32, %dma_wait3A_38] : memref<8192x384xf32, #tpu.memory_space<hbm>> -> memref<128x384xf32, #tpu.memory_space<hbm>>
        %dma_wait3A_40 = arith.constant 0 : i32
        %dma_wait3A_41 = tpu.memref_slice %arg5[%add3A_32, %dma_wait3A_40] : memref<8192x384xf32, #tpu.memory_space<hbm>> -> memref<128x384xf32, #tpu.memory_space<hbm>>
        tpu.wait_dma2 semaphore(%run_scoped3A : memref<!tpu.dma_semaphore, #tpu.memory_space<semaphore_mem>>) src(%arg8 : memref<128x384xf32, #tpu.memory_space<vmem>>) dst(%dma_wait3A_41 : memref<128x384xf32, #tpu.memory_space<hbm>>)
        tpu.yield
      }) : () -> ()
      %scan3A_33 = arith.constant 0 : i32
      scf.yield %scan3A_33 : i32
    }
    %scan3A_12 = arith.constant 2 : i32
    return
  }
}

#map = affine_map<(d0, d1) -> (0, 0)>
#map1 = affine_map<(d0, d1) -> (0)>
module attributes {stable_mosaic.version = 14 : i64} {
  func.func @sc_kernel(%arg0: i32, %arg1: i32, %arg2: memref<256x384xf32, #tpu.memory_space<hbm>>, %arg3: memref<2048xi32, #tpu.memory_space<hbm>>, %arg4: memref<64x16xf32, #tpu.memory_space<hbm>>, %arg5: memref<2048x384xf32, #tpu.memory_space<hbm>>, %arg6: memref<64xi32, #tpu.memory_space<vmem>>, %arg7: memref<2x16xf32, #tpu.memory_space<vmem>>, %arg8: memref<64x384xf32, #tpu.memory_space<vmem>>, %arg9: memref<!tpu.dma_semaphore, #tpu.memory_space<semaphore_mem>>) attributes {dimension_semantics = [#tpu.dimension_semantics<core_parallel>, #tpu.dimension_semantics<subcore_parallel>], iteration_bounds = array<i64: 2, 16>, scalar_prefetch = 0 : i64, scratch_operands = 4 : i64, tpu.core_type = #tpu.core_type<sc_vector_subcore>, window_params = [{transform_indices = #map}, {transform_indices = #map1}, {transform_indices = #map}, {transform_indices = #map}]} {
    %mul3A = arith.constant 2 : i32
    %mul3A_0 = arith.muli %arg1, %mul3A : i32
    %add3A = arith.addi %mul3A_0, %arg0 : i32
    %mul3A_1 = arith.constant 64 : i32
    %mul3A_2 = arith.muli %add3A, %mul3A_1 : i32
    "tpu.region"() ({
      %run_scoped3A = tpu.sem_alloc : memref<!tpu.dma_semaphore, #tpu.memory_space<semaphore_mem>>
      %dma_start3A_28 = tpu.memref_slice %arg3[%mul3A_2] : memref<2048xi32, #tpu.memory_space<hbm>> -> memref<64xi32, #tpu.memory_space<hbm>>
      %dma_start3A_29 = tpu.memref_slice %arg3[%mul3A_2] : memref<2048xi32, #tpu.memory_space<hbm>> -> memref<64xi32, #tpu.memory_space<hbm>>
      tpu.enqueue_dma source(%dma_start3A_29 : memref<64xi32, #tpu.memory_space<hbm>>) target(%arg6 : memref<64xi32, #tpu.memory_space<vmem>>) target_semaphore(%run_scoped3A : memref<!tpu.dma_semaphore, #tpu.memory_space<semaphore_mem>>)
      %dma_wait3A_30 = tpu.memref_slice %arg3[%mul3A_2] : memref<2048xi32, #tpu.memory_space<hbm>> -> memref<64xi32, #tpu.memory_space<hbm>>
      %dma_wait3A_31 = tpu.memref_slice %arg3[%mul3A_2] : memref<2048xi32, #tpu.memory_space<hbm>> -> memref<64xi32, #tpu.memory_space<hbm>>
      tpu.wait_dma2 semaphore(%run_scoped3A : memref<!tpu.dma_semaphore, #tpu.memory_space<semaphore_mem>>) src(%dma_wait3A_31 : memref<64xi32, #tpu.memory_space<hbm>>) dst(%arg6 : memref<64xi32, #tpu.memory_space<vmem>>)
      tpu.yield
    }) : () -> ()
    %mul3A_3 = arith.constant 2 : i32
    %mul3A_4 = arith.muli %add3A, %mul3A_3 : i32
    "tpu.region"() ({
      %run_scoped3A = tpu.sem_alloc : memref<!tpu.dma_semaphore, #tpu.memory_space<semaphore_mem>>
      %dma_start3A_28 = arith.constant 0 : i32
      %dma_start3A_29 = tpu.memref_slice %arg4[%mul3A_4, %dma_start3A_28] : memref<64x16xf32, #tpu.memory_space<hbm>> -> memref<2x16xf32, #tpu.memory_space<hbm>>
      %dma_start3A_30 = arith.constant 0 : i32
      %dma_start3A_31 = tpu.memref_slice %arg4[%mul3A_4, %dma_start3A_30] : memref<64x16xf32, #tpu.memory_space<hbm>> -> memref<2x16xf32, #tpu.memory_space<hbm>>
      tpu.enqueue_dma source(%dma_start3A_31 : memref<2x16xf32, #tpu.memory_space<hbm>>) target(%arg7 : memref<2x16xf32, #tpu.memory_space<vmem>>) target_semaphore(%run_scoped3A : memref<!tpu.dma_semaphore, #tpu.memory_space<semaphore_mem>>)
      %dma_wait3A_32 = arith.constant 0 : i32
      %dma_wait3A_33 = tpu.memref_slice %arg4[%mul3A_4, %dma_wait3A_32] : memref<64x16xf32, #tpu.memory_space<hbm>> -> memref<2x16xf32, #tpu.memory_space<hbm>>
      %dma_wait3A_34 = arith.constant 0 : i32
      %dma_wait3A_35 = tpu.memref_slice %arg4[%mul3A_4, %dma_wait3A_34] : memref<64x16xf32, #tpu.memory_space<hbm>> -> memref<2x16xf32, #tpu.memory_space<hbm>>
      tpu.wait_dma2 semaphore(%run_scoped3A : memref<!tpu.dma_semaphore, #tpu.memory_space<semaphore_mem>>) src(%dma_wait3A_35 : memref<2x16xf32, #tpu.memory_space<hbm>>) dst(%arg7 : memref<2x16xf32, #tpu.memory_space<vmem>>)
      tpu.yield
    }) : () -> ()
    %mul3A_5 = arith.constant 64 : i32
    %mul3A_6 = arith.muli %add3A, %mul3A_5 : i32
    %scan3A = arith.constant 0 : i32
    %scan3A_7 = arith.constant 0 : i32
    %mul3A_8 = arith.constant 64 : i32
    %mul3A_9 = arith.muli %scan3A_7, %mul3A_8 : i32
    %dma_start3A = tpu.memref_slice %arg6[%mul3A_9] : memref<64xi32, #tpu.memory_space<vmem>> -> memref<64xi32, #tpu.memory_space<vmem>>
    %dma_start3A_10 = arith.constant 0 : i32
    %dma_start3A_11 = arith.constant 0 : i32
    %dma_start3A_12 = tpu.memref_slice %arg2[%dma_start3A_10, %dma_start3A_11] : memref<256x384xf32, #tpu.memory_space<hbm>> -> memref<256x384xf32, #tpu.memory_space<hbm>>
    tpu.enqueue_indirect_dma source(%dma_start3A_12 : memref<256x384xf32, #tpu.memory_space<hbm>>) target(%arg8 : memref<64x384xf32, #tpu.memory_space<vmem>>) offsets(%dma_start3A : memref<64xi32, #tpu.memory_space<vmem>>) semaphore(%arg9 : memref<!tpu.dma_semaphore, #tpu.memory_space<semaphore_mem>>)
    %dma_wait3A = tpu.memref_slice %arg6[%mul3A_9] : memref<64xi32, #tpu.memory_space<vmem>> -> memref<64xi32, #tpu.memory_space<vmem>>
    %dma_wait3A_13 = arith.constant 0 : i32
    %dma_wait3A_14 = arith.constant 0 : i32
    %dma_wait3A_15 = tpu.memref_slice %arg2[%dma_wait3A_13, %dma_wait3A_14] : memref<256x384xf32, #tpu.memory_space<hbm>> -> memref<256x384xf32, #tpu.memory_space<hbm>>
    tpu.wait_indirect_dma semaphore(%arg9 : memref<!tpu.dma_semaphore, #tpu.memory_space<semaphore_mem>>) src(%dma_wait3A_15 : memref<256x384xf32, #tpu.memory_space<hbm>>) dst(%arg8 : memref<64x384xf32, #tpu.memory_space<vmem>>)
    %scan3A_16 = arith.constant 0 : i32
    %scan3A_17 = arith.constant 0 : i32
    %scan3A_18 = arith.constant 64 : i32
    %scan3A_19 = arith.addi %scan3A_17, %scan3A_18 : i32
    %scan3A_20 = arith.constant 1 : i32
    %scan3A_21 = scf.for %scan3A_28 = %scan3A_17 to %scan3A_19 step %scan3A_20 iter_args(%scan3A_29 = %scan3A_16) -> (i32)  : i32 {
      %mul3A_30 = arith.constant 2 : i32
      %mul3A_31 = arith.muli %scan3A_7, %mul3A_30 : i32
      %jit3A = arith.constant 32 : i32
      %div3A = arith.divsi %scan3A_28, %jit3A : i32
      %sign3A = arith.constant 0 : i32
      %sign3A_32 = arith.cmpi sgt, %scan3A_28, %sign3A : i32
      %sign3A_33 = arith.extui %sign3A_32 : i1 to i32
      %sign3A_34 = arith.constant 0 : i32
      %sign3A_35 = arith.cmpi slt, %scan3A_28, %sign3A_34 : i32
      %sign3A_36 = arith.extui %sign3A_35 : i1 to i32
      %sign3A_37 = arith.subi %sign3A_33, %sign3A_36 : i32
      %sign3A_38 = arith.constant 0 : i32
      %sign3A_39 = arith.cmpi sgt, %jit3A, %sign3A_38 : i32
      %sign3A_40 = arith.extui %sign3A_39 : i1 to i32
      %sign3A_41 = arith.constant 0 : i32
      %sign3A_42 = arith.cmpi slt, %jit3A, %sign3A_41 : i32
      %sign3A_43 = arith.extui %sign3A_42 : i1 to i32
      %sign3A_44 = arith.subi %sign3A_40, %sign3A_43 : i32
      %ne3A = arith.cmpi ne, %sign3A_37, %sign3A_44 : i32
      %rem3A = arith.remsi %scan3A_28, %jit3A : i32
      %ne3A_45 = arith.constant 0 : i32
      %ne3A_46 = arith.cmpi ne, %rem3A, %ne3A_45 : i32
      %and3A = arith.andi %ne3A, %ne3A_46 : i1
      %sub3A = arith.constant 1 : i32
      %sub3A_47 = arith.subi %div3A, %sub3A : i32
      %select_n3A = arith.select %and3A, %sub3A_47, %div3A : i32
      %add3A_48 = arith.addi %mul3A_31, %select_n3A : i32
      %get3A = arith.index_cast %scan3A_28 : i32 to index
      %get3A_49 = arith.constant 0 : index
      %get3A_50 = tpu.vector_load %arg8[%get3A, %get3A_49] {strides = array<i32>} : memref<64x384xf32, #tpu.memory_space<vmem>>, vector<1x16xf32>,
      %get3A_51 = vector.shape_cast %get3A_50 : vector<1x16xf32> to vector<16xf32>
      %get3A_52 = arith.index_cast %add3A_48 : i32 to index
      %get3A_53 = arith.constant 0 : index
      %get3A_54 = tpu.vector_load %arg7[%get3A_52, %get3A_53] {strides = array<i32>} : memref<2x16xf32, #tpu.memory_space<vmem>>, vector<1x16xf32>,
      %get3A_55 = vector.shape_cast %get3A_54 : vector<1x16xf32> to vector<16xf32>
      %sub3A_56 = arith.subf %get3A_51, %get3A_55 : vector<16xf32>
      %swap3A = arith.index_cast %scan3A_28 : i32 to index
      %swap3A_57 = arith.constant 0 : index
      %swap3A_58 = tpu.vector_load %arg8[%swap3A, %swap3A_57] {strides = array<i32>} : memref<64x384xf32, #tpu.memory_space<vmem>>, vector<1x16xf32>,
      %swap3A_59 = vector.shape_cast %swap3A_58 : vector<1x16xf32> to vector<16xf32>
      %swap3A_60 = vector.shape_cast %sub3A_56 : vector<16xf32> to vector<1x16xf32>
      tpu.vector_store %arg8[%swap3A, %swap3A_57], %swap3A_60 {strides = array<i32>} : memref<64x384xf32, #tpu.memory_space<vmem>>, vector<1x16xf32>,
      %scan3A_61 = arith.constant 0 : i32
      scf.yield %scan3A_61 : i32
    }
    %scan3A_22 = arith.constant 64 : i32
    %mul3A_23 = arith.constant 64 : i32
    %mul3A_24 = arith.muli %scan3A_7, %mul3A_23 : i32
    %add3A_25 = arith.addi %mul3A_6, %mul3A_24 : i32
    "tpu.region"() ({
      %run_scoped3A = tpu.sem_alloc : memref<!tpu.dma_semaphore, #tpu.memory_space<semaphore_mem>>
      %dma_start3A_28 = arith.constant 0 : i32
      %dma_start3A_29 = tpu.memref_slice %arg5[%add3A_25, %dma_start3A_28] : memref<2048x384xf32, #tpu.memory_space<hbm>> -> memref<64x384xf32, #tpu.memory_space<hbm>>
      %dma_start3A_30 = arith.constant 0 : i32
      %dma_start3A_31 = tpu.memref_slice %arg5[%add3A_25, %dma_start3A_30] : memref<2048x384xf32, #tpu.memory_space<hbm>> -> memref<64x384xf32, #tpu.memory_space<hbm>>
      tpu.enqueue_dma source(%arg8 : memref<64x384xf32, #tpu.memory_space<vmem>>) target(%dma_start3A_31 : memref<64x384xf32, #tpu.memory_space<hbm>>) target_semaphore(%run_scoped3A : memref<!tpu.dma_semaphore, #tpu.memory_space<semaphore_mem>>)
      %dma_wait3A_32 = arith.constant 0 : i32
      %dma_wait3A_33 = tpu.memref_slice %arg5[%add3A_25, %dma_wait3A_32] : memref<2048x384xf32, #tpu.memory_space<hbm>> -> memref<64x384xf32, #tpu.memory_space<hbm>>
      %dma_wait3A_34 = arith.constant 0 : i32
      %dma_wait3A_35 = tpu.memref_slice %arg5[%add3A_25, %dma_wait3A_34] : memref<2048x384xf32, #tpu.memory_space<hbm>> -> memref<64x384xf32, #tpu.memory_space<hbm>>
      tpu.wait_dma2 semaphore(%run_scoped3A : memref<!tpu.dma_semaphore, #tpu.memory_space<semaphore_mem>>) src(%arg8 : memref<64x384xf32, #tpu.memory_space<vmem>>) dst(%dma_wait3A_35 : memref<64x384xf32, #tpu.memory_space<hbm>>)
      tpu.yield
    }) : () -> ()
    %scan3A_26 = arith.constant 0 : i32
    %scan3A_27 = arith.constant 1 : i32
    return
  }
}

#map = affine_map<(d0, d1) -> (0, 0)>
#map1 = affine_map<(d0, d1) -> (0)>
module attributes {stable_mosaic.version = 14 : i64} {
  func.func @sc_kernel(%arg0: i32, %arg1: i32, %arg2: memref<64x640xf32, #tpu.memory_space<hbm>>, %arg3: memref<2048xi32, #tpu.memory_space<hbm>>, %arg4: memref<64x16xf32, #tpu.memory_space<hbm>>, %arg5: memref<2048x640xf32, #tpu.memory_space<hbm>>, %arg6: memref<64xi32, #tpu.memory_space<vmem>>, %arg7: memref<2x16xf32, #tpu.memory_space<vmem>>, %arg8: memref<64x640xf32, #tpu.memory_space<vmem>>, %arg9: memref<!tpu.dma_semaphore, #tpu.memory_space<semaphore_mem>>) attributes {dimension_semantics = [#tpu.dimension_semantics<core_parallel>, #tpu.dimension_semantics<subcore_parallel>], iteration_bounds = array<i64: 2, 16>, scalar_prefetch = 0 : i64, scratch_operands = 4 : i64, tpu.core_type = #tpu.core_type<sc_vector_subcore>, window_params = [{transform_indices = #map}, {transform_indices = #map1}, {transform_indices = #map}, {transform_indices = #map}]} {
    %mul3A = arith.constant 2 : i32
    %mul3A_0 = arith.muli %arg1, %mul3A : i32
    %add3A = arith.addi %mul3A_0, %arg0 : i32
    %mul3A_1 = arith.constant 64 : i32
    %mul3A_2 = arith.muli %add3A, %mul3A_1 : i32
    "tpu.region"() ({
      %run_scoped3A = tpu.sem_alloc : memref<!tpu.dma_semaphore, #tpu.memory_space<semaphore_mem>>
      %dma_start3A_28 = tpu.memref_slice %arg3[%mul3A_2] : memref<2048xi32, #tpu.memory_space<hbm>> -> memref<64xi32, #tpu.memory_space<hbm>>
      %dma_start3A_29 = tpu.memref_slice %arg3[%mul3A_2] : memref<2048xi32, #tpu.memory_space<hbm>> -> memref<64xi32, #tpu.memory_space<hbm>>
      tpu.enqueue_dma source(%dma_start3A_29 : memref<64xi32, #tpu.memory_space<hbm>>) target(%arg6 : memref<64xi32, #tpu.memory_space<vmem>>) target_semaphore(%run_scoped3A : memref<!tpu.dma_semaphore, #tpu.memory_space<semaphore_mem>>)
      %dma_wait3A_30 = tpu.memref_slice %arg3[%mul3A_2] : memref<2048xi32, #tpu.memory_space<hbm>> -> memref<64xi32, #tpu.memory_space<hbm>>
      %dma_wait3A_31 = tpu.memref_slice %arg3[%mul3A_2] : memref<2048xi32, #tpu.memory_space<hbm>> -> memref<64xi32, #tpu.memory_space<hbm>>
      tpu.wait_dma2 semaphore(%run_scoped3A : memref<!tpu.dma_semaphore, #tpu.memory_space<semaphore_mem>>) src(%dma_wait3A_31 : memref<64xi32, #tpu.memory_space<hbm>>) dst(%arg6 : memref<64xi32, #tpu.memory_space<vmem>>)
      tpu.yield
    }) : () -> ()
    %mul3A_3 = arith.constant 2 : i32
    %mul3A_4 = arith.muli %add3A, %mul3A_3 : i32
    "tpu.region"() ({
      %run_scoped3A = tpu.sem_alloc : memref<!tpu.dma_semaphore, #tpu.memory_space<semaphore_mem>>
      %dma_start3A_28 = arith.constant 0 : i32
      %dma_start3A_29 = tpu.memref_slice %arg4[%mul3A_4, %dma_start3A_28] : memref<64x16xf32, #tpu.memory_space<hbm>> -> memref<2x16xf32, #tpu.memory_space<hbm>>
      %dma_start3A_30 = arith.constant 0 : i32
      %dma_start3A_31 = tpu.memref_slice %arg4[%mul3A_4, %dma_start3A_30] : memref<64x16xf32, #tpu.memory_space<hbm>> -> memref<2x16xf32, #tpu.memory_space<hbm>>
      tpu.enqueue_dma source(%dma_start3A_31 : memref<2x16xf32, #tpu.memory_space<hbm>>) target(%arg7 : memref<2x16xf32, #tpu.memory_space<vmem>>) target_semaphore(%run_scoped3A : memref<!tpu.dma_semaphore, #tpu.memory_space<semaphore_mem>>)
      %dma_wait3A_32 = arith.constant 0 : i32
      %dma_wait3A_33 = tpu.memref_slice %arg4[%mul3A_4, %dma_wait3A_32] : memref<64x16xf32, #tpu.memory_space<hbm>> -> memref<2x16xf32, #tpu.memory_space<hbm>>
      %dma_wait3A_34 = arith.constant 0 : i32
      %dma_wait3A_35 = tpu.memref_slice %arg4[%mul3A_4, %dma_wait3A_34] : memref<64x16xf32, #tpu.memory_space<hbm>> -> memref<2x16xf32, #tpu.memory_space<hbm>>
      tpu.wait_dma2 semaphore(%run_scoped3A : memref<!tpu.dma_semaphore, #tpu.memory_space<semaphore_mem>>) src(%dma_wait3A_35 : memref<2x16xf32, #tpu.memory_space<hbm>>) dst(%arg7 : memref<2x16xf32, #tpu.memory_space<vmem>>)
      tpu.yield
    }) : () -> ()
    %mul3A_5 = arith.constant 64 : i32
    %mul3A_6 = arith.muli %add3A, %mul3A_5 : i32
    %scan3A = arith.constant 0 : i32
    %scan3A_7 = arith.constant 0 : i32
    %mul3A_8 = arith.constant 64 : i32
    %mul3A_9 = arith.muli %scan3A_7, %mul3A_8 : i32
    %dma_start3A = tpu.memref_slice %arg6[%mul3A_9] : memref<64xi32, #tpu.memory_space<vmem>> -> memref<64xi32, #tpu.memory_space<vmem>>
    %dma_start3A_10 = arith.constant 0 : i32
    %dma_start3A_11 = arith.constant 0 : i32
    %dma_start3A_12 = tpu.memref_slice %arg2[%dma_start3A_10, %dma_start3A_11] : memref<64x640xf32, #tpu.memory_space<hbm>> -> memref<64x640xf32, #tpu.memory_space<hbm>>
    tpu.enqueue_indirect_dma source(%dma_start3A_12 : memref<64x640xf32, #tpu.memory_space<hbm>>) target(%arg8 : memref<64x640xf32, #tpu.memory_space<vmem>>) offsets(%dma_start3A : memref<64xi32, #tpu.memory_space<vmem>>) semaphore(%arg9 : memref<!tpu.dma_semaphore, #tpu.memory_space<semaphore_mem>>)
    %dma_wait3A = tpu.memref_slice %arg6[%mul3A_9] : memref<64xi32, #tpu.memory_space<vmem>> -> memref<64xi32, #tpu.memory_space<vmem>>
    %dma_wait3A_13 = arith.constant 0 : i32
    %dma_wait3A_14 = arith.constant 0 : i32
    %dma_wait3A_15 = tpu.memref_slice %arg2[%dma_wait3A_13, %dma_wait3A_14] : memref<64x640xf32, #tpu.memory_space<hbm>> -> memref<64x640xf32, #tpu.memory_space<hbm>>
    tpu.wait_indirect_dma semaphore(%arg9 : memref<!tpu.dma_semaphore, #tpu.memory_space<semaphore_mem>>) src(%dma_wait3A_15 : memref<64x640xf32, #tpu.memory_space<hbm>>) dst(%arg8 : memref<64x640xf32, #tpu.memory_space<vmem>>)
    %scan3A_16 = arith.constant 0 : i32
    %scan3A_17 = arith.constant 0 : i32
    %scan3A_18 = arith.constant 64 : i32
    %scan3A_19 = arith.addi %scan3A_17, %scan3A_18 : i32
    %scan3A_20 = arith.constant 1 : i32
    %scan3A_21 = scf.for %scan3A_28 = %scan3A_17 to %scan3A_19 step %scan3A_20 iter_args(%scan3A_29 = %scan3A_16) -> (i32)  : i32 {
      %mul3A_30 = arith.constant 2 : i32
      %mul3A_31 = arith.muli %scan3A_7, %mul3A_30 : i32
      %jit3A = arith.constant 32 : i32
      %div3A = arith.divsi %scan3A_28, %jit3A : i32
      %sign3A = arith.constant 0 : i32
      %sign3A_32 = arith.cmpi sgt, %scan3A_28, %sign3A : i32
      %sign3A_33 = arith.extui %sign3A_32 : i1 to i32
      %sign3A_34 = arith.constant 0 : i32
      %sign3A_35 = arith.cmpi slt, %scan3A_28, %sign3A_34 : i32
      %sign3A_36 = arith.extui %sign3A_35 : i1 to i32
      %sign3A_37 = arith.subi %sign3A_33, %sign3A_36 : i32
      %sign3A_38 = arith.constant 0 : i32
      %sign3A_39 = arith.cmpi sgt, %jit3A, %sign3A_38 : i32
      %sign3A_40 = arith.extui %sign3A_39 : i1 to i32
      %sign3A_41 = arith.constant 0 : i32
      %sign3A_42 = arith.cmpi slt, %jit3A, %sign3A_41 : i32
      %sign3A_43 = arith.extui %sign3A_42 : i1 to i32
      %sign3A_44 = arith.subi %sign3A_40, %sign3A_43 : i32
      %ne3A = arith.cmpi ne, %sign3A_37, %sign3A_44 : i32
      %rem3A = arith.remsi %scan3A_28, %jit3A : i32
      %ne3A_45 = arith.constant 0 : i32
      %ne3A_46 = arith.cmpi ne, %rem3A, %ne3A_45 : i32
      %and3A = arith.andi %ne3A, %ne3A_46 : i1
      %sub3A = arith.constant 1 : i32
      %sub3A_47 = arith.subi %div3A, %sub3A : i32
      %select_n3A = arith.select %and3A, %sub3A_47, %div3A : i32
      %add3A_48 = arith.addi %mul3A_31, %select_n3A : i32
      %get3A = arith.index_cast %scan3A_28 : i32 to index
      %get3A_49 = arith.constant 0 : index
      %get3A_50 = tpu.vector_load %arg8[%get3A, %get3A_49] {strides = array<i32>} : memref<64x640xf32, #tpu.memory_space<vmem>>, vector<1x16xf32>,
      %get3A_51 = vector.shape_cast %get3A_50 : vector<1x16xf32> to vector<16xf32>
      %get3A_52 = arith.index_cast %add3A_48 : i32 to index
      %get3A_53 = arith.constant 0 : index
      %get3A_54 = tpu.vector_load %arg7[%get3A_52, %get3A_53] {strides = array<i32>} : memref<2x16xf32, #tpu.memory_space<vmem>>, vector<1x16xf32>,
      %get3A_55 = vector.shape_cast %get3A_54 : vector<1x16xf32> to vector<16xf32>
      %sub3A_56 = arith.subf %get3A_51, %get3A_55 : vector<16xf32>
      %swap3A = arith.index_cast %scan3A_28 : i32 to index
      %swap3A_57 = arith.constant 0 : index
      %swap3A_58 = tpu.vector_load %arg8[%swap3A, %swap3A_57] {strides = array<i32>} : memref<64x640xf32, #tpu.memory_space<vmem>>, vector<1x16xf32>,
      %swap3A_59 = vector.shape_cast %swap3A_58 : vector<1x16xf32> to vector<16xf32>
      %swap3A_60 = vector.shape_cast %sub3A_56 : vector<16xf32> to vector<1x16xf32>
      tpu.vector_store %arg8[%swap3A, %swap3A_57], %swap3A_60 {strides = array<i32>} : memref<64x640xf32, #tpu.memory_space<vmem>>, vector<1x16xf32>,
      %scan3A_61 = arith.constant 0 : i32
      scf.yield %scan3A_61 : i32
    }
    %scan3A_22 = arith.constant 64 : i32
    %mul3A_23 = arith.constant 64 : i32
    %mul3A_24 = arith.muli %scan3A_7, %mul3A_23 : i32
    %add3A_25 = arith.addi %mul3A_6, %mul3A_24 : i32
    "tpu.region"() ({
      %run_scoped3A = tpu.sem_alloc : memref<!tpu.dma_semaphore, #tpu.memory_space<semaphore_mem>>
      %dma_start3A_28 = arith.constant 0 : i32
      %dma_start3A_29 = tpu.memref_slice %arg5[%add3A_25, %dma_start3A_28] : memref<2048x640xf32, #tpu.memory_space<hbm>> -> memref<64x640xf32, #tpu.memory_space<hbm>>
      %dma_start3A_30 = arith.constant 0 : i32
      %dma_start3A_31 = tpu.memref_slice %arg5[%add3A_25, %dma_start3A_30] : memref<2048x640xf32, #tpu.memory_space<hbm>> -> memref<64x640xf32, #tpu.memory_space<hbm>>
      tpu.enqueue_dma source(%arg8 : memref<64x640xf32, #tpu.memory_space<vmem>>) target(%dma_start3A_31 : memref<64x640xf32, #tpu.memory_space<hbm>>) target_semaphore(%run_scoped3A : memref<!tpu.dma_semaphore, #tpu.memory_space<semaphore_mem>>)
      %dma_wait3A_32 = arith.constant 0 : i32
      %dma_wait3A_33 = tpu.memref_slice %arg5[%add3A_25, %dma_wait3A_32] : memref<2048x640xf32, #tpu.memory_space<hbm>> -> memref<64x640xf32, #tpu.memory_space<hbm>>
      %dma_wait3A_34 = arith.constant 0 : i32
      %dma_wait3A_35 = tpu.memref_slice %arg5[%add3A_25, %dma_wait3A_34] : memref<2048x640xf32, #tpu.memory_space<hbm>> -> memref<64x640xf32, #tpu.memory_space<hbm>>
      tpu.wait_dma2 semaphore(%run_scoped3A : memref<!tpu.dma_semaphore, #tpu.memory_space<semaphore_mem>>) src(%arg8 : memref<64x640xf32, #tpu.memory_space<vmem>>) dst(%dma_wait3A_35 : memref<64x640xf32, #tpu.memory_space<hbm>>)
      tpu.yield
    }) : () -> ()
    %scan3A_26 = arith.constant 0 : i32
    %scan3A_27 = arith.constant 1 : i32
    return
  }
}

module attributes {stable_mosaic.version = 14 : i64} {
  func.func @body(%arg0: i32, %arg1: i32, %arg2: memref<1x128x3xf32, #tpu.memory_space<vmem>>, %arg3: memref<1x3x8192xf32, #tpu.memory_space<vmem>>, %arg4: memref<1x128x32xi32, #tpu.memory_space<vmem>>, %arg5: memref<128x8192xf32, #tpu.memory_space<vmem>>) attributes {dimension_semantics = [#tpu.dimension_semantics<arbitrary>, #tpu.dimension_semantics<arbitrary>], iteration_bounds = array<i64: 2, 16>, scalar_prefetch = 0 : i64, scratch_operands = 1 : i64, tpu.core_type = #tpu.core_type<tc>, window_params = [{transform_indices = @transform_0, window_bounds = array<i64: 1, 128, 3>}, {transform_indices = @transform_1, window_bounds = array<i64: 1, 3, 8192>}, {transform_indices = @transform_2, window_bounds = array<i64: 1, 128, 32>}]} {
    %get3A = arith.constant 0 : index
    %get3A_0 = arith.constant 0 : index
    %get3A_1 = arith.constant 0 : index
    %get3A_2 = vector.load %arg2[%get3A, %get3A_0, %get3A_1] : memref<1x128x3xf32, #tpu.memory_space<vmem>>, vector<1x128x1xf32>
    %get3A_3 = vector.shape_cast %get3A_2 : vector<1x128x1xf32> to vector<128x1xf32>
    %get3A_4 = arith.constant 0 : index
    %get3A_5 = arith.constant 0 : index
    %get3A_6 = arith.constant 1 : index
    %get3A_7 = vector.load %arg2[%get3A_4, %get3A_5, %get3A_6] : memref<1x128x3xf32, #tpu.memory_space<vmem>>, vector<1x128x1xf32>
    %get3A_8 = vector.shape_cast %get3A_7 : vector<1x128x1xf32> to vector<128x1xf32>
    %get3A_9 = arith.constant 0 : index
    %get3A_10 = arith.constant 0 : index
    %get3A_11 = arith.constant 2 : index
    %get3A_12 = vector.load %arg2[%get3A_9, %get3A_10, %get3A_11] : memref<1x128x3xf32, #tpu.memory_space<vmem>>, vector<1x128x1xf32>
    %get3A_13 = vector.shape_cast %get3A_12 : vector<1x128x1xf32> to vector<128x1xf32>
    %get3A_14 = arith.constant 0 : index
    %get3A_15 = arith.constant 0 : index
    %get3A_16 = arith.constant 0 : index
    %get3A_17 = vector.load %arg3[%get3A_14, %get3A_15, %get3A_16] : memref<1x3x8192xf32, #tpu.memory_space<vmem>>, vector<1x1x8192xf32>
    %get3A_18 = vector.shape_cast %get3A_17 : vector<1x1x8192xf32> to vector<1x8192xf32>
    %get3A_19 = arith.constant 0 : index
    %get3A_20 = arith.constant 1 : index
    %get3A_21 = arith.constant 0 : index
    %get3A_22 = vector.load %arg3[%get3A_19, %get3A_20, %get3A_21] : memref<1x3x8192xf32, #tpu.memory_space<vmem>>, vector<1x1x8192xf32>
    %get3A_23 = vector.shape_cast %get3A_22 : vector<1x1x8192xf32> to vector<1x8192xf32>
    %get3A_24 = arith.constant 0 : index
    %get3A_25 = arith.constant 2 : index
    %get3A_26 = arith.constant 0 : index
    %get3A_27 = vector.load %arg3[%get3A_24, %get3A_25, %get3A_26] : memref<1x3x8192xf32, #tpu.memory_space<vmem>>, vector<1x1x8192xf32>
    %get3A_28 = vector.shape_cast %get3A_27 : vector<1x1x8192xf32> to vector<1x8192xf32>
    %sub3A = vector.broadcast %get3A_3 : vector<128x1xf32> to vector<128x8192xf32>
    %sub3A_29 = vector.broadcast %get3A_18 : vector<1x8192xf32> to vector<128x8192xf32>
    %sub3A_30 = arith.subf %sub3A, %sub3A_29 : vector<128x8192xf32>
    %sub3A_31 = vector.broadcast %get3A_8 : vector<128x1xf32> to vector<128x8192xf32>
    %sub3A_32 = vector.broadcast %get3A_23 : vector<1x8192xf32> to vector<128x8192xf32>
    %sub3A_33 = arith.subf %sub3A_31, %sub3A_32 : vector<128x8192xf32>
    %sub3A_34 = vector.broadcast %get3A_13 : vector<128x1xf32> to vector<128x8192xf32>
    %sub3A_35 = vector.broadcast %get3A_28 : vector<1x8192xf32> to vector<128x8192xf32>
    %sub3A_36 = arith.subf %sub3A_34, %sub3A_35 : vector<128x8192xf32>
    %mul3A = arith.mulf %sub3A_30, %sub3A_30 : vector<128x8192xf32>
    %mul3A_37 = arith.mulf %sub3A_33, %sub3A_33 : vector<128x8192xf32>
    %add3A = arith.addf %mul3A, %mul3A_37 : vector<128x8192xf32>
    %mul3A_38 = arith.mulf %sub3A_36, %sub3A_36 : vector<128x8192xf32>
    %add3A_39 = arith.addf %add3A, %mul3A_38 : vector<128x8192xf32>
    %swap3A = arith.constant 0 : index
    %swap3A_40 = arith.constant 0 : index
    %swap3A_41 = vector.load %arg5[%swap3A, %swap3A_40] : memref<128x8192xf32, #tpu.memory_space<vmem>>, vector<128x8192xf32>
    tpu.vector_store %arg5[%swap3A, %swap3A_40], %add3A_39 {strides = array<i32>} : memref<128x8192xf32, #tpu.memory_space<vmem>>, vector<128x8192xf32>,
    %iota3A = tpu.iota {dimensions = array<i32: 1>} : vector<128x8192xi32>
    %iota3A_42 = tpu.iota {dimensions = array<i32: 1>} : vector<128x32xi32>
    %broadcast_in_dim3A = arith.constant 0xFF800000 : f32
    %broadcast_in_dim3A_43 = vector.broadcast %broadcast_in_dim3A : f32 to vector<128x1xf32>
    %broadcast_in_dim3A_44 = arith.constant -1 : i32
    %broadcast_in_dim3A_45 = vector.broadcast %broadcast_in_dim3A_44 : i32 to vector<128x1xi32>
    %broadcast_in_dim3A_46 = arith.constant 0.000000e+00 : f32
    %broadcast_in_dim3A_47 = vector.broadcast %broadcast_in_dim3A_46 : f32 to vector<128x32xf32>
    %broadcast_in_dim3A_48 = arith.constant 0 : i32
    %broadcast_in_dim3A_49 = vector.broadcast %broadcast_in_dim3A_48 : i32 to vector<128x32xi32>
    %scan3A = arith.constant 0 : i32
    %scan3A_50 = arith.constant 32 : i32
    %scan3A_51 = arith.addi %scan3A, %scan3A_50 : i32
    %scan3A_52 = arith.constant 1 : i32
    %scan3A_53:4 = scf.for %scan3A_69 = %scan3A to %scan3A_51 step %scan3A_52 iter_args(%scan3A_70 = %broadcast_in_dim3A_43, %scan3A_71 = %broadcast_in_dim3A_45, %scan3A_72 = %broadcast_in_dim3A_47, %scan3A_73 = %broadcast_in_dim3A_49) -> (vector<128x1xf32>, vector<128x1xi32>, vector<128x32xf32>, vector<128x32xi32>)  : i32 {
      %get3A_74 = arith.constant 0 : index
      %get3A_75 = arith.constant 0 : index
      %get3A_76 = vector.load %arg5[%get3A_74, %get3A_75] : memref<128x8192xf32, #tpu.memory_space<vmem>>, vector<128x8192xf32>
      %gt3A_77 = vector.broadcast %scan3A_70 : vector<128x1xf32> to vector<128x8192xf32>
      %gt3A_78 = arith.cmpf ogt, %get3A_76, %gt3A_77 : vector<128x8192xf32>
      %eq3A = vector.broadcast %scan3A_70 : vector<128x1xf32> to vector<128x8192xf32>
      %eq3A_79 = arith.cmpf oeq, %get3A_76, %eq3A : vector<128x8192xf32>
      %gt3A_80 = vector.broadcast %scan3A_71 : vector<128x1xi32> to vector<128x8192xi32>
      %gt3A_81 = arith.cmpi sgt, %iota3A, %gt3A_80 : vector<128x8192xi32>
      %and3A = arith.andi %eq3A_79, %gt3A_81 : vector<128x8192xi1>
      %or3A = arith.ori %gt3A_78, %and3A : vector<128x8192xi1>
      %jit3A = arith.constant 0x7F800000 : f32
      %broadcast_in_dim3A_82 = vector.broadcast %jit3A : f32 to vector<128x8192xf32>
      %select_n3A_83 = arith.select %or3A, %get3A_76, %broadcast_in_dim3A_82 : vector<128x8192xi1>, vector<128x8192xf32>
      %reduce_min3A = arith.constant dense<0x7F800000> : vector<128xf32>
      %reduce_min3A_84 = vector.multi_reduction <minimumf>, %select_n3A_83, %reduce_min3A [1] : vector<128x8192xf32> to vector<128xf32>
      %broadcast_in_dim3A_85 = vector.shape_cast %reduce_min3A_84 : vector<128xf32> to vector<128x1xf32>
      %eq3A_86 = vector.broadcast %broadcast_in_dim3A_85 : vector<128x1xf32> to vector<128x8192xf32>
      %eq3A_87 = arith.cmpf oeq, %select_n3A_83, %eq3A_86 : vector<128x8192xf32>
      %jit3A_88 = arith.constant 8192 : i32
      %broadcast_in_dim3A_89 = vector.broadcast %jit3A_88 : i32 to vector<128x8192xi32>
      %select_n3A_90 = arith.select %eq3A_87, %iota3A, %broadcast_in_dim3A_89 : vector<128x8192xi1>, vector<128x8192xi32>
      %reduce_min3A_91 = arith.constant dense<2147483647> : vector<128xi32>
      %reduce_min3A_92 = vector.multi_reduction <minsi>, %select_n3A_90, %reduce_min3A_91 [1] : vector<128x8192xi32> to vector<128xi32>
      %broadcast_in_dim3A_93 = vector.shape_cast %reduce_min3A_92 : vector<128xi32> to vector<128x1xi32>
      %eq3A_94 = vector.broadcast %scan3A_69 : i32 to vector<128x32xi32>
      %eq3A_95 = arith.cmpi eq, %iota3A_42, %eq3A_94 : vector<128x32xi32>
      %broadcast_in_dim3A_96 = vector.shape_cast %broadcast_in_dim3A_85 : vector<128x1xf32> to vector<128x1xf32>
      %broadcast_in_dim3A_97 = vector.broadcast %broadcast_in_dim3A_96 : vector<128x1xf32> to vector<128x32xf32>
      %select_n3A_98 = arith.select %eq3A_95, %broadcast_in_dim3A_97, %scan3A_72 : vector<128x32xi1>, vector<128x32xf32>
      %eq3A_99 = vector.broadcast %scan3A_69 : i32 to vector<128x32xi32>
      %eq3A_100 = arith.cmpi eq, %iota3A_42, %eq3A_99 : vector<128x32xi32>
      %broadcast_in_dim3A_101 = vector.shape_cast %broadcast_in_dim3A_93 : vector<128x1xi32> to vector<128x1xi32>
      %broadcast_in_dim3A_102 = vector.broadcast %broadcast_in_dim3A_101 : vector<128x1xi32> to vector<128x32xi32>
      %select_n3A_103 = arith.select %eq3A_100, %broadcast_in_dim3A_102, %scan3A_73 : vector<128x32xi1>, vector<128x32xi32>
      scf.yield %broadcast_in_dim3A_85, %broadcast_in_dim3A_93, %select_n3A_98, %select_n3A_103 : vector<128x1xf32>, vector<128x1xi32>, vector<128x32xf32>, vector<128x32xi32>
    }
    %scan3A_54 = arith.constant 32 : i32
    %slice3A = vector.extract_strided_slice %scan3A_53#3 {offsets = [0, 0], sizes = [128, 1], strides = [1, 1]} : vector<128x32xi32> to vector<128x1xi32>
    %gt3A = arith.constant 0.00999999977 : f32
    %gt3A_55 = vector.broadcast %gt3A : f32 to vector<128x32xf32>
    %gt3A_56 = arith.cmpf ogt, %scan3A_53#2, %gt3A_55 : vector<128x32xf32>
    %broadcast_in_dim3A_57 = vector.shape_cast %slice3A : vector<128x1xi32> to vector<128x1xi32>
    %broadcast_in_dim3A_58 = vector.broadcast %broadcast_in_dim3A_57 : vector<128x1xi32> to vector<128x32xi32>
    %select_n3A = arith.select %gt3A_56, %broadcast_in_dim3A_58, %scan3A_53#3 : vector<128x32xi1>, vector<128x32xi32>
    %mul3A_59 = arith.constant 8192 : i32
    %mul3A_60 = arith.muli %arg0, %mul3A_59 : i32
    %add3A_61 = vector.broadcast %mul3A_60 : i32 to vector<128x32xi32>
    %add3A_62 = arith.addi %select_n3A, %add3A_61 : vector<128x32xi32>
    %swap3A_63 = arith.constant 0 : index
    %swap3A_64 = arith.constant 0 : index
    %swap3A_65 = arith.constant 0 : index
    %swap3A_66 = vector.load %arg4[%swap3A_63, %swap3A_64, %swap3A_65] : memref<1x128x32xi32, #tpu.memory_space<vmem>>, vector<1x128x32xi32>
    %swap3A_67 = vector.shape_cast %swap3A_66 : vector<1x128x32xi32> to vector<128x32xi32>
    %swap3A_68 = vector.shape_cast %add3A_62 : vector<128x32xi32> to vector<1x128x32xi32>
    tpu.vector_store %arg4[%swap3A_63, %swap3A_64, %swap3A_65], %swap3A_68 {strides = array<i32>} : memref<1x128x32xi32, #tpu.memory_space<vmem>>, vector<1x128x32xi32>,
    return
  }
  func.func @transform_0(%arg0: i32, %arg1: i32) -> (i32, i32, i32) {
    %c0_i32 = arith.constant 0 : i32
    %c0_i32_0 = arith.constant 0 : i32
    return %arg0, %arg1, %c0_i32 : i32, i32, i32
  }
  func.func @transform_1(%arg0: i32, %arg1: i32) -> (i32, i32, i32) {
    %c0_i32 = arith.constant 0 : i32
    %c0_i32_0 = arith.constant 0 : i32
    %c0_i32_1 = arith.constant 0 : i32
    return %arg0, %c0_i32, %c0_i32_0 : i32, i32, i32
  }
  func.func @transform_2(%arg0: i32, %arg1: i32) -> (i32, i32, i32) {
    %c0_i32 = arith.constant 0 : i32
    %c0_i32_0 = arith.constant 0 : i32
    return %arg0, %arg1, %c0_i32 : i32, i32, i32
  }
}

module attributes {stable_mosaic.version = 14 : i64} {
  func.func @body(%arg0: i32, %arg1: memref<512x4xf32, #tpu.memory_space<vmem>>, %arg2: memref<4x32xf32, #tpu.memory_space<vmem>>, %arg3: memref<1x32xf32, #tpu.memory_space<vmem>>, %arg4: memref<512x32xf32, #tpu.memory_space<vmem>>) attributes {dimension_semantics = [#tpu.dimension_semantics<arbitrary>], iteration_bounds = array<i64: 32>, scalar_prefetch = 0 : i64, scratch_operands = 0 : i64, tpu.core_type = #tpu.core_type<tc>, window_params = [{transform_indices = @transform_0, window_bounds = array<i64: 512, 4>}, {pipeline_mode = #tpu.pipeline_mode<synchronous>, transform_indices = @transform_1, window_bounds = array<i64: 4, 32>}, {pipeline_mode = #tpu.pipeline_mode<synchronous>, transform_indices = @transform_2, window_bounds = array<i64: 1, 32>}, {transform_indices = @transform_3, window_bounds = array<i64: 512, 32>}]} {
    %get3A = arith.constant 0 : index
    %get3A_0 = arith.constant 0 : index
    %get3A_1 = vector.load %arg1[%get3A, %get3A_0] : memref<512x4xf32, #tpu.memory_space<vmem>>, vector<512x4xf32>
    %get3A_2 = arith.constant 0 : index
    %get3A_3 = arith.constant 0 : index
    %get3A_4 = vector.load %arg2[%get3A_2, %get3A_3] : memref<4x32xf32, #tpu.memory_space<vmem>>, vector<4x32xf32>
    %dot_general3A = arith.constant dense<0.000000e+00> : vector<512x32xf32>
    %dot_general3A_5 = tpu.matmul %get3A_1, %get3A_4, %dot_general3A {dimension_numbers = #tpu.dot_dimension_numbers<[1], [0], [0], [1], [0, 0, 1, 1], [], []>, transpose_lhs_hint = false} : vector<512x4xf32>, vector<4x32xf32>, vector<512x32xf32> -> vector<512x32xf32>
    %get3A_6 = arith.constant 0 : index
    %get3A_7 = arith.constant 0 : index
    %get3A_8 = vector.load %arg3[%get3A_6, %get3A_7] : memref<1x32xf32, #tpu.memory_space<vmem>>, vector<1x32xf32>
    %add3A = vector.broadcast %get3A_8 : vector<1x32xf32> to vector<512x32xf32>
    %add3A_9 = arith.addf %dot_general3A_5, %add3A : vector<512x32xf32>
    %swap3A = arith.constant 0 : index
    %swap3A_10 = arith.constant 0 : index
    %swap3A_11 = vector.load %arg4[%swap3A, %swap3A_10] : memref<512x32xf32, #tpu.memory_space<vmem>>, vector<512x32xf32>
    tpu.vector_store %arg4[%swap3A, %swap3A_10], %add3A_9 {strides = array<i32>} : memref<512x32xf32, #tpu.memory_space<vmem>>, vector<512x32xf32>,
    return
  }
  func.func @transform_0(%arg0: i32) -> (i32, i32) {
    %c0_i32 = arith.constant 0 : i32
    %c0_i32_0 = arith.constant 0 : i32
    return %arg0, %c0_i32 : i32, i32
  }
  func.func @transform_1(%arg0: i32) -> (i32, i32) {
    %c0_i32 = arith.constant 0 : i32
    %c0_i32_0 = arith.constant 0 : i32
    %c0_i32_1 = arith.constant 0 : i32
    return %c0_i32, %c0_i32_0 : i32, i32
  }
  func.func @transform_2(%arg0: i32) -> (i32, i32) {
    %c0_i32 = arith.constant 0 : i32
    %c0_i32_0 = arith.constant 0 : i32
    %c0_i32_1 = arith.constant 0 : i32
    return %c0_i32, %c0_i32_0 : i32, i32
  }
  func.func @transform_3(%arg0: i32) -> (i32, i32) {
    %c0_i32 = arith.constant 0 : i32
    %c0_i32_0 = arith.constant 0 : i32
    return %arg0, %c0_i32 : i32, i32
  }
}

module attributes {stable_mosaic.version = 14 : i64} {
  func.func @body(%arg0: i32, %arg1: i32, %arg2: memref<1x128x3xf32, #tpu.memory_space<vmem>>, %arg3: memref<1x3x2048xf32, #tpu.memory_space<vmem>>, %arg4: memref<1x128x32xi32, #tpu.memory_space<vmem>>, %arg5: memref<128x2048xf32, #tpu.memory_space<vmem>>) attributes {dimension_semantics = [#tpu.dimension_semantics<arbitrary>, #tpu.dimension_semantics<arbitrary>], iteration_bounds = array<i64: 2, 16>, scalar_prefetch = 0 : i64, scratch_operands = 1 : i64, tpu.core_type = #tpu.core_type<tc>, window_params = [{transform_indices = @transform_0, window_bounds = array<i64: 1, 128, 3>}, {transform_indices = @transform_1, window_bounds = array<i64: 1, 3, 2048>}, {transform_indices = @transform_2, window_bounds = array<i64: 1, 128, 32>}]} {
    %get3A = arith.constant 0 : index
    %get3A_0 = arith.constant 0 : index
    %get3A_1 = arith.constant 0 : index
    %get3A_2 = vector.load %arg2[%get3A, %get3A_0, %get3A_1] : memref<1x128x3xf32, #tpu.memory_space<vmem>>, vector<1x128x1xf32>
    %get3A_3 = vector.shape_cast %get3A_2 : vector<1x128x1xf32> to vector<128x1xf32>
    %get3A_4 = arith.constant 0 : index
    %get3A_5 = arith.constant 0 : index
    %get3A_6 = arith.constant 1 : index
    %get3A_7 = vector.load %arg2[%get3A_4, %get3A_5, %get3A_6] : memref<1x128x3xf32, #tpu.memory_space<vmem>>, vector<1x128x1xf32>
    %get3A_8 = vector.shape_cast %get3A_7 : vector<1x128x1xf32> to vector<128x1xf32>
    %get3A_9 = arith.constant 0 : index
    %get3A_10 = arith.constant 0 : index
    %get3A_11 = arith.constant 2 : index
    %get3A_12 = vector.load %arg2[%get3A_9, %get3A_10, %get3A_11] : memref<1x128x3xf32, #tpu.memory_space<vmem>>, vector<1x128x1xf32>
    %get3A_13 = vector.shape_cast %get3A_12 : vector<1x128x1xf32> to vector<128x1xf32>
    %get3A_14 = arith.constant 0 : index
    %get3A_15 = arith.constant 0 : index
    %get3A_16 = arith.constant 0 : index
    %get3A_17 = vector.load %arg3[%get3A_14, %get3A_15, %get3A_16] : memref<1x3x2048xf32, #tpu.memory_space<vmem>>, vector<1x1x2048xf32>
    %get3A_18 = vector.shape_cast %get3A_17 : vector<1x1x2048xf32> to vector<1x2048xf32>
    %get3A_19 = arith.constant 0 : index
    %get3A_20 = arith.constant 1 : index
    %get3A_21 = arith.constant 0 : index
    %get3A_22 = vector.load %arg3[%get3A_19, %get3A_20, %get3A_21] : memref<1x3x2048xf32, #tpu.memory_space<vmem>>, vector<1x1x2048xf32>
    %get3A_23 = vector.shape_cast %get3A_22 : vector<1x1x2048xf32> to vector<1x2048xf32>
    %get3A_24 = arith.constant 0 : index
    %get3A_25 = arith.constant 2 : index
    %get3A_26 = arith.constant 0 : index
    %get3A_27 = vector.load %arg3[%get3A_24, %get3A_25, %get3A_26] : memref<1x3x2048xf32, #tpu.memory_space<vmem>>, vector<1x1x2048xf32>
    %get3A_28 = vector.shape_cast %get3A_27 : vector<1x1x2048xf32> to vector<1x2048xf32>
    %sub3A = vector.broadcast %get3A_3 : vector<128x1xf32> to vector<128x2048xf32>
    %sub3A_29 = vector.broadcast %get3A_18 : vector<1x2048xf32> to vector<128x2048xf32>
    %sub3A_30 = arith.subf %sub3A, %sub3A_29 : vector<128x2048xf32>
    %sub3A_31 = vector.broadcast %get3A_8 : vector<128x1xf32> to vector<128x2048xf32>
    %sub3A_32 = vector.broadcast %get3A_23 : vector<1x2048xf32> to vector<128x2048xf32>
    %sub3A_33 = arith.subf %sub3A_31, %sub3A_32 : vector<128x2048xf32>
    %sub3A_34 = vector.broadcast %get3A_13 : vector<128x1xf32> to vector<128x2048xf32>
    %sub3A_35 = vector.broadcast %get3A_28 : vector<1x2048xf32> to vector<128x2048xf32>
    %sub3A_36 = arith.subf %sub3A_34, %sub3A_35 : vector<128x2048xf32>
    %mul3A = arith.mulf %sub3A_30, %sub3A_30 : vector<128x2048xf32>
    %mul3A_37 = arith.mulf %sub3A_33, %sub3A_33 : vector<128x2048xf32>
    %add3A = arith.addf %mul3A, %mul3A_37 : vector<128x2048xf32>
    %mul3A_38 = arith.mulf %sub3A_36, %sub3A_36 : vector<128x2048xf32>
    %add3A_39 = arith.addf %add3A, %mul3A_38 : vector<128x2048xf32>
    %swap3A = arith.constant 0 : index
    %swap3A_40 = arith.constant 0 : index
    %swap3A_41 = vector.load %arg5[%swap3A, %swap3A_40] : memref<128x2048xf32, #tpu.memory_space<vmem>>, vector<128x2048xf32>
    tpu.vector_store %arg5[%swap3A, %swap3A_40], %add3A_39 {strides = array<i32>} : memref<128x2048xf32, #tpu.memory_space<vmem>>, vector<128x2048xf32>,
    %iota3A = tpu.iota {dimensions = array<i32: 1>} : vector<128x2048xi32>
    %iota3A_42 = tpu.iota {dimensions = array<i32: 1>} : vector<128x32xi32>
    %broadcast_in_dim3A = arith.constant 0xFF800000 : f32
    %broadcast_in_dim3A_43 = vector.broadcast %broadcast_in_dim3A : f32 to vector<128x1xf32>
    %broadcast_in_dim3A_44 = arith.constant -1 : i32
    %broadcast_in_dim3A_45 = vector.broadcast %broadcast_in_dim3A_44 : i32 to vector<128x1xi32>
    %broadcast_in_dim3A_46 = arith.constant 0.000000e+00 : f32
    %broadcast_in_dim3A_47 = vector.broadcast %broadcast_in_dim3A_46 : f32 to vector<128x32xf32>
    %broadcast_in_dim3A_48 = arith.constant 0 : i32
    %broadcast_in_dim3A_49 = vector.broadcast %broadcast_in_dim3A_48 : i32 to vector<128x32xi32>
    %scan3A = arith.constant 0 : i32
    %scan3A_50 = arith.constant 32 : i32
    %scan3A_51 = arith.addi %scan3A, %scan3A_50 : i32
    %scan3A_52 = arith.constant 1 : i32
    %scan3A_53:4 = scf.for %scan3A_69 = %scan3A to %scan3A_51 step %scan3A_52 iter_args(%scan3A_70 = %broadcast_in_dim3A_43, %scan3A_71 = %broadcast_in_dim3A_45, %scan3A_72 = %broadcast_in_dim3A_47, %scan3A_73 = %broadcast_in_dim3A_49) -> (vector<128x1xf32>, vector<128x1xi32>, vector<128x32xf32>, vector<128x32xi32>)  : i32 {
      %get3A_74 = arith.constant 0 : index
      %get3A_75 = arith.constant 0 : index
      %get3A_76 = vector.load %arg5[%get3A_74, %get3A_75] : memref<128x2048xf32, #tpu.memory_space<vmem>>, vector<128x2048xf32>
      %gt3A_77 = vector.broadcast %scan3A_70 : vector<128x1xf32> to vector<128x2048xf32>
      %gt3A_78 = arith.cmpf ogt, %get3A_76, %gt3A_77 : vector<128x2048xf32>
      %eq3A = vector.broadcast %scan3A_70 : vector<128x1xf32> to vector<128x2048xf32>
      %eq3A_79 = arith.cmpf oeq, %get3A_76, %eq3A : vector<128x2048xf32>
      %gt3A_80 = vector.broadcast %scan3A_71 : vector<128x1xi32> to vector<128x2048xi32>
      %gt3A_81 = arith.cmpi sgt, %iota3A, %gt3A_80 : vector<128x2048xi32>
      %and3A = arith.andi %eq3A_79, %gt3A_81 : vector<128x2048xi1>
      %or3A = arith.ori %gt3A_78, %and3A : vector<128x2048xi1>
      %jit3A = arith.constant 0x7F800000 : f32
      %broadcast_in_dim3A_82 = vector.broadcast %jit3A : f32 to vector<128x2048xf32>
      %select_n3A_83 = arith.select %or3A, %get3A_76, %broadcast_in_dim3A_82 : vector<128x2048xi1>, vector<128x2048xf32>
      %reduce_min3A = arith.constant dense<0x7F800000> : vector<128xf32>
      %reduce_min3A_84 = vector.multi_reduction <minimumf>, %select_n3A_83, %reduce_min3A [1] : vector<128x2048xf32> to vector<128xf32>
      %broadcast_in_dim3A_85 = vector.shape_cast %reduce_min3A_84 : vector<128xf32> to vector<128x1xf32>
      %eq3A_86 = vector.broadcast %broadcast_in_dim3A_85 : vector<128x1xf32> to vector<128x2048xf32>
      %eq3A_87 = arith.cmpf oeq, %select_n3A_83, %eq3A_86 : vector<128x2048xf32>
      %jit3A_88 = arith.constant 2048 : i32
      %broadcast_in_dim3A_89 = vector.broadcast %jit3A_88 : i32 to vector<128x2048xi32>
      %select_n3A_90 = arith.select %eq3A_87, %iota3A, %broadcast_in_dim3A_89 : vector<128x2048xi1>, vector<128x2048xi32>
      %reduce_min3A_91 = arith.constant dense<2147483647> : vector<128xi32>
      %reduce_min3A_92 = vector.multi_reduction <minsi>, %select_n3A_90, %reduce_min3A_91 [1] : vector<128x2048xi32> to vector<128xi32>
      %broadcast_in_dim3A_93 = vector.shape_cast %reduce_min3A_92 : vector<128xi32> to vector<128x1xi32>
      %eq3A_94 = vector.broadcast %scan3A_69 : i32 to vector<128x32xi32>
      %eq3A_95 = arith.cmpi eq, %iota3A_42, %eq3A_94 : vector<128x32xi32>
      %broadcast_in_dim3A_96 = vector.shape_cast %broadcast_in_dim3A_85 : vector<128x1xf32> to vector<128x1xf32>
      %broadcast_in_dim3A_97 = vector.broadcast %broadcast_in_dim3A_96 : vector<128x1xf32> to vector<128x32xf32>
      %select_n3A_98 = arith.select %eq3A_95, %broadcast_in_dim3A_97, %scan3A_72 : vector<128x32xi1>, vector<128x32xf32>
      %eq3A_99 = vector.broadcast %scan3A_69 : i32 to vector<128x32xi32>
      %eq3A_100 = arith.cmpi eq, %iota3A_42, %eq3A_99 : vector<128x32xi32>
      %broadcast_in_dim3A_101 = vector.shape_cast %broadcast_in_dim3A_93 : vector<128x1xi32> to vector<128x1xi32>
      %broadcast_in_dim3A_102 = vector.broadcast %broadcast_in_dim3A_101 : vector<128x1xi32> to vector<128x32xi32>
      %select_n3A_103 = arith.select %eq3A_100, %broadcast_in_dim3A_102, %scan3A_73 : vector<128x32xi1>, vector<128x32xi32>
      scf.yield %broadcast_in_dim3A_85, %broadcast_in_dim3A_93, %select_n3A_98, %select_n3A_103 : vector<128x1xf32>, vector<128x1xi32>, vector<128x32xf32>, vector<128x32xi32>
    }
    %scan3A_54 = arith.constant 32 : i32
    %slice3A = vector.extract_strided_slice %scan3A_53#3 {offsets = [0, 0], sizes = [128, 1], strides = [1, 1]} : vector<128x32xi32> to vector<128x1xi32>
    %gt3A = arith.constant 4.000000e-02 : f32
    %gt3A_55 = vector.broadcast %gt3A : f32 to vector<128x32xf32>
    %gt3A_56 = arith.cmpf ogt, %scan3A_53#2, %gt3A_55 : vector<128x32xf32>
    %broadcast_in_dim3A_57 = vector.shape_cast %slice3A : vector<128x1xi32> to vector<128x1xi32>
    %broadcast_in_dim3A_58 = vector.broadcast %broadcast_in_dim3A_57 : vector<128x1xi32> to vector<128x32xi32>
    %select_n3A = arith.select %gt3A_56, %broadcast_in_dim3A_58, %scan3A_53#3 : vector<128x32xi1>, vector<128x32xi32>
    %mul3A_59 = arith.constant 2048 : i32
    %mul3A_60 = arith.muli %arg0, %mul3A_59 : i32
    %add3A_61 = vector.broadcast %mul3A_60 : i32 to vector<128x32xi32>
    %add3A_62 = arith.addi %select_n3A, %add3A_61 : vector<128x32xi32>
    %swap3A_63 = arith.constant 0 : index
    %swap3A_64 = arith.constant 0 : index
    %swap3A_65 = arith.constant 0 : index
    %swap3A_66 = vector.load %arg4[%swap3A_63, %swap3A_64, %swap3A_65] : memref<1x128x32xi32, #tpu.memory_space<vmem>>, vector<1x128x32xi32>
    %swap3A_67 = vector.shape_cast %swap3A_66 : vector<1x128x32xi32> to vector<128x32xi32>
    %swap3A_68 = vector.shape_cast %add3A_62 : vector<128x32xi32> to vector<1x128x32xi32>
    tpu.vector_store %arg4[%swap3A_63, %swap3A_64, %swap3A_65], %swap3A_68 {strides = array<i32>} : memref<1x128x32xi32, #tpu.memory_space<vmem>>, vector<1x128x32xi32>,
    return
  }
  func.func @transform_0(%arg0: i32, %arg1: i32) -> (i32, i32, i32) {
    %c0_i32 = arith.constant 0 : i32
    %c0_i32_0 = arith.constant 0 : i32
    return %arg0, %arg1, %c0_i32 : i32, i32, i32
  }
  func.func @transform_1(%arg0: i32, %arg1: i32) -> (i32, i32, i32) {
    %c0_i32 = arith.constant 0 : i32
    %c0_i32_0 = arith.constant 0 : i32
    %c0_i32_1 = arith.constant 0 : i32
    return %arg0, %c0_i32, %c0_i32_0 : i32, i32, i32
  }
  func.func @transform_2(%arg0: i32, %arg1: i32) -> (i32, i32, i32) {
    %c0_i32 = arith.constant 0 : i32
    %c0_i32_0 = arith.constant 0 : i32
    return %arg0, %arg1, %c0_i32 : i32, i32, i32
  }
}

module attributes {stable_mosaic.version = 14 : i64} {
  func.func @body(%arg0: i32, %arg1: memref<512x128xf32, #tpu.memory_space<vmem>>, %arg2: memref<128x64xf32, #tpu.memory_space<vmem>>, %arg3: memref<512x64xf32, #tpu.memory_space<vmem>>) attributes {dimension_semantics = [#tpu.dimension_semantics<arbitrary>], iteration_bounds = array<i64: 256>, scalar_prefetch = 0 : i64, scratch_operands = 0 : i64, tpu.core_type = #tpu.core_type<tc>, window_params = [{transform_indices = @transform_0, window_bounds = array<i64: 512, 128>}, {pipeline_mode = #tpu.pipeline_mode<synchronous>, transform_indices = @transform_1, window_bounds = array<i64: 128, 64>}, {transform_indices = @transform_2, window_bounds = array<i64: 512, 64>}]} {
    %get3A = arith.constant 0 : index
    %get3A_0 = arith.constant 0 : index
    %get3A_1 = vector.load %arg1[%get3A, %get3A_0] : memref<512x128xf32, #tpu.memory_space<vmem>>, vector<512x128xf32>
    %get3A_2 = arith.constant 0 : index
    %get3A_3 = arith.constant 0 : index
    %get3A_4 = vector.load %arg2[%get3A_2, %get3A_3] : memref<128x64xf32, #tpu.memory_space<vmem>>, vector<128x64xf32>
    %dot_general3A = arith.constant dense<0.000000e+00> : vector<512x64xf32>
    %dot_general3A_5 = tpu.matmul %get3A_1, %get3A_4, %dot_general3A {dimension_numbers = #tpu.dot_dimension_numbers<[1], [0], [0], [1], [0, 0, 1, 1], [], []>, transpose_lhs_hint = false} : vector<512x128xf32>, vector<128x64xf32>, vector<512x64xf32> -> vector<512x64xf32>
    %swap3A = arith.constant 0 : index
    %swap3A_6 = arith.constant 0 : index
    %swap3A_7 = vector.load %arg3[%swap3A, %swap3A_6] : memref<512x64xf32, #tpu.memory_space<vmem>>, vector<512x64xf32>
    tpu.vector_store %arg3[%swap3A, %swap3A_6], %dot_general3A_5 {strides = array<i32>} : memref<512x64xf32, #tpu.memory_space<vmem>>, vector<512x64xf32>,
    return
  }
  func.func @transform_0(%arg0: i32) -> (i32, i32) {
    %c0_i32 = arith.constant 0 : i32
    %c0_i32_0 = arith.constant 0 : i32
    return %arg0, %c0_i32 : i32, i32
  }
  func.func @transform_1(%arg0: i32) -> (i32, i32) {
    %c0_i32 = arith.constant 0 : i32
    %c0_i32_0 = arith.constant 0 : i32
    %c0_i32_1 = arith.constant 0 : i32
    return %c0_i32, %c0_i32_0 : i32, i32
  }
  func.func @transform_2(%arg0: i32) -> (i32, i32) {
    %c0_i32 = arith.constant 0 : i32
    %c0_i32_0 = arith.constant 0 : i32
    return %arg0, %c0_i32 : i32, i32
  }
}

module attributes {stable_mosaic.version = 14 : i64} {
  func.func @body_plain(%arg0: i32, %arg1: memref<512x64xf32, #tpu.memory_space<vmem>>, %arg2: memref<1x64xf32, #tpu.memory_space<vmem>>) attributes {dimension_semantics = [#tpu.dimension_semantics<arbitrary>], iteration_bounds = array<i64: 256>, scalar_prefetch = 0 : i64, scratch_operands = 0 : i64, tpu.core_type = #tpu.core_type<tc>, window_params = [{transform_indices = @transform_0, window_bounds = array<i64: 512, 64>}, {pipeline_mode = #tpu.pipeline_mode<synchronous>, transform_indices = @transform_1, window_bounds = array<i64: 1, 64>}]} {
    %eq3A = arith.constant 0 : i32
    %eq3A_0 = arith.cmpi eq, %arg0, %eq3A : i32
    %convert_element_type3A = arith.extui %eq3A_0 : i1 to i32
    %cond3A = arith.constant 0 : i32
    %cond3A_1 = arith.cmpi ne, %convert_element_type3A, %cond3A : i32
    scf.if %cond3A_1 {
      %broadcast_in_dim3A_10 = arith.constant 0.000000e+00 : f32
      %broadcast_in_dim3A_11 = vector.broadcast %broadcast_in_dim3A_10 : f32 to vector<1x64xf32>
      %swap3A_12 = arith.constant 0 : index
      %swap3A_13 = arith.constant 0 : index
      %swap3A_14 = vector.load %arg2[%swap3A_12, %swap3A_13] : memref<1x64xf32, #tpu.memory_space<vmem>>, vector<1x64xf32>
      tpu.vector_store %arg2[%swap3A_12, %swap3A_13], %broadcast_in_dim3A_11 {strides = array<i32>} : memref<1x64xf32, #tpu.memory_space<vmem>>, vector<1x64xf32>,
    } else {
    }
    %get3A = arith.constant 0 : index
    %get3A_2 = arith.constant 0 : index
    %get3A_3 = vector.load %arg2[%get3A, %get3A_2] : memref<1x64xf32, #tpu.memory_space<vmem>>, vector<1x64xf32>
    %get3A_4 = arith.constant 0 : index
    %get3A_5 = arith.constant 0 : index
    %get3A_6 = vector.load %arg1[%get3A_4, %get3A_5] : memref<512x64xf32, #tpu.memory_space<vmem>>, vector<512x64xf32>
    %reduce_sum3A = arith.constant dense<0.000000e+00> : vector<64xf32>
    %reduce_sum3A_7 = vector.multi_reduction <add>, %get3A_6, %reduce_sum3A [0] : vector<512x64xf32> to vector<64xf32>
    %broadcast_in_dim3A = vector.shape_cast %reduce_sum3A_7 : vector<64xf32> to vector<1x64xf32>
    %add3A = arith.addf %get3A_3, %broadcast_in_dim3A : vector<1x64xf32>
    %swap3A = arith.constant 0 : index
    %swap3A_8 = arith.constant 0 : index
    %swap3A_9 = vector.load %arg2[%swap3A, %swap3A_8] : memref<1x64xf32, #tpu.memory_space<vmem>>, vector<1x64xf32>
    tpu.vector_store %arg2[%swap3A, %swap3A_8], %add3A {strides = array<i32>} : memref<1x64xf32, #tpu.memory_space<vmem>>, vector<1x64xf32>,
    return
  }
  func.func @transform_0(%arg0: i32) -> (i32, i32) {
    %c0_i32 = arith.constant 0 : i32
    %c0_i32_0 = arith.constant 0 : i32
    return %arg0, %c0_i32 : i32, i32
  }
  func.func @transform_1(%arg0: i32) -> (i32, i32) {
    %c0_i32 = arith.constant 0 : i32
    %c0_i32_0 = arith.constant 0 : i32
    %c0_i32_1 = arith.constant 0 : i32
    return %c0_i32, %c0_i32_0 : i32, i32
  }
}

module attributes {stable_mosaic.version = 14 : i64} {
  func.func @body(%arg0: i32, %arg1: memref<512x64xf32, #tpu.memory_space<vmem>>, %arg2: memref<1x64xf32, #tpu.memory_space<vmem>>, %arg3: memref<1x64xf32, #tpu.memory_space<vmem>>) attributes {dimension_semantics = [#tpu.dimension_semantics<arbitrary>], iteration_bounds = array<i64: 256>, scalar_prefetch = 0 : i64, scratch_operands = 0 : i64, tpu.core_type = #tpu.core_type<tc>, window_params = [{transform_indices = @transform_0, window_bounds = array<i64: 512, 64>}, {pipeline_mode = #tpu.pipeline_mode<synchronous>, transform_indices = @transform_1, window_bounds = array<i64: 1, 64>}, {pipeline_mode = #tpu.pipeline_mode<synchronous>, transform_indices = @transform_2, window_bounds = array<i64: 1, 64>}]} {
    %eq3A = arith.constant 0 : i32
    %eq3A_0 = arith.cmpi eq, %arg0, %eq3A : i32
    %convert_element_type3A = arith.extui %eq3A_0 : i1 to i32
    %cond3A = arith.constant 0 : i32
    %cond3A_1 = arith.cmpi ne, %convert_element_type3A, %cond3A : i32
    scf.if %cond3A_1 {
      %broadcast_in_dim3A_14 = arith.constant 0.000000e+00 : f32
      %broadcast_in_dim3A_15 = vector.broadcast %broadcast_in_dim3A_14 : f32 to vector<1x64xf32>
      %swap3A_16 = arith.constant 0 : index
      %swap3A_17 = arith.constant 0 : index
      %swap3A_18 = vector.load %arg3[%swap3A_16, %swap3A_17] : memref<1x64xf32, #tpu.memory_space<vmem>>, vector<1x64xf32>
      tpu.vector_store %arg3[%swap3A_16, %swap3A_17], %broadcast_in_dim3A_15 {strides = array<i32>} : memref<1x64xf32, #tpu.memory_space<vmem>>, vector<1x64xf32>,
    } else {
    }
    %get3A = arith.constant 0 : index
    %get3A_2 = arith.constant 0 : index
    %get3A_3 = vector.load %arg1[%get3A, %get3A_2] : memref<512x64xf32, #tpu.memory_space<vmem>>, vector<512x64xf32>
    %get3A_4 = arith.constant 0 : index
    %get3A_5 = arith.constant 0 : index
    %get3A_6 = vector.load %arg2[%get3A_4, %get3A_5] : memref<1x64xf32, #tpu.memory_space<vmem>>, vector<1x64xf32>
    %sub3A = vector.broadcast %get3A_6 : vector<1x64xf32> to vector<512x64xf32>
    %sub3A_7 = arith.subf %get3A_3, %sub3A : vector<512x64xf32>
    %get3A_8 = arith.constant 0 : index
    %get3A_9 = arith.constant 0 : index
    %get3A_10 = vector.load %arg3[%get3A_8, %get3A_9] : memref<1x64xf32, #tpu.memory_space<vmem>>, vector<1x64xf32>
    %mul3A = arith.mulf %sub3A_7, %sub3A_7 : vector<512x64xf32>
    %reduce_sum3A = arith.constant dense<0.000000e+00> : vector<64xf32>
    %reduce_sum3A_11 = vector.multi_reduction <add>, %mul3A, %reduce_sum3A [0] : vector<512x64xf32> to vector<64xf32>
    %broadcast_in_dim3A = vector.shape_cast %reduce_sum3A_11 : vector<64xf32> to vector<1x64xf32>
    %add3A = arith.addf %get3A_10, %broadcast_in_dim3A : vector<1x64xf32>
    %swap3A = arith.constant 0 : index
    %swap3A_12 = arith.constant 0 : index
    %swap3A_13 = vector.load %arg3[%swap3A, %swap3A_12] : memref<1x64xf32, #tpu.memory_space<vmem>>, vector<1x64xf32>
    tpu.vector_store %arg3[%swap3A, %swap3A_12], %add3A {strides = array<i32>} : memref<1x64xf32, #tpu.memory_space<vmem>>, vector<1x64xf32>,
    return
  }
  func.func @transform_0(%arg0: i32) -> (i32, i32) {
    %c0_i32 = arith.constant 0 : i32
    %c0_i32_0 = arith.constant 0 : i32
    return %arg0, %c0_i32 : i32, i32
  }
  func.func @transform_1(%arg0: i32) -> (i32, i32) {
    %c0_i32 = arith.constant 0 : i32
    %c0_i32_0 = arith.constant 0 : i32
    %c0_i32_1 = arith.constant 0 : i32
    return %c0_i32, %c0_i32_0 : i32, i32
  }
  func.func @transform_2(%arg0: i32) -> (i32, i32) {
    %c0_i32 = arith.constant 0 : i32
    %c0_i32_0 = arith.constant 0 : i32
    %c0_i32_1 = arith.constant 0 : i32
    return %c0_i32, %c0_i32_0 : i32, i32
  }
}

module attributes {stable_mosaic.version = 14 : i64} {
  func.func @body(%arg0: i32, %arg1: memref<256x32x64xf32, #tpu.memory_space<vmem>>, %arg2: memref<1x64xf32, #tpu.memory_space<vmem>>, %arg3: memref<1x64xf32, #tpu.memory_space<vmem>>, %arg4: memref<1x64xf32, #tpu.memory_space<vmem>>, %arg5: memref<1x64xf32, #tpu.memory_space<vmem>>, %arg6: memref<256x64xf32, #tpu.memory_space<vmem>>) attributes {dimension_semantics = [#tpu.dimension_semantics<arbitrary>], iteration_bounds = array<i64: 16>, scalar_prefetch = 0 : i64, scratch_operands = 0 : i64, tpu.core_type = #tpu.core_type<tc>, window_params = [{transform_indices = @transform_0, window_bounds = array<i64: 256, 32, 64>}, {pipeline_mode = #tpu.pipeline_mode<synchronous>, transform_indices = @transform_1, window_bounds = array<i64: 1, 64>}, {pipeline_mode = #tpu.pipeline_mode<synchronous>, transform_indices = @transform_2, window_bounds = array<i64: 1, 64>}, {pipeline_mode = #tpu.pipeline_mode<synchronous>, transform_indices = @transform_3, window_bounds = array<i64: 1, 64>}, {pipeline_mode = #tpu.pipeline_mode<synchronous>, transform_indices = @transform_4, window_bounds = array<i64: 1, 64>}, {transform_indices = @transform_5, window_bounds = array<i64: 256, 64>}]} {
    %get3A = arith.constant 0 : index
    %get3A_0 = arith.constant 0 : index
    %get3A_1 = vector.load %arg2[%get3A, %get3A_0] : memref<1x64xf32, #tpu.memory_space<vmem>>, vector<1x64xf32>
    %div3A = arith.constant 1.310720e+05 : f32
    %div3A_2 = vector.broadcast %div3A : f32 to vector<1x64xf32>
    %div3A_3 = arith.divf %get3A_1, %div3A_2 : vector<1x64xf32>
    %get3A_4 = arith.constant 0 : index
    %get3A_5 = arith.constant 0 : index
    %get3A_6 = vector.load %arg3[%get3A_4, %get3A_5] : memref<1x64xf32, #tpu.memory_space<vmem>>, vector<1x64xf32>
    %div3A_7 = arith.constant 1.310720e+05 : f32
    %div3A_8 = vector.broadcast %div3A_7 : f32 to vector<1x64xf32>
    %div3A_9 = arith.divf %get3A_6, %div3A_8 : vector<1x64xf32>
    %get3A_10 = arith.constant 0 : index
    %get3A_11 = arith.constant 0 : index
    %get3A_12 = arith.constant 0 : index
    %get3A_13 = vector.load %arg1[%get3A_10, %get3A_11, %get3A_12] : memref<256x32x64xf32, #tpu.memory_space<vmem>>, vector<256x32x64xf32>
    %broadcast_in_dim3A = vector.shape_cast %div3A_3 : vector<1x64xf32> to vector<1x1x64xf32>
    %sub3A = vector.broadcast %broadcast_in_dim3A : vector<1x1x64xf32> to vector<256x32x64xf32>
    %sub3A_14 = arith.subf %get3A_13, %sub3A : vector<256x32x64xf32>
    %broadcast_in_dim3A_15 = vector.shape_cast %div3A_9 : vector<1x64xf32> to vector<1x1x64xf32>
    %add3A = arith.constant 9.99999974E-6 : f32
    %add3A_16 = vector.broadcast %add3A : f32 to vector<1x1x64xf32>
    %add3A_17 = arith.addf %broadcast_in_dim3A_15, %add3A_16 : vector<1x1x64xf32>
    %sqrt3A = math.sqrt %add3A_17 : vector<1x1x64xf32>
    %div3A_18 = vector.broadcast %sqrt3A : vector<1x1x64xf32> to vector<256x32x64xf32>
    %div3A_19 = arith.divf %sub3A_14, %div3A_18 : vector<256x32x64xf32>
    %get3A_20 = arith.constant 0 : index
    %get3A_21 = arith.constant 0 : index
    %get3A_22 = vector.load %arg4[%get3A_20, %get3A_21] : memref<1x64xf32, #tpu.memory_space<vmem>>, vector<1x64xf32>
    %broadcast_in_dim3A_23 = vector.shape_cast %get3A_22 : vector<1x64xf32> to vector<1x1x64xf32>
    %mul3A = vector.broadcast %broadcast_in_dim3A_23 : vector<1x1x64xf32> to vector<256x32x64xf32>
    %mul3A_24 = arith.mulf %div3A_19, %mul3A : vector<256x32x64xf32>
    %get3A_25 = arith.constant 0 : index
    %get3A_26 = arith.constant 0 : index
    %get3A_27 = vector.load %arg5[%get3A_25, %get3A_26] : memref<1x64xf32, #tpu.memory_space<vmem>>, vector<1x64xf32>
    %broadcast_in_dim3A_28 = vector.shape_cast %get3A_27 : vector<1x64xf32> to vector<1x1x64xf32>
    %add3A_29 = vector.broadcast %broadcast_in_dim3A_28 : vector<1x1x64xf32> to vector<256x32x64xf32>
    %add3A_30 = arith.addf %mul3A_24, %add3A_29 : vector<256x32x64xf32>
    %max3A = arith.constant 0.000000e+00 : f32
    %max3A_31 = vector.broadcast %max3A : f32 to vector<256x32x64xf32>
    %max3A_32 = arith.maximumf %add3A_30, %max3A_31 : vector<256x32x64xf32>
    %reduce_max3A = arith.constant dense<0xFF800000> : vector<256x64xf32>
    %reduce_max3A_33 = vector.multi_reduction <maximumf>, %max3A_32, %reduce_max3A [1] : vector<256x32x64xf32> to vector<256x64xf32>
    %swap3A = arith.constant 0 : index
    %swap3A_34 = arith.constant 0 : index
    %swap3A_35 = vector.load %arg6[%swap3A, %swap3A_34] : memref<256x64xf32, #tpu.memory_space<vmem>>, vector<256x64xf32>
    tpu.vector_store %arg6[%swap3A, %swap3A_34], %reduce_max3A_33 {strides = array<i32>} : memref<256x64xf32, #tpu.memory_space<vmem>>, vector<256x64xf32>,
    return
  }
  func.func @transform_0(%arg0: i32) -> (i32, i32, i32) {
    %c0_i32 = arith.constant 0 : i32
    %c0_i32_0 = arith.constant 0 : i32
    %c0_i32_1 = arith.constant 0 : i32
    return %arg0, %c0_i32, %c0_i32_0 : i32, i32, i32
  }
  func.func @transform_1(%arg0: i32) -> (i32, i32) {
    %c0_i32 = arith.constant 0 : i32
    %c0_i32_0 = arith.constant 0 : i32
    %c0_i32_1 = arith.constant 0 : i32
    return %c0_i32, %c0_i32_0 : i32, i32
  }
  func.func @transform_2(%arg0: i32) -> (i32, i32) {
    %c0_i32 = arith.constant 0 : i32
    %c0_i32_0 = arith.constant 0 : i32
    %c0_i32_1 = arith.constant 0 : i32
    return %c0_i32, %c0_i32_0 : i32, i32
  }
  func.func @transform_3(%arg0: i32) -> (i32, i32) {
    %c0_i32 = arith.constant 0 : i32
    %c0_i32_0 = arith.constant 0 : i32
    %c0_i32_1 = arith.constant 0 : i32
    return %c0_i32, %c0_i32_0 : i32, i32
  }
  func.func @transform_4(%arg0: i32) -> (i32, i32) {
    %c0_i32 = arith.constant 0 : i32
    %c0_i32_0 = arith.constant 0 : i32
    %c0_i32_1 = arith.constant 0 : i32
    return %c0_i32, %c0_i32_0 : i32, i32
  }
  func.func @transform_5(%arg0: i32) -> (i32, i32) {
    %c0_i32 = arith.constant 0 : i32
    %c0_i32_0 = arith.constant 0 : i32
    return %arg0, %c0_i32 : i32, i32
  }
}

module attributes {stable_mosaic.version = 14 : i64} {
  func.func @body(%arg0: i32, %arg1: i32, %arg2: memref<1x128x3xf32, #tpu.memory_space<vmem>>, %arg3: memref<1x3x2048xf32, #tpu.memory_space<vmem>>, %arg4: memref<1x128x32xi32, #tpu.memory_space<vmem>>, %arg5: memref<128x2048xf32, #tpu.memory_space<vmem>>) attributes {dimension_semantics = [#tpu.dimension_semantics<arbitrary>, #tpu.dimension_semantics<arbitrary>], iteration_bounds = array<i64: 2, 4>, scalar_prefetch = 0 : i64, scratch_operands = 1 : i64, tpu.core_type = #tpu.core_type<tc>, window_params = [{transform_indices = @transform_0, window_bounds = array<i64: 1, 128, 3>}, {transform_indices = @transform_1, window_bounds = array<i64: 1, 3, 2048>}, {transform_indices = @transform_2, window_bounds = array<i64: 1, 128, 32>}]} {
    %get3A = arith.constant 0 : index
    %get3A_0 = arith.constant 0 : index
    %get3A_1 = arith.constant 0 : index
    %get3A_2 = vector.load %arg2[%get3A, %get3A_0, %get3A_1] : memref<1x128x3xf32, #tpu.memory_space<vmem>>, vector<1x128x1xf32>
    %get3A_3 = vector.shape_cast %get3A_2 : vector<1x128x1xf32> to vector<128x1xf32>
    %get3A_4 = arith.constant 0 : index
    %get3A_5 = arith.constant 0 : index
    %get3A_6 = arith.constant 1 : index
    %get3A_7 = vector.load %arg2[%get3A_4, %get3A_5, %get3A_6] : memref<1x128x3xf32, #tpu.memory_space<vmem>>, vector<1x128x1xf32>
    %get3A_8 = vector.shape_cast %get3A_7 : vector<1x128x1xf32> to vector<128x1xf32>
    %get3A_9 = arith.constant 0 : index
    %get3A_10 = arith.constant 0 : index
    %get3A_11 = arith.constant 2 : index
    %get3A_12 = vector.load %arg2[%get3A_9, %get3A_10, %get3A_11] : memref<1x128x3xf32, #tpu.memory_space<vmem>>, vector<1x128x1xf32>
    %get3A_13 = vector.shape_cast %get3A_12 : vector<1x128x1xf32> to vector<128x1xf32>
    %get3A_14 = arith.constant 0 : index
    %get3A_15 = arith.constant 0 : index
    %get3A_16 = arith.constant 0 : index
    %get3A_17 = vector.load %arg3[%get3A_14, %get3A_15, %get3A_16] : memref<1x3x2048xf32, #tpu.memory_space<vmem>>, vector<1x1x2048xf32>
    %get3A_18 = vector.shape_cast %get3A_17 : vector<1x1x2048xf32> to vector<1x2048xf32>
    %get3A_19 = arith.constant 0 : index
    %get3A_20 = arith.constant 1 : index
    %get3A_21 = arith.constant 0 : index
    %get3A_22 = vector.load %arg3[%get3A_19, %get3A_20, %get3A_21] : memref<1x3x2048xf32, #tpu.memory_space<vmem>>, vector<1x1x2048xf32>
    %get3A_23 = vector.shape_cast %get3A_22 : vector<1x1x2048xf32> to vector<1x2048xf32>
    %get3A_24 = arith.constant 0 : index
    %get3A_25 = arith.constant 2 : index
    %get3A_26 = arith.constant 0 : index
    %get3A_27 = vector.load %arg3[%get3A_24, %get3A_25, %get3A_26] : memref<1x3x2048xf32, #tpu.memory_space<vmem>>, vector<1x1x2048xf32>
    %get3A_28 = vector.shape_cast %get3A_27 : vector<1x1x2048xf32> to vector<1x2048xf32>
    %sub3A = vector.broadcast %get3A_3 : vector<128x1xf32> to vector<128x2048xf32>
    %sub3A_29 = vector.broadcast %get3A_18 : vector<1x2048xf32> to vector<128x2048xf32>
    %sub3A_30 = arith.subf %sub3A, %sub3A_29 : vector<128x2048xf32>
    %sub3A_31 = vector.broadcast %get3A_8 : vector<128x1xf32> to vector<128x2048xf32>
    %sub3A_32 = vector.broadcast %get3A_23 : vector<1x2048xf32> to vector<128x2048xf32>
    %sub3A_33 = arith.subf %sub3A_31, %sub3A_32 : vector<128x2048xf32>
    %sub3A_34 = vector.broadcast %get3A_13 : vector<128x1xf32> to vector<128x2048xf32>
    %sub3A_35 = vector.broadcast %get3A_28 : vector<1x2048xf32> to vector<128x2048xf32>
    %sub3A_36 = arith.subf %sub3A_34, %sub3A_35 : vector<128x2048xf32>
    %mul3A = arith.mulf %sub3A_30, %sub3A_30 : vector<128x2048xf32>
    %mul3A_37 = arith.mulf %sub3A_33, %sub3A_33 : vector<128x2048xf32>
    %add3A = arith.addf %mul3A, %mul3A_37 : vector<128x2048xf32>
    %mul3A_38 = arith.mulf %sub3A_36, %sub3A_36 : vector<128x2048xf32>
    %add3A_39 = arith.addf %add3A, %mul3A_38 : vector<128x2048xf32>
    %swap3A = arith.constant 0 : index
    %swap3A_40 = arith.constant 0 : index
    %swap3A_41 = vector.load %arg5[%swap3A, %swap3A_40] : memref<128x2048xf32, #tpu.memory_space<vmem>>, vector<128x2048xf32>
    tpu.vector_store %arg5[%swap3A, %swap3A_40], %add3A_39 {strides = array<i32>} : memref<128x2048xf32, #tpu.memory_space<vmem>>, vector<128x2048xf32>,
    %iota3A = tpu.iota {dimensions = array<i32: 1>} : vector<128x2048xi32>
    %iota3A_42 = tpu.iota {dimensions = array<i32: 1>} : vector<128x32xi32>
    %broadcast_in_dim3A = arith.constant 0xFF800000 : f32
    %broadcast_in_dim3A_43 = vector.broadcast %broadcast_in_dim3A : f32 to vector<128x1xf32>
    %broadcast_in_dim3A_44 = arith.constant -1 : i32
    %broadcast_in_dim3A_45 = vector.broadcast %broadcast_in_dim3A_44 : i32 to vector<128x1xi32>
    %broadcast_in_dim3A_46 = arith.constant 0.000000e+00 : f32
    %broadcast_in_dim3A_47 = vector.broadcast %broadcast_in_dim3A_46 : f32 to vector<128x32xf32>
    %broadcast_in_dim3A_48 = arith.constant 0 : i32
    %broadcast_in_dim3A_49 = vector.broadcast %broadcast_in_dim3A_48 : i32 to vector<128x32xi32>
    %scan3A = arith.constant 0 : i32
    %scan3A_50 = arith.constant 32 : i32
    %scan3A_51 = arith.addi %scan3A, %scan3A_50 : i32
    %scan3A_52 = arith.constant 1 : i32
    %scan3A_53:4 = scf.for %scan3A_69 = %scan3A to %scan3A_51 step %scan3A_52 iter_args(%scan3A_70 = %broadcast_in_dim3A_43, %scan3A_71 = %broadcast_in_dim3A_45, %scan3A_72 = %broadcast_in_dim3A_47, %scan3A_73 = %broadcast_in_dim3A_49) -> (vector<128x1xf32>, vector<128x1xi32>, vector<128x32xf32>, vector<128x32xi32>)  : i32 {
      %get3A_74 = arith.constant 0 : index
      %get3A_75 = arith.constant 0 : index
      %get3A_76 = vector.load %arg5[%get3A_74, %get3A_75] : memref<128x2048xf32, #tpu.memory_space<vmem>>, vector<128x2048xf32>
      %gt3A_77 = vector.broadcast %scan3A_70 : vector<128x1xf32> to vector<128x2048xf32>
      %gt3A_78 = arith.cmpf ogt, %get3A_76, %gt3A_77 : vector<128x2048xf32>
      %eq3A = vector.broadcast %scan3A_70 : vector<128x1xf32> to vector<128x2048xf32>
      %eq3A_79 = arith.cmpf oeq, %get3A_76, %eq3A : vector<128x2048xf32>
      %gt3A_80 = vector.broadcast %scan3A_71 : vector<128x1xi32> to vector<128x2048xi32>
      %gt3A_81 = arith.cmpi sgt, %iota3A, %gt3A_80 : vector<128x2048xi32>
      %and3A = arith.andi %eq3A_79, %gt3A_81 : vector<128x2048xi1>
      %or3A = arith.ori %gt3A_78, %and3A : vector<128x2048xi1>
      %jit3A = arith.constant 0x7F800000 : f32
      %broadcast_in_dim3A_82 = vector.broadcast %jit3A : f32 to vector<128x2048xf32>
      %select_n3A_83 = arith.select %or3A, %get3A_76, %broadcast_in_dim3A_82 : vector<128x2048xi1>, vector<128x2048xf32>
      %reduce_min3A = arith.constant dense<0x7F800000> : vector<128xf32>
      %reduce_min3A_84 = vector.multi_reduction <minimumf>, %select_n3A_83, %reduce_min3A [1] : vector<128x2048xf32> to vector<128xf32>
      %broadcast_in_dim3A_85 = vector.shape_cast %reduce_min3A_84 : vector<128xf32> to vector<128x1xf32>
      %eq3A_86 = vector.broadcast %broadcast_in_dim3A_85 : vector<128x1xf32> to vector<128x2048xf32>
      %eq3A_87 = arith.cmpf oeq, %select_n3A_83, %eq3A_86 : vector<128x2048xf32>
      %jit3A_88 = arith.constant 2048 : i32
      %broadcast_in_dim3A_89 = vector.broadcast %jit3A_88 : i32 to vector<128x2048xi32>
      %select_n3A_90 = arith.select %eq3A_87, %iota3A, %broadcast_in_dim3A_89 : vector<128x2048xi1>, vector<128x2048xi32>
      %reduce_min3A_91 = arith.constant dense<2147483647> : vector<128xi32>
      %reduce_min3A_92 = vector.multi_reduction <minsi>, %select_n3A_90, %reduce_min3A_91 [1] : vector<128x2048xi32> to vector<128xi32>
      %broadcast_in_dim3A_93 = vector.shape_cast %reduce_min3A_92 : vector<128xi32> to vector<128x1xi32>
      %eq3A_94 = vector.broadcast %scan3A_69 : i32 to vector<128x32xi32>
      %eq3A_95 = arith.cmpi eq, %iota3A_42, %eq3A_94 : vector<128x32xi32>
      %broadcast_in_dim3A_96 = vector.shape_cast %broadcast_in_dim3A_85 : vector<128x1xf32> to vector<128x1xf32>
      %broadcast_in_dim3A_97 = vector.broadcast %broadcast_in_dim3A_96 : vector<128x1xf32> to vector<128x32xf32>
      %select_n3A_98 = arith.select %eq3A_95, %broadcast_in_dim3A_97, %scan3A_72 : vector<128x32xi1>, vector<128x32xf32>
      %eq3A_99 = vector.broadcast %scan3A_69 : i32 to vector<128x32xi32>
      %eq3A_100 = arith.cmpi eq, %iota3A_42, %eq3A_99 : vector<128x32xi32>
      %broadcast_in_dim3A_101 = vector.shape_cast %broadcast_in_dim3A_93 : vector<128x1xi32> to vector<128x1xi32>
      %broadcast_in_dim3A_102 = vector.broadcast %broadcast_in_dim3A_101 : vector<128x1xi32> to vector<128x32xi32>
      %select_n3A_103 = arith.select %eq3A_100, %broadcast_in_dim3A_102, %scan3A_73 : vector<128x32xi1>, vector<128x32xi32>
      scf.yield %broadcast_in_dim3A_85, %broadcast_in_dim3A_93, %select_n3A_98, %select_n3A_103 : vector<128x1xf32>, vector<128x1xi32>, vector<128x32xf32>, vector<128x32xi32>
    }
    %scan3A_54 = arith.constant 32 : i32
    %slice3A = vector.extract_strided_slice %scan3A_53#3 {offsets = [0, 0], sizes = [128, 1], strides = [1, 1]} : vector<128x32xi32> to vector<128x1xi32>
    %gt3A = arith.constant 4.000000e-02 : f32
    %gt3A_55 = vector.broadcast %gt3A : f32 to vector<128x32xf32>
    %gt3A_56 = arith.cmpf ogt, %scan3A_53#2, %gt3A_55 : vector<128x32xf32>
    %broadcast_in_dim3A_57 = vector.shape_cast %slice3A : vector<128x1xi32> to vector<128x1xi32>
    %broadcast_in_dim3A_58 = vector.broadcast %broadcast_in_dim3A_57 : vector<128x1xi32> to vector<128x32xi32>
    %select_n3A = arith.select %gt3A_56, %broadcast_in_dim3A_58, %scan3A_53#3 : vector<128x32xi1>, vector<128x32xi32>
    %mul3A_59 = arith.constant 2048 : i32
    %mul3A_60 = arith.muli %arg0, %mul3A_59 : i32
    %add3A_61 = vector.broadcast %mul3A_60 : i32 to vector<128x32xi32>
    %add3A_62 = arith.addi %select_n3A, %add3A_61 : vector<128x32xi32>
    %swap3A_63 = arith.constant 0 : index
    %swap3A_64 = arith.constant 0 : index
    %swap3A_65 = arith.constant 0 : index
    %swap3A_66 = vector.load %arg4[%swap3A_63, %swap3A_64, %swap3A_65] : memref<1x128x32xi32, #tpu.memory_space<vmem>>, vector<1x128x32xi32>
    %swap3A_67 = vector.shape_cast %swap3A_66 : vector<1x128x32xi32> to vector<128x32xi32>
    %swap3A_68 = vector.shape_cast %add3A_62 : vector<128x32xi32> to vector<1x128x32xi32>
    tpu.vector_store %arg4[%swap3A_63, %swap3A_64, %swap3A_65], %swap3A_68 {strides = array<i32>} : memref<1x128x32xi32, #tpu.memory_space<vmem>>, vector<1x128x32xi32>,
    return
  }
  func.func @transform_0(%arg0: i32, %arg1: i32) -> (i32, i32, i32) {
    %c0_i32 = arith.constant 0 : i32
    %c0_i32_0 = arith.constant 0 : i32
    return %arg0, %arg1, %c0_i32 : i32, i32, i32
  }
  func.func @transform_1(%arg0: i32, %arg1: i32) -> (i32, i32, i32) {
    %c0_i32 = arith.constant 0 : i32
    %c0_i32_0 = arith.constant 0 : i32
    %c0_i32_1 = arith.constant 0 : i32
    return %arg0, %c0_i32, %c0_i32_0 : i32, i32, i32
  }
  func.func @transform_2(%arg0: i32, %arg1: i32) -> (i32, i32, i32) {
    %c0_i32 = arith.constant 0 : i32
    %c0_i32_0 = arith.constant 0 : i32
    return %arg0, %arg1, %c0_i32 : i32, i32, i32
  }
}

module attributes {stable_mosaic.version = 14 : i64} {
  func.func @body(%arg0: memref<4096x64xf32, #tpu.memory_space<vmem>>, %arg1: memref<4096x64xf32, #tpu.memory_space<vmem>>, %arg2: memref<64x256xf32, #tpu.memory_space<vmem>>, %arg3: memref<1x256xf32, #tpu.memory_space<vmem>>, %arg4: memref<1x256xf32, #tpu.memory_space<vmem>>, %arg5: memref<256x64xf32, #tpu.memory_space<vmem>>, %arg6: memref<1x64xf32, #tpu.memory_space<vmem>>, %arg7: memref<1x64xf32, #tpu.memory_space<vmem>>, %arg8: memref<4096x64xf32, #tpu.memory_space<vmem>>) attributes {dimension_semantics = [], scalar_prefetch = 0 : i64, scratch_operands = 0 : i64, tpu.core_type = #tpu.core_type<tc>} {
    %get3A = arith.constant 0 : index
    %get3A_0 = arith.constant 0 : index
    %get3A_1 = vector.load %arg0[%get3A, %get3A_0] : memref<4096x64xf32, #tpu.memory_space<vmem>>, vector<4096x64xf32>
    %get3A_2 = arith.constant 0 : index
    %get3A_3 = arith.constant 0 : index
    %get3A_4 = vector.load %arg2[%get3A_2, %get3A_3] : memref<64x256xf32, #tpu.memory_space<vmem>>, vector<64x256xf32>
    %dot_general3A = arith.constant dense<0.000000e+00> : vector<4096x256xf32>
    %dot_general3A_5 = tpu.matmul %get3A_1, %get3A_4, %dot_general3A {dimension_numbers = #tpu.dot_dimension_numbers<[1], [0], [0], [1], [0, 0, 1, 1], [], []>, transpose_lhs_hint = false} : vector<4096x64xf32>, vector<64x256xf32>, vector<4096x256xf32> -> vector<4096x256xf32>
    %reduce_sum3A = arith.constant dense<0.000000e+00> : vector<256xf32>
    %reduce_sum3A_6 = vector.multi_reduction <add>, %dot_general3A_5, %reduce_sum3A [0] : vector<4096x256xf32> to vector<256xf32>
    %broadcast_in_dim3A = vector.shape_cast %reduce_sum3A_6 : vector<256xf32> to vector<1x256xf32>
    %div3A = arith.constant 4.096000e+03 : f32
    %div3A_7 = vector.broadcast %div3A : f32 to vector<1x256xf32>
    %div3A_8 = arith.divf %broadcast_in_dim3A, %div3A_7 : vector<1x256xf32>
    %sub3A = vector.broadcast %div3A_8 : vector<1x256xf32> to vector<4096x256xf32>
    %sub3A_9 = arith.subf %dot_general3A_5, %sub3A : vector<4096x256xf32>
    %sub3A_10 = vector.broadcast %div3A_8 : vector<1x256xf32> to vector<4096x256xf32>
    %sub3A_11 = arith.subf %dot_general3A_5, %sub3A_10 : vector<4096x256xf32>
    %mul3A = arith.mulf %sub3A_9, %sub3A_11 : vector<4096x256xf32>
    %reduce_sum3A_12 = arith.constant dense<0.000000e+00> : vector<256xf32>
    %reduce_sum3A_13 = vector.multi_reduction <add>, %mul3A, %reduce_sum3A_12 [0] : vector<4096x256xf32> to vector<256xf32>
    %broadcast_in_dim3A_14 = vector.shape_cast %reduce_sum3A_13 : vector<256xf32> to vector<1x256xf32>
    %div3A_15 = arith.constant 4.096000e+03 : f32
    %div3A_16 = vector.broadcast %div3A_15 : f32 to vector<1x256xf32>
    %div3A_17 = arith.divf %broadcast_in_dim3A_14, %div3A_16 : vector<1x256xf32>
    %sub3A_18 = vector.broadcast %div3A_8 : vector<1x256xf32> to vector<4096x256xf32>
    %sub3A_19 = arith.subf %dot_general3A_5, %sub3A_18 : vector<4096x256xf32>
    %add3A = arith.constant 9.99999974E-6 : f32
    %add3A_20 = vector.broadcast %add3A : f32 to vector<1x256xf32>
    %add3A_21 = arith.addf %div3A_17, %add3A_20 : vector<1x256xf32>
    %sqrt3A = math.sqrt %add3A_21 : vector<1x256xf32>
    %div3A_22 = vector.broadcast %sqrt3A : vector<1x256xf32> to vector<4096x256xf32>
    %div3A_23 = arith.divf %sub3A_19, %div3A_22 : vector<4096x256xf32>
    %get3A_24 = arith.constant 0 : index
    %get3A_25 = arith.constant 0 : index
    %get3A_26 = vector.load %arg3[%get3A_24, %get3A_25] : memref<1x256xf32, #tpu.memory_space<vmem>>, vector<1x256xf32>
    %mul3A_27 = vector.broadcast %get3A_26 : vector<1x256xf32> to vector<4096x256xf32>
    %mul3A_28 = arith.mulf %div3A_23, %mul3A_27 : vector<4096x256xf32>
    %get3A_29 = arith.constant 0 : index
    %get3A_30 = arith.constant 0 : index
    %get3A_31 = vector.load %arg4[%get3A_29, %get3A_30] : memref<1x256xf32, #tpu.memory_space<vmem>>, vector<1x256xf32>
    %add3A_32 = vector.broadcast %get3A_31 : vector<1x256xf32> to vector<4096x256xf32>
    %add3A_33 = arith.addf %mul3A_28, %add3A_32 : vector<4096x256xf32>
    %max3A = arith.constant 0.000000e+00 : f32
    %max3A_34 = vector.broadcast %max3A : f32 to vector<4096x256xf32>
    %max3A_35 = arith.maximumf %add3A_33, %max3A_34 : vector<4096x256xf32>
    %get3A_36 = arith.constant 0 : index
    %get3A_37 = arith.constant 0 : index
    %get3A_38 = vector.load %arg5[%get3A_36, %get3A_37] : memref<256x64xf32, #tpu.memory_space<vmem>>, vector<256x64xf32>
    %dot_general3A_39 = arith.constant dense<0.000000e+00> : vector<4096x64xf32>
    %dot_general3A_40 = tpu.matmul %max3A_35, %get3A_38, %dot_general3A_39 {dimension_numbers = #tpu.dot_dimension_numbers<[1], [0], [0], [1], [0, 0, 1, 1], [], []>, transpose_lhs_hint = false} : vector<4096x256xf32>, vector<256x64xf32>, vector<4096x64xf32> -> vector<4096x64xf32>
    %reduce_sum3A_41 = arith.constant dense<0.000000e+00> : vector<64xf32>
    %reduce_sum3A_42 = vector.multi_reduction <add>, %dot_general3A_40, %reduce_sum3A_41 [0] : vector<4096x64xf32> to vector<64xf32>
    %broadcast_in_dim3A_43 = vector.shape_cast %reduce_sum3A_42 : vector<64xf32> to vector<1x64xf32>
    %div3A_44 = arith.constant 4.096000e+03 : f32
    %div3A_45 = vector.broadcast %div3A_44 : f32 to vector<1x64xf32>
    %div3A_46 = arith.divf %broadcast_in_dim3A_43, %div3A_45 : vector<1x64xf32>
    %sub3A_47 = vector.broadcast %div3A_46 : vector<1x64xf32> to vector<4096x64xf32>
    %sub3A_48 = arith.subf %dot_general3A_40, %sub3A_47 : vector<4096x64xf32>
    %sub3A_49 = vector.broadcast %div3A_46 : vector<1x64xf32> to vector<4096x64xf32>
    %sub3A_50 = arith.subf %dot_general3A_40, %sub3A_49 : vector<4096x64xf32>
    %mul3A_51 = arith.mulf %sub3A_48, %sub3A_50 : vector<4096x64xf32>
    %reduce_sum3A_52 = arith.constant dense<0.000000e+00> : vector<64xf32>
    %reduce_sum3A_53 = vector.multi_reduction <add>, %mul3A_51, %reduce_sum3A_52 [0] : vector<4096x64xf32> to vector<64xf32>
    %broadcast_in_dim3A_54 = vector.shape_cast %reduce_sum3A_53 : vector<64xf32> to vector<1x64xf32>
    %div3A_55 = arith.constant 4.096000e+03 : f32
    %div3A_56 = vector.broadcast %div3A_55 : f32 to vector<1x64xf32>
    %div3A_57 = arith.divf %broadcast_in_dim3A_54, %div3A_56 : vector<1x64xf32>
    %sub3A_58 = vector.broadcast %div3A_46 : vector<1x64xf32> to vector<4096x64xf32>
    %sub3A_59 = arith.subf %dot_general3A_40, %sub3A_58 : vector<4096x64xf32>
    %add3A_60 = arith.constant 9.99999974E-6 : f32
    %add3A_61 = vector.broadcast %add3A_60 : f32 to vector<1x64xf32>
    %add3A_62 = arith.addf %div3A_57, %add3A_61 : vector<1x64xf32>
    %sqrt3A_63 = math.sqrt %add3A_62 : vector<1x64xf32>
    %div3A_64 = vector.broadcast %sqrt3A_63 : vector<1x64xf32> to vector<4096x64xf32>
    %div3A_65 = arith.divf %sub3A_59, %div3A_64 : vector<4096x64xf32>
    %get3A_66 = arith.constant 0 : index
    %get3A_67 = arith.constant 0 : index
    %get3A_68 = vector.load %arg6[%get3A_66, %get3A_67] : memref<1x64xf32, #tpu.memory_space<vmem>>, vector<1x64xf32>
    %mul3A_69 = vector.broadcast %get3A_68 : vector<1x64xf32> to vector<4096x64xf32>
    %mul3A_70 = arith.mulf %div3A_65, %mul3A_69 : vector<4096x64xf32>
    %get3A_71 = arith.constant 0 : index
    %get3A_72 = arith.constant 0 : index
    %get3A_73 = vector.load %arg7[%get3A_71, %get3A_72] : memref<1x64xf32, #tpu.memory_space<vmem>>, vector<1x64xf32>
    %add3A_74 = vector.broadcast %get3A_73 : vector<1x64xf32> to vector<4096x64xf32>
    %add3A_75 = arith.addf %mul3A_70, %add3A_74 : vector<4096x64xf32>
    %get3A_76 = arith.constant 0 : index
    %get3A_77 = arith.constant 0 : index
    %get3A_78 = vector.load %arg1[%get3A_76, %get3A_77] : memref<4096x64xf32, #tpu.memory_space<vmem>>, vector<4096x64xf32>
    %add3A_79 = arith.addf %add3A_75, %get3A_78 : vector<4096x64xf32>
    %max3A_80 = arith.constant 0.000000e+00 : f32
    %max3A_81 = vector.broadcast %max3A_80 : f32 to vector<4096x64xf32>
    %max3A_82 = arith.maximumf %add3A_79, %max3A_81 : vector<4096x64xf32>
    %swap3A = arith.constant 0 : index
    %swap3A_83 = arith.constant 0 : index
    %swap3A_84 = vector.load %arg8[%swap3A, %swap3A_83] : memref<4096x64xf32, #tpu.memory_space<vmem>>, vector<4096x64xf32>
    tpu.vector_store %arg8[%swap3A, %swap3A_83], %max3A_82 {strides = array<i32>} : memref<4096x64xf32, #tpu.memory_space<vmem>>, vector<4096x64xf32>,
    return
  }
}

module attributes {stable_mosaic.version = 14 : i64} {
  func.func @body(%arg0: i32, %arg1: i32, %arg2: memref<1x128x3xf32, #tpu.memory_space<vmem>>, %arg3: memref<1x3x512xf32, #tpu.memory_space<vmem>>, %arg4: memref<1x128x32xi32, #tpu.memory_space<vmem>>, %arg5: memref<128x512xf32, #tpu.memory_space<vmem>>) attributes {dimension_semantics = [#tpu.dimension_semantics<arbitrary>, #tpu.dimension_semantics<arbitrary>], iteration_bounds = array<i64: 2, 4>, scalar_prefetch = 0 : i64, scratch_operands = 1 : i64, tpu.core_type = #tpu.core_type<tc>, window_params = [{transform_indices = @transform_0, window_bounds = array<i64: 1, 128, 3>}, {transform_indices = @transform_1, window_bounds = array<i64: 1, 3, 512>}, {transform_indices = @transform_2, window_bounds = array<i64: 1, 128, 32>}]} {
    %get3A = arith.constant 0 : index
    %get3A_0 = arith.constant 0 : index
    %get3A_1 = arith.constant 0 : index
    %get3A_2 = vector.load %arg2[%get3A, %get3A_0, %get3A_1] : memref<1x128x3xf32, #tpu.memory_space<vmem>>, vector<1x128x1xf32>
    %get3A_3 = vector.shape_cast %get3A_2 : vector<1x128x1xf32> to vector<128x1xf32>
    %get3A_4 = arith.constant 0 : index
    %get3A_5 = arith.constant 0 : index
    %get3A_6 = arith.constant 1 : index
    %get3A_7 = vector.load %arg2[%get3A_4, %get3A_5, %get3A_6] : memref<1x128x3xf32, #tpu.memory_space<vmem>>, vector<1x128x1xf32>
    %get3A_8 = vector.shape_cast %get3A_7 : vector<1x128x1xf32> to vector<128x1xf32>
    %get3A_9 = arith.constant 0 : index
    %get3A_10 = arith.constant 0 : index
    %get3A_11 = arith.constant 2 : index
    %get3A_12 = vector.load %arg2[%get3A_9, %get3A_10, %get3A_11] : memref<1x128x3xf32, #tpu.memory_space<vmem>>, vector<1x128x1xf32>
    %get3A_13 = vector.shape_cast %get3A_12 : vector<1x128x1xf32> to vector<128x1xf32>
    %get3A_14 = arith.constant 0 : index
    %get3A_15 = arith.constant 0 : index
    %get3A_16 = arith.constant 0 : index
    %get3A_17 = vector.load %arg3[%get3A_14, %get3A_15, %get3A_16] : memref<1x3x512xf32, #tpu.memory_space<vmem>>, vector<1x1x512xf32>
    %get3A_18 = vector.shape_cast %get3A_17 : vector<1x1x512xf32> to vector<1x512xf32>
    %get3A_19 = arith.constant 0 : index
    %get3A_20 = arith.constant 1 : index
    %get3A_21 = arith.constant 0 : index
    %get3A_22 = vector.load %arg3[%get3A_19, %get3A_20, %get3A_21] : memref<1x3x512xf32, #tpu.memory_space<vmem>>, vector<1x1x512xf32>
    %get3A_23 = vector.shape_cast %get3A_22 : vector<1x1x512xf32> to vector<1x512xf32>
    %get3A_24 = arith.constant 0 : index
    %get3A_25 = arith.constant 2 : index
    %get3A_26 = arith.constant 0 : index
    %get3A_27 = vector.load %arg3[%get3A_24, %get3A_25, %get3A_26] : memref<1x3x512xf32, #tpu.memory_space<vmem>>, vector<1x1x512xf32>
    %get3A_28 = vector.shape_cast %get3A_27 : vector<1x1x512xf32> to vector<1x512xf32>
    %sub3A = vector.broadcast %get3A_3 : vector<128x1xf32> to vector<128x512xf32>
    %sub3A_29 = vector.broadcast %get3A_18 : vector<1x512xf32> to vector<128x512xf32>
    %sub3A_30 = arith.subf %sub3A, %sub3A_29 : vector<128x512xf32>
    %sub3A_31 = vector.broadcast %get3A_8 : vector<128x1xf32> to vector<128x512xf32>
    %sub3A_32 = vector.broadcast %get3A_23 : vector<1x512xf32> to vector<128x512xf32>
    %sub3A_33 = arith.subf %sub3A_31, %sub3A_32 : vector<128x512xf32>
    %sub3A_34 = vector.broadcast %get3A_13 : vector<128x1xf32> to vector<128x512xf32>
    %sub3A_35 = vector.broadcast %get3A_28 : vector<1x512xf32> to vector<128x512xf32>
    %sub3A_36 = arith.subf %sub3A_34, %sub3A_35 : vector<128x512xf32>
    %mul3A = arith.mulf %sub3A_30, %sub3A_30 : vector<128x512xf32>
    %mul3A_37 = arith.mulf %sub3A_33, %sub3A_33 : vector<128x512xf32>
    %add3A = arith.addf %mul3A, %mul3A_37 : vector<128x512xf32>
    %mul3A_38 = arith.mulf %sub3A_36, %sub3A_36 : vector<128x512xf32>
    %add3A_39 = arith.addf %add3A, %mul3A_38 : vector<128x512xf32>
    %swap3A = arith.constant 0 : index
    %swap3A_40 = arith.constant 0 : index
    %swap3A_41 = vector.load %arg5[%swap3A, %swap3A_40] : memref<128x512xf32, #tpu.memory_space<vmem>>, vector<128x512xf32>
    tpu.vector_store %arg5[%swap3A, %swap3A_40], %add3A_39 {strides = array<i32>} : memref<128x512xf32, #tpu.memory_space<vmem>>, vector<128x512xf32>,
    %iota3A = tpu.iota {dimensions = array<i32: 1>} : vector<128x512xi32>
    %iota3A_42 = tpu.iota {dimensions = array<i32: 1>} : vector<128x32xi32>
    %broadcast_in_dim3A = arith.constant 0xFF800000 : f32
    %broadcast_in_dim3A_43 = vector.broadcast %broadcast_in_dim3A : f32 to vector<128x1xf32>
    %broadcast_in_dim3A_44 = arith.constant -1 : i32
    %broadcast_in_dim3A_45 = vector.broadcast %broadcast_in_dim3A_44 : i32 to vector<128x1xi32>
    %broadcast_in_dim3A_46 = arith.constant 0.000000e+00 : f32
    %broadcast_in_dim3A_47 = vector.broadcast %broadcast_in_dim3A_46 : f32 to vector<128x32xf32>
    %broadcast_in_dim3A_48 = arith.constant 0 : i32
    %broadcast_in_dim3A_49 = vector.broadcast %broadcast_in_dim3A_48 : i32 to vector<128x32xi32>
    %scan3A = arith.constant 0 : i32
    %scan3A_50 = arith.constant 32 : i32
    %scan3A_51 = arith.addi %scan3A, %scan3A_50 : i32
    %scan3A_52 = arith.constant 1 : i32
    %scan3A_53:4 = scf.for %scan3A_69 = %scan3A to %scan3A_51 step %scan3A_52 iter_args(%scan3A_70 = %broadcast_in_dim3A_43, %scan3A_71 = %broadcast_in_dim3A_45, %scan3A_72 = %broadcast_in_dim3A_47, %scan3A_73 = %broadcast_in_dim3A_49) -> (vector<128x1xf32>, vector<128x1xi32>, vector<128x32xf32>, vector<128x32xi32>)  : i32 {
      %get3A_74 = arith.constant 0 : index
      %get3A_75 = arith.constant 0 : index
      %get3A_76 = vector.load %arg5[%get3A_74, %get3A_75] : memref<128x512xf32, #tpu.memory_space<vmem>>, vector<128x512xf32>
      %gt3A_77 = vector.broadcast %scan3A_70 : vector<128x1xf32> to vector<128x512xf32>
      %gt3A_78 = arith.cmpf ogt, %get3A_76, %gt3A_77 : vector<128x512xf32>
      %eq3A = vector.broadcast %scan3A_70 : vector<128x1xf32> to vector<128x512xf32>
      %eq3A_79 = arith.cmpf oeq, %get3A_76, %eq3A : vector<128x512xf32>
      %gt3A_80 = vector.broadcast %scan3A_71 : vector<128x1xi32> to vector<128x512xi32>
      %gt3A_81 = arith.cmpi sgt, %iota3A, %gt3A_80 : vector<128x512xi32>
      %and3A = arith.andi %eq3A_79, %gt3A_81 : vector<128x512xi1>
      %or3A = arith.ori %gt3A_78, %and3A : vector<128x512xi1>
      %jit3A = arith.constant 0x7F800000 : f32
      %broadcast_in_dim3A_82 = vector.broadcast %jit3A : f32 to vector<128x512xf32>
      %select_n3A_83 = arith.select %or3A, %get3A_76, %broadcast_in_dim3A_82 : vector<128x512xi1>, vector<128x512xf32>
      %reduce_min3A = arith.constant dense<0x7F800000> : vector<128xf32>
      %reduce_min3A_84 = vector.multi_reduction <minimumf>, %select_n3A_83, %reduce_min3A [1] : vector<128x512xf32> to vector<128xf32>
      %broadcast_in_dim3A_85 = vector.shape_cast %reduce_min3A_84 : vector<128xf32> to vector<128x1xf32>
      %eq3A_86 = vector.broadcast %broadcast_in_dim3A_85 : vector<128x1xf32> to vector<128x512xf32>
      %eq3A_87 = arith.cmpf oeq, %select_n3A_83, %eq3A_86 : vector<128x512xf32>
      %jit3A_88 = arith.constant 512 : i32
      %broadcast_in_dim3A_89 = vector.broadcast %jit3A_88 : i32 to vector<128x512xi32>
      %select_n3A_90 = arith.select %eq3A_87, %iota3A, %broadcast_in_dim3A_89 : vector<128x512xi1>, vector<128x512xi32>
      %reduce_min3A_91 = arith.constant dense<2147483647> : vector<128xi32>
      %reduce_min3A_92 = vector.multi_reduction <minsi>, %select_n3A_90, %reduce_min3A_91 [1] : vector<128x512xi32> to vector<128xi32>
      %broadcast_in_dim3A_93 = vector.shape_cast %reduce_min3A_92 : vector<128xi32> to vector<128x1xi32>
      %eq3A_94 = vector.broadcast %scan3A_69 : i32 to vector<128x32xi32>
      %eq3A_95 = arith.cmpi eq, %iota3A_42, %eq3A_94 : vector<128x32xi32>
      %broadcast_in_dim3A_96 = vector.shape_cast %broadcast_in_dim3A_85 : vector<128x1xf32> to vector<128x1xf32>
      %broadcast_in_dim3A_97 = vector.broadcast %broadcast_in_dim3A_96 : vector<128x1xf32> to vector<128x32xf32>
      %select_n3A_98 = arith.select %eq3A_95, %broadcast_in_dim3A_97, %scan3A_72 : vector<128x32xi1>, vector<128x32xf32>
      %eq3A_99 = vector.broadcast %scan3A_69 : i32 to vector<128x32xi32>
      %eq3A_100 = arith.cmpi eq, %iota3A_42, %eq3A_99 : vector<128x32xi32>
      %broadcast_in_dim3A_101 = vector.shape_cast %broadcast_in_dim3A_93 : vector<128x1xi32> to vector<128x1xi32>
      %broadcast_in_dim3A_102 = vector.broadcast %broadcast_in_dim3A_101 : vector<128x1xi32> to vector<128x32xi32>
      %select_n3A_103 = arith.select %eq3A_100, %broadcast_in_dim3A_102, %scan3A_73 : vector<128x32xi1>, vector<128x32xi32>
      scf.yield %broadcast_in_dim3A_85, %broadcast_in_dim3A_93, %select_n3A_98, %select_n3A_103 : vector<128x1xf32>, vector<128x1xi32>, vector<128x32xf32>, vector<128x32xi32>
    }
    %scan3A_54 = arith.constant 32 : i32
    %slice3A = vector.extract_strided_slice %scan3A_53#3 {offsets = [0, 0], sizes = [128, 1], strides = [1, 1]} : vector<128x32xi32> to vector<128x1xi32>
    %gt3A = arith.constant 1.600000e-01 : f32
    %gt3A_55 = vector.broadcast %gt3A : f32 to vector<128x32xf32>
    %gt3A_56 = arith.cmpf ogt, %scan3A_53#2, %gt3A_55 : vector<128x32xf32>
    %broadcast_in_dim3A_57 = vector.shape_cast %slice3A : vector<128x1xi32> to vector<128x1xi32>
    %broadcast_in_dim3A_58 = vector.broadcast %broadcast_in_dim3A_57 : vector<128x1xi32> to vector<128x32xi32>
    %select_n3A = arith.select %gt3A_56, %broadcast_in_dim3A_58, %scan3A_53#3 : vector<128x32xi1>, vector<128x32xi32>
    %mul3A_59 = arith.constant 512 : i32
    %mul3A_60 = arith.muli %arg0, %mul3A_59 : i32
    %add3A_61 = vector.broadcast %mul3A_60 : i32 to vector<128x32xi32>
    %add3A_62 = arith.addi %select_n3A, %add3A_61 : vector<128x32xi32>
    %swap3A_63 = arith.constant 0 : index
    %swap3A_64 = arith.constant 0 : index
    %swap3A_65 = arith.constant 0 : index
    %swap3A_66 = vector.load %arg4[%swap3A_63, %swap3A_64, %swap3A_65] : memref<1x128x32xi32, #tpu.memory_space<vmem>>, vector<1x128x32xi32>
    %swap3A_67 = vector.shape_cast %swap3A_66 : vector<1x128x32xi32> to vector<128x32xi32>
    %swap3A_68 = vector.shape_cast %add3A_62 : vector<128x32xi32> to vector<1x128x32xi32>
    tpu.vector_store %arg4[%swap3A_63, %swap3A_64, %swap3A_65], %swap3A_68 {strides = array<i32>} : memref<1x128x32xi32, #tpu.memory_space<vmem>>, vector<1x128x32xi32>,
    return
  }
  func.func @transform_0(%arg0: i32, %arg1: i32) -> (i32, i32, i32) {
    %c0_i32 = arith.constant 0 : i32
    %c0_i32_0 = arith.constant 0 : i32
    return %arg0, %arg1, %c0_i32 : i32, i32, i32
  }
  func.func @transform_1(%arg0: i32, %arg1: i32) -> (i32, i32, i32) {
    %c0_i32 = arith.constant 0 : i32
    %c0_i32_0 = arith.constant 0 : i32
    %c0_i32_1 = arith.constant 0 : i32
    return %arg0, %c0_i32, %c0_i32_0 : i32, i32, i32
  }
  func.func @transform_2(%arg0: i32, %arg1: i32) -> (i32, i32, i32) {
    %c0_i32 = arith.constant 0 : i32
    %c0_i32_0 = arith.constant 0 : i32
    return %arg0, %arg1, %c0_i32 : i32, i32, i32
  }
}

module attributes {stable_mosaic.version = 14 : i64} {
  func.func @body(%arg0: i32, %arg1: memref<512x128xf32, #tpu.memory_space<vmem>>, %arg2: memref<128x128xf32, #tpu.memory_space<vmem>>, %arg3: memref<512x128xf32, #tpu.memory_space<vmem>>) attributes {dimension_semantics = [#tpu.dimension_semantics<arbitrary>], iteration_bounds = array<i64: 64>, scalar_prefetch = 0 : i64, scratch_operands = 0 : i64, tpu.core_type = #tpu.core_type<tc>, window_params = [{transform_indices = @transform_0, window_bounds = array<i64: 512, 128>}, {pipeline_mode = #tpu.pipeline_mode<synchronous>, transform_indices = @transform_1, window_bounds = array<i64: 128, 128>}, {transform_indices = @transform_2, window_bounds = array<i64: 512, 128>}]} {
    %get3A = arith.constant 0 : index
    %get3A_0 = arith.constant 0 : index
    %get3A_1 = vector.load %arg1[%get3A, %get3A_0] : memref<512x128xf32, #tpu.memory_space<vmem>>, vector<512x128xf32>
    %get3A_2 = arith.constant 0 : index
    %get3A_3 = arith.constant 0 : index
    %get3A_4 = vector.load %arg2[%get3A_2, %get3A_3] : memref<128x128xf32, #tpu.memory_space<vmem>>, vector<128x128xf32>
    %dot_general3A = arith.constant dense<0.000000e+00> : vector<512x128xf32>
    %dot_general3A_5 = tpu.matmul %get3A_1, %get3A_4, %dot_general3A {dimension_numbers = #tpu.dot_dimension_numbers<[1], [0], [0], [1], [0, 0, 1, 1], [], []>, transpose_lhs_hint = false} : vector<512x128xf32>, vector<128x128xf32>, vector<512x128xf32> -> vector<512x128xf32>
    %swap3A = arith.constant 0 : index
    %swap3A_6 = arith.constant 0 : index
    %swap3A_7 = vector.load %arg3[%swap3A, %swap3A_6] : memref<512x128xf32, #tpu.memory_space<vmem>>, vector<512x128xf32>
    tpu.vector_store %arg3[%swap3A, %swap3A_6], %dot_general3A_5 {strides = array<i32>} : memref<512x128xf32, #tpu.memory_space<vmem>>, vector<512x128xf32>,
    return
  }
  func.func @transform_0(%arg0: i32) -> (i32, i32) {
    %c0_i32 = arith.constant 0 : i32
    %c0_i32_0 = arith.constant 0 : i32
    return %arg0, %c0_i32 : i32, i32
  }
  func.func @transform_1(%arg0: i32) -> (i32, i32) {
    %c0_i32 = arith.constant 0 : i32
    %c0_i32_0 = arith.constant 0 : i32
    %c0_i32_1 = arith.constant 0 : i32
    return %c0_i32, %c0_i32_0 : i32, i32
  }
  func.func @transform_2(%arg0: i32) -> (i32, i32) {
    %c0_i32 = arith.constant 0 : i32
    %c0_i32_0 = arith.constant 0 : i32
    return %arg0, %c0_i32 : i32, i32
  }
}

module attributes {stable_mosaic.version = 14 : i64} {
  func.func @body_plain(%arg0: i32, %arg1: memref<512x128xf32, #tpu.memory_space<vmem>>, %arg2: memref<1x128xf32, #tpu.memory_space<vmem>>) attributes {dimension_semantics = [#tpu.dimension_semantics<arbitrary>], iteration_bounds = array<i64: 64>, scalar_prefetch = 0 : i64, scratch_operands = 0 : i64, tpu.core_type = #tpu.core_type<tc>, window_params = [{transform_indices = @transform_0, window_bounds = array<i64: 512, 128>}, {pipeline_mode = #tpu.pipeline_mode<synchronous>, transform_indices = @transform_1, window_bounds = array<i64: 1, 128>}]} {
    %eq3A = arith.constant 0 : i32
    %eq3A_0 = arith.cmpi eq, %arg0, %eq3A : i32
    %convert_element_type3A = arith.extui %eq3A_0 : i1 to i32
    %cond3A = arith.constant 0 : i32
    %cond3A_1 = arith.cmpi ne, %convert_element_type3A, %cond3A : i32
    scf.if %cond3A_1 {
      %broadcast_in_dim3A_10 = arith.constant 0.000000e+00 : f32
      %broadcast_in_dim3A_11 = vector.broadcast %broadcast_in_dim3A_10 : f32 to vector<1x128xf32>
      %swap3A_12 = arith.constant 0 : index
      %swap3A_13 = arith.constant 0 : index
      %swap3A_14 = vector.load %arg2[%swap3A_12, %swap3A_13] : memref<1x128xf32, #tpu.memory_space<vmem>>, vector<1x128xf32>
      tpu.vector_store %arg2[%swap3A_12, %swap3A_13], %broadcast_in_dim3A_11 {strides = array<i32>} : memref<1x128xf32, #tpu.memory_space<vmem>>, vector<1x128xf32>,
    } else {
    }
    %get3A = arith.constant 0 : index
    %get3A_2 = arith.constant 0 : index
    %get3A_3 = vector.load %arg2[%get3A, %get3A_2] : memref<1x128xf32, #tpu.memory_space<vmem>>, vector<1x128xf32>
    %get3A_4 = arith.constant 0 : index
    %get3A_5 = arith.constant 0 : index
    %get3A_6 = vector.load %arg1[%get3A_4, %get3A_5] : memref<512x128xf32, #tpu.memory_space<vmem>>, vector<512x128xf32>
    %reduce_sum3A = arith.constant dense<0.000000e+00> : vector<128xf32>
    %reduce_sum3A_7 = vector.multi_reduction <add>, %get3A_6, %reduce_sum3A [0] : vector<512x128xf32> to vector<128xf32>
    %broadcast_in_dim3A = vector.shape_cast %reduce_sum3A_7 : vector<128xf32> to vector<1x128xf32>
    %add3A = arith.addf %get3A_3, %broadcast_in_dim3A : vector<1x128xf32>
    %swap3A = arith.constant 0 : index
    %swap3A_8 = arith.constant 0 : index
    %swap3A_9 = vector.load %arg2[%swap3A, %swap3A_8] : memref<1x128xf32, #tpu.memory_space<vmem>>, vector<1x128xf32>
    tpu.vector_store %arg2[%swap3A, %swap3A_8], %add3A {strides = array<i32>} : memref<1x128xf32, #tpu.memory_space<vmem>>, vector<1x128xf32>,
    return
  }
  func.func @transform_0(%arg0: i32) -> (i32, i32) {
    %c0_i32 = arith.constant 0 : i32
    %c0_i32_0 = arith.constant 0 : i32
    return %arg0, %c0_i32 : i32, i32
  }
  func.func @transform_1(%arg0: i32) -> (i32, i32) {
    %c0_i32 = arith.constant 0 : i32
    %c0_i32_0 = arith.constant 0 : i32
    %c0_i32_1 = arith.constant 0 : i32
    return %c0_i32, %c0_i32_0 : i32, i32
  }
}

module attributes {stable_mosaic.version = 14 : i64} {
  func.func @body(%arg0: i32, %arg1: memref<512x128xf32, #tpu.memory_space<vmem>>, %arg2: memref<1x128xf32, #tpu.memory_space<vmem>>, %arg3: memref<1x128xf32, #tpu.memory_space<vmem>>) attributes {dimension_semantics = [#tpu.dimension_semantics<arbitrary>], iteration_bounds = array<i64: 64>, scalar_prefetch = 0 : i64, scratch_operands = 0 : i64, tpu.core_type = #tpu.core_type<tc>, window_params = [{transform_indices = @transform_0, window_bounds = array<i64: 512, 128>}, {pipeline_mode = #tpu.pipeline_mode<synchronous>, transform_indices = @transform_1, window_bounds = array<i64: 1, 128>}, {pipeline_mode = #tpu.pipeline_mode<synchronous>, transform_indices = @transform_2, window_bounds = array<i64: 1, 128>}]} {
    %eq3A = arith.constant 0 : i32
    %eq3A_0 = arith.cmpi eq, %arg0, %eq3A : i32
    %convert_element_type3A = arith.extui %eq3A_0 : i1 to i32
    %cond3A = arith.constant 0 : i32
    %cond3A_1 = arith.cmpi ne, %convert_element_type3A, %cond3A : i32
    scf.if %cond3A_1 {
      %broadcast_in_dim3A_14 = arith.constant 0.000000e+00 : f32
      %broadcast_in_dim3A_15 = vector.broadcast %broadcast_in_dim3A_14 : f32 to vector<1x128xf32>
      %swap3A_16 = arith.constant 0 : index
      %swap3A_17 = arith.constant 0 : index
      %swap3A_18 = vector.load %arg3[%swap3A_16, %swap3A_17] : memref<1x128xf32, #tpu.memory_space<vmem>>, vector<1x128xf32>
      tpu.vector_store %arg3[%swap3A_16, %swap3A_17], %broadcast_in_dim3A_15 {strides = array<i32>} : memref<1x128xf32, #tpu.memory_space<vmem>>, vector<1x128xf32>,
    } else {
    }
    %get3A = arith.constant 0 : index
    %get3A_2 = arith.constant 0 : index
    %get3A_3 = vector.load %arg1[%get3A, %get3A_2] : memref<512x128xf32, #tpu.memory_space<vmem>>, vector<512x128xf32>
    %get3A_4 = arith.constant 0 : index
    %get3A_5 = arith.constant 0 : index
    %get3A_6 = vector.load %arg2[%get3A_4, %get3A_5] : memref<1x128xf32, #tpu.memory_space<vmem>>, vector<1x128xf32>
    %sub3A = vector.broadcast %get3A_6 : vector<1x128xf32> to vector<512x128xf32>
    %sub3A_7 = arith.subf %get3A_3, %sub3A : vector<512x128xf32>
    %get3A_8 = arith.constant 0 : index
    %get3A_9 = arith.constant 0 : index
    %get3A_10 = vector.load %arg3[%get3A_8, %get3A_9] : memref<1x128xf32, #tpu.memory_space<vmem>>, vector<1x128xf32>
    %mul3A = arith.mulf %sub3A_7, %sub3A_7 : vector<512x128xf32>
    %reduce_sum3A = arith.constant dense<0.000000e+00> : vector<128xf32>
    %reduce_sum3A_11 = vector.multi_reduction <add>, %mul3A, %reduce_sum3A [0] : vector<512x128xf32> to vector<128xf32>
    %broadcast_in_dim3A = vector.shape_cast %reduce_sum3A_11 : vector<128xf32> to vector<1x128xf32>
    %add3A = arith.addf %get3A_10, %broadcast_in_dim3A : vector<1x128xf32>
    %swap3A = arith.constant 0 : index
    %swap3A_12 = arith.constant 0 : index
    %swap3A_13 = vector.load %arg3[%swap3A, %swap3A_12] : memref<1x128xf32, #tpu.memory_space<vmem>>, vector<1x128xf32>
    tpu.vector_store %arg3[%swap3A, %swap3A_12], %add3A {strides = array<i32>} : memref<1x128xf32, #tpu.memory_space<vmem>>, vector<1x128xf32>,
    return
  }
  func.func @transform_0(%arg0: i32) -> (i32, i32) {
    %c0_i32 = arith.constant 0 : i32
    %c0_i32_0 = arith.constant 0 : i32
    return %arg0, %c0_i32 : i32, i32
  }
  func.func @transform_1(%arg0: i32) -> (i32, i32) {
    %c0_i32 = arith.constant 0 : i32
    %c0_i32_0 = arith.constant 0 : i32
    %c0_i32_1 = arith.constant 0 : i32
    return %c0_i32, %c0_i32_0 : i32, i32
  }
  func.func @transform_2(%arg0: i32) -> (i32, i32) {
    %c0_i32 = arith.constant 0 : i32
    %c0_i32_0 = arith.constant 0 : i32
    %c0_i32_1 = arith.constant 0 : i32
    return %c0_i32, %c0_i32_0 : i32, i32
  }
}

module attributes {stable_mosaic.version = 14 : i64} {
  func.func @body(%arg0: i32, %arg1: memref<256x32x128xf32, #tpu.memory_space<vmem>>, %arg2: memref<1x128xf32, #tpu.memory_space<vmem>>, %arg3: memref<1x128xf32, #tpu.memory_space<vmem>>, %arg4: memref<1x128xf32, #tpu.memory_space<vmem>>, %arg5: memref<1x128xf32, #tpu.memory_space<vmem>>, %arg6: memref<256x128xf32, #tpu.memory_space<vmem>>) attributes {dimension_semantics = [#tpu.dimension_semantics<arbitrary>], iteration_bounds = array<i64: 4>, scalar_prefetch = 0 : i64, scratch_operands = 0 : i64, tpu.core_type = #tpu.core_type<tc>, window_params = [{transform_indices = @transform_0, window_bounds = array<i64: 256, 32, 128>}, {pipeline_mode = #tpu.pipeline_mode<synchronous>, transform_indices = @transform_1, window_bounds = array<i64: 1, 128>}, {pipeline_mode = #tpu.pipeline_mode<synchronous>, transform_indices = @transform_2, window_bounds = array<i64: 1, 128>}, {pipeline_mode = #tpu.pipeline_mode<synchronous>, transform_indices = @transform_3, window_bounds = array<i64: 1, 128>}, {pipeline_mode = #tpu.pipeline_mode<synchronous>, transform_indices = @transform_4, window_bounds = array<i64: 1, 128>}, {transform_indices = @transform_5, window_bounds = array<i64: 256, 128>}]} {
    %get3A = arith.constant 0 : index
    %get3A_0 = arith.constant 0 : index
    %get3A_1 = vector.load %arg2[%get3A, %get3A_0] : memref<1x128xf32, #tpu.memory_space<vmem>>, vector<1x128xf32>
    %div3A = arith.constant 3.276800e+04 : f32
    %div3A_2 = vector.broadcast %div3A : f32 to vector<1x128xf32>
    %div3A_3 = arith.divf %get3A_1, %div3A_2 : vector<1x128xf32>
    %get3A_4 = arith.constant 0 : index
    %get3A_5 = arith.constant 0 : index
    %get3A_6 = vector.load %arg3[%get3A_4, %get3A_5] : memref<1x128xf32, #tpu.memory_space<vmem>>, vector<1x128xf32>
    %div3A_7 = arith.constant 3.276800e+04 : f32
    %div3A_8 = vector.broadcast %div3A_7 : f32 to vector<1x128xf32>
    %div3A_9 = arith.divf %get3A_6, %div3A_8 : vector<1x128xf32>
    %get3A_10 = arith.constant 0 : index
    %get3A_11 = arith.constant 0 : index
    %get3A_12 = arith.constant 0 : index
    %get3A_13 = vector.load %arg1[%get3A_10, %get3A_11, %get3A_12] : memref<256x32x128xf32, #tpu.memory_space<vmem>>, vector<256x32x128xf32>
    %broadcast_in_dim3A = vector.shape_cast %div3A_3 : vector<1x128xf32> to vector<1x1x128xf32>
    %sub3A = vector.broadcast %broadcast_in_dim3A : vector<1x1x128xf32> to vector<256x32x128xf32>
    %sub3A_14 = arith.subf %get3A_13, %sub3A : vector<256x32x128xf32>
    %broadcast_in_dim3A_15 = vector.shape_cast %div3A_9 : vector<1x128xf32> to vector<1x1x128xf32>
    %add3A = arith.constant 9.99999974E-6 : f32
    %add3A_16 = vector.broadcast %add3A : f32 to vector<1x1x128xf32>
    %add3A_17 = arith.addf %broadcast_in_dim3A_15, %add3A_16 : vector<1x1x128xf32>
    %sqrt3A = math.sqrt %add3A_17 : vector<1x1x128xf32>
    %div3A_18 = vector.broadcast %sqrt3A : vector<1x1x128xf32> to vector<256x32x128xf32>
    %div3A_19 = arith.divf %sub3A_14, %div3A_18 : vector<256x32x128xf32>
    %get3A_20 = arith.constant 0 : index
    %get3A_21 = arith.constant 0 : index
    %get3A_22 = vector.load %arg4[%get3A_20, %get3A_21] : memref<1x128xf32, #tpu.memory_space<vmem>>, vector<1x128xf32>
    %broadcast_in_dim3A_23 = vector.shape_cast %get3A_22 : vector<1x128xf32> to vector<1x1x128xf32>
    %mul3A = vector.broadcast %broadcast_in_dim3A_23 : vector<1x1x128xf32> to vector<256x32x128xf32>
    %mul3A_24 = arith.mulf %div3A_19, %mul3A : vector<256x32x128xf32>
    %get3A_25 = arith.constant 0 : index
    %get3A_26 = arith.constant 0 : index
    %get3A_27 = vector.load %arg5[%get3A_25, %get3A_26] : memref<1x128xf32, #tpu.memory_space<vmem>>, vector<1x128xf32>
    %broadcast_in_dim3A_28 = vector.shape_cast %get3A_27 : vector<1x128xf32> to vector<1x1x128xf32>
    %add3A_29 = vector.broadcast %broadcast_in_dim3A_28 : vector<1x1x128xf32> to vector<256x32x128xf32>
    %add3A_30 = arith.addf %mul3A_24, %add3A_29 : vector<256x32x128xf32>
    %max3A = arith.constant 0.000000e+00 : f32
    %max3A_31 = vector.broadcast %max3A : f32 to vector<256x32x128xf32>
    %max3A_32 = arith.maximumf %add3A_30, %max3A_31 : vector<256x32x128xf32>
    %reduce_max3A = arith.constant dense<0xFF800000> : vector<256x128xf32>
    %reduce_max3A_33 = vector.multi_reduction <maximumf>, %max3A_32, %reduce_max3A [1] : vector<256x32x128xf32> to vector<256x128xf32>
    %swap3A = arith.constant 0 : index
    %swap3A_34 = arith.constant 0 : index
    %swap3A_35 = vector.load %arg6[%swap3A, %swap3A_34] : memref<256x128xf32, #tpu.memory_space<vmem>>, vector<256x128xf32>
    tpu.vector_store %arg6[%swap3A, %swap3A_34], %reduce_max3A_33 {strides = array<i32>} : memref<256x128xf32, #tpu.memory_space<vmem>>, vector<256x128xf32>,
    return
  }
  func.func @transform_0(%arg0: i32) -> (i32, i32, i32) {
    %c0_i32 = arith.constant 0 : i32
    %c0_i32_0 = arith.constant 0 : i32
    %c0_i32_1 = arith.constant 0 : i32
    return %arg0, %c0_i32, %c0_i32_0 : i32, i32, i32
  }
  func.func @transform_1(%arg0: i32) -> (i32, i32) {
    %c0_i32 = arith.constant 0 : i32
    %c0_i32_0 = arith.constant 0 : i32
    %c0_i32_1 = arith.constant 0 : i32
    return %c0_i32, %c0_i32_0 : i32, i32
  }
  func.func @transform_2(%arg0: i32) -> (i32, i32) {
    %c0_i32 = arith.constant 0 : i32
    %c0_i32_0 = arith.constant 0 : i32
    %c0_i32_1 = arith.constant 0 : i32
    return %c0_i32, %c0_i32_0 : i32, i32
  }
  func.func @transform_3(%arg0: i32) -> (i32, i32) {
    %c0_i32 = arith.constant 0 : i32
    %c0_i32_0 = arith.constant 0 : i32
    %c0_i32_1 = arith.constant 0 : i32
    return %c0_i32, %c0_i32_0 : i32, i32
  }
  func.func @transform_4(%arg0: i32) -> (i32, i32) {
    %c0_i32 = arith.constant 0 : i32
    %c0_i32_0 = arith.constant 0 : i32
    %c0_i32_1 = arith.constant 0 : i32
    return %c0_i32, %c0_i32_0 : i32, i32
  }
  func.func @transform_5(%arg0: i32) -> (i32, i32) {
    %c0_i32 = arith.constant 0 : i32
    %c0_i32_0 = arith.constant 0 : i32
    return %arg0, %c0_i32 : i32, i32
  }
}

module attributes {stable_mosaic.version = 14 : i64} {
  func.func @body(%arg0: i32, %arg1: memref<512x256xf32, #tpu.memory_space<vmem>>, %arg2: memref<256x128xf32, #tpu.memory_space<vmem>>, %arg3: memref<512x128xf32, #tpu.memory_space<vmem>>) attributes {dimension_semantics = [#tpu.dimension_semantics<arbitrary>], iteration_bounds = array<i64: 64>, scalar_prefetch = 0 : i64, scratch_operands = 0 : i64, tpu.core_type = #tpu.core_type<tc>, window_params = [{transform_indices = @transform_0, window_bounds = array<i64: 512, 256>}, {pipeline_mode = #tpu.pipeline_mode<synchronous>, transform_indices = @transform_1, window_bounds = array<i64: 256, 128>}, {transform_indices = @transform_2, window_bounds = array<i64: 512, 128>}]} {
    %get3A = arith.constant 0 : index
    %get3A_0 = arith.constant 0 : index
    %get3A_1 = vector.load %arg1[%get3A, %get3A_0] : memref<512x256xf32, #tpu.memory_space<vmem>>, vector<512x256xf32>
    %get3A_2 = arith.constant 0 : index
    %get3A_3 = arith.constant 0 : index
    %get3A_4 = vector.load %arg2[%get3A_2, %get3A_3] : memref<256x128xf32, #tpu.memory_space<vmem>>, vector<256x128xf32>
    %dot_general3A = arith.constant dense<0.000000e+00> : vector<512x128xf32>
    %dot_general3A_5 = tpu.matmul %get3A_1, %get3A_4, %dot_general3A {dimension_numbers = #tpu.dot_dimension_numbers<[1], [0], [0], [1], [0, 0, 1, 1], [], []>, transpose_lhs_hint = false} : vector<512x256xf32>, vector<256x128xf32>, vector<512x128xf32> -> vector<512x128xf32>
    %swap3A = arith.constant 0 : index
    %swap3A_6 = arith.constant 0 : index
    %swap3A_7 = vector.load %arg3[%swap3A, %swap3A_6] : memref<512x128xf32, #tpu.memory_space<vmem>>, vector<512x128xf32>
    tpu.vector_store %arg3[%swap3A, %swap3A_6], %dot_general3A_5 {strides = array<i32>} : memref<512x128xf32, #tpu.memory_space<vmem>>, vector<512x128xf32>,
    return
  }
  func.func @transform_0(%arg0: i32) -> (i32, i32) {
    %c0_i32 = arith.constant 0 : i32
    %c0_i32_0 = arith.constant 0 : i32
    return %arg0, %c0_i32 : i32, i32
  }
  func.func @transform_1(%arg0: i32) -> (i32, i32) {
    %c0_i32 = arith.constant 0 : i32
    %c0_i32_0 = arith.constant 0 : i32
    %c0_i32_1 = arith.constant 0 : i32
    return %c0_i32, %c0_i32_0 : i32, i32
  }
  func.func @transform_2(%arg0: i32) -> (i32, i32) {
    %c0_i32 = arith.constant 0 : i32
    %c0_i32_0 = arith.constant 0 : i32
    return %arg0, %c0_i32 : i32, i32
  }
}

module attributes {stable_mosaic.version = 14 : i64} {
  func.func @body(%arg0: memref<1024x128xf32, #tpu.memory_space<vmem>>, %arg1: memref<1024x128xf32, #tpu.memory_space<vmem>>, %arg2: memref<128x512xf32, #tpu.memory_space<vmem>>, %arg3: memref<1x512xf32, #tpu.memory_space<vmem>>, %arg4: memref<1x512xf32, #tpu.memory_space<vmem>>, %arg5: memref<512x128xf32, #tpu.memory_space<vmem>>, %arg6: memref<1x128xf32, #tpu.memory_space<vmem>>, %arg7: memref<1x128xf32, #tpu.memory_space<vmem>>, %arg8: memref<1024x128xf32, #tpu.memory_space<vmem>>) attributes {dimension_semantics = [], scalar_prefetch = 0 : i64, scratch_operands = 0 : i64, tpu.core_type = #tpu.core_type<tc>} {
    %get3A = arith.constant 0 : index
    %get3A_0 = arith.constant 0 : index
    %get3A_1 = vector.load %arg0[%get3A, %get3A_0] : memref<1024x128xf32, #tpu.memory_space<vmem>>, vector<1024x128xf32>
    %get3A_2 = arith.constant 0 : index
    %get3A_3 = arith.constant 0 : index
    %get3A_4 = vector.load %arg2[%get3A_2, %get3A_3] : memref<128x512xf32, #tpu.memory_space<vmem>>, vector<128x512xf32>
    %dot_general3A = arith.constant dense<0.000000e+00> : vector<1024x512xf32>
    %dot_general3A_5 = tpu.matmul %get3A_1, %get3A_4, %dot_general3A {dimension_numbers = #tpu.dot_dimension_numbers<[1], [0], [0], [1], [0, 0, 1, 1], [], []>, transpose_lhs_hint = false} : vector<1024x128xf32>, vector<128x512xf32>, vector<1024x512xf32> -> vector<1024x512xf32>
    %reduce_sum3A = arith.constant dense<0.000000e+00> : vector<512xf32>
    %reduce_sum3A_6 = vector.multi_reduction <add>, %dot_general3A_5, %reduce_sum3A [0] : vector<1024x512xf32> to vector<512xf32>
    %broadcast_in_dim3A = vector.shape_cast %reduce_sum3A_6 : vector<512xf32> to vector<1x512xf32>
    %div3A = arith.constant 1.024000e+03 : f32
    %div3A_7 = vector.broadcast %div3A : f32 to vector<1x512xf32>
    %div3A_8 = arith.divf %broadcast_in_dim3A, %div3A_7 : vector<1x512xf32>
    %sub3A = vector.broadcast %div3A_8 : vector<1x512xf32> to vector<1024x512xf32>
    %sub3A_9 = arith.subf %dot_general3A_5, %sub3A : vector<1024x512xf32>
    %sub3A_10 = vector.broadcast %div3A_8 : vector<1x512xf32> to vector<1024x512xf32>
    %sub3A_11 = arith.subf %dot_general3A_5, %sub3A_10 : vector<1024x512xf32>
    %mul3A = arith.mulf %sub3A_9, %sub3A_11 : vector<1024x512xf32>
    %reduce_sum3A_12 = arith.constant dense<0.000000e+00> : vector<512xf32>
    %reduce_sum3A_13 = vector.multi_reduction <add>, %mul3A, %reduce_sum3A_12 [0] : vector<1024x512xf32> to vector<512xf32>
    %broadcast_in_dim3A_14 = vector.shape_cast %reduce_sum3A_13 : vector<512xf32> to vector<1x512xf32>
    %div3A_15 = arith.constant 1.024000e+03 : f32
    %div3A_16 = vector.broadcast %div3A_15 : f32 to vector<1x512xf32>
    %div3A_17 = arith.divf %broadcast_in_dim3A_14, %div3A_16 : vector<1x512xf32>
    %sub3A_18 = vector.broadcast %div3A_8 : vector<1x512xf32> to vector<1024x512xf32>
    %sub3A_19 = arith.subf %dot_general3A_5, %sub3A_18 : vector<1024x512xf32>
    %add3A = arith.constant 9.99999974E-6 : f32
    %add3A_20 = vector.broadcast %add3A : f32 to vector<1x512xf32>
    %add3A_21 = arith.addf %div3A_17, %add3A_20 : vector<1x512xf32>
    %sqrt3A = math.sqrt %add3A_21 : vector<1x512xf32>
    %div3A_22 = vector.broadcast %sqrt3A : vector<1x512xf32> to vector<1024x512xf32>
    %div3A_23 = arith.divf %sub3A_19, %div3A_22 : vector<1024x512xf32>
    %get3A_24 = arith.constant 0 : index
    %get3A_25 = arith.constant 0 : index
    %get3A_26 = vector.load %arg3[%get3A_24, %get3A_25] : memref<1x512xf32, #tpu.memory_space<vmem>>, vector<1x512xf32>
    %mul3A_27 = vector.broadcast %get3A_26 : vector<1x512xf32> to vector<1024x512xf32>
    %mul3A_28 = arith.mulf %div3A_23, %mul3A_27 : vector<1024x512xf32>
    %get3A_29 = arith.constant 0 : index
    %get3A_30 = arith.constant 0 : index
    %get3A_31 = vector.load %arg4[%get3A_29, %get3A_30] : memref<1x512xf32, #tpu.memory_space<vmem>>, vector<1x512xf32>
    %add3A_32 = vector.broadcast %get3A_31 : vector<1x512xf32> to vector<1024x512xf32>
    %add3A_33 = arith.addf %mul3A_28, %add3A_32 : vector<1024x512xf32>
    %max3A = arith.constant 0.000000e+00 : f32
    %max3A_34 = vector.broadcast %max3A : f32 to vector<1024x512xf32>
    %max3A_35 = arith.maximumf %add3A_33, %max3A_34 : vector<1024x512xf32>
    %get3A_36 = arith.constant 0 : index
    %get3A_37 = arith.constant 0 : index
    %get3A_38 = vector.load %arg5[%get3A_36, %get3A_37] : memref<512x128xf32, #tpu.memory_space<vmem>>, vector<512x128xf32>
    %dot_general3A_39 = arith.constant dense<0.000000e+00> : vector<1024x128xf32>
    %dot_general3A_40 = tpu.matmul %max3A_35, %get3A_38, %dot_general3A_39 {dimension_numbers = #tpu.dot_dimension_numbers<[1], [0], [0], [1], [0, 0, 1, 1], [], []>, transpose_lhs_hint = false} : vector<1024x512xf32>, vector<512x128xf32>, vector<1024x128xf32> -> vector<1024x128xf32>
    %reduce_sum3A_41 = arith.constant dense<0.000000e+00> : vector<128xf32>
    %reduce_sum3A_42 = vector.multi_reduction <add>, %dot_general3A_40, %reduce_sum3A_41 [0] : vector<1024x128xf32> to vector<128xf32>
    %broadcast_in_dim3A_43 = vector.shape_cast %reduce_sum3A_42 : vector<128xf32> to vector<1x128xf32>
    %div3A_44 = arith.constant 1.024000e+03 : f32
    %div3A_45 = vector.broadcast %div3A_44 : f32 to vector<1x128xf32>
    %div3A_46 = arith.divf %broadcast_in_dim3A_43, %div3A_45 : vector<1x128xf32>
    %sub3A_47 = vector.broadcast %div3A_46 : vector<1x128xf32> to vector<1024x128xf32>
    %sub3A_48 = arith.subf %dot_general3A_40, %sub3A_47 : vector<1024x128xf32>
    %sub3A_49 = vector.broadcast %div3A_46 : vector<1x128xf32> to vector<1024x128xf32>
    %sub3A_50 = arith.subf %dot_general3A_40, %sub3A_49 : vector<1024x128xf32>
    %mul3A_51 = arith.mulf %sub3A_48, %sub3A_50 : vector<1024x128xf32>
    %reduce_sum3A_52 = arith.constant dense<0.000000e+00> : vector<128xf32>
    %reduce_sum3A_53 = vector.multi_reduction <add>, %mul3A_51, %reduce_sum3A_52 [0] : vector<1024x128xf32> to vector<128xf32>
    %broadcast_in_dim3A_54 = vector.shape_cast %reduce_sum3A_53 : vector<128xf32> to vector<1x128xf32>
    %div3A_55 = arith.constant 1.024000e+03 : f32
    %div3A_56 = vector.broadcast %div3A_55 : f32 to vector<1x128xf32>
    %div3A_57 = arith.divf %broadcast_in_dim3A_54, %div3A_56 : vector<1x128xf32>
    %sub3A_58 = vector.broadcast %div3A_46 : vector<1x128xf32> to vector<1024x128xf32>
    %sub3A_59 = arith.subf %dot_general3A_40, %sub3A_58 : vector<1024x128xf32>
    %add3A_60 = arith.constant 9.99999974E-6 : f32
    %add3A_61 = vector.broadcast %add3A_60 : f32 to vector<1x128xf32>
    %add3A_62 = arith.addf %div3A_57, %add3A_61 : vector<1x128xf32>
    %sqrt3A_63 = math.sqrt %add3A_62 : vector<1x128xf32>
    %div3A_64 = vector.broadcast %sqrt3A_63 : vector<1x128xf32> to vector<1024x128xf32>
    %div3A_65 = arith.divf %sub3A_59, %div3A_64 : vector<1024x128xf32>
    %get3A_66 = arith.constant 0 : index
    %get3A_67 = arith.constant 0 : index
    %get3A_68 = vector.load %arg6[%get3A_66, %get3A_67] : memref<1x128xf32, #tpu.memory_space<vmem>>, vector<1x128xf32>
    %mul3A_69 = vector.broadcast %get3A_68 : vector<1x128xf32> to vector<1024x128xf32>
    %mul3A_70 = arith.mulf %div3A_65, %mul3A_69 : vector<1024x128xf32>
    %get3A_71 = arith.constant 0 : index
    %get3A_72 = arith.constant 0 : index
    %get3A_73 = vector.load %arg7[%get3A_71, %get3A_72] : memref<1x128xf32, #tpu.memory_space<vmem>>, vector<1x128xf32>
    %add3A_74 = vector.broadcast %get3A_73 : vector<1x128xf32> to vector<1024x128xf32>
    %add3A_75 = arith.addf %mul3A_70, %add3A_74 : vector<1024x128xf32>
    %get3A_76 = arith.constant 0 : index
    %get3A_77 = arith.constant 0 : index
    %get3A_78 = vector.load %arg1[%get3A_76, %get3A_77] : memref<1024x128xf32, #tpu.memory_space<vmem>>, vector<1024x128xf32>
    %add3A_79 = arith.addf %add3A_75, %get3A_78 : vector<1024x128xf32>
    %max3A_80 = arith.constant 0.000000e+00 : f32
    %max3A_81 = vector.broadcast %max3A_80 : f32 to vector<1024x128xf32>
    %max3A_82 = arith.maximumf %add3A_79, %max3A_81 : vector<1024x128xf32>
    %swap3A = arith.constant 0 : index
    %swap3A_83 = arith.constant 0 : index
    %swap3A_84 = vector.load %arg8[%swap3A, %swap3A_83] : memref<1024x128xf32, #tpu.memory_space<vmem>>, vector<1024x128xf32>
    tpu.vector_store %arg8[%swap3A, %swap3A_83], %max3A_82 {strides = array<i32>} : memref<1024x128xf32, #tpu.memory_space<vmem>>, vector<1024x128xf32>,
    return
  }
}

module attributes {stable_mosaic.version = 14 : i64} {
  func.func @body(%arg0: i32, %arg1: i32, %arg2: memref<1x128x3xf32, #tpu.memory_space<vmem>>, %arg3: memref<1x3x512xf32, #tpu.memory_space<vmem>>, %arg4: memref<1x128x32xi32, #tpu.memory_space<vmem>>, %arg5: memref<128x512xf32, #tpu.memory_space<vmem>>) attributes {dimension_semantics = [#tpu.dimension_semantics<arbitrary>, #tpu.dimension_semantics<arbitrary>], iteration_bounds = array<i64: 2, 1>, scalar_prefetch = 0 : i64, scratch_operands = 1 : i64, tpu.core_type = #tpu.core_type<tc>, window_params = [{transform_indices = @transform_0, window_bounds = array<i64: 1, 128, 3>}, {transform_indices = @transform_1, window_bounds = array<i64: 1, 3, 512>}, {transform_indices = @transform_2, window_bounds = array<i64: 1, 128, 32>}]} {
    %get3A = arith.constant 0 : index
    %get3A_0 = arith.constant 0 : index
    %get3A_1 = arith.constant 0 : index
    %get3A_2 = vector.load %arg2[%get3A, %get3A_0, %get3A_1] : memref<1x128x3xf32, #tpu.memory_space<vmem>>, vector<1x128x1xf32>
    %get3A_3 = vector.shape_cast %get3A_2 : vector<1x128x1xf32> to vector<128x1xf32>
    %get3A_4 = arith.constant 0 : index
    %get3A_5 = arith.constant 0 : index
    %get3A_6 = arith.constant 1 : index
    %get3A_7 = vector.load %arg2[%get3A_4, %get3A_5, %get3A_6] : memref<1x128x3xf32, #tpu.memory_space<vmem>>, vector<1x128x1xf32>
    %get3A_8 = vector.shape_cast %get3A_7 : vector<1x128x1xf32> to vector<128x1xf32>
    %get3A_9 = arith.constant 0 : index
    %get3A_10 = arith.constant 0 : index
    %get3A_11 = arith.constant 2 : index
    %get3A_12 = vector.load %arg2[%get3A_9, %get3A_10, %get3A_11] : memref<1x128x3xf32, #tpu.memory_space<vmem>>, vector<1x128x1xf32>
    %get3A_13 = vector.shape_cast %get3A_12 : vector<1x128x1xf32> to vector<128x1xf32>
    %get3A_14 = arith.constant 0 : index
    %get3A_15 = arith.constant 0 : index
    %get3A_16 = arith.constant 0 : index
    %get3A_17 = vector.load %arg3[%get3A_14, %get3A_15, %get3A_16] : memref<1x3x512xf32, #tpu.memory_space<vmem>>, vector<1x1x512xf32>
    %get3A_18 = vector.shape_cast %get3A_17 : vector<1x1x512xf32> to vector<1x512xf32>
    %get3A_19 = arith.constant 0 : index
    %get3A_20 = arith.constant 1 : index
    %get3A_21 = arith.constant 0 : index
    %get3A_22 = vector.load %arg3[%get3A_19, %get3A_20, %get3A_21] : memref<1x3x512xf32, #tpu.memory_space<vmem>>, vector<1x1x512xf32>
    %get3A_23 = vector.shape_cast %get3A_22 : vector<1x1x512xf32> to vector<1x512xf32>
    %get3A_24 = arith.constant 0 : index
    %get3A_25 = arith.constant 2 : index
    %get3A_26 = arith.constant 0 : index
    %get3A_27 = vector.load %arg3[%get3A_24, %get3A_25, %get3A_26] : memref<1x3x512xf32, #tpu.memory_space<vmem>>, vector<1x1x512xf32>
    %get3A_28 = vector.shape_cast %get3A_27 : vector<1x1x512xf32> to vector<1x512xf32>
    %sub3A = vector.broadcast %get3A_3 : vector<128x1xf32> to vector<128x512xf32>
    %sub3A_29 = vector.broadcast %get3A_18 : vector<1x512xf32> to vector<128x512xf32>
    %sub3A_30 = arith.subf %sub3A, %sub3A_29 : vector<128x512xf32>
    %sub3A_31 = vector.broadcast %get3A_8 : vector<128x1xf32> to vector<128x512xf32>
    %sub3A_32 = vector.broadcast %get3A_23 : vector<1x512xf32> to vector<128x512xf32>
    %sub3A_33 = arith.subf %sub3A_31, %sub3A_32 : vector<128x512xf32>
    %sub3A_34 = vector.broadcast %get3A_13 : vector<128x1xf32> to vector<128x512xf32>
    %sub3A_35 = vector.broadcast %get3A_28 : vector<1x512xf32> to vector<128x512xf32>
    %sub3A_36 = arith.subf %sub3A_34, %sub3A_35 : vector<128x512xf32>
    %mul3A = arith.mulf %sub3A_30, %sub3A_30 : vector<128x512xf32>
    %mul3A_37 = arith.mulf %sub3A_33, %sub3A_33 : vector<128x512xf32>
    %add3A = arith.addf %mul3A, %mul3A_37 : vector<128x512xf32>
    %mul3A_38 = arith.mulf %sub3A_36, %sub3A_36 : vector<128x512xf32>
    %add3A_39 = arith.addf %add3A, %mul3A_38 : vector<128x512xf32>
    %swap3A = arith.constant 0 : index
    %swap3A_40 = arith.constant 0 : index
    %swap3A_41 = vector.load %arg5[%swap3A, %swap3A_40] : memref<128x512xf32, #tpu.memory_space<vmem>>, vector<128x512xf32>
    tpu.vector_store %arg5[%swap3A, %swap3A_40], %add3A_39 {strides = array<i32>} : memref<128x512xf32, #tpu.memory_space<vmem>>, vector<128x512xf32>,
    %iota3A = tpu.iota {dimensions = array<i32: 1>} : vector<128x512xi32>
    %iota3A_42 = tpu.iota {dimensions = array<i32: 1>} : vector<128x32xi32>
    %broadcast_in_dim3A = arith.constant 0xFF800000 : f32
    %broadcast_in_dim3A_43 = vector.broadcast %broadcast_in_dim3A : f32 to vector<128x1xf32>
    %broadcast_in_dim3A_44 = arith.constant -1 : i32
    %broadcast_in_dim3A_45 = vector.broadcast %broadcast_in_dim3A_44 : i32 to vector<128x1xi32>
    %broadcast_in_dim3A_46 = arith.constant 0.000000e+00 : f32
    %broadcast_in_dim3A_47 = vector.broadcast %broadcast_in_dim3A_46 : f32 to vector<128x32xf32>
    %broadcast_in_dim3A_48 = arith.constant 0 : i32
    %broadcast_in_dim3A_49 = vector.broadcast %broadcast_in_dim3A_48 : i32 to vector<128x32xi32>
    %scan3A = arith.constant 0 : i32
    %scan3A_50 = arith.constant 32 : i32
    %scan3A_51 = arith.addi %scan3A, %scan3A_50 : i32
    %scan3A_52 = arith.constant 1 : i32
    %scan3A_53:4 = scf.for %scan3A_69 = %scan3A to %scan3A_51 step %scan3A_52 iter_args(%scan3A_70 = %broadcast_in_dim3A_43, %scan3A_71 = %broadcast_in_dim3A_45, %scan3A_72 = %broadcast_in_dim3A_47, %scan3A_73 = %broadcast_in_dim3A_49) -> (vector<128x1xf32>, vector<128x1xi32>, vector<128x32xf32>, vector<128x32xi32>)  : i32 {
      %get3A_74 = arith.constant 0 : index
      %get3A_75 = arith.constant 0 : index
      %get3A_76 = vector.load %arg5[%get3A_74, %get3A_75] : memref<128x512xf32, #tpu.memory_space<vmem>>, vector<128x512xf32>
      %gt3A_77 = vector.broadcast %scan3A_70 : vector<128x1xf32> to vector<128x512xf32>
      %gt3A_78 = arith.cmpf ogt, %get3A_76, %gt3A_77 : vector<128x512xf32>
      %eq3A = vector.broadcast %scan3A_70 : vector<128x1xf32> to vector<128x512xf32>
      %eq3A_79 = arith.cmpf oeq, %get3A_76, %eq3A : vector<128x512xf32>
      %gt3A_80 = vector.broadcast %scan3A_71 : vector<128x1xi32> to vector<128x512xi32>
      %gt3A_81 = arith.cmpi sgt, %iota3A, %gt3A_80 : vector<128x512xi32>
      %and3A = arith.andi %eq3A_79, %gt3A_81 : vector<128x512xi1>
      %or3A = arith.ori %gt3A_78, %and3A : vector<128x512xi1>
      %jit3A = arith.constant 0x7F800000 : f32
      %broadcast_in_dim3A_82 = vector.broadcast %jit3A : f32 to vector<128x512xf32>
      %select_n3A_83 = arith.select %or3A, %get3A_76, %broadcast_in_dim3A_82 : vector<128x512xi1>, vector<128x512xf32>
      %reduce_min3A = arith.constant dense<0x7F800000> : vector<128xf32>
      %reduce_min3A_84 = vector.multi_reduction <minimumf>, %select_n3A_83, %reduce_min3A [1] : vector<128x512xf32> to vector<128xf32>
      %broadcast_in_dim3A_85 = vector.shape_cast %reduce_min3A_84 : vector<128xf32> to vector<128x1xf32>
      %eq3A_86 = vector.broadcast %broadcast_in_dim3A_85 : vector<128x1xf32> to vector<128x512xf32>
      %eq3A_87 = arith.cmpf oeq, %select_n3A_83, %eq3A_86 : vector<128x512xf32>
      %jit3A_88 = arith.constant 512 : i32
      %broadcast_in_dim3A_89 = vector.broadcast %jit3A_88 : i32 to vector<128x512xi32>
      %select_n3A_90 = arith.select %eq3A_87, %iota3A, %broadcast_in_dim3A_89 : vector<128x512xi1>, vector<128x512xi32>
      %reduce_min3A_91 = arith.constant dense<2147483647> : vector<128xi32>
      %reduce_min3A_92 = vector.multi_reduction <minsi>, %select_n3A_90, %reduce_min3A_91 [1] : vector<128x512xi32> to vector<128xi32>
      %broadcast_in_dim3A_93 = vector.shape_cast %reduce_min3A_92 : vector<128xi32> to vector<128x1xi32>
      %eq3A_94 = vector.broadcast %scan3A_69 : i32 to vector<128x32xi32>
      %eq3A_95 = arith.cmpi eq, %iota3A_42, %eq3A_94 : vector<128x32xi32>
      %broadcast_in_dim3A_96 = vector.shape_cast %broadcast_in_dim3A_85 : vector<128x1xf32> to vector<128x1xf32>
      %broadcast_in_dim3A_97 = vector.broadcast %broadcast_in_dim3A_96 : vector<128x1xf32> to vector<128x32xf32>
      %select_n3A_98 = arith.select %eq3A_95, %broadcast_in_dim3A_97, %scan3A_72 : vector<128x32xi1>, vector<128x32xf32>
      %eq3A_99 = vector.broadcast %scan3A_69 : i32 to vector<128x32xi32>
      %eq3A_100 = arith.cmpi eq, %iota3A_42, %eq3A_99 : vector<128x32xi32>
      %broadcast_in_dim3A_101 = vector.shape_cast %broadcast_in_dim3A_93 : vector<128x1xi32> to vector<128x1xi32>
      %broadcast_in_dim3A_102 = vector.broadcast %broadcast_in_dim3A_101 : vector<128x1xi32> to vector<128x32xi32>
      %select_n3A_103 = arith.select %eq3A_100, %broadcast_in_dim3A_102, %scan3A_73 : vector<128x32xi1>, vector<128x32xi32>
      scf.yield %broadcast_in_dim3A_85, %broadcast_in_dim3A_93, %select_n3A_98, %select_n3A_103 : vector<128x1xf32>, vector<128x1xi32>, vector<128x32xf32>, vector<128x32xi32>
    }
    %scan3A_54 = arith.constant 32 : i32
    %slice3A = vector.extract_strided_slice %scan3A_53#3 {offsets = [0, 0], sizes = [128, 1], strides = [1, 1]} : vector<128x32xi32> to vector<128x1xi32>
    %gt3A = arith.constant 1.600000e-01 : f32
    %gt3A_55 = vector.broadcast %gt3A : f32 to vector<128x32xf32>
    %gt3A_56 = arith.cmpf ogt, %scan3A_53#2, %gt3A_55 : vector<128x32xf32>
    %broadcast_in_dim3A_57 = vector.shape_cast %slice3A : vector<128x1xi32> to vector<128x1xi32>
    %broadcast_in_dim3A_58 = vector.broadcast %broadcast_in_dim3A_57 : vector<128x1xi32> to vector<128x32xi32>
    %select_n3A = arith.select %gt3A_56, %broadcast_in_dim3A_58, %scan3A_53#3 : vector<128x32xi1>, vector<128x32xi32>
    %mul3A_59 = arith.constant 512 : i32
    %mul3A_60 = arith.muli %arg0, %mul3A_59 : i32
    %add3A_61 = vector.broadcast %mul3A_60 : i32 to vector<128x32xi32>
    %add3A_62 = arith.addi %select_n3A, %add3A_61 : vector<128x32xi32>
    %swap3A_63 = arith.constant 0 : index
    %swap3A_64 = arith.constant 0 : index
    %swap3A_65 = arith.constant 0 : index
    %swap3A_66 = vector.load %arg4[%swap3A_63, %swap3A_64, %swap3A_65] : memref<1x128x32xi32, #tpu.memory_space<vmem>>, vector<1x128x32xi32>
    %swap3A_67 = vector.shape_cast %swap3A_66 : vector<1x128x32xi32> to vector<128x32xi32>
    %swap3A_68 = vector.shape_cast %add3A_62 : vector<128x32xi32> to vector<1x128x32xi32>
    tpu.vector_store %arg4[%swap3A_63, %swap3A_64, %swap3A_65], %swap3A_68 {strides = array<i32>} : memref<1x128x32xi32, #tpu.memory_space<vmem>>, vector<1x128x32xi32>,
    return
  }
  func.func @transform_0(%arg0: i32, %arg1: i32) -> (i32, i32, i32) {
    %c0_i32 = arith.constant 0 : i32
    %c0_i32_0 = arith.constant 0 : i32
    return %arg0, %arg1, %c0_i32 : i32, i32, i32
  }
  func.func @transform_1(%arg0: i32, %arg1: i32) -> (i32, i32, i32) {
    %c0_i32 = arith.constant 0 : i32
    %c0_i32_0 = arith.constant 0 : i32
    %c0_i32_1 = arith.constant 0 : i32
    return %arg0, %c0_i32, %c0_i32_0 : i32, i32, i32
  }
  func.func @transform_2(%arg0: i32, %arg1: i32) -> (i32, i32, i32) {
    %c0_i32 = arith.constant 0 : i32
    %c0_i32_0 = arith.constant 0 : i32
    return %arg0, %arg1, %c0_i32 : i32, i32, i32
  }
}

module attributes {stable_mosaic.version = 14 : i64} {
  func.func @body(%arg0: i32, %arg1: i32, %arg2: memref<1x128x3xf32, #tpu.memory_space<vmem>>, %arg3: memref<1x3x128xf32, #tpu.memory_space<vmem>>, %arg4: memref<1x128x32xi32, #tpu.memory_space<vmem>>, %arg5: memref<128x128xf32, #tpu.memory_space<vmem>>) attributes {dimension_semantics = [#tpu.dimension_semantics<arbitrary>, #tpu.dimension_semantics<arbitrary>], iteration_bounds = array<i64: 2, 1>, scalar_prefetch = 0 : i64, scratch_operands = 1 : i64, tpu.core_type = #tpu.core_type<tc>, window_params = [{transform_indices = @transform_0, window_bounds = array<i64: 1, 128, 3>}, {transform_indices = @transform_1, window_bounds = array<i64: 1, 3, 128>}, {transform_indices = @transform_2, window_bounds = array<i64: 1, 128, 32>}]} {
    %get3A = arith.constant 0 : index
    %get3A_0 = arith.constant 0 : index
    %get3A_1 = arith.constant 0 : index
    %get3A_2 = vector.load %arg2[%get3A, %get3A_0, %get3A_1] : memref<1x128x3xf32, #tpu.memory_space<vmem>>, vector<1x128x1xf32>
    %get3A_3 = vector.shape_cast %get3A_2 : vector<1x128x1xf32> to vector<128x1xf32>
    %get3A_4 = arith.constant 0 : index
    %get3A_5 = arith.constant 0 : index
    %get3A_6 = arith.constant 1 : index
    %get3A_7 = vector.load %arg2[%get3A_4, %get3A_5, %get3A_6] : memref<1x128x3xf32, #tpu.memory_space<vmem>>, vector<1x128x1xf32>
    %get3A_8 = vector.shape_cast %get3A_7 : vector<1x128x1xf32> to vector<128x1xf32>
    %get3A_9 = arith.constant 0 : index
    %get3A_10 = arith.constant 0 : index
    %get3A_11 = arith.constant 2 : index
    %get3A_12 = vector.load %arg2[%get3A_9, %get3A_10, %get3A_11] : memref<1x128x3xf32, #tpu.memory_space<vmem>>, vector<1x128x1xf32>
    %get3A_13 = vector.shape_cast %get3A_12 : vector<1x128x1xf32> to vector<128x1xf32>
    %get3A_14 = arith.constant 0 : index
    %get3A_15 = arith.constant 0 : index
    %get3A_16 = arith.constant 0 : index
    %get3A_17 = vector.load %arg3[%get3A_14, %get3A_15, %get3A_16] : memref<1x3x128xf32, #tpu.memory_space<vmem>>, vector<1x1x128xf32>
    %get3A_18 = vector.shape_cast %get3A_17 : vector<1x1x128xf32> to vector<1x128xf32>
    %get3A_19 = arith.constant 0 : index
    %get3A_20 = arith.constant 1 : index
    %get3A_21 = arith.constant 0 : index
    %get3A_22 = vector.load %arg3[%get3A_19, %get3A_20, %get3A_21] : memref<1x3x128xf32, #tpu.memory_space<vmem>>, vector<1x1x128xf32>
    %get3A_23 = vector.shape_cast %get3A_22 : vector<1x1x128xf32> to vector<1x128xf32>
    %get3A_24 = arith.constant 0 : index
    %get3A_25 = arith.constant 2 : index
    %get3A_26 = arith.constant 0 : index
    %get3A_27 = vector.load %arg3[%get3A_24, %get3A_25, %get3A_26] : memref<1x3x128xf32, #tpu.memory_space<vmem>>, vector<1x1x128xf32>
    %get3A_28 = vector.shape_cast %get3A_27 : vector<1x1x128xf32> to vector<1x128xf32>
    %sub3A = vector.broadcast %get3A_3 : vector<128x1xf32> to vector<128x128xf32>
    %sub3A_29 = vector.broadcast %get3A_18 : vector<1x128xf32> to vector<128x128xf32>
    %sub3A_30 = arith.subf %sub3A, %sub3A_29 : vector<128x128xf32>
    %sub3A_31 = vector.broadcast %get3A_8 : vector<128x1xf32> to vector<128x128xf32>
    %sub3A_32 = vector.broadcast %get3A_23 : vector<1x128xf32> to vector<128x128xf32>
    %sub3A_33 = arith.subf %sub3A_31, %sub3A_32 : vector<128x128xf32>
    %sub3A_34 = vector.broadcast %get3A_13 : vector<128x1xf32> to vector<128x128xf32>
    %sub3A_35 = vector.broadcast %get3A_28 : vector<1x128xf32> to vector<128x128xf32>
    %sub3A_36 = arith.subf %sub3A_34, %sub3A_35 : vector<128x128xf32>
    %mul3A = arith.mulf %sub3A_30, %sub3A_30 : vector<128x128xf32>
    %mul3A_37 = arith.mulf %sub3A_33, %sub3A_33 : vector<128x128xf32>
    %add3A = arith.addf %mul3A, %mul3A_37 : vector<128x128xf32>
    %mul3A_38 = arith.mulf %sub3A_36, %sub3A_36 : vector<128x128xf32>
    %add3A_39 = arith.addf %add3A, %mul3A_38 : vector<128x128xf32>
    %swap3A = arith.constant 0 : index
    %swap3A_40 = arith.constant 0 : index
    %swap3A_41 = vector.load %arg5[%swap3A, %swap3A_40] : memref<128x128xf32, #tpu.memory_space<vmem>>, vector<128x128xf32>
    tpu.vector_store %arg5[%swap3A, %swap3A_40], %add3A_39 {strides = array<i32>} : memref<128x128xf32, #tpu.memory_space<vmem>>, vector<128x128xf32>,
    %iota3A = tpu.iota {dimensions = array<i32: 1>} : vector<128x128xi32>
    %iota3A_42 = tpu.iota {dimensions = array<i32: 1>} : vector<128x32xi32>
    %broadcast_in_dim3A = arith.constant 0xFF800000 : f32
    %broadcast_in_dim3A_43 = vector.broadcast %broadcast_in_dim3A : f32 to vector<128x1xf32>
    %broadcast_in_dim3A_44 = arith.constant -1 : i32
    %broadcast_in_dim3A_45 = vector.broadcast %broadcast_in_dim3A_44 : i32 to vector<128x1xi32>
    %broadcast_in_dim3A_46 = arith.constant 0.000000e+00 : f32
    %broadcast_in_dim3A_47 = vector.broadcast %broadcast_in_dim3A_46 : f32 to vector<128x32xf32>
    %broadcast_in_dim3A_48 = arith.constant 0 : i32
    %broadcast_in_dim3A_49 = vector.broadcast %broadcast_in_dim3A_48 : i32 to vector<128x32xi32>
    %scan3A = arith.constant 0 : i32
    %scan3A_50 = arith.constant 32 : i32
    %scan3A_51 = arith.addi %scan3A, %scan3A_50 : i32
    %scan3A_52 = arith.constant 1 : i32
    %scan3A_53:4 = scf.for %scan3A_69 = %scan3A to %scan3A_51 step %scan3A_52 iter_args(%scan3A_70 = %broadcast_in_dim3A_43, %scan3A_71 = %broadcast_in_dim3A_45, %scan3A_72 = %broadcast_in_dim3A_47, %scan3A_73 = %broadcast_in_dim3A_49) -> (vector<128x1xf32>, vector<128x1xi32>, vector<128x32xf32>, vector<128x32xi32>)  : i32 {
      %get3A_74 = arith.constant 0 : index
      %get3A_75 = arith.constant 0 : index
      %get3A_76 = vector.load %arg5[%get3A_74, %get3A_75] : memref<128x128xf32, #tpu.memory_space<vmem>>, vector<128x128xf32>
      %gt3A_77 = vector.broadcast %scan3A_70 : vector<128x1xf32> to vector<128x128xf32>
      %gt3A_78 = arith.cmpf ogt, %get3A_76, %gt3A_77 : vector<128x128xf32>
      %eq3A = vector.broadcast %scan3A_70 : vector<128x1xf32> to vector<128x128xf32>
      %eq3A_79 = arith.cmpf oeq, %get3A_76, %eq3A : vector<128x128xf32>
      %gt3A_80 = vector.broadcast %scan3A_71 : vector<128x1xi32> to vector<128x128xi32>
      %gt3A_81 = arith.cmpi sgt, %iota3A, %gt3A_80 : vector<128x128xi32>
      %and3A = arith.andi %eq3A_79, %gt3A_81 : vector<128x128xi1>
      %or3A = arith.ori %gt3A_78, %and3A : vector<128x128xi1>
      %jit3A = arith.constant 0x7F800000 : f32
      %broadcast_in_dim3A_82 = vector.broadcast %jit3A : f32 to vector<128x128xf32>
      %select_n3A_83 = arith.select %or3A, %get3A_76, %broadcast_in_dim3A_82 : vector<128x128xi1>, vector<128x128xf32>
      %reduce_min3A = arith.constant dense<0x7F800000> : vector<128xf32>
      %reduce_min3A_84 = vector.multi_reduction <minimumf>, %select_n3A_83, %reduce_min3A [1] : vector<128x128xf32> to vector<128xf32>
      %broadcast_in_dim3A_85 = vector.shape_cast %reduce_min3A_84 : vector<128xf32> to vector<128x1xf32>
      %eq3A_86 = vector.broadcast %broadcast_in_dim3A_85 : vector<128x1xf32> to vector<128x128xf32>
      %eq3A_87 = arith.cmpf oeq, %select_n3A_83, %eq3A_86 : vector<128x128xf32>
      %jit3A_88 = arith.constant 128 : i32
      %broadcast_in_dim3A_89 = vector.broadcast %jit3A_88 : i32 to vector<128x128xi32>
      %select_n3A_90 = arith.select %eq3A_87, %iota3A, %broadcast_in_dim3A_89 : vector<128x128xi1>, vector<128x128xi32>
      %reduce_min3A_91 = arith.constant dense<2147483647> : vector<128xi32>
      %reduce_min3A_92 = vector.multi_reduction <minsi>, %select_n3A_90, %reduce_min3A_91 [1] : vector<128x128xi32> to vector<128xi32>
      %broadcast_in_dim3A_93 = vector.shape_cast %reduce_min3A_92 : vector<128xi32> to vector<128x1xi32>
      %eq3A_94 = vector.broadcast %scan3A_69 : i32 to vector<128x32xi32>
      %eq3A_95 = arith.cmpi eq, %iota3A_42, %eq3A_94 : vector<128x32xi32>
      %broadcast_in_dim3A_96 = vector.shape_cast %broadcast_in_dim3A_85 : vector<128x1xf32> to vector<128x1xf32>
      %broadcast_in_dim3A_97 = vector.broadcast %broadcast_in_dim3A_96 : vector<128x1xf32> to vector<128x32xf32>
      %select_n3A_98 = arith.select %eq3A_95, %broadcast_in_dim3A_97, %scan3A_72 : vector<128x32xi1>, vector<128x32xf32>
      %eq3A_99 = vector.broadcast %scan3A_69 : i32 to vector<128x32xi32>
      %eq3A_100 = arith.cmpi eq, %iota3A_42, %eq3A_99 : vector<128x32xi32>
      %broadcast_in_dim3A_101 = vector.shape_cast %broadcast_in_dim3A_93 : vector<128x1xi32> to vector<128x1xi32>
      %broadcast_in_dim3A_102 = vector.broadcast %broadcast_in_dim3A_101 : vector<128x1xi32> to vector<128x32xi32>
      %select_n3A_103 = arith.select %eq3A_100, %broadcast_in_dim3A_102, %scan3A_73 : vector<128x32xi1>, vector<128x32xi32>
      scf.yield %broadcast_in_dim3A_85, %broadcast_in_dim3A_93, %select_n3A_98, %select_n3A_103 : vector<128x1xf32>, vector<128x1xi32>, vector<128x32xf32>, vector<128x32xi32>
    }
    %scan3A_54 = arith.constant 32 : i32
    %slice3A = vector.extract_strided_slice %scan3A_53#3 {offsets = [0, 0], sizes = [128, 1], strides = [1, 1]} : vector<128x32xi32> to vector<128x1xi32>
    %gt3A = arith.constant 6.400000e-01 : f32
    %gt3A_55 = vector.broadcast %gt3A : f32 to vector<128x32xf32>
    %gt3A_56 = arith.cmpf ogt, %scan3A_53#2, %gt3A_55 : vector<128x32xf32>
    %broadcast_in_dim3A_57 = vector.shape_cast %slice3A : vector<128x1xi32> to vector<128x1xi32>
    %broadcast_in_dim3A_58 = vector.broadcast %broadcast_in_dim3A_57 : vector<128x1xi32> to vector<128x32xi32>
    %select_n3A = arith.select %gt3A_56, %broadcast_in_dim3A_58, %scan3A_53#3 : vector<128x32xi1>, vector<128x32xi32>
    %mul3A_59 = arith.constant 128 : i32
    %mul3A_60 = arith.muli %arg0, %mul3A_59 : i32
    %add3A_61 = vector.broadcast %mul3A_60 : i32 to vector<128x32xi32>
    %add3A_62 = arith.addi %select_n3A, %add3A_61 : vector<128x32xi32>
    %swap3A_63 = arith.constant 0 : index
    %swap3A_64 = arith.constant 0 : index
    %swap3A_65 = arith.constant 0 : index
    %swap3A_66 = vector.load %arg4[%swap3A_63, %swap3A_64, %swap3A_65] : memref<1x128x32xi32, #tpu.memory_space<vmem>>, vector<1x128x32xi32>
    %swap3A_67 = vector.shape_cast %swap3A_66 : vector<1x128x32xi32> to vector<128x32xi32>
    %swap3A_68 = vector.shape_cast %add3A_62 : vector<128x32xi32> to vector<1x128x32xi32>
    tpu.vector_store %arg4[%swap3A_63, %swap3A_64, %swap3A_65], %swap3A_68 {strides = array<i32>} : memref<1x128x32xi32, #tpu.memory_space<vmem>>, vector<1x128x32xi32>,
    return
  }
  func.func @transform_0(%arg0: i32, %arg1: i32) -> (i32, i32, i32) {
    %c0_i32 = arith.constant 0 : i32
    %c0_i32_0 = arith.constant 0 : i32
    return %arg0, %arg1, %c0_i32 : i32, i32, i32
  }
  func.func @transform_1(%arg0: i32, %arg1: i32) -> (i32, i32, i32) {
    %c0_i32 = arith.constant 0 : i32
    %c0_i32_0 = arith.constant 0 : i32
    %c0_i32_1 = arith.constant 0 : i32
    return %arg0, %c0_i32, %c0_i32_0 : i32, i32, i32
  }
  func.func @transform_2(%arg0: i32, %arg1: i32) -> (i32, i32, i32) {
    %c0_i32 = arith.constant 0 : i32
    %c0_i32_0 = arith.constant 0 : i32
    return %arg0, %arg1, %c0_i32 : i32, i32, i32
  }
}

module attributes {stable_mosaic.version = 14 : i64} {
  func.func @body(%arg0: i32, %arg1: memref<512x256xf32, #tpu.memory_space<vmem>>, %arg2: memref<256x256xf32, #tpu.memory_space<vmem>>, %arg3: memref<512x256xf32, #tpu.memory_space<vmem>>) attributes {dimension_semantics = [#tpu.dimension_semantics<arbitrary>], iteration_bounds = array<i64: 16>, scalar_prefetch = 0 : i64, scratch_operands = 0 : i64, tpu.core_type = #tpu.core_type<tc>, window_params = [{transform_indices = @transform_0, window_bounds = array<i64: 512, 256>}, {pipeline_mode = #tpu.pipeline_mode<synchronous>, transform_indices = @transform_1, window_bounds = array<i64: 256, 256>}, {transform_indices = @transform_2, window_bounds = array<i64: 512, 256>}]} {
    %get3A = arith.constant 0 : index
    %get3A_0 = arith.constant 0 : index
    %get3A_1 = vector.load %arg1[%get3A, %get3A_0] : memref<512x256xf32, #tpu.memory_space<vmem>>, vector<512x256xf32>
    %get3A_2 = arith.constant 0 : index
    %get3A_3 = arith.constant 0 : index
    %get3A_4 = vector.load %arg2[%get3A_2, %get3A_3] : memref<256x256xf32, #tpu.memory_space<vmem>>, vector<256x256xf32>
    %dot_general3A = arith.constant dense<0.000000e+00> : vector<512x256xf32>
    %dot_general3A_5 = tpu.matmul %get3A_1, %get3A_4, %dot_general3A {dimension_numbers = #tpu.dot_dimension_numbers<[1], [0], [0], [1], [0, 0, 1, 1], [], []>, transpose_lhs_hint = false} : vector<512x256xf32>, vector<256x256xf32>, vector<512x256xf32> -> vector<512x256xf32>
    %swap3A = arith.constant 0 : index
    %swap3A_6 = arith.constant 0 : index
    %swap3A_7 = vector.load %arg3[%swap3A, %swap3A_6] : memref<512x256xf32, #tpu.memory_space<vmem>>, vector<512x256xf32>
    tpu.vector_store %arg3[%swap3A, %swap3A_6], %dot_general3A_5 {strides = array<i32>} : memref<512x256xf32, #tpu.memory_space<vmem>>, vector<512x256xf32>,
    return
  }
  func.func @transform_0(%arg0: i32) -> (i32, i32) {
    %c0_i32 = arith.constant 0 : i32
    %c0_i32_0 = arith.constant 0 : i32
    return %arg0, %c0_i32 : i32, i32
  }
  func.func @transform_1(%arg0: i32) -> (i32, i32) {
    %c0_i32 = arith.constant 0 : i32
    %c0_i32_0 = arith.constant 0 : i32
    %c0_i32_1 = arith.constant 0 : i32
    return %c0_i32, %c0_i32_0 : i32, i32
  }
  func.func @transform_2(%arg0: i32) -> (i32, i32) {
    %c0_i32 = arith.constant 0 : i32
    %c0_i32_0 = arith.constant 0 : i32
    return %arg0, %c0_i32 : i32, i32
  }
}

module attributes {stable_mosaic.version = 14 : i64} {
  func.func @body_plain(%arg0: i32, %arg1: memref<512x256xf32, #tpu.memory_space<vmem>>, %arg2: memref<1x256xf32, #tpu.memory_space<vmem>>) attributes {dimension_semantics = [#tpu.dimension_semantics<arbitrary>], iteration_bounds = array<i64: 16>, scalar_prefetch = 0 : i64, scratch_operands = 0 : i64, tpu.core_type = #tpu.core_type<tc>, window_params = [{transform_indices = @transform_0, window_bounds = array<i64: 512, 256>}, {pipeline_mode = #tpu.pipeline_mode<synchronous>, transform_indices = @transform_1, window_bounds = array<i64: 1, 256>}]} {
    %eq3A = arith.constant 0 : i32
    %eq3A_0 = arith.cmpi eq, %arg0, %eq3A : i32
    %convert_element_type3A = arith.extui %eq3A_0 : i1 to i32
    %cond3A = arith.constant 0 : i32
    %cond3A_1 = arith.cmpi ne, %convert_element_type3A, %cond3A : i32
    scf.if %cond3A_1 {
      %broadcast_in_dim3A_10 = arith.constant 0.000000e+00 : f32
      %broadcast_in_dim3A_11 = vector.broadcast %broadcast_in_dim3A_10 : f32 to vector<1x256xf32>
      %swap3A_12 = arith.constant 0 : index
      %swap3A_13 = arith.constant 0 : index
      %swap3A_14 = vector.load %arg2[%swap3A_12, %swap3A_13] : memref<1x256xf32, #tpu.memory_space<vmem>>, vector<1x256xf32>
      tpu.vector_store %arg2[%swap3A_12, %swap3A_13], %broadcast_in_dim3A_11 {strides = array<i32>} : memref<1x256xf32, #tpu.memory_space<vmem>>, vector<1x256xf32>,
    } else {
    }
    %get3A = arith.constant 0 : index
    %get3A_2 = arith.constant 0 : index
    %get3A_3 = vector.load %arg2[%get3A, %get3A_2] : memref<1x256xf32, #tpu.memory_space<vmem>>, vector<1x256xf32>
    %get3A_4 = arith.constant 0 : index
    %get3A_5 = arith.constant 0 : index
    %get3A_6 = vector.load %arg1[%get3A_4, %get3A_5] : memref<512x256xf32, #tpu.memory_space<vmem>>, vector<512x256xf32>
    %reduce_sum3A = arith.constant dense<0.000000e+00> : vector<256xf32>
    %reduce_sum3A_7 = vector.multi_reduction <add>, %get3A_6, %reduce_sum3A [0] : vector<512x256xf32> to vector<256xf32>
    %broadcast_in_dim3A = vector.shape_cast %reduce_sum3A_7 : vector<256xf32> to vector<1x256xf32>
    %add3A = arith.addf %get3A_3, %broadcast_in_dim3A : vector<1x256xf32>
    %swap3A = arith.constant 0 : index
    %swap3A_8 = arith.constant 0 : index
    %swap3A_9 = vector.load %arg2[%swap3A, %swap3A_8] : memref<1x256xf32, #tpu.memory_space<vmem>>, vector<1x256xf32>
    tpu.vector_store %arg2[%swap3A, %swap3A_8], %add3A {strides = array<i32>} : memref<1x256xf32, #tpu.memory_space<vmem>>, vector<1x256xf32>,
    return
  }
  func.func @transform_0(%arg0: i32) -> (i32, i32) {
    %c0_i32 = arith.constant 0 : i32
    %c0_i32_0 = arith.constant 0 : i32
    return %arg0, %c0_i32 : i32, i32
  }
  func.func @transform_1(%arg0: i32) -> (i32, i32) {
    %c0_i32 = arith.constant 0 : i32
    %c0_i32_0 = arith.constant 0 : i32
    %c0_i32_1 = arith.constant 0 : i32
    return %c0_i32, %c0_i32_0 : i32, i32
  }
}

module attributes {stable_mosaic.version = 14 : i64} {
  func.func @body(%arg0: i32, %arg1: memref<512x256xf32, #tpu.memory_space<vmem>>, %arg2: memref<1x256xf32, #tpu.memory_space<vmem>>, %arg3: memref<1x256xf32, #tpu.memory_space<vmem>>) attributes {dimension_semantics = [#tpu.dimension_semantics<arbitrary>], iteration_bounds = array<i64: 16>, scalar_prefetch = 0 : i64, scratch_operands = 0 : i64, tpu.core_type = #tpu.core_type<tc>, window_params = [{transform_indices = @transform_0, window_bounds = array<i64: 512, 256>}, {pipeline_mode = #tpu.pipeline_mode<synchronous>, transform_indices = @transform_1, window_bounds = array<i64: 1, 256>}, {pipeline_mode = #tpu.pipeline_mode<synchronous>, transform_indices = @transform_2, window_bounds = array<i64: 1, 256>}]} {
    %eq3A = arith.constant 0 : i32
    %eq3A_0 = arith.cmpi eq, %arg0, %eq3A : i32
    %convert_element_type3A = arith.extui %eq3A_0 : i1 to i32
    %cond3A = arith.constant 0 : i32
    %cond3A_1 = arith.cmpi ne, %convert_element_type3A, %cond3A : i32
    scf.if %cond3A_1 {
      %broadcast_in_dim3A_14 = arith.constant 0.000000e+00 : f32
      %broadcast_in_dim3A_15 = vector.broadcast %broadcast_in_dim3A_14 : f32 to vector<1x256xf32>
      %swap3A_16 = arith.constant 0 : index
      %swap3A_17 = arith.constant 0 : index
      %swap3A_18 = vector.load %arg3[%swap3A_16, %swap3A_17] : memref<1x256xf32, #tpu.memory_space<vmem>>, vector<1x256xf32>
      tpu.vector_store %arg3[%swap3A_16, %swap3A_17], %broadcast_in_dim3A_15 {strides = array<i32>} : memref<1x256xf32, #tpu.memory_space<vmem>>, vector<1x256xf32>,
    } else {
    }
    %get3A = arith.constant 0 : index
    %get3A_2 = arith.constant 0 : index
    %get3A_3 = vector.load %arg1[%get3A, %get3A_2] : memref<512x256xf32, #tpu.memory_space<vmem>>, vector<512x256xf32>
    %get3A_4 = arith.constant 0 : index
    %get3A_5 = arith.constant 0 : index
    %get3A_6 = vector.load %arg2[%get3A_4, %get3A_5] : memref<1x256xf32, #tpu.memory_space<vmem>>, vector<1x256xf32>
    %sub3A = vector.broadcast %get3A_6 : vector<1x256xf32> to vector<512x256xf32>
    %sub3A_7 = arith.subf %get3A_3, %sub3A : vector<512x256xf32>
    %get3A_8 = arith.constant 0 : index
    %get3A_9 = arith.constant 0 : index
    %get3A_10 = vector.load %arg3[%get3A_8, %get3A_9] : memref<1x256xf32, #tpu.memory_space<vmem>>, vector<1x256xf32>
    %mul3A = arith.mulf %sub3A_7, %sub3A_7 : vector<512x256xf32>
    %reduce_sum3A = arith.constant dense<0.000000e+00> : vector<256xf32>
    %reduce_sum3A_11 = vector.multi_reduction <add>, %mul3A, %reduce_sum3A [0] : vector<512x256xf32> to vector<256xf32>
    %broadcast_in_dim3A = vector.shape_cast %reduce_sum3A_11 : vector<256xf32> to vector<1x256xf32>
    %add3A = arith.addf %get3A_10, %broadcast_in_dim3A : vector<1x256xf32>
    %swap3A = arith.constant 0 : index
    %swap3A_12 = arith.constant 0 : index
    %swap3A_13 = vector.load %arg3[%swap3A, %swap3A_12] : memref<1x256xf32, #tpu.memory_space<vmem>>, vector<1x256xf32>
    tpu.vector_store %arg3[%swap3A, %swap3A_12], %add3A {strides = array<i32>} : memref<1x256xf32, #tpu.memory_space<vmem>>, vector<1x256xf32>,
    return
  }
  func.func @transform_0(%arg0: i32) -> (i32, i32) {
    %c0_i32 = arith.constant 0 : i32
    %c0_i32_0 = arith.constant 0 : i32
    return %arg0, %c0_i32 : i32, i32
  }
  func.func @transform_1(%arg0: i32) -> (i32, i32) {
    %c0_i32 = arith.constant 0 : i32
    %c0_i32_0 = arith.constant 0 : i32
    %c0_i32_1 = arith.constant 0 : i32
    return %c0_i32, %c0_i32_0 : i32, i32
  }
  func.func @transform_2(%arg0: i32) -> (i32, i32) {
    %c0_i32 = arith.constant 0 : i32
    %c0_i32_0 = arith.constant 0 : i32
    %c0_i32_1 = arith.constant 0 : i32
    return %c0_i32, %c0_i32_0 : i32, i32
  }
}

module attributes {stable_mosaic.version = 14 : i64} {
  func.func @body(%arg0: i32, %arg1: memref<256x32x256xf32, #tpu.memory_space<vmem>>, %arg2: memref<1x256xf32, #tpu.memory_space<vmem>>, %arg3: memref<1x256xf32, #tpu.memory_space<vmem>>, %arg4: memref<1x256xf32, #tpu.memory_space<vmem>>, %arg5: memref<1x256xf32, #tpu.memory_space<vmem>>, %arg6: memref<256x256xf32, #tpu.memory_space<vmem>>) attributes {dimension_semantics = [#tpu.dimension_semantics<arbitrary>], iteration_bounds = array<i64: 1>, scalar_prefetch = 0 : i64, scratch_operands = 0 : i64, tpu.core_type = #tpu.core_type<tc>, window_params = [{transform_indices = @transform_0, window_bounds = array<i64: 256, 32, 256>}, {pipeline_mode = #tpu.pipeline_mode<synchronous>, transform_indices = @transform_1, window_bounds = array<i64: 1, 256>}, {pipeline_mode = #tpu.pipeline_mode<synchronous>, transform_indices = @transform_2, window_bounds = array<i64: 1, 256>}, {pipeline_mode = #tpu.pipeline_mode<synchronous>, transform_indices = @transform_3, window_bounds = array<i64: 1, 256>}, {pipeline_mode = #tpu.pipeline_mode<synchronous>, transform_indices = @transform_4, window_bounds = array<i64: 1, 256>}, {transform_indices = @transform_5, window_bounds = array<i64: 256, 256>}]} {
    %get3A = arith.constant 0 : index
    %get3A_0 = arith.constant 0 : index
    %get3A_1 = vector.load %arg2[%get3A, %get3A_0] : memref<1x256xf32, #tpu.memory_space<vmem>>, vector<1x256xf32>
    %div3A = arith.constant 8.192000e+03 : f32
    %div3A_2 = vector.broadcast %div3A : f32 to vector<1x256xf32>
    %div3A_3 = arith.divf %get3A_1, %div3A_2 : vector<1x256xf32>
    %get3A_4 = arith.constant 0 : index
    %get3A_5 = arith.constant 0 : index
    %get3A_6 = vector.load %arg3[%get3A_4, %get3A_5] : memref<1x256xf32, #tpu.memory_space<vmem>>, vector<1x256xf32>
    %div3A_7 = arith.constant 8.192000e+03 : f32
    %div3A_8 = vector.broadcast %div3A_7 : f32 to vector<1x256xf32>
    %div3A_9 = arith.divf %get3A_6, %div3A_8 : vector<1x256xf32>
    %get3A_10 = arith.constant 0 : index
    %get3A_11 = arith.constant 0 : index
    %get3A_12 = arith.constant 0 : index
    %get3A_13 = vector.load %arg1[%get3A_10, %get3A_11, %get3A_12] : memref<256x32x256xf32, #tpu.memory_space<vmem>>, vector<256x32x256xf32>
    %broadcast_in_dim3A = vector.shape_cast %div3A_3 : vector<1x256xf32> to vector<1x1x256xf32>
    %sub3A = vector.broadcast %broadcast_in_dim3A : vector<1x1x256xf32> to vector<256x32x256xf32>
    %sub3A_14 = arith.subf %get3A_13, %sub3A : vector<256x32x256xf32>
    %broadcast_in_dim3A_15 = vector.shape_cast %div3A_9 : vector<1x256xf32> to vector<1x1x256xf32>
    %add3A = arith.constant 9.99999974E-6 : f32
    %add3A_16 = vector.broadcast %add3A : f32 to vector<1x1x256xf32>
    %add3A_17 = arith.addf %broadcast_in_dim3A_15, %add3A_16 : vector<1x1x256xf32>
    %sqrt3A = math.sqrt %add3A_17 : vector<1x1x256xf32>
    %div3A_18 = vector.broadcast %sqrt3A : vector<1x1x256xf32> to vector<256x32x256xf32>
    %div3A_19 = arith.divf %sub3A_14, %div3A_18 : vector<256x32x256xf32>
    %get3A_20 = arith.constant 0 : index
    %get3A_21 = arith.constant 0 : index
    %get3A_22 = vector.load %arg4[%get3A_20, %get3A_21] : memref<1x256xf32, #tpu.memory_space<vmem>>, vector<1x256xf32>
    %broadcast_in_dim3A_23 = vector.shape_cast %get3A_22 : vector<1x256xf32> to vector<1x1x256xf32>
    %mul3A = vector.broadcast %broadcast_in_dim3A_23 : vector<1x1x256xf32> to vector<256x32x256xf32>
    %mul3A_24 = arith.mulf %div3A_19, %mul3A : vector<256x32x256xf32>
    %get3A_25 = arith.constant 0 : index
    %get3A_26 = arith.constant 0 : index
    %get3A_27 = vector.load %arg5[%get3A_25, %get3A_26] : memref<1x256xf32, #tpu.memory_space<vmem>>, vector<1x256xf32>
    %broadcast_in_dim3A_28 = vector.shape_cast %get3A_27 : vector<1x256xf32> to vector<1x1x256xf32>
    %add3A_29 = vector.broadcast %broadcast_in_dim3A_28 : vector<1x1x256xf32> to vector<256x32x256xf32>
    %add3A_30 = arith.addf %mul3A_24, %add3A_29 : vector<256x32x256xf32>
    %max3A = arith.constant 0.000000e+00 : f32
    %max3A_31 = vector.broadcast %max3A : f32 to vector<256x32x256xf32>
    %max3A_32 = arith.maximumf %add3A_30, %max3A_31 : vector<256x32x256xf32>
    %reduce_max3A = arith.constant dense<0xFF800000> : vector<256x256xf32>
    %reduce_max3A_33 = vector.multi_reduction <maximumf>, %max3A_32, %reduce_max3A [1] : vector<256x32x256xf32> to vector<256x256xf32>
    %swap3A = arith.constant 0 : index
    %swap3A_34 = arith.constant 0 : index
    %swap3A_35 = vector.load %arg6[%swap3A, %swap3A_34] : memref<256x256xf32, #tpu.memory_space<vmem>>, vector<256x256xf32>
    tpu.vector_store %arg6[%swap3A, %swap3A_34], %reduce_max3A_33 {strides = array<i32>} : memref<256x256xf32, #tpu.memory_space<vmem>>, vector<256x256xf32>,
    return
  }
  func.func @transform_0(%arg0: i32) -> (i32, i32, i32) {
    %c0_i32 = arith.constant 0 : i32
    %c0_i32_0 = arith.constant 0 : i32
    %c0_i32_1 = arith.constant 0 : i32
    return %arg0, %c0_i32, %c0_i32_0 : i32, i32, i32
  }
  func.func @transform_1(%arg0: i32) -> (i32, i32) {
    %c0_i32 = arith.constant 0 : i32
    %c0_i32_0 = arith.constant 0 : i32
    %c0_i32_1 = arith.constant 0 : i32
    return %c0_i32, %c0_i32_0 : i32, i32
  }
  func.func @transform_2(%arg0: i32) -> (i32, i32) {
    %c0_i32 = arith.constant 0 : i32
    %c0_i32_0 = arith.constant 0 : i32
    %c0_i32_1 = arith.constant 0 : i32
    return %c0_i32, %c0_i32_0 : i32, i32
  }
  func.func @transform_3(%arg0: i32) -> (i32, i32) {
    %c0_i32 = arith.constant 0 : i32
    %c0_i32_0 = arith.constant 0 : i32
    %c0_i32_1 = arith.constant 0 : i32
    return %c0_i32, %c0_i32_0 : i32, i32
  }
  func.func @transform_4(%arg0: i32) -> (i32, i32) {
    %c0_i32 = arith.constant 0 : i32
    %c0_i32_0 = arith.constant 0 : i32
    %c0_i32_1 = arith.constant 0 : i32
    return %c0_i32, %c0_i32_0 : i32, i32
  }
  func.func @transform_5(%arg0: i32) -> (i32, i32) {
    %c0_i32 = arith.constant 0 : i32
    %c0_i32_0 = arith.constant 0 : i32
    return %arg0, %c0_i32 : i32, i32
  }
}

module attributes {stable_mosaic.version = 14 : i64} {
  func.func @body(%arg0: i32, %arg1: i32, %arg2: memref<1x32x3xf32, #tpu.memory_space<vmem>>, %arg3: memref<1x3x128xf32, #tpu.memory_space<vmem>>, %arg4: memref<1x32x32xi32, #tpu.memory_space<vmem>>, %arg5: memref<32x128xf32, #tpu.memory_space<vmem>>) attributes {dimension_semantics = [#tpu.dimension_semantics<arbitrary>, #tpu.dimension_semantics<arbitrary>], iteration_bounds = array<i64: 2, 1>, scalar_prefetch = 0 : i64, scratch_operands = 1 : i64, tpu.core_type = #tpu.core_type<tc>, window_params = [{transform_indices = @transform_0, window_bounds = array<i64: 1, 32, 3>}, {transform_indices = @transform_1, window_bounds = array<i64: 1, 3, 128>}, {transform_indices = @transform_2, window_bounds = array<i64: 1, 32, 32>}]} {
    %get3A = arith.constant 0 : index
    %get3A_0 = arith.constant 0 : index
    %get3A_1 = arith.constant 0 : index
    %get3A_2 = vector.load %arg2[%get3A, %get3A_0, %get3A_1] : memref<1x32x3xf32, #tpu.memory_space<vmem>>, vector<1x32x1xf32>
    %get3A_3 = vector.shape_cast %get3A_2 : vector<1x32x1xf32> to vector<32x1xf32>
    %get3A_4 = arith.constant 0 : index
    %get3A_5 = arith.constant 0 : index
    %get3A_6 = arith.constant 1 : index
    %get3A_7 = vector.load %arg2[%get3A_4, %get3A_5, %get3A_6] : memref<1x32x3xf32, #tpu.memory_space<vmem>>, vector<1x32x1xf32>
    %get3A_8 = vector.shape_cast %get3A_7 : vector<1x32x1xf32> to vector<32x1xf32>
    %get3A_9 = arith.constant 0 : index
    %get3A_10 = arith.constant 0 : index
    %get3A_11 = arith.constant 2 : index
    %get3A_12 = vector.load %arg2[%get3A_9, %get3A_10, %get3A_11] : memref<1x32x3xf32, #tpu.memory_space<vmem>>, vector<1x32x1xf32>
    %get3A_13 = vector.shape_cast %get3A_12 : vector<1x32x1xf32> to vector<32x1xf32>
    %get3A_14 = arith.constant 0 : index
    %get3A_15 = arith.constant 0 : index
    %get3A_16 = arith.constant 0 : index
    %get3A_17 = vector.load %arg3[%get3A_14, %get3A_15, %get3A_16] : memref<1x3x128xf32, #tpu.memory_space<vmem>>, vector<1x1x128xf32>
    %get3A_18 = vector.shape_cast %get3A_17 : vector<1x1x128xf32> to vector<1x128xf32>
    %get3A_19 = arith.constant 0 : index
    %get3A_20 = arith.constant 1 : index
    %get3A_21 = arith.constant 0 : index
    %get3A_22 = vector.load %arg3[%get3A_19, %get3A_20, %get3A_21] : memref<1x3x128xf32, #tpu.memory_space<vmem>>, vector<1x1x128xf32>
    %get3A_23 = vector.shape_cast %get3A_22 : vector<1x1x128xf32> to vector<1x128xf32>
    %get3A_24 = arith.constant 0 : index
    %get3A_25 = arith.constant 2 : index
    %get3A_26 = arith.constant 0 : index
    %get3A_27 = vector.load %arg3[%get3A_24, %get3A_25, %get3A_26] : memref<1x3x128xf32, #tpu.memory_space<vmem>>, vector<1x1x128xf32>
    %get3A_28 = vector.shape_cast %get3A_27 : vector<1x1x128xf32> to vector<1x128xf32>
    %sub3A = vector.broadcast %get3A_3 : vector<32x1xf32> to vector<32x128xf32>
    %sub3A_29 = vector.broadcast %get3A_18 : vector<1x128xf32> to vector<32x128xf32>
    %sub3A_30 = arith.subf %sub3A, %sub3A_29 : vector<32x128xf32>
    %sub3A_31 = vector.broadcast %get3A_8 : vector<32x1xf32> to vector<32x128xf32>
    %sub3A_32 = vector.broadcast %get3A_23 : vector<1x128xf32> to vector<32x128xf32>
    %sub3A_33 = arith.subf %sub3A_31, %sub3A_32 : vector<32x128xf32>
    %sub3A_34 = vector.broadcast %get3A_13 : vector<32x1xf32> to vector<32x128xf32>
    %sub3A_35 = vector.broadcast %get3A_28 : vector<1x128xf32> to vector<32x128xf32>
    %sub3A_36 = arith.subf %sub3A_34, %sub3A_35 : vector<32x128xf32>
    %mul3A = arith.mulf %sub3A_30, %sub3A_30 : vector<32x128xf32>
    %mul3A_37 = arith.mulf %sub3A_33, %sub3A_33 : vector<32x128xf32>
    %add3A = arith.addf %mul3A, %mul3A_37 : vector<32x128xf32>
    %mul3A_38 = arith.mulf %sub3A_36, %sub3A_36 : vector<32x128xf32>
    %add3A_39 = arith.addf %add3A, %mul3A_38 : vector<32x128xf32>
    %swap3A = arith.constant 0 : index
    %swap3A_40 = arith.constant 0 : index
    %swap3A_41 = vector.load %arg5[%swap3A, %swap3A_40] : memref<32x128xf32, #tpu.memory_space<vmem>>, vector<32x128xf32>
    tpu.vector_store %arg5[%swap3A, %swap3A_40], %add3A_39 {strides = array<i32>} : memref<32x128xf32, #tpu.memory_space<vmem>>, vector<32x128xf32>,
    %iota3A = tpu.iota {dimensions = array<i32: 1>} : vector<32x128xi32>
    %iota3A_42 = tpu.iota {dimensions = array<i32: 1>} : vector<32x32xi32>
    %broadcast_in_dim3A = arith.constant 0xFF800000 : f32
    %broadcast_in_dim3A_43 = vector.broadcast %broadcast_in_dim3A : f32 to vector<32x1xf32>
    %broadcast_in_dim3A_44 = arith.constant -1 : i32
    %broadcast_in_dim3A_45 = vector.broadcast %broadcast_in_dim3A_44 : i32 to vector<32x1xi32>
    %broadcast_in_dim3A_46 = arith.constant 0.000000e+00 : f32
    %broadcast_in_dim3A_47 = vector.broadcast %broadcast_in_dim3A_46 : f32 to vector<32x32xf32>
    %broadcast_in_dim3A_48 = arith.constant 0 : i32
    %broadcast_in_dim3A_49 = vector.broadcast %broadcast_in_dim3A_48 : i32 to vector<32x32xi32>
    %scan3A = arith.constant 0 : i32
    %scan3A_50 = arith.constant 32 : i32
    %scan3A_51 = arith.addi %scan3A, %scan3A_50 : i32
    %scan3A_52 = arith.constant 1 : i32
    %scan3A_53:4 = scf.for %scan3A_69 = %scan3A to %scan3A_51 step %scan3A_52 iter_args(%scan3A_70 = %broadcast_in_dim3A_43, %scan3A_71 = %broadcast_in_dim3A_45, %scan3A_72 = %broadcast_in_dim3A_47, %scan3A_73 = %broadcast_in_dim3A_49) -> (vector<32x1xf32>, vector<32x1xi32>, vector<32x32xf32>, vector<32x32xi32>)  : i32 {
      %get3A_74 = arith.constant 0 : index
      %get3A_75 = arith.constant 0 : index
      %get3A_76 = vector.load %arg5[%get3A_74, %get3A_75] : memref<32x128xf32, #tpu.memory_space<vmem>>, vector<32x128xf32>
      %gt3A_77 = vector.broadcast %scan3A_70 : vector<32x1xf32> to vector<32x128xf32>
      %gt3A_78 = arith.cmpf ogt, %get3A_76, %gt3A_77 : vector<32x128xf32>
      %eq3A = vector.broadcast %scan3A_70 : vector<32x1xf32> to vector<32x128xf32>
      %eq3A_79 = arith.cmpf oeq, %get3A_76, %eq3A : vector<32x128xf32>
      %gt3A_80 = vector.broadcast %scan3A_71 : vector<32x1xi32> to vector<32x128xi32>
      %gt3A_81 = arith.cmpi sgt, %iota3A, %gt3A_80 : vector<32x128xi32>
      %and3A = arith.andi %eq3A_79, %gt3A_81 : vector<32x128xi1>
      %or3A = arith.ori %gt3A_78, %and3A : vector<32x128xi1>
      %jit3A = arith.constant 0x7F800000 : f32
      %broadcast_in_dim3A_82 = vector.broadcast %jit3A : f32 to vector<32x128xf32>
      %select_n3A_83 = arith.select %or3A, %get3A_76, %broadcast_in_dim3A_82 : vector<32x128xi1>, vector<32x128xf32>
      %reduce_min3A = arith.constant dense<0x7F800000> : vector<32xf32>
      %reduce_min3A_84 = vector.multi_reduction <minimumf>, %select_n3A_83, %reduce_min3A [1] : vector<32x128xf32> to vector<32xf32>
      %broadcast_in_dim3A_85 = vector.shape_cast %reduce_min3A_84 : vector<32xf32> to vector<32x1xf32>
      %eq3A_86 = vector.broadcast %broadcast_in_dim3A_85 : vector<32x1xf32> to vector<32x128xf32>
      %eq3A_87 = arith.cmpf oeq, %select_n3A_83, %eq3A_86 : vector<32x128xf32>
      %jit3A_88 = arith.constant 128 : i32
      %broadcast_in_dim3A_89 = vector.broadcast %jit3A_88 : i32 to vector<32x128xi32>
      %select_n3A_90 = arith.select %eq3A_87, %iota3A, %broadcast_in_dim3A_89 : vector<32x128xi1>, vector<32x128xi32>
      %reduce_min3A_91 = arith.constant dense<2147483647> : vector<32xi32>
      %reduce_min3A_92 = vector.multi_reduction <minsi>, %select_n3A_90, %reduce_min3A_91 [1] : vector<32x128xi32> to vector<32xi32>
      %broadcast_in_dim3A_93 = vector.shape_cast %reduce_min3A_92 : vector<32xi32> to vector<32x1xi32>
      %eq3A_94 = vector.broadcast %scan3A_69 : i32 to vector<32x32xi32>
      %eq3A_95 = arith.cmpi eq, %iota3A_42, %eq3A_94 : vector<32x32xi32>
      %broadcast_in_dim3A_96 = vector.shape_cast %broadcast_in_dim3A_85 : vector<32x1xf32> to vector<32x1xf32>
      %broadcast_in_dim3A_97 = vector.broadcast %broadcast_in_dim3A_96 : vector<32x1xf32> to vector<32x32xf32>
      %select_n3A_98 = arith.select %eq3A_95, %broadcast_in_dim3A_97, %scan3A_72 : vector<32x32xi1>, vector<32x32xf32>
      %eq3A_99 = vector.broadcast %scan3A_69 : i32 to vector<32x32xi32>
      %eq3A_100 = arith.cmpi eq, %iota3A_42, %eq3A_99 : vector<32x32xi32>
      %broadcast_in_dim3A_101 = vector.shape_cast %broadcast_in_dim3A_93 : vector<32x1xi32> to vector<32x1xi32>
      %broadcast_in_dim3A_102 = vector.broadcast %broadcast_in_dim3A_101 : vector<32x1xi32> to vector<32x32xi32>
      %select_n3A_103 = arith.select %eq3A_100, %broadcast_in_dim3A_102, %scan3A_73 : vector<32x32xi1>, vector<32x32xi32>
      scf.yield %broadcast_in_dim3A_85, %broadcast_in_dim3A_93, %select_n3A_98, %select_n3A_103 : vector<32x1xf32>, vector<32x1xi32>, vector<32x32xf32>, vector<32x32xi32>
    }
    %scan3A_54 = arith.constant 32 : i32
    %slice3A = vector.extract_strided_slice %scan3A_53#3 {offsets = [0, 0], sizes = [32, 1], strides = [1, 1]} : vector<32x32xi32> to vector<32x1xi32>
    %gt3A = arith.constant 6.400000e-01 : f32
    %gt3A_55 = vector.broadcast %gt3A : f32 to vector<32x32xf32>
    %gt3A_56 = arith.cmpf ogt, %scan3A_53#2, %gt3A_55 : vector<32x32xf32>
    %broadcast_in_dim3A_57 = vector.shape_cast %slice3A : vector<32x1xi32> to vector<32x1xi32>
    %broadcast_in_dim3A_58 = vector.broadcast %broadcast_in_dim3A_57 : vector<32x1xi32> to vector<32x32xi32>
    %select_n3A = arith.select %gt3A_56, %broadcast_in_dim3A_58, %scan3A_53#3 : vector<32x32xi1>, vector<32x32xi32>
    %mul3A_59 = arith.constant 128 : i32
    %mul3A_60 = arith.muli %arg0, %mul3A_59 : i32
    %add3A_61 = vector.broadcast %mul3A_60 : i32 to vector<32x32xi32>
    %add3A_62 = arith.addi %select_n3A, %add3A_61 : vector<32x32xi32>
    %swap3A_63 = arith.constant 0 : index
    %swap3A_64 = arith.constant 0 : index
    %swap3A_65 = arith.constant 0 : index
    %swap3A_66 = vector.load %arg4[%swap3A_63, %swap3A_64, %swap3A_65] : memref<1x32x32xi32, #tpu.memory_space<vmem>>, vector<1x32x32xi32>
    %swap3A_67 = vector.shape_cast %swap3A_66 : vector<1x32x32xi32> to vector<32x32xi32>
    %swap3A_68 = vector.shape_cast %add3A_62 : vector<32x32xi32> to vector<1x32x32xi32>
    tpu.vector_store %arg4[%swap3A_63, %swap3A_64, %swap3A_65], %swap3A_68 {strides = array<i32>} : memref<1x32x32xi32, #tpu.memory_space<vmem>>, vector<1x32x32xi32>,
    return
  }
  func.func @transform_0(%arg0: i32, %arg1: i32) -> (i32, i32, i32) {
    %c0_i32 = arith.constant 0 : i32
    %c0_i32_0 = arith.constant 0 : i32
    return %arg0, %arg1, %c0_i32 : i32, i32, i32
  }
  func.func @transform_1(%arg0: i32, %arg1: i32) -> (i32, i32, i32) {
    %c0_i32 = arith.constant 0 : i32
    %c0_i32_0 = arith.constant 0 : i32
    %c0_i32_1 = arith.constant 0 : i32
    return %arg0, %c0_i32, %c0_i32_0 : i32, i32, i32
  }
  func.func @transform_2(%arg0: i32, %arg1: i32) -> (i32, i32, i32) {
    %c0_i32 = arith.constant 0 : i32
    %c0_i32_0 = arith.constant 0 : i32
    return %arg0, %arg1, %c0_i32 : i32, i32, i32
  }
}

module attributes {stable_mosaic.version = 14 : i64} {
  func.func @body(%arg0: i32, %arg1: memref<512x384xf32, #tpu.memory_space<vmem>>, %arg2: memref<384x256xf32, #tpu.memory_space<vmem>>, %arg3: memref<512x256xf32, #tpu.memory_space<vmem>>) attributes {dimension_semantics = [#tpu.dimension_semantics<arbitrary>], iteration_bounds = array<i64: 16>, scalar_prefetch = 0 : i64, scratch_operands = 0 : i64, tpu.core_type = #tpu.core_type<tc>, window_params = [{transform_indices = @transform_0, window_bounds = array<i64: 512, 384>}, {pipeline_mode = #tpu.pipeline_mode<synchronous>, transform_indices = @transform_1, window_bounds = array<i64: 384, 256>}, {transform_indices = @transform_2, window_bounds = array<i64: 512, 256>}]} {
    %get3A = arith.constant 0 : index
    %get3A_0 = arith.constant 0 : index
    %get3A_1 = vector.load %arg1[%get3A, %get3A_0] : memref<512x384xf32, #tpu.memory_space<vmem>>, vector<512x384xf32>
    %get3A_2 = arith.constant 0 : index
    %get3A_3 = arith.constant 0 : index
    %get3A_4 = vector.load %arg2[%get3A_2, %get3A_3] : memref<384x256xf32, #tpu.memory_space<vmem>>, vector<384x256xf32>
    %dot_general3A = arith.constant dense<0.000000e+00> : vector<512x256xf32>
    %dot_general3A_5 = tpu.matmul %get3A_1, %get3A_4, %dot_general3A {dimension_numbers = #tpu.dot_dimension_numbers<[1], [0], [0], [1], [0, 0, 1, 1], [], []>, transpose_lhs_hint = false} : vector<512x384xf32>, vector<384x256xf32>, vector<512x256xf32> -> vector<512x256xf32>
    %swap3A = arith.constant 0 : index
    %swap3A_6 = arith.constant 0 : index
    %swap3A_7 = vector.load %arg3[%swap3A, %swap3A_6] : memref<512x256xf32, #tpu.memory_space<vmem>>, vector<512x256xf32>
    tpu.vector_store %arg3[%swap3A, %swap3A_6], %dot_general3A_5 {strides = array<i32>} : memref<512x256xf32, #tpu.memory_space<vmem>>, vector<512x256xf32>,
    return
  }
  func.func @transform_0(%arg0: i32) -> (i32, i32) {
    %c0_i32 = arith.constant 0 : i32
    %c0_i32_0 = arith.constant 0 : i32
    return %arg0, %c0_i32 : i32, i32
  }
  func.func @transform_1(%arg0: i32) -> (i32, i32) {
    %c0_i32 = arith.constant 0 : i32
    %c0_i32_0 = arith.constant 0 : i32
    %c0_i32_1 = arith.constant 0 : i32
    return %c0_i32, %c0_i32_0 : i32, i32
  }
  func.func @transform_2(%arg0: i32) -> (i32, i32) {
    %c0_i32 = arith.constant 0 : i32
    %c0_i32_0 = arith.constant 0 : i32
    return %arg0, %c0_i32 : i32, i32
  }
}

module attributes {stable_mosaic.version = 14 : i64} {
  func.func @body(%arg0: memref<256x256xf32, #tpu.memory_space<vmem>>, %arg1: memref<256x256xf32, #tpu.memory_space<vmem>>, %arg2: memref<256x1024xf32, #tpu.memory_space<vmem>>, %arg3: memref<1x1024xf32, #tpu.memory_space<vmem>>, %arg4: memref<1x1024xf32, #tpu.memory_space<vmem>>, %arg5: memref<1024x256xf32, #tpu.memory_space<vmem>>, %arg6: memref<1x256xf32, #tpu.memory_space<vmem>>, %arg7: memref<1x256xf32, #tpu.memory_space<vmem>>, %arg8: memref<256x256xf32, #tpu.memory_space<vmem>>) attributes {dimension_semantics = [], scalar_prefetch = 0 : i64, scratch_operands = 0 : i64, tpu.core_type = #tpu.core_type<tc>} {
    %get3A = arith.constant 0 : index
    %get3A_0 = arith.constant 0 : index
    %get3A_1 = vector.load %arg0[%get3A, %get3A_0] : memref<256x256xf32, #tpu.memory_space<vmem>>, vector<256x256xf32>
    %get3A_2 = arith.constant 0 : index
    %get3A_3 = arith.constant 0 : index
    %get3A_4 = vector.load %arg2[%get3A_2, %get3A_3] : memref<256x1024xf32, #tpu.memory_space<vmem>>, vector<256x1024xf32>
    %dot_general3A = arith.constant dense<0.000000e+00> : vector<256x1024xf32>
    %dot_general3A_5 = tpu.matmul %get3A_1, %get3A_4, %dot_general3A {dimension_numbers = #tpu.dot_dimension_numbers<[1], [0], [0], [1], [0, 0, 1, 1], [], []>, transpose_lhs_hint = false} : vector<256x256xf32>, vector<256x1024xf32>, vector<256x1024xf32> -> vector<256x1024xf32>
    %reduce_sum3A = arith.constant dense<0.000000e+00> : vector<1024xf32>
    %reduce_sum3A_6 = vector.multi_reduction <add>, %dot_general3A_5, %reduce_sum3A [0] : vector<256x1024xf32> to vector<1024xf32>
    %broadcast_in_dim3A = vector.shape_cast %reduce_sum3A_6 : vector<1024xf32> to vector<1x1024xf32>
    %div3A = arith.constant 2.560000e+02 : f32
    %div3A_7 = vector.broadcast %div3A : f32 to vector<1x1024xf32>
    %div3A_8 = arith.divf %broadcast_in_dim3A, %div3A_7 : vector<1x1024xf32>
    %sub3A = vector.broadcast %div3A_8 : vector<1x1024xf32> to vector<256x1024xf32>
    %sub3A_9 = arith.subf %dot_general3A_5, %sub3A : vector<256x1024xf32>
    %sub3A_10 = vector.broadcast %div3A_8 : vector<1x1024xf32> to vector<256x1024xf32>
    %sub3A_11 = arith.subf %dot_general3A_5, %sub3A_10 : vector<256x1024xf32>
    %mul3A = arith.mulf %sub3A_9, %sub3A_11 : vector<256x1024xf32>
    %reduce_sum3A_12 = arith.constant dense<0.000000e+00> : vector<1024xf32>
    %reduce_sum3A_13 = vector.multi_reduction <add>, %mul3A, %reduce_sum3A_12 [0] : vector<256x1024xf32> to vector<1024xf32>
    %broadcast_in_dim3A_14 = vector.shape_cast %reduce_sum3A_13 : vector<1024xf32> to vector<1x1024xf32>
    %div3A_15 = arith.constant 2.560000e+02 : f32
    %div3A_16 = vector.broadcast %div3A_15 : f32 to vector<1x1024xf32>
    %div3A_17 = arith.divf %broadcast_in_dim3A_14, %div3A_16 : vector<1x1024xf32>
    %sub3A_18 = vector.broadcast %div3A_8 : vector<1x1024xf32> to vector<256x1024xf32>
    %sub3A_19 = arith.subf %dot_general3A_5, %sub3A_18 : vector<256x1024xf32>
    %add3A = arith.constant 9.99999974E-6 : f32
    %add3A_20 = vector.broadcast %add3A : f32 to vector<1x1024xf32>
    %add3A_21 = arith.addf %div3A_17, %add3A_20 : vector<1x1024xf32>
    %sqrt3A = math.sqrt %add3A_21 : vector<1x1024xf32>
    %div3A_22 = vector.broadcast %sqrt3A : vector<1x1024xf32> to vector<256x1024xf32>
    %div3A_23 = arith.divf %sub3A_19, %div3A_22 : vector<256x1024xf32>
    %get3A_24 = arith.constant 0 : index
    %get3A_25 = arith.constant 0 : index
    %get3A_26 = vector.load %arg3[%get3A_24, %get3A_25] : memref<1x1024xf32, #tpu.memory_space<vmem>>, vector<1x1024xf32>
    %mul3A_27 = vector.broadcast %get3A_26 : vector<1x1024xf32> to vector<256x1024xf32>
    %mul3A_28 = arith.mulf %div3A_23, %mul3A_27 : vector<256x1024xf32>
    %get3A_29 = arith.constant 0 : index
    %get3A_30 = arith.constant 0 : index
    %get3A_31 = vector.load %arg4[%get3A_29, %get3A_30] : memref<1x1024xf32, #tpu.memory_space<vmem>>, vector<1x1024xf32>
    %add3A_32 = vector.broadcast %get3A_31 : vector<1x1024xf32> to vector<256x1024xf32>
    %add3A_33 = arith.addf %mul3A_28, %add3A_32 : vector<256x1024xf32>
    %max3A = arith.constant 0.000000e+00 : f32
    %max3A_34 = vector.broadcast %max3A : f32 to vector<256x1024xf32>
    %max3A_35 = arith.maximumf %add3A_33, %max3A_34 : vector<256x1024xf32>
    %get3A_36 = arith.constant 0 : index
    %get3A_37 = arith.constant 0 : index
    %get3A_38 = vector.load %arg5[%get3A_36, %get3A_37] : memref<1024x256xf32, #tpu.memory_space<vmem>>, vector<1024x256xf32>
    %dot_general3A_39 = arith.constant dense<0.000000e+00> : vector<256x256xf32>
    %dot_general3A_40 = tpu.matmul %max3A_35, %get3A_38, %dot_general3A_39 {dimension_numbers = #tpu.dot_dimension_numbers<[1], [0], [0], [1], [0, 0, 1, 1], [], []>, transpose_lhs_hint = false} : vector<256x1024xf32>, vector<1024x256xf32>, vector<256x256xf32> -> vector<256x256xf32>
    %reduce_sum3A_41 = arith.constant dense<0.000000e+00> : vector<256xf32>
    %reduce_sum3A_42 = vector.multi_reduction <add>, %dot_general3A_40, %reduce_sum3A_41 [0] : vector<256x256xf32> to vector<256xf32>
    %broadcast_in_dim3A_43 = vector.shape_cast %reduce_sum3A_42 : vector<256xf32> to vector<1x256xf32>
    %div3A_44 = arith.constant 2.560000e+02 : f32
    %div3A_45 = vector.broadcast %div3A_44 : f32 to vector<1x256xf32>
    %div3A_46 = arith.divf %broadcast_in_dim3A_43, %div3A_45 : vector<1x256xf32>
    %sub3A_47 = vector.broadcast %div3A_46 : vector<1x256xf32> to vector<256x256xf32>
    %sub3A_48 = arith.subf %dot_general3A_40, %sub3A_47 : vector<256x256xf32>
    %sub3A_49 = vector.broadcast %div3A_46 : vector<1x256xf32> to vector<256x256xf32>
    %sub3A_50 = arith.subf %dot_general3A_40, %sub3A_49 : vector<256x256xf32>
    %mul3A_51 = arith.mulf %sub3A_48, %sub3A_50 : vector<256x256xf32>
    %reduce_sum3A_52 = arith.constant dense<0.000000e+00> : vector<256xf32>
    %reduce_sum3A_53 = vector.multi_reduction <add>, %mul3A_51, %reduce_sum3A_52 [0] : vector<256x256xf32> to vector<256xf32>
    %broadcast_in_dim3A_54 = vector.shape_cast %reduce_sum3A_53 : vector<256xf32> to vector<1x256xf32>
    %div3A_55 = arith.constant 2.560000e+02 : f32
    %div3A_56 = vector.broadcast %div3A_55 : f32 to vector<1x256xf32>
    %div3A_57 = arith.divf %broadcast_in_dim3A_54, %div3A_56 : vector<1x256xf32>
    %sub3A_58 = vector.broadcast %div3A_46 : vector<1x256xf32> to vector<256x256xf32>
    %sub3A_59 = arith.subf %dot_general3A_40, %sub3A_58 : vector<256x256xf32>
    %add3A_60 = arith.constant 9.99999974E-6 : f32
    %add3A_61 = vector.broadcast %add3A_60 : f32 to vector<1x256xf32>
    %add3A_62 = arith.addf %div3A_57, %add3A_61 : vector<1x256xf32>
    %sqrt3A_63 = math.sqrt %add3A_62 : vector<1x256xf32>
    %div3A_64 = vector.broadcast %sqrt3A_63 : vector<1x256xf32> to vector<256x256xf32>
    %div3A_65 = arith.divf %sub3A_59, %div3A_64 : vector<256x256xf32>
    %get3A_66 = arith.constant 0 : index
    %get3A_67 = arith.constant 0 : index
    %get3A_68 = vector.load %arg6[%get3A_66, %get3A_67] : memref<1x256xf32, #tpu.memory_space<vmem>>, vector<1x256xf32>
    %mul3A_69 = vector.broadcast %get3A_68 : vector<1x256xf32> to vector<256x256xf32>
    %mul3A_70 = arith.mulf %div3A_65, %mul3A_69 : vector<256x256xf32>
    %get3A_71 = arith.constant 0 : index
    %get3A_72 = arith.constant 0 : index
    %get3A_73 = vector.load %arg7[%get3A_71, %get3A_72] : memref<1x256xf32, #tpu.memory_space<vmem>>, vector<1x256xf32>
    %add3A_74 = vector.broadcast %get3A_73 : vector<1x256xf32> to vector<256x256xf32>
    %add3A_75 = arith.addf %mul3A_70, %add3A_74 : vector<256x256xf32>
    %get3A_76 = arith.constant 0 : index
    %get3A_77 = arith.constant 0 : index
    %get3A_78 = vector.load %arg1[%get3A_76, %get3A_77] : memref<256x256xf32, #tpu.memory_space<vmem>>, vector<256x256xf32>
    %add3A_79 = arith.addf %add3A_75, %get3A_78 : vector<256x256xf32>
    %max3A_80 = arith.constant 0.000000e+00 : f32
    %max3A_81 = vector.broadcast %max3A_80 : f32 to vector<256x256xf32>
    %max3A_82 = arith.maximumf %add3A_79, %max3A_81 : vector<256x256xf32>
    %swap3A = arith.constant 0 : index
    %swap3A_83 = arith.constant 0 : index
    %swap3A_84 = vector.load %arg8[%swap3A, %swap3A_83] : memref<256x256xf32, #tpu.memory_space<vmem>>, vector<256x256xf32>
    tpu.vector_store %arg8[%swap3A, %swap3A_83], %max3A_82 {strides = array<i32>} : memref<256x256xf32, #tpu.memory_space<vmem>>, vector<256x256xf32>,
    return
  }
}

module attributes {stable_mosaic.version = 14 : i64} {
  func.func @body(%arg0: i32, %arg1: i32, %arg2: memref<1x32x3xf32, #tpu.memory_space<vmem>>, %arg3: memref<1x3x32xf32, #tpu.memory_space<vmem>>, %arg4: memref<1x32x32xi32, #tpu.memory_space<vmem>>, %arg5: memref<32x32xf32, #tpu.memory_space<vmem>>) attributes {dimension_semantics = [#tpu.dimension_semantics<arbitrary>, #tpu.dimension_semantics<arbitrary>], iteration_bounds = array<i64: 2, 1>, scalar_prefetch = 0 : i64, scratch_operands = 1 : i64, tpu.core_type = #tpu.core_type<tc>, window_params = [{transform_indices = @transform_0, window_bounds = array<i64: 1, 32, 3>}, {transform_indices = @transform_1, window_bounds = array<i64: 1, 3, 32>}, {transform_indices = @transform_2, window_bounds = array<i64: 1, 32, 32>}]} {
    %get3A = arith.constant 0 : index
    %get3A_0 = arith.constant 0 : index
    %get3A_1 = arith.constant 0 : index
    %get3A_2 = vector.load %arg2[%get3A, %get3A_0, %get3A_1] : memref<1x32x3xf32, #tpu.memory_space<vmem>>, vector<1x32x1xf32>
    %get3A_3 = vector.shape_cast %get3A_2 : vector<1x32x1xf32> to vector<32x1xf32>
    %get3A_4 = arith.constant 0 : index
    %get3A_5 = arith.constant 0 : index
    %get3A_6 = arith.constant 1 : index
    %get3A_7 = vector.load %arg2[%get3A_4, %get3A_5, %get3A_6] : memref<1x32x3xf32, #tpu.memory_space<vmem>>, vector<1x32x1xf32>
    %get3A_8 = vector.shape_cast %get3A_7 : vector<1x32x1xf32> to vector<32x1xf32>
    %get3A_9 = arith.constant 0 : index
    %get3A_10 = arith.constant 0 : index
    %get3A_11 = arith.constant 2 : index
    %get3A_12 = vector.load %arg2[%get3A_9, %get3A_10, %get3A_11] : memref<1x32x3xf32, #tpu.memory_space<vmem>>, vector<1x32x1xf32>
    %get3A_13 = vector.shape_cast %get3A_12 : vector<1x32x1xf32> to vector<32x1xf32>
    %get3A_14 = arith.constant 0 : index
    %get3A_15 = arith.constant 0 : index
    %get3A_16 = arith.constant 0 : index
    %get3A_17 = vector.load %arg3[%get3A_14, %get3A_15, %get3A_16] : memref<1x3x32xf32, #tpu.memory_space<vmem>>, vector<1x1x32xf32>
    %get3A_18 = vector.shape_cast %get3A_17 : vector<1x1x32xf32> to vector<1x32xf32>
    %get3A_19 = arith.constant 0 : index
    %get3A_20 = arith.constant 1 : index
    %get3A_21 = arith.constant 0 : index
    %get3A_22 = vector.load %arg3[%get3A_19, %get3A_20, %get3A_21] : memref<1x3x32xf32, #tpu.memory_space<vmem>>, vector<1x1x32xf32>
    %get3A_23 = vector.shape_cast %get3A_22 : vector<1x1x32xf32> to vector<1x32xf32>
    %get3A_24 = arith.constant 0 : index
    %get3A_25 = arith.constant 2 : index
    %get3A_26 = arith.constant 0 : index
    %get3A_27 = vector.load %arg3[%get3A_24, %get3A_25, %get3A_26] : memref<1x3x32xf32, #tpu.memory_space<vmem>>, vector<1x1x32xf32>
    %get3A_28 = vector.shape_cast %get3A_27 : vector<1x1x32xf32> to vector<1x32xf32>
    %sub3A = vector.broadcast %get3A_3 : vector<32x1xf32> to vector<32x32xf32>
    %sub3A_29 = vector.broadcast %get3A_18 : vector<1x32xf32> to vector<32x32xf32>
    %sub3A_30 = arith.subf %sub3A, %sub3A_29 : vector<32x32xf32>
    %sub3A_31 = vector.broadcast %get3A_8 : vector<32x1xf32> to vector<32x32xf32>
    %sub3A_32 = vector.broadcast %get3A_23 : vector<1x32xf32> to vector<32x32xf32>
    %sub3A_33 = arith.subf %sub3A_31, %sub3A_32 : vector<32x32xf32>
    %sub3A_34 = vector.broadcast %get3A_13 : vector<32x1xf32> to vector<32x32xf32>
    %sub3A_35 = vector.broadcast %get3A_28 : vector<1x32xf32> to vector<32x32xf32>
    %sub3A_36 = arith.subf %sub3A_34, %sub3A_35 : vector<32x32xf32>
    %mul3A = arith.mulf %sub3A_30, %sub3A_30 : vector<32x32xf32>
    %mul3A_37 = arith.mulf %sub3A_33, %sub3A_33 : vector<32x32xf32>
    %add3A = arith.addf %mul3A, %mul3A_37 : vector<32x32xf32>
    %mul3A_38 = arith.mulf %sub3A_36, %sub3A_36 : vector<32x32xf32>
    %add3A_39 = arith.addf %add3A, %mul3A_38 : vector<32x32xf32>
    %swap3A = arith.constant 0 : index
    %swap3A_40 = arith.constant 0 : index
    %swap3A_41 = vector.load %arg5[%swap3A, %swap3A_40] : memref<32x32xf32, #tpu.memory_space<vmem>>, vector<32x32xf32>
    tpu.vector_store %arg5[%swap3A, %swap3A_40], %add3A_39 {strides = array<i32>} : memref<32x32xf32, #tpu.memory_space<vmem>>, vector<32x32xf32>,
    %iota3A = tpu.iota {dimensions = array<i32: 1>} : vector<32x32xi32>
    %iota3A_42 = tpu.iota {dimensions = array<i32: 1>} : vector<32x32xi32>
    %broadcast_in_dim3A = arith.constant 0xFF800000 : f32
    %broadcast_in_dim3A_43 = vector.broadcast %broadcast_in_dim3A : f32 to vector<32x1xf32>
    %broadcast_in_dim3A_44 = arith.constant -1 : i32
    %broadcast_in_dim3A_45 = vector.broadcast %broadcast_in_dim3A_44 : i32 to vector<32x1xi32>
    %broadcast_in_dim3A_46 = arith.constant 0.000000e+00 : f32
    %broadcast_in_dim3A_47 = vector.broadcast %broadcast_in_dim3A_46 : f32 to vector<32x32xf32>
    %broadcast_in_dim3A_48 = arith.constant 0 : i32
    %broadcast_in_dim3A_49 = vector.broadcast %broadcast_in_dim3A_48 : i32 to vector<32x32xi32>
    %scan3A = arith.constant 0 : i32
    %scan3A_50 = arith.constant 32 : i32
    %scan3A_51 = arith.addi %scan3A, %scan3A_50 : i32
    %scan3A_52 = arith.constant 1 : i32
    %scan3A_53:4 = scf.for %scan3A_69 = %scan3A to %scan3A_51 step %scan3A_52 iter_args(%scan3A_70 = %broadcast_in_dim3A_43, %scan3A_71 = %broadcast_in_dim3A_45, %scan3A_72 = %broadcast_in_dim3A_47, %scan3A_73 = %broadcast_in_dim3A_49) -> (vector<32x1xf32>, vector<32x1xi32>, vector<32x32xf32>, vector<32x32xi32>)  : i32 {
      %get3A_74 = arith.constant 0 : index
      %get3A_75 = arith.constant 0 : index
      %get3A_76 = vector.load %arg5[%get3A_74, %get3A_75] : memref<32x32xf32, #tpu.memory_space<vmem>>, vector<32x32xf32>
      %gt3A_77 = vector.broadcast %scan3A_70 : vector<32x1xf32> to vector<32x32xf32>
      %gt3A_78 = arith.cmpf ogt, %get3A_76, %gt3A_77 : vector<32x32xf32>
      %eq3A = vector.broadcast %scan3A_70 : vector<32x1xf32> to vector<32x32xf32>
      %eq3A_79 = arith.cmpf oeq, %get3A_76, %eq3A : vector<32x32xf32>
      %gt3A_80 = vector.broadcast %scan3A_71 : vector<32x1xi32> to vector<32x32xi32>
      %gt3A_81 = arith.cmpi sgt, %iota3A, %gt3A_80 : vector<32x32xi32>
      %and3A = arith.andi %eq3A_79, %gt3A_81 : vector<32x32xi1>
      %or3A = arith.ori %gt3A_78, %and3A : vector<32x32xi1>
      %jit3A = arith.constant 0x7F800000 : f32
      %broadcast_in_dim3A_82 = vector.broadcast %jit3A : f32 to vector<32x32xf32>
      %select_n3A_83 = arith.select %or3A, %get3A_76, %broadcast_in_dim3A_82 : vector<32x32xi1>, vector<32x32xf32>
      %reduce_min3A = arith.constant dense<0x7F800000> : vector<32xf32>
      %reduce_min3A_84 = vector.multi_reduction <minimumf>, %select_n3A_83, %reduce_min3A [1] : vector<32x32xf32> to vector<32xf32>
      %broadcast_in_dim3A_85 = vector.shape_cast %reduce_min3A_84 : vector<32xf32> to vector<32x1xf32>
      %eq3A_86 = vector.broadcast %broadcast_in_dim3A_85 : vector<32x1xf32> to vector<32x32xf32>
      %eq3A_87 = arith.cmpf oeq, %select_n3A_83, %eq3A_86 : vector<32x32xf32>
      %jit3A_88 = arith.constant 32 : i32
      %broadcast_in_dim3A_89 = vector.broadcast %jit3A_88 : i32 to vector<32x32xi32>
      %select_n3A_90 = arith.select %eq3A_87, %iota3A, %broadcast_in_dim3A_89 : vector<32x32xi1>, vector<32x32xi32>
      %reduce_min3A_91 = arith.constant dense<2147483647> : vector<32xi32>
      %reduce_min3A_92 = vector.multi_reduction <minsi>, %select_n3A_90, %reduce_min3A_91 [1] : vector<32x32xi32> to vector<32xi32>
      %broadcast_in_dim3A_93 = vector.shape_cast %reduce_min3A_92 : vector<32xi32> to vector<32x1xi32>
      %eq3A_94 = vector.broadcast %scan3A_69 : i32 to vector<32x32xi32>
      %eq3A_95 = arith.cmpi eq, %iota3A_42, %eq3A_94 : vector<32x32xi32>
      %broadcast_in_dim3A_96 = vector.shape_cast %broadcast_in_dim3A_85 : vector<32x1xf32> to vector<32x1xf32>
      %broadcast_in_dim3A_97 = vector.broadcast %broadcast_in_dim3A_96 : vector<32x1xf32> to vector<32x32xf32>
      %select_n3A_98 = arith.select %eq3A_95, %broadcast_in_dim3A_97, %scan3A_72 : vector<32x32xi1>, vector<32x32xf32>
      %eq3A_99 = vector.broadcast %scan3A_69 : i32 to vector<32x32xi32>
      %eq3A_100 = arith.cmpi eq, %iota3A_42, %eq3A_99 : vector<32x32xi32>
      %broadcast_in_dim3A_101 = vector.shape_cast %broadcast_in_dim3A_93 : vector<32x1xi32> to vector<32x1xi32>
      %broadcast_in_dim3A_102 = vector.broadcast %broadcast_in_dim3A_101 : vector<32x1xi32> to vector<32x32xi32>
      %select_n3A_103 = arith.select %eq3A_100, %broadcast_in_dim3A_102, %scan3A_73 : vector<32x32xi1>, vector<32x32xi32>
      scf.yield %broadcast_in_dim3A_85, %broadcast_in_dim3A_93, %select_n3A_98, %select_n3A_103 : vector<32x1xf32>, vector<32x1xi32>, vector<32x32xf32>, vector<32x32xi32>
    }
    %scan3A_54 = arith.constant 32 : i32
    %slice3A = vector.extract_strided_slice %scan3A_53#3 {offsets = [0, 0], sizes = [32, 1], strides = [1, 1]} : vector<32x32xi32> to vector<32x1xi32>
    %gt3A = arith.constant 2.560000e+00 : f32
    %gt3A_55 = vector.broadcast %gt3A : f32 to vector<32x32xf32>
    %gt3A_56 = arith.cmpf ogt, %scan3A_53#2, %gt3A_55 : vector<32x32xf32>
    %broadcast_in_dim3A_57 = vector.shape_cast %slice3A : vector<32x1xi32> to vector<32x1xi32>
    %broadcast_in_dim3A_58 = vector.broadcast %broadcast_in_dim3A_57 : vector<32x1xi32> to vector<32x32xi32>
    %select_n3A = arith.select %gt3A_56, %broadcast_in_dim3A_58, %scan3A_53#3 : vector<32x32xi1>, vector<32x32xi32>
    %mul3A_59 = arith.constant 32 : i32
    %mul3A_60 = arith.muli %arg0, %mul3A_59 : i32
    %add3A_61 = vector.broadcast %mul3A_60 : i32 to vector<32x32xi32>
    %add3A_62 = arith.addi %select_n3A, %add3A_61 : vector<32x32xi32>
    %swap3A_63 = arith.constant 0 : index
    %swap3A_64 = arith.constant 0 : index
    %swap3A_65 = arith.constant 0 : index
    %swap3A_66 = vector.load %arg4[%swap3A_63, %swap3A_64, %swap3A_65] : memref<1x32x32xi32, #tpu.memory_space<vmem>>, vector<1x32x32xi32>
    %swap3A_67 = vector.shape_cast %swap3A_66 : vector<1x32x32xi32> to vector<32x32xi32>
    %swap3A_68 = vector.shape_cast %add3A_62 : vector<32x32xi32> to vector<1x32x32xi32>
    tpu.vector_store %arg4[%swap3A_63, %swap3A_64, %swap3A_65], %swap3A_68 {strides = array<i32>} : memref<1x32x32xi32, #tpu.memory_space<vmem>>, vector<1x32x32xi32>,
    return
  }
  func.func @transform_0(%arg0: i32, %arg1: i32) -> (i32, i32, i32) {
    %c0_i32 = arith.constant 0 : i32
    %c0_i32_0 = arith.constant 0 : i32
    return %arg0, %arg1, %c0_i32 : i32, i32, i32
  }
  func.func @transform_1(%arg0: i32, %arg1: i32) -> (i32, i32, i32) {
    %c0_i32 = arith.constant 0 : i32
    %c0_i32_0 = arith.constant 0 : i32
    %c0_i32_1 = arith.constant 0 : i32
    return %arg0, %c0_i32, %c0_i32_0 : i32, i32, i32
  }
  func.func @transform_2(%arg0: i32, %arg1: i32) -> (i32, i32, i32) {
    %c0_i32 = arith.constant 0 : i32
    %c0_i32_0 = arith.constant 0 : i32
    return %arg0, %arg1, %c0_i32 : i32, i32, i32
  }
}

module attributes {stable_mosaic.version = 14 : i64} {
  func.func @body(%arg0: i32, %arg1: memref<512x384xf32, #tpu.memory_space<vmem>>, %arg2: memref<384x512xf32, #tpu.memory_space<vmem>>, %arg3: memref<512x512xf32, #tpu.memory_space<vmem>>) attributes {dimension_semantics = [#tpu.dimension_semantics<arbitrary>], iteration_bounds = array<i64: 4>, scalar_prefetch = 0 : i64, scratch_operands = 0 : i64, tpu.core_type = #tpu.core_type<tc>, window_params = [{transform_indices = @transform_0, window_bounds = array<i64: 512, 384>}, {pipeline_mode = #tpu.pipeline_mode<synchronous>, transform_indices = @transform_1, window_bounds = array<i64: 384, 512>}, {transform_indices = @transform_2, window_bounds = array<i64: 512, 512>}]} {
    %get3A = arith.constant 0 : index
    %get3A_0 = arith.constant 0 : index
    %get3A_1 = vector.load %arg1[%get3A, %get3A_0] : memref<512x384xf32, #tpu.memory_space<vmem>>, vector<512x384xf32>
    %get3A_2 = arith.constant 0 : index
    %get3A_3 = arith.constant 0 : index
    %get3A_4 = vector.load %arg2[%get3A_2, %get3A_3] : memref<384x512xf32, #tpu.memory_space<vmem>>, vector<384x512xf32>
    %dot_general3A = arith.constant dense<0.000000e+00> : vector<512x512xf32>
    %dot_general3A_5 = tpu.matmul %get3A_1, %get3A_4, %dot_general3A {dimension_numbers = #tpu.dot_dimension_numbers<[1], [0], [0], [1], [0, 0, 1, 1], [], []>, transpose_lhs_hint = false} : vector<512x384xf32>, vector<384x512xf32>, vector<512x512xf32> -> vector<512x512xf32>
    %swap3A = arith.constant 0 : index
    %swap3A_6 = arith.constant 0 : index
    %swap3A_7 = vector.load %arg3[%swap3A, %swap3A_6] : memref<512x512xf32, #tpu.memory_space<vmem>>, vector<512x512xf32>
    tpu.vector_store %arg3[%swap3A, %swap3A_6], %dot_general3A_5 {strides = array<i32>} : memref<512x512xf32, #tpu.memory_space<vmem>>, vector<512x512xf32>,
    return
  }
  func.func @transform_0(%arg0: i32) -> (i32, i32) {
    %c0_i32 = arith.constant 0 : i32
    %c0_i32_0 = arith.constant 0 : i32
    return %arg0, %c0_i32 : i32, i32
  }
  func.func @transform_1(%arg0: i32) -> (i32, i32) {
    %c0_i32 = arith.constant 0 : i32
    %c0_i32_0 = arith.constant 0 : i32
    %c0_i32_1 = arith.constant 0 : i32
    return %c0_i32, %c0_i32_0 : i32, i32
  }
  func.func @transform_2(%arg0: i32) -> (i32, i32) {
    %c0_i32 = arith.constant 0 : i32
    %c0_i32_0 = arith.constant 0 : i32
    return %arg0, %c0_i32 : i32, i32
  }
}

module attributes {stable_mosaic.version = 14 : i64} {
  func.func @body_plain(%arg0: i32, %arg1: memref<512x512xf32, #tpu.memory_space<vmem>>, %arg2: memref<1x512xf32, #tpu.memory_space<vmem>>) attributes {dimension_semantics = [#tpu.dimension_semantics<arbitrary>], iteration_bounds = array<i64: 4>, scalar_prefetch = 0 : i64, scratch_operands = 0 : i64, tpu.core_type = #tpu.core_type<tc>, window_params = [{transform_indices = @transform_0, window_bounds = array<i64: 512, 512>}, {pipeline_mode = #tpu.pipeline_mode<synchronous>, transform_indices = @transform_1, window_bounds = array<i64: 1, 512>}]} {
    %eq3A = arith.constant 0 : i32
    %eq3A_0 = arith.cmpi eq, %arg0, %eq3A : i32
    %convert_element_type3A = arith.extui %eq3A_0 : i1 to i32
    %cond3A = arith.constant 0 : i32
    %cond3A_1 = arith.cmpi ne, %convert_element_type3A, %cond3A : i32
    scf.if %cond3A_1 {
      %broadcast_in_dim3A_10 = arith.constant 0.000000e+00 : f32
      %broadcast_in_dim3A_11 = vector.broadcast %broadcast_in_dim3A_10 : f32 to vector<1x512xf32>
      %swap3A_12 = arith.constant 0 : index
      %swap3A_13 = arith.constant 0 : index
      %swap3A_14 = vector.load %arg2[%swap3A_12, %swap3A_13] : memref<1x512xf32, #tpu.memory_space<vmem>>, vector<1x512xf32>
      tpu.vector_store %arg2[%swap3A_12, %swap3A_13], %broadcast_in_dim3A_11 {strides = array<i32>} : memref<1x512xf32, #tpu.memory_space<vmem>>, vector<1x512xf32>,
    } else {
    }
    %get3A = arith.constant 0 : index
    %get3A_2 = arith.constant 0 : index
    %get3A_3 = vector.load %arg2[%get3A, %get3A_2] : memref<1x512xf32, #tpu.memory_space<vmem>>, vector<1x512xf32>
    %get3A_4 = arith.constant 0 : index
    %get3A_5 = arith.constant 0 : index
    %get3A_6 = vector.load %arg1[%get3A_4, %get3A_5] : memref<512x512xf32, #tpu.memory_space<vmem>>, vector<512x512xf32>
    %reduce_sum3A = arith.constant dense<0.000000e+00> : vector<512xf32>
    %reduce_sum3A_7 = vector.multi_reduction <add>, %get3A_6, %reduce_sum3A [0] : vector<512x512xf32> to vector<512xf32>
    %broadcast_in_dim3A = vector.shape_cast %reduce_sum3A_7 : vector<512xf32> to vector<1x512xf32>
    %add3A = arith.addf %get3A_3, %broadcast_in_dim3A : vector<1x512xf32>
    %swap3A = arith.constant 0 : index
    %swap3A_8 = arith.constant 0 : index
    %swap3A_9 = vector.load %arg2[%swap3A, %swap3A_8] : memref<1x512xf32, #tpu.memory_space<vmem>>, vector<1x512xf32>
    tpu.vector_store %arg2[%swap3A, %swap3A_8], %add3A {strides = array<i32>} : memref<1x512xf32, #tpu.memory_space<vmem>>, vector<1x512xf32>,
    return
  }
  func.func @transform_0(%arg0: i32) -> (i32, i32) {
    %c0_i32 = arith.constant 0 : i32
    %c0_i32_0 = arith.constant 0 : i32
    return %arg0, %c0_i32 : i32, i32
  }
  func.func @transform_1(%arg0: i32) -> (i32, i32) {
    %c0_i32 = arith.constant 0 : i32
    %c0_i32_0 = arith.constant 0 : i32
    %c0_i32_1 = arith.constant 0 : i32
    return %c0_i32, %c0_i32_0 : i32, i32
  }
}

module attributes {stable_mosaic.version = 14 : i64} {
  func.func @body(%arg0: i32, %arg1: memref<512x512xf32, #tpu.memory_space<vmem>>, %arg2: memref<1x512xf32, #tpu.memory_space<vmem>>, %arg3: memref<1x512xf32, #tpu.memory_space<vmem>>) attributes {dimension_semantics = [#tpu.dimension_semantics<arbitrary>], iteration_bounds = array<i64: 4>, scalar_prefetch = 0 : i64, scratch_operands = 0 : i64, tpu.core_type = #tpu.core_type<tc>, window_params = [{transform_indices = @transform_0, window_bounds = array<i64: 512, 512>}, {pipeline_mode = #tpu.pipeline_mode<synchronous>, transform_indices = @transform_1, window_bounds = array<i64: 1, 512>}, {pipeline_mode = #tpu.pipeline_mode<synchronous>, transform_indices = @transform_2, window_bounds = array<i64: 1, 512>}]} {
    %eq3A = arith.constant 0 : i32
    %eq3A_0 = arith.cmpi eq, %arg0, %eq3A : i32
    %convert_element_type3A = arith.extui %eq3A_0 : i1 to i32
    %cond3A = arith.constant 0 : i32
    %cond3A_1 = arith.cmpi ne, %convert_element_type3A, %cond3A : i32
    scf.if %cond3A_1 {
      %broadcast_in_dim3A_14 = arith.constant 0.000000e+00 : f32
      %broadcast_in_dim3A_15 = vector.broadcast %broadcast_in_dim3A_14 : f32 to vector<1x512xf32>
      %swap3A_16 = arith.constant 0 : index
      %swap3A_17 = arith.constant 0 : index
      %swap3A_18 = vector.load %arg3[%swap3A_16, %swap3A_17] : memref<1x512xf32, #tpu.memory_space<vmem>>, vector<1x512xf32>
      tpu.vector_store %arg3[%swap3A_16, %swap3A_17], %broadcast_in_dim3A_15 {strides = array<i32>} : memref<1x512xf32, #tpu.memory_space<vmem>>, vector<1x512xf32>,
    } else {
    }
    %get3A = arith.constant 0 : index
    %get3A_2 = arith.constant 0 : index
    %get3A_3 = vector.load %arg1[%get3A, %get3A_2] : memref<512x512xf32, #tpu.memory_space<vmem>>, vector<512x512xf32>
    %get3A_4 = arith.constant 0 : index
    %get3A_5 = arith.constant 0 : index
    %get3A_6 = vector.load %arg2[%get3A_4, %get3A_5] : memref<1x512xf32, #tpu.memory_space<vmem>>, vector<1x512xf32>
    %sub3A = vector.broadcast %get3A_6 : vector<1x512xf32> to vector<512x512xf32>
    %sub3A_7 = arith.subf %get3A_3, %sub3A : vector<512x512xf32>
    %get3A_8 = arith.constant 0 : index
    %get3A_9 = arith.constant 0 : index
    %get3A_10 = vector.load %arg3[%get3A_8, %get3A_9] : memref<1x512xf32, #tpu.memory_space<vmem>>, vector<1x512xf32>
    %mul3A = arith.mulf %sub3A_7, %sub3A_7 : vector<512x512xf32>
    %reduce_sum3A = arith.constant dense<0.000000e+00> : vector<512xf32>
    %reduce_sum3A_11 = vector.multi_reduction <add>, %mul3A, %reduce_sum3A [0] : vector<512x512xf32> to vector<512xf32>
    %broadcast_in_dim3A = vector.shape_cast %reduce_sum3A_11 : vector<512xf32> to vector<1x512xf32>
    %add3A = arith.addf %get3A_10, %broadcast_in_dim3A : vector<1x512xf32>
    %swap3A = arith.constant 0 : index
    %swap3A_12 = arith.constant 0 : index
    %swap3A_13 = vector.load %arg3[%swap3A, %swap3A_12] : memref<1x512xf32, #tpu.memory_space<vmem>>, vector<1x512xf32>
    tpu.vector_store %arg3[%swap3A, %swap3A_12], %add3A {strides = array<i32>} : memref<1x512xf32, #tpu.memory_space<vmem>>, vector<1x512xf32>,
    return
  }
  func.func @transform_0(%arg0: i32) -> (i32, i32) {
    %c0_i32 = arith.constant 0 : i32
    %c0_i32_0 = arith.constant 0 : i32
    return %arg0, %c0_i32 : i32, i32
  }
  func.func @transform_1(%arg0: i32) -> (i32, i32) {
    %c0_i32 = arith.constant 0 : i32
    %c0_i32_0 = arith.constant 0 : i32
    %c0_i32_1 = arith.constant 0 : i32
    return %c0_i32, %c0_i32_0 : i32, i32
  }
  func.func @transform_2(%arg0: i32) -> (i32, i32) {
    %c0_i32 = arith.constant 0 : i32
    %c0_i32_0 = arith.constant 0 : i32
    %c0_i32_1 = arith.constant 0 : i32
    return %c0_i32, %c0_i32_0 : i32, i32
  }
}

module attributes {stable_mosaic.version = 14 : i64} {
  func.func @body(%arg0: i32, %arg1: memref<64x32x512xf32, #tpu.memory_space<vmem>>, %arg2: memref<1x512xf32, #tpu.memory_space<vmem>>, %arg3: memref<1x512xf32, #tpu.memory_space<vmem>>, %arg4: memref<1x512xf32, #tpu.memory_space<vmem>>, %arg5: memref<1x512xf32, #tpu.memory_space<vmem>>, %arg6: memref<64x512xf32, #tpu.memory_space<vmem>>) attributes {dimension_semantics = [#tpu.dimension_semantics<arbitrary>], iteration_bounds = array<i64: 1>, scalar_prefetch = 0 : i64, scratch_operands = 0 : i64, tpu.core_type = #tpu.core_type<tc>, window_params = [{transform_indices = @transform_0, window_bounds = array<i64: 64, 32, 512>}, {pipeline_mode = #tpu.pipeline_mode<synchronous>, transform_indices = @transform_1, window_bounds = array<i64: 1, 512>}, {pipeline_mode = #tpu.pipeline_mode<synchronous>, transform_indices = @transform_2, window_bounds = array<i64: 1, 512>}, {pipeline_mode = #tpu.pipeline_mode<synchronous>, transform_indices = @transform_3, window_bounds = array<i64: 1, 512>}, {pipeline_mode = #tpu.pipeline_mode<synchronous>, transform_indices = @transform_4, window_bounds = array<i64: 1, 512>}, {transform_indices = @transform_5, window_bounds = array<i64: 64, 512>}]} {
    %get3A = arith.constant 0 : index
    %get3A_0 = arith.constant 0 : index
    %get3A_1 = vector.load %arg2[%get3A, %get3A_0] : memref<1x512xf32, #tpu.memory_space<vmem>>, vector<1x512xf32>
    %div3A = arith.constant 2.048000e+03 : f32
    %div3A_2 = vector.broadcast %div3A : f32 to vector<1x512xf32>
    %div3A_3 = arith.divf %get3A_1, %div3A_2 : vector<1x512xf32>
    %get3A_4 = arith.constant 0 : index
    %get3A_5 = arith.constant 0 : index
    %get3A_6 = vector.load %arg3[%get3A_4, %get3A_5] : memref<1x512xf32, #tpu.memory_space<vmem>>, vector<1x512xf32>
    %div3A_7 = arith.constant 2.048000e+03 : f32
    %div3A_8 = vector.broadcast %div3A_7 : f32 to vector<1x512xf32>
    %div3A_9 = arith.divf %get3A_6, %div3A_8 : vector<1x512xf32>
    %get3A_10 = arith.constant 0 : index
    %get3A_11 = arith.constant 0 : index
    %get3A_12 = arith.constant 0 : index
    %get3A_13 = vector.load %arg1[%get3A_10, %get3A_11, %get3A_12] : memref<64x32x512xf32, #tpu.memory_space<vmem>>, vector<64x32x512xf32>
    %broadcast_in_dim3A = vector.shape_cast %div3A_3 : vector<1x512xf32> to vector<1x1x512xf32>
    %sub3A = vector.broadcast %broadcast_in_dim3A : vector<1x1x512xf32> to vector<64x32x512xf32>
    %sub3A_14 = arith.subf %get3A_13, %sub3A : vector<64x32x512xf32>
    %broadcast_in_dim3A_15 = vector.shape_cast %div3A_9 : vector<1x512xf32> to vector<1x1x512xf32>
    %add3A = arith.constant 9.99999974E-6 : f32
    %add3A_16 = vector.broadcast %add3A : f32 to vector<1x1x512xf32>
    %add3A_17 = arith.addf %broadcast_in_dim3A_15, %add3A_16 : vector<1x1x512xf32>
    %sqrt3A = math.sqrt %add3A_17 : vector<1x1x512xf32>
    %div3A_18 = vector.broadcast %sqrt3A : vector<1x1x512xf32> to vector<64x32x512xf32>
    %div3A_19 = arith.divf %sub3A_14, %div3A_18 : vector<64x32x512xf32>
    %get3A_20 = arith.constant 0 : index
    %get3A_21 = arith.constant 0 : index
    %get3A_22 = vector.load %arg4[%get3A_20, %get3A_21] : memref<1x512xf32, #tpu.memory_space<vmem>>, vector<1x512xf32>
    %broadcast_in_dim3A_23 = vector.shape_cast %get3A_22 : vector<1x512xf32> to vector<1x1x512xf32>
    %mul3A = vector.broadcast %broadcast_in_dim3A_23 : vector<1x1x512xf32> to vector<64x32x512xf32>
    %mul3A_24 = arith.mulf %div3A_19, %mul3A : vector<64x32x512xf32>
    %get3A_25 = arith.constant 0 : index
    %get3A_26 = arith.constant 0 : index
    %get3A_27 = vector.load %arg5[%get3A_25, %get3A_26] : memref<1x512xf32, #tpu.memory_space<vmem>>, vector<1x512xf32>
    %broadcast_in_dim3A_28 = vector.shape_cast %get3A_27 : vector<1x512xf32> to vector<1x1x512xf32>
    %add3A_29 = vector.broadcast %broadcast_in_dim3A_28 : vector<1x1x512xf32> to vector<64x32x512xf32>
    %add3A_30 = arith.addf %mul3A_24, %add3A_29 : vector<64x32x512xf32>
    %max3A = arith.constant 0.000000e+00 : f32
    %max3A_31 = vector.broadcast %max3A : f32 to vector<64x32x512xf32>
    %max3A_32 = arith.maximumf %add3A_30, %max3A_31 : vector<64x32x512xf32>
    %reduce_max3A = arith.constant dense<0xFF800000> : vector<64x512xf32>
    %reduce_max3A_33 = vector.multi_reduction <maximumf>, %max3A_32, %reduce_max3A [1] : vector<64x32x512xf32> to vector<64x512xf32>
    %swap3A = arith.constant 0 : index
    %swap3A_34 = arith.constant 0 : index
    %swap3A_35 = vector.load %arg6[%swap3A, %swap3A_34] : memref<64x512xf32, #tpu.memory_space<vmem>>, vector<64x512xf32>
    tpu.vector_store %arg6[%swap3A, %swap3A_34], %reduce_max3A_33 {strides = array<i32>} : memref<64x512xf32, #tpu.memory_space<vmem>>, vector<64x512xf32>,
    return
  }
  func.func @transform_0(%arg0: i32) -> (i32, i32, i32) {
    %c0_i32 = arith.constant 0 : i32
    %c0_i32_0 = arith.constant 0 : i32
    %c0_i32_1 = arith.constant 0 : i32
    return %arg0, %c0_i32, %c0_i32_0 : i32, i32, i32
  }
  func.func @transform_1(%arg0: i32) -> (i32, i32) {
    %c0_i32 = arith.constant 0 : i32
    %c0_i32_0 = arith.constant 0 : i32
    %c0_i32_1 = arith.constant 0 : i32
    return %c0_i32, %c0_i32_0 : i32, i32
  }
  func.func @transform_2(%arg0: i32) -> (i32, i32) {
    %c0_i32 = arith.constant 0 : i32
    %c0_i32_0 = arith.constant 0 : i32
    %c0_i32_1 = arith.constant 0 : i32
    return %c0_i32, %c0_i32_0 : i32, i32
  }
  func.func @transform_3(%arg0: i32) -> (i32, i32) {
    %c0_i32 = arith.constant 0 : i32
    %c0_i32_0 = arith.constant 0 : i32
    %c0_i32_1 = arith.constant 0 : i32
    return %c0_i32, %c0_i32_0 : i32, i32
  }
  func.func @transform_4(%arg0: i32) -> (i32, i32) {
    %c0_i32 = arith.constant 0 : i32
    %c0_i32_0 = arith.constant 0 : i32
    %c0_i32_1 = arith.constant 0 : i32
    return %c0_i32, %c0_i32_0 : i32, i32
  }
  func.func @transform_5(%arg0: i32) -> (i32, i32) {
    %c0_i32 = arith.constant 0 : i32
    %c0_i32_0 = arith.constant 0 : i32
    return %arg0, %c0_i32 : i32, i32
  }
}

module attributes {stable_mosaic.version = 14 : i64} {
  func.func @body(%arg0: i32, %arg1: memref<512x640xf32, #tpu.memory_space<vmem>>, %arg2: memref<640x512xf32, #tpu.memory_space<vmem>>, %arg3: memref<512x512xf32, #tpu.memory_space<vmem>>) attributes {dimension_semantics = [#tpu.dimension_semantics<arbitrary>], iteration_bounds = array<i64: 4>, scalar_prefetch = 0 : i64, scratch_operands = 0 : i64, tpu.core_type = #tpu.core_type<tc>, window_params = [{transform_indices = @transform_0, window_bounds = array<i64: 512, 640>}, {pipeline_mode = #tpu.pipeline_mode<synchronous>, transform_indices = @transform_1, window_bounds = array<i64: 640, 512>}, {transform_indices = @transform_2, window_bounds = array<i64: 512, 512>}]} {
    %get3A = arith.constant 0 : index
    %get3A_0 = arith.constant 0 : index
    %get3A_1 = vector.load %arg1[%get3A, %get3A_0] : memref<512x640xf32, #tpu.memory_space<vmem>>, vector<512x640xf32>
    %get3A_2 = arith.constant 0 : index
    %get3A_3 = arith.constant 0 : index
    %get3A_4 = vector.load %arg2[%get3A_2, %get3A_3] : memref<640x512xf32, #tpu.memory_space<vmem>>, vector<640x512xf32>
    %dot_general3A = arith.constant dense<0.000000e+00> : vector<512x512xf32>
    %dot_general3A_5 = tpu.matmul %get3A_1, %get3A_4, %dot_general3A {dimension_numbers = #tpu.dot_dimension_numbers<[1], [0], [0], [1], [0, 0, 1, 1], [], []>, transpose_lhs_hint = false} : vector<512x640xf32>, vector<640x512xf32>, vector<512x512xf32> -> vector<512x512xf32>
    %swap3A = arith.constant 0 : index
    %swap3A_6 = arith.constant 0 : index
    %swap3A_7 = vector.load %arg3[%swap3A, %swap3A_6] : memref<512x512xf32, #tpu.memory_space<vmem>>, vector<512x512xf32>
    tpu.vector_store %arg3[%swap3A, %swap3A_6], %dot_general3A_5 {strides = array<i32>} : memref<512x512xf32, #tpu.memory_space<vmem>>, vector<512x512xf32>,
    return
  }
  func.func @transform_0(%arg0: i32) -> (i32, i32) {
    %c0_i32 = arith.constant 0 : i32
    %c0_i32_0 = arith.constant 0 : i32
    return %arg0, %c0_i32 : i32, i32
  }
  func.func @transform_1(%arg0: i32) -> (i32, i32) {
    %c0_i32 = arith.constant 0 : i32
    %c0_i32_0 = arith.constant 0 : i32
    %c0_i32_1 = arith.constant 0 : i32
    return %c0_i32, %c0_i32_0 : i32, i32
  }
  func.func @transform_2(%arg0: i32) -> (i32, i32) {
    %c0_i32 = arith.constant 0 : i32
    %c0_i32_0 = arith.constant 0 : i32
    return %arg0, %c0_i32 : i32, i32
  }
}

module attributes {stable_mosaic.version = 14 : i64} {
  func.func @body(%arg0: memref<64x512xf32, #tpu.memory_space<vmem>>, %arg1: memref<64x512xf32, #tpu.memory_space<vmem>>, %arg2: memref<512x2048xf32, #tpu.memory_space<vmem>>, %arg3: memref<1x2048xf32, #tpu.memory_space<vmem>>, %arg4: memref<1x2048xf32, #tpu.memory_space<vmem>>, %arg5: memref<2048x512xf32, #tpu.memory_space<vmem>>, %arg6: memref<1x512xf32, #tpu.memory_space<vmem>>, %arg7: memref<1x512xf32, #tpu.memory_space<vmem>>, %arg8: memref<64x512xf32, #tpu.memory_space<vmem>>) attributes {dimension_semantics = [], scalar_prefetch = 0 : i64, scratch_operands = 0 : i64, tpu.core_type = #tpu.core_type<tc>} {
    %get3A = arith.constant 0 : index
    %get3A_0 = arith.constant 0 : index
    %get3A_1 = vector.load %arg0[%get3A, %get3A_0] : memref<64x512xf32, #tpu.memory_space<vmem>>, vector<64x512xf32>
    %get3A_2 = arith.constant 0 : index
    %get3A_3 = arith.constant 0 : index
    %get3A_4 = vector.load %arg2[%get3A_2, %get3A_3] : memref<512x2048xf32, #tpu.memory_space<vmem>>, vector<512x2048xf32>
    %dot_general3A = arith.constant dense<0.000000e+00> : vector<64x2048xf32>
    %dot_general3A_5 = tpu.matmul %get3A_1, %get3A_4, %dot_general3A {dimension_numbers = #tpu.dot_dimension_numbers<[1], [0], [0], [1], [0, 0, 1, 1], [], []>, transpose_lhs_hint = false} : vector<64x512xf32>, vector<512x2048xf32>, vector<64x2048xf32> -> vector<64x2048xf32>
    %reduce_sum3A = arith.constant dense<0.000000e+00> : vector<2048xf32>
    %reduce_sum3A_6 = vector.multi_reduction <add>, %dot_general3A_5, %reduce_sum3A [0] : vector<64x2048xf32> to vector<2048xf32>
    %broadcast_in_dim3A = vector.shape_cast %reduce_sum3A_6 : vector<2048xf32> to vector<1x2048xf32>
    %div3A = arith.constant 6.400000e+01 : f32
    %div3A_7 = vector.broadcast %div3A : f32 to vector<1x2048xf32>
    %div3A_8 = arith.divf %broadcast_in_dim3A, %div3A_7 : vector<1x2048xf32>
    %sub3A = vector.broadcast %div3A_8 : vector<1x2048xf32> to vector<64x2048xf32>
    %sub3A_9 = arith.subf %dot_general3A_5, %sub3A : vector<64x2048xf32>
    %sub3A_10 = vector.broadcast %div3A_8 : vector<1x2048xf32> to vector<64x2048xf32>
    %sub3A_11 = arith.subf %dot_general3A_5, %sub3A_10 : vector<64x2048xf32>
    %mul3A = arith.mulf %sub3A_9, %sub3A_11 : vector<64x2048xf32>
    %reduce_sum3A_12 = arith.constant dense<0.000000e+00> : vector<2048xf32>
    %reduce_sum3A_13 = vector.multi_reduction <add>, %mul3A, %reduce_sum3A_12 [0] : vector<64x2048xf32> to vector<2048xf32>
    %broadcast_in_dim3A_14 = vector.shape_cast %reduce_sum3A_13 : vector<2048xf32> to vector<1x2048xf32>
    %div3A_15 = arith.constant 6.400000e+01 : f32
    %div3A_16 = vector.broadcast %div3A_15 : f32 to vector<1x2048xf32>
    %div3A_17 = arith.divf %broadcast_in_dim3A_14, %div3A_16 : vector<1x2048xf32>
    %sub3A_18 = vector.broadcast %div3A_8 : vector<1x2048xf32> to vector<64x2048xf32>
    %sub3A_19 = arith.subf %dot_general3A_5, %sub3A_18 : vector<64x2048xf32>
    %add3A = arith.constant 9.99999974E-6 : f32
    %add3A_20 = vector.broadcast %add3A : f32 to vector<1x2048xf32>
    %add3A_21 = arith.addf %div3A_17, %add3A_20 : vector<1x2048xf32>
    %sqrt3A = math.sqrt %add3A_21 : vector<1x2048xf32>
    %div3A_22 = vector.broadcast %sqrt3A : vector<1x2048xf32> to vector<64x2048xf32>
    %div3A_23 = arith.divf %sub3A_19, %div3A_22 : vector<64x2048xf32>
    %get3A_24 = arith.constant 0 : index
    %get3A_25 = arith.constant 0 : index
    %get3A_26 = vector.load %arg3[%get3A_24, %get3A_25] : memref<1x2048xf32, #tpu.memory_space<vmem>>, vector<1x2048xf32>
    %mul3A_27 = vector.broadcast %get3A_26 : vector<1x2048xf32> to vector<64x2048xf32>
    %mul3A_28 = arith.mulf %div3A_23, %mul3A_27 : vector<64x2048xf32>
    %get3A_29 = arith.constant 0 : index
    %get3A_30 = arith.constant 0 : index
    %get3A_31 = vector.load %arg4[%get3A_29, %get3A_30] : memref<1x2048xf32, #tpu.memory_space<vmem>>, vector<1x2048xf32>
    %add3A_32 = vector.broadcast %get3A_31 : vector<1x2048xf32> to vector<64x2048xf32>
    %add3A_33 = arith.addf %mul3A_28, %add3A_32 : vector<64x2048xf32>
    %max3A = arith.constant 0.000000e+00 : f32
    %max3A_34 = vector.broadcast %max3A : f32 to vector<64x2048xf32>
    %max3A_35 = arith.maximumf %add3A_33, %max3A_34 : vector<64x2048xf32>
    %get3A_36 = arith.constant 0 : index
    %get3A_37 = arith.constant 0 : index
    %get3A_38 = vector.load %arg5[%get3A_36, %get3A_37] : memref<2048x512xf32, #tpu.memory_space<vmem>>, vector<2048x512xf32>
    %dot_general3A_39 = arith.constant dense<0.000000e+00> : vector<64x512xf32>
    %dot_general3A_40 = tpu.matmul %max3A_35, %get3A_38, %dot_general3A_39 {dimension_numbers = #tpu.dot_dimension_numbers<[1], [0], [0], [1], [0, 0, 1, 1], [], []>, transpose_lhs_hint = false} : vector<64x2048xf32>, vector<2048x512xf32>, vector<64x512xf32> -> vector<64x512xf32>
    %reduce_sum3A_41 = arith.constant dense<0.000000e+00> : vector<512xf32>
    %reduce_sum3A_42 = vector.multi_reduction <add>, %dot_general3A_40, %reduce_sum3A_41 [0] : vector<64x512xf32> to vector<512xf32>
    %broadcast_in_dim3A_43 = vector.shape_cast %reduce_sum3A_42 : vector<512xf32> to vector<1x512xf32>
    %div3A_44 = arith.constant 6.400000e+01 : f32
    %div3A_45 = vector.broadcast %div3A_44 : f32 to vector<1x512xf32>
    %div3A_46 = arith.divf %broadcast_in_dim3A_43, %div3A_45 : vector<1x512xf32>
    %sub3A_47 = vector.broadcast %div3A_46 : vector<1x512xf32> to vector<64x512xf32>
    %sub3A_48 = arith.subf %dot_general3A_40, %sub3A_47 : vector<64x512xf32>
    %sub3A_49 = vector.broadcast %div3A_46 : vector<1x512xf32> to vector<64x512xf32>
    %sub3A_50 = arith.subf %dot_general3A_40, %sub3A_49 : vector<64x512xf32>
    %mul3A_51 = arith.mulf %sub3A_48, %sub3A_50 : vector<64x512xf32>
    %reduce_sum3A_52 = arith.constant dense<0.000000e+00> : vector<512xf32>
    %reduce_sum3A_53 = vector.multi_reduction <add>, %mul3A_51, %reduce_sum3A_52 [0] : vector<64x512xf32> to vector<512xf32>
    %broadcast_in_dim3A_54 = vector.shape_cast %reduce_sum3A_53 : vector<512xf32> to vector<1x512xf32>
    %div3A_55 = arith.constant 6.400000e+01 : f32
    %div3A_56 = vector.broadcast %div3A_55 : f32 to vector<1x512xf32>
    %div3A_57 = arith.divf %broadcast_in_dim3A_54, %div3A_56 : vector<1x512xf32>
    %sub3A_58 = vector.broadcast %div3A_46 : vector<1x512xf32> to vector<64x512xf32>
    %sub3A_59 = arith.subf %dot_general3A_40, %sub3A_58 : vector<64x512xf32>
    %add3A_60 = arith.constant 9.99999974E-6 : f32
    %add3A_61 = vector.broadcast %add3A_60 : f32 to vector<1x512xf32>
    %add3A_62 = arith.addf %div3A_57, %add3A_61 : vector<1x512xf32>
    %sqrt3A_63 = math.sqrt %add3A_62 : vector<1x512xf32>
    %div3A_64 = vector.broadcast %sqrt3A_63 : vector<1x512xf32> to vector<64x512xf32>
    %div3A_65 = arith.divf %sub3A_59, %div3A_64 : vector<64x512xf32>
    %get3A_66 = arith.constant 0 : index
    %get3A_67 = arith.constant 0 : index
    %get3A_68 = vector.load %arg6[%get3A_66, %get3A_67] : memref<1x512xf32, #tpu.memory_space<vmem>>, vector<1x512xf32>
    %mul3A_69 = vector.broadcast %get3A_68 : vector<1x512xf32> to vector<64x512xf32>
    %mul3A_70 = arith.mulf %div3A_65, %mul3A_69 : vector<64x512xf32>
    %get3A_71 = arith.constant 0 : index
    %get3A_72 = arith.constant 0 : index
    %get3A_73 = vector.load %arg7[%get3A_71, %get3A_72] : memref<1x512xf32, #tpu.memory_space<vmem>>, vector<1x512xf32>
    %add3A_74 = vector.broadcast %get3A_73 : vector<1x512xf32> to vector<64x512xf32>
    %add3A_75 = arith.addf %mul3A_70, %add3A_74 : vector<64x512xf32>
    %get3A_76 = arith.constant 0 : index
    %get3A_77 = arith.constant 0 : index
    %get3A_78 = vector.load %arg1[%get3A_76, %get3A_77] : memref<64x512xf32, #tpu.memory_space<vmem>>, vector<64x512xf32>
    %add3A_79 = arith.addf %add3A_75, %get3A_78 : vector<64x512xf32>
    %max3A_80 = arith.constant 0.000000e+00 : f32
    %max3A_81 = vector.broadcast %max3A_80 : f32 to vector<64x512xf32>
    %max3A_82 = arith.maximumf %add3A_79, %max3A_81 : vector<64x512xf32>
    %swap3A = arith.constant 0 : index
    %swap3A_83 = arith.constant 0 : index
    %swap3A_84 = vector.load %arg8[%swap3A, %swap3A_83] : memref<64x512xf32, #tpu.memory_space<vmem>>, vector<64x512xf32>
    tpu.vector_store %arg8[%swap3A, %swap3A_83], %max3A_82 {strides = array<i32>} : memref<64x512xf32, #tpu.memory_space<vmem>>, vector<64x512xf32>,
    return
  }
}

</mosaic_0001>

<sc_bundles>
// kernel: kernel.62.cloned.1.call-start
scs
__scs_entry_jumppad:
0x0: {  	(pc) =	sbr.rel $0x88, $3  }
0x1: {  	(tag) =	ssettag $0x0;
	lr =	simm.s32 $0x1  }
0x2: {  	[smem:$0x3F64] =	sst lr;
	_ =	strace $0xD0000000  }
0x3: {  	_ = 	snop  }
0x4: {  	_ = 	snop  }
0x5: {  	_ = 	snop  }
0x6: {  	_ = 	snop  }
0x7: {  	_ = 	snop  }
__scs_overlays_trampoline_lowered:
0x8: {  	[smem:$0x3F73] =	sst s0  }
0x9: {  	[smem:$0x3F74] =	sst s1  }
0xa: {  	[smem:$0x3F75] =	sst s2  }
0xb: {  	[smem:$0x3F76] =	sst s3  }
0xc: {  	[smem:$0x3F77] =	sst s4  }
0xd: {  	[smem:$0x3F78] =	sst s5  }
0xe: {  	[smem:$0x3F79] =	sst s6  }
0xf: {  	[smem:$0x3F7A] =	sst s7  }
0x10: {  	[smem:$0x3F7B] =	sst s8  }
0x11: {  	[smem:$0x3F7C] =	sst s9;
	s0 =	simm.s32 @!p0 $0x0  }
0x12: {  	s1 =	sld [smem:$0x3F62];
	s0 =	simm.s32 @p0 $0x1  }
0x13: {  	[smem:$0x3F7D] =	sst s0;
	s0 =	simm.s32 @!p1 $0x0  }
0x14: {  	s2 =	sld [smem:$0x3F61];
	s0 =	simm.s32 @p1 $0x1  }
0x15: {  	[smem:$0x3F7E] =	sst s0;
	s0 =	simm.s32 @!p2 $0x0  }
0x16: {  	s3 =	sld [smem:$0x3FDB];
	s0 =	simm.s32 @p2 $0x1  }
0x17: {  	s4 =	simm.s32 $0x1BF5;
	[smem:$0x3F80] =	sst s0  }
0x18: {  	s0 =	sld [smem:$0x3F63];
	_ =	swait.ge [sflag:s4], $0x0  }
0x19: {  	s7 =	sld [smem:$0x3F64]  }
0x1a: {  	s8 =	sadd.s32 $0xFFFFE003, lr  }
0x1b: {  	s9 =	sadd.s32 $0xFFFFFEF7, lr;
	s5 =	simm.s32 $0xFFFFFFFF;
	p2 =	slt.u32 s8, $0xFFFFF086  }
0x1c: {  	p1 =	slt.u32 s9, $0xF7A;
	s5 =	simm.s32 @!p2 $0x0  }
0x1d: {  	s5 =	simm.s32 @p1 $0x1;
	p0 =	seq.s32 s7, s2  }
0x1e: {  	s7 =	smul.u32 @!p0 $0xF7A, s2;
	p2 =	seq.s32 @!p0 s5, $0x0  }
0x1f: {  	s9 =	smul.u32 $0xF7A, s1;
	s8 =	simm.s32 @!p0 $0x1BF5;
	p2 =	por !p2, p0  }
0x20: {  	[sflag:s8] =	ssyncset.s32 @!p0 $0xFFFFF086;
	s6 =	sadd.s32 @!p0 s3, s7;
	s7 =	simm.s32 @!p0 $0x108  }
0x21: {  	s3 =	sadd.s32 s3, s9;
	s6 =	sadd.s32 @!p0 $0x88, s6;
	s7 =	simm.s32 @p2 $0x1082  }
0x22: {  	[simem:s7], [sflag:s8] =	dma.local @!p0 [hbm:s6], $0xF7A  }
0x23: {  	s9 =	sor.u32 $0xD0000000, s2;
	s6 =	simm.s32 $0x108;
	_ =	swait.ge @!p0 [sflag:s8], $0x0  }
0x24: {  	s3 =	sadd.s32 $0x88, s3;
	s6 =	simm.s32 @!p1 $0x1082;
	[sflag:s4] =	ssyncset.s32 $0xFFFFF086  }
0x25: {  	[simem:s6], [sflag:s4] =	dma.local [hbm:s3], $0xF7A  }
0x26: {  	[smem:$0x3F64] =	sst s1;
	(tag) =	ssettag s2;
	_ =	strace s9  }
0x27: {  	s1 =	sld [smem:$0x3F74]  }
0x28: {  	s2 =	sld [smem:$0x3F75]  }
0x29: {  	s4 =	sld [smem:$0x3F77]  }
0x2a: {  	p0 =	seq.s32 s5, $0x0;
	s5 =	sld [smem:$0x3F78]  }
0x2b: {  	s6 =	sld [smem:$0x3F79]  }
0x2c: {  	s7 =	sld [smem:$0x3F7A]  }
0x2d: {  	s3 =	simm.s32 $0x108;
	s8 =	sld [smem:$0x3F7B]  }
0x2e: {  	s3 =	simm.s32 @!p0 $0x1082;
	s9 =	sld [smem:$0x3F7C]  }
0x2f: {  	lr =	sadd.s32 s0, s3;
	s0 =	sld [smem:$0x3F73]  }
0x30: {  	s3 =	sld [smem:$0x3F76]  }
0x31: {  	[smem:$0x3F7F] =	sst s10  }
0x32: {  	s10 =	sld [smem:$0x3F7D];
	_ =	sdelay $0x3  }
0x33: {  	p0 =	seq.s32 s10, $0x1;
	s10 =	sld [smem:$0x3F7F];
	_ =	sdelay $0x3  }
0x34: {  	[smem:$0x3F7F] =	sst s10  }
0x35: {  	s10 =	sld [smem:$0x3F7E];
	_ =	sdelay $0x3  }
0x36: {  	p1 =	seq.s32 s10, $0x1;
	s10 =	sld [smem:$0x3F7F];
	_ =	sdelay $0x3  }
0x37: {  	[smem:$0x3F7F] =	sst s10  }
0x38: {  	s10 =	sld [smem:$0x3F80]  }
0x39: {  	_ = 	snop;
	(pc) =	sbr.ind lr, $3  }
0x3a: {  	_ = 	snop  }
0x3b: {  	_ = 	snop  }
0x3c: {  	p2 =	seq.s32 s10, $0x1;
	s10 =	sld [smem:$0x3F7F]  }
0x3d: {  	_ =	shalt  }
0x3e: {  	_ =	shalt  }
0x3f: {  	_ =	shalt  }
0x40: {  	_ =	shalt  }
0x41: {  	_ =	shalt  }
0x42: {  	_ =	shalt  }
0x43: {  	_ =	shalt  }
0x44: {  	_ =	shalt  }
0x45: {  	_ =	shalt  }
0x46: {  	_ =	shalt  }
0x47: {  	_ =	shalt  }
0x48: {  	_ =	shalt  }
0x49: {  	_ =	shalt  }
0x4a: {  	_ =	shalt  }
0x4b: {  	_ =	shalt  }
0x4c: {  	_ =	shalt  }
0x4d: {  	_ =	shalt  }
0x4e: {  	_ =	shalt  }
0x4f: {  	_ =	shalt  }
0x50: {  	_ =	shalt  }
0x51: {  	_ =	shalt  }
0x52: {  	_ =	shalt  }
0x53: {  	_ =	shalt  }
0x54: {  	_ =	shalt  }
0x55: {  	_ =	shalt  }
0x56: {  	_ =	shalt  }
0x57: {  	_ =	shalt  }
0x58: {  	_ =	shalt  }
0x59: {  	_ =	shalt  }
0x5a: {  	_ =	shalt  }
0x5b: {  	_ =	shalt  }
0x5c: {  	_ =	shalt  }
0x5d: {  	_ =	shalt  }
0x5e: {  	_ =	shalt  }
0x5f: {  	_ =	shalt  }
0x60: {  	_ =	shalt  }
0x61: {  	_ =	shalt  }
0x62: {  	_ =	shalt  }
0x63: {  	_ =	shalt  }
0x64: {  	_ =	shalt  }
0x65: {  	_ =	shalt  }
0x66: {  	_ =	shalt  }
0x67: {  	_ =	shalt  }
0x68: {  	_ =	shalt  }
0x69: {  	_ =	shalt  }
0x6a: {  	_ =	shalt  }
0x6b: {  	_ =	shalt  }
0x6c: {  	_ =	shalt  }
0x6d: {  	_ =	shalt  }
0x6e: {  	_ =	shalt  }
0x6f: {  	_ =	shalt  }
0x70: {  	_ =	shalt  }
0x71: {  	_ =	shalt  }
0x72: {  	_ =	shalt  }
0x73: {  	_ =	shalt  }
0x74: {  	_ =	shalt  }
0x75: {  	_ =	shalt  }
0x76: {  	_ =	shalt  }
0x77: {  	_ =	shalt  }
0x78: {  	_ =	shalt  }
0x79: {  	_ =	shalt  }
0x7a: {  	_ =	shalt  }
0x7b: {  	_ =	shalt  }
0x7c: {  	_ =	shalt  }
0x7d: {  	_ =	shalt  }
0x7e: {  	_ =	shalt  }
0x7f: {  	_ =	shalt  }
0x80: {  	_ =	shalt  }
0x81: {  	_ =	shalt  }
0x82: {  	_ =	shalt  }
0x83: {  	_ =	shalt  }
0x84: {  	_ =	shalt  }
0x85: {  	_ =	shalt  }
0x86: {  	_ =	shalt  }
0x87: {  	_ =	shalt  }
.Lfunc_end0:
.L_simem_size_0:
called_computation_lowered:
.L_overlay_start_0:
0x88: {  	s2 =	sld [smem:$0x3FD9]  }
0x89: {  	s3 =	sld [smem:$0x3FFE];
	_ =	sdelay $0x1  }
0x8a: {  	s1 =	srdreg.scid  }
0x8b: {  	s0 =	sand.u32 $0x1, s1  }
0x8c: {  	s16 =	sshll.u32 s0, $0xA;
	s2 =	sadd.s32 s3, s2  }
0x8d: {  	s2 =	sadd.s32 s2, s16  }
0x8e: {  	[smem:$0x3F8B] =	sst s2  }
0x8f: {  	_ = 	snop  }
0x90: {  	(tm) =	ssettm $0x1  }
0x91: {  	s17 =	sld [smem:$0x3FFB];
	_ =	sdelay $0x3  }
0x92: {  	_ =	strace s17  }
0x93: {  	s2 =	sld [smem:$0x3FFC];
	_ =	sdelay $0x3  }
0x94: {  	_ =	strace s2  }
0x95: {  	s2 =	sld [smem:$0x3FFD];
	_ =	sdelay $0x3  }
0x96: {  	_ =	strace s2  }
0x97: {  	_ =	strace $0x8FFFFFFF  }
0x98: {  	s18 =	sld [smem:$0x3FDB];
	_ =	sdelay $0x1  }
0x99: {  	s19 =	simm.s32 $_scs_section_size  }
0x9a: {  	s4 =	simm.s32 $_size__tile_overlayer_lowered;
	s5 =	simm.s32 $_tile_overlayer_lowered  }
0x9b: {  	s22 =	simm.s32 $0x1BFF;
	s21 =	sshll.u32 s5, $0x1;
	s2 =	sadd.s32 s19, s18  }
0x9c: {  	s6 =	simm.s32 $0x0;
	s20 =	sshll.u32 s4, $0x1;
	s4 =	sadd.s32 s21, s2  }
0x9d: {  	[timem:s6], [sflag:s22] =	dma.local [hbm:s4], s20  }
0x9e: {  	_ =	swait.ge [sflag:s22], s20  }
0x9f: {  	s3 =	ssub.s32 $0x0, s20;
	[sflag:s22] =	ssyncset.done $0x0  }
0xa0: {  	[sflag:s22] =	ssyncadd.s32 s3;
	_ =	sdelay $0x1  }
0xa1: {  	s23 =	simm.s32 $0x1B8B  }
0xa2: {  	_ =	swait.ge [sflag:s23], $0x1  }
0xa3: {  	[sflag:s23] =	ssyncset.done $0x0  }
0xa4: {  	s25 =	simm.s32 $0x1B8E;
	s24 =	sld [smem:$0x3FFE];
	[sflag:s23] =	ssyncadd.s32 $0xFFFFFFFF  }
0xa5: {  	s26 =	simm.s32 $execute0_lowered;
	[smem:$0x3FD2] =	sst s25  }
0xa6: {  	s4 =	sshll.u32 s26, $0x1;
	_ =	strace $0x80000046;
	[dreg:$0x1] =	wrdreg $0xFFFFFFFF  }
0xa7: {  	s28 =	simm.s32 $_size_execute0_lowered;
	s2 =	sadd.s32 s2, s4;
	[dreg:$0x0] =	wrdreg $0x0  }
0xa8: {  	s4 =	sshll.u32 s28, $0x1;
	[dreg:$0x2] =	wrdreg s2  }
0xa9: {  	[dreg:$0x3] =	wrdreg s4  }
0xaa: {  	[dreg:$0x4] =	wrdreg $0xC0  }
0xab: {  	_ =	task [dreg:s6], $0x5FFFF  }
0xac: {  	[dreg:$0x1] =	wrdreg $0xFFFFFFFF  }
0xad: {  	[dreg:$0x0] =	wrdreg $0x60  }
0xae: {  	[dreg:$0x2] =	wrdreg s24  }
0xaf: {  	[dreg:$0x3] =	wrdreg $0x9  }
0xb0: {  	_ =	task.clear_ibuf [dreg:s6], $0x4FFFF;
	_ =	strace $0x90000046  }
0xb1: {  	s29 =	simm.s32 $0x9;
	_ =	strace $0x80000048  }
0xb2: {  	_ =	swait.ge [sflag:s29], $0x1  }
0xb3: {  	[sflag:s29] =	ssyncadd.s32 $0xFFFFFFFF  }
0xb4: {  	_ =	strace $0x90000048  }
0xb5: {  	_ =	sfence  }
0xb6: {  	s30 =	sld [smem:$0x0];
	_ =	sdelay $0x2  }
0xb7: {  	s31 =	sshll.u32 s1, $0xD;
	s1 =	sshrl.u32 s1, $0x2  }
0xb8: {  	s3 =	sand.u32 $0x4000, s31;
	s1 =	sadd.s32 s1, s30  }
0xb9: {  	s0 =	sor.u32 s3, s0;
	s1 =	sshll.u32 s1, $0x11  }
0xba: {  	s0 =	sor.u32 s1, s0  }
0xbb: {  	s0 =	sadd.s32 $0x8F2B, s0  }
0xbc: {  	[sflag:s0] =	ssyncadd.remote.s32 $0x1  }
0xbd: {  	_ =	sfence.sel $0xFFFF  }
0xbe: {  	[dreg:$0x0] =	wrdreg $0xFFFFFFFF;
	(pc) =	sbr.abs _section_cstart, $3  }
0xbf: {  	[dreg:$0x1] =	wrdreg $0xFFFFFFFF  }
0xc0: {  	_ =	task.clear_ibuf [dreg:s6], $0x2FFFF;
	_ =	strace $0x9FFFFFFF  }
0xc1: {  	(tm) =	ssettm $0x7FFFFFFF  }
tec
execute0_lowered:
.L_overlay_start_1:
0x0: {  	(tag) =	ssettag $0x1  }
0x1: {  	s4 =	rddreg [dreg:$0x0]  }
0x2: {  	s0 =	rddreg [dreg:$0x1];
	s3 =	srdreg.scid  }
0x3: {  	s1 =	stileid.u32;
	s2 =	simm.s32 $0x0;
	s10 =	simm.s32 $0x80  }
0x4: {  	s11 =	simm.s32 $0x1;
	s12 =	simm.s32 $0x5000;
	s13 =	simm.s32 $0x0  }
0x5: {  	s5 =	sand.u32 $0x1, s3;
	s31 =	sshll.u32 s1, $0x1;
	[smem:$0x7FF] =	sst s2  }
0x6: {  	s3 =	sadd.s32 $0x30800, s4;
	s6 =	sor.u32 s5, s31;
	_ =	strace $0x80000047  }
0x7: {  	s5 =	ssub.s32 $0x2, s5;
	s7 =	sshll.u32 s6, $0x9;
	s8 =	sshll.u32 s6, $0xB  }
0x8: {  	s6 =	sshll.u32 s6, $0x10;
	s9 =	sshrl.u32 s5, $0x1;
	s7 =	sadd.s32 s7, s4  }
0x9: {  	s8 =	sadd.s32 s8, s4;
	s6 =	sadd.s32 s6, s4;
	s9 =	ssub.s32 s5, s9  }
0xa: {  	s4 =	sadd.s32 $0x1C800, s7;
	s5 =	sadd.s32 $0x20800, s8;
	s6 =	sadd.s32 $0x70800, s6  }
0xb: {  	s7 =	smax.u32 s9, $0x1;
	s8 =	simm.s32 $0x2;
	s9 =	simm.s32 $0x1000  }
.LBB2_1:
0xc: {  	[tilespmem:s2], [sflag:$0x2] =	stream.linear.gather [hbm4b:s4+s2], $0x1000, $0x38;
	[tilespmem:$0x9000] =	vst v63  }
0xd: {  	_ =	swait.ge [sflag:s8], $0x1000  }
0xe: {  	[sflag:s8] =	ssyncset.done $0x0  }
0xf: {  	[sflag:s8] =	ssyncadd.s32 $0xFFFFF000  }
0x10: {  	[tilespmem:s9], [sflag:$0x2] =	stream.linear.gather [hbm4b:s5+s2], $0x4000, $0x38;
	[tilespmem:$0x9000] =	vst v63  }
0x11: {  	_ =	swait.ge [sflag:s8], $0x4000  }
0x12: {  	[sflag:s8] =	ssyncset.done $0x0  }
0x13: {  	s14 =	simm.s32 $0x0;
	[sflag:s8] =	ssyncadd.s32 $0xFFFFC000  }
.LBB2_2:
0x14: {  	s15 =	sshll.u32 s14, $0xB  }
0x15: {  	s17 =	sshll.u32 s14, $0x7;
	s16 =	sshrl.u32 s15, $0x2  }
0x16: {  	s17 =	sand.u32 $0x3FFFFF80, s17;
	s18 =	sadd.s32 $0x1000, s16;
	s16 =	simm.s32 $0x5000  }
0x17: {  	v0 =	vmov s18;
	[tilespmem:s16], [sflag:$0x1] =	stream.indirect.gather [hbm4b:s3+s10], $0x80, s17, s10, $0xb8;
	[tilespmem:$0x9000] =	vst v63  }
0x18: {  	_ =	swait.ge [sflag:s11], $0x4000  }
0x19: {  	s30 =	simm.s32 $0x0;
	[sflag:s11] =	ssyncset.done $0x0  }
0x1a: {  	s17 =	sand.u32 $0x600, s30;
	[sflag:s11] =	ssyncadd.s32 $0xFFFFC000  }
0x1b: {  	s17 =	sshrl.u32 s17, $0x2;
	v2 =	vld [tilespmem:s16+$0x0]  }
0x1c: {  	v1 =	vld.idx.msk [tilespmem:v0+s17+$0x0 ss:$0x1], $0xffff;
	_ =	sdelay $0x4  }
0x1d: {  	s31 =	simm.s32 $0x10;
	v1 =	vsub.f32 v2, v1  }
0x1e: {  	s18 =	sand.u32 $0x600, s31;
	s17 =	simm.s32 $0x20  }
.LBB2_3:
0x1f: {  	p0 =	sne.s32 s17, $0x7F0;
	s18 =	sshrl.u32 s18, $0x2;
	[tilespmem:s16+$0x0] =	vst v1  }
0x20: {  	s16 =	sadd.s32 $0x80, s16;
	v1 =	vld.idx.msk [tilespmem:v0+s18+$0x0 ss:$0x1], $0xffff  }
0x21: {  	v2 =	vld [tilespmem:s16+$0x0];
	_ =	sdelay $0x1  }
.Ltmp0:
0x22: {  	(pc) =	sbr.rel @p0 .LBB2_3-.Ltmp0, $3  }
0x23: {  	_ =	sdelay $0x1  }
0x24: {  	v1 =	vsub.f32 v2, v1  }
0x25: {  	s18 =	sand.u32 $0x600, s17;
	s17 =	sadd.s32 $0x10, s17  }
0x26: {  	_ =	sdelay $0x2  }
0x27: {  	s17 =	sshrl.u32 s18, $0x2;
	[tilespmem:s16+$0x0] =	vst v1  }
0x28: {  	s31 =	sadd.s32 $0x80, s16;
	v0 =	vld.idx.msk [tilespmem:v0+s17+$0x0 ss:$0x1], $0xffff  }
0x29: {  	v1 =	vld [tilespmem:s31+$0x0];
	_ =	sdelay $0x4  }
0x2a: {  	s14 =	sadd.s32 $0x1, s14;
	v0 =	vsub.f32 v1, v0  }
0x2b: {  	p0 =	sne.s32 s14, $0x20  }
.Ltmp1:
0x2c: {  	s15 =	sadd.s32 s15, s6;
	[tilespmem:s31+$0x0] =	vst v0;
	(pc) =	sbr.rel @p0 .LBB2_2-.Ltmp1, $4  }
0x2d: {  	[hbm4b:s15+s2] =	stream.linear.scatter [tilespmem:s12], [sflag:$0x2], $0x4000, $0x38;
	[tilespmem:$0x9000] =	vst v63  }
0x2e: {  	_ =	swait.ge [sflag:s8], $0x4000  }
0x2f: {  	[sflag:s8] =	ssyncset.done $0x0  }
0x30: {  	[sflag:s8] =	ssyncadd.s32 $0xFFFFC000  }
0x31: {  	s13 =	sadd.s32 $0x1, s13  }
0x32: {  	p0 =	sne.s32 s13, s7  }
.Ltmp2:
0x33: {  	_ = 	snop;
	(pc) =	sbr.rel @p0 .LBB2_1-.Ltmp2, $1  }
0x34: {  	_ =	sdelay $0x3  }
0x35: {  	_ =	sfence.sel $0x180000  }
0x36: {  	[bflag:$0x0] =	sbarrier.arrive $0xFFFF  }
0x37: {  	p0 =	sne.s32 s1, $0x0;
	_ =	strace $0x90000047  }
0x38: {  	s0 =	sadd.s32 @!p0 $0x100000, s0;
	[bflag:$0x2] =	sbarrier.arrive $0xFFFF  }
0x39: {  	[sflag:s0] =	ssyncadd.tile.s32 @!p0 $0x1;
	_ =	shalt  }
.Lfunc_end2:
_tile_overlayer_lowered:
.L_overlay_start_2:
0x3a: {  	(tag) =	ssettag $0x2  }
0x3b: {  	s0 =	rddreg [dreg:$0x0];
	s2 =	stileid.u32  }
0x3c: {  	s1 =	rddreg [dreg:$0x1];
	p0 =	sne.s32 s2, $0x0  }
0x3d: {  	s3 =	rddreg [dreg:$0x2];
	[bflag:$0x3] =	sbarrier.arrive $0xFFFF;
	s2 =	simm.s32 @!p0 $0x1C02  }
0x3e: {  	[timem:s3], [sflag:s2] =	dma.local @!p0 [hbm:s0], s1  }
0x3f: {  	s0 =	simm.s32 @!p0 $0x2  }
0x40: {  	_ =	swait.ge @!p0 [sflag:s0], s1  }
0x41: {  	s1 =	ssub.s32 @!p0 $0x0, s1;
	[sflag:s0] =	ssyncset.done @!p0 $0x0  }
0x42: {  	[sflag:s0] =	ssyncadd.s32 @!p0 s1  }
0x43: {  	[bflag:$0x3] =	sbarrier.arrive $0xFFFF  }
0x44: {  	_ =	shalt  }

// kernel: kernel.65.cloned.1.call-start
scs
__scs_entry_jumppad:
0x0: {  	(pc) =	sbr.rel $0x88, $3  }
0x1: {  	(tag) =	ssettag $0x0;
	lr =	simm.s32 $0x1  }
0x2: {  	[smem:$0x3F64] =	sst lr;
	_ =	strace $0xD0000000  }
0x3: {  	_ = 	snop  }
0x4: {  	_ = 	snop  }
0x5: {  	_ = 	snop  }
0x6: {  	_ = 	snop  }
0x7: {  	_ = 	snop  }
__scs_overlays_trampoline_lowered:
0x8: {  	[smem:$0x3F73] =	sst s0  }
0x9: {  	[smem:$0x3F74] =	sst s1  }
0xa: {  	[smem:$0x3F75] =	sst s2  }
0xb: {  	[smem:$0x3F76] =	sst s3  }
0xc: {  	[smem:$0x3F77] =	sst s4  }
0xd: {  	[smem:$0x3F78] =	sst s5  }
0xe: {  	[smem:$0x3F79] =	sst s6  }
0xf: {  	[smem:$0x3F7A] =	sst s7  }
0x10: {  	[smem:$0x3F7B] =	sst s8  }
0x11: {  	[smem:$0x3F7C] =	sst s9;
	s0 =	simm.s32 @!p0 $0x0  }
0x12: {  	s1 =	sld [smem:$0x3F62];
	s0 =	simm.s32 @p0 $0x1  }
0x13: {  	[smem:$0x3F7D] =	sst s0;
	s0 =	simm.s32 @!p1 $0x0  }
0x14: {  	s2 =	sld [smem:$0x3F61];
	s0 =	simm.s32 @p1 $0x1  }
0x15: {  	[smem:$0x3F7E] =	sst s0;
	s0 =	simm.s32 @!p2 $0x0  }
0x16: {  	s3 =	sld [smem:$0x3FDB];
	s0 =	simm.s32 @p2 $0x1  }
0x17: {  	s4 =	simm.s32 $0x1BF5;
	[smem:$0x3F80] =	sst s0  }
0x18: {  	s0 =	sld [smem:$0x3F63];
	_ =	swait.ge [sflag:s4], $0x0  }
0x19: {  	s7 =	sld [smem:$0x3F64]  }
0x1a: {  	s8 =	sadd.s32 $0xFFFFE003, lr  }
0x1b: {  	s9 =	sadd.s32 $0xFFFFFEF7, lr;
	s5 =	simm.s32 $0xFFFFFFFF;
	p2 =	slt.u32 s8, $0xFFFFF086  }
0x1c: {  	p1 =	slt.u32 s9, $0xF7A;
	s5 =	simm.s32 @!p2 $0x0  }
0x1d: {  	s5 =	simm.s32 @p1 $0x1;
	p0 =	seq.s32 s7, s2  }
0x1e: {  	s7 =	smul.u32 @!p0 $0xF7A, s2;
	p2 =	seq.s32 @!p0 s5, $0x0  }
0x1f: {  	s9 =	smul.u32 $0xF7A, s1;
	s8 =	simm.s32 @!p0 $0x1BF5;
	p2 =	por !p2, p0  }
0x20: {  	[sflag:s8] =	ssyncset.s32 @!p0 $0xFFFFF086;
	s6 =	sadd.s32 @!p0 s3, s7;
	s7 =	simm.s32 @!p0 $0x108  }
0x21: {  	s3 =	sadd.s32 s3, s9;
	s6 =	sadd.s32 @!p0 $0x88, s6;
	s7 =	simm.s32 @p2 $0x1082  }
0x22: {  	[simem:s7], [sflag:s8] =	dma.local @!p0 [hbm:s6], $0xF7A  }
0x23: {  	s9 =	sor.u32 $0xD0000000, s2;
	s6 =	simm.s32 $0x108;
	_ =	swait.ge @!p0 [sflag:s8], $0x0  }
0x24: {  	s3 =	sadd.s32 $0x88, s3;
	s6 =	simm.s32 @!p1 $0x1082;
	[sflag:s4] =	ssyncset.s32 $0xFFFFF086  }
0x25: {  	[simem:s6], [sflag:s4] =	dma.local [hbm:s3], $0xF7A  }
0x26: {  	[smem:$0x3F64] =	sst s1;
	(tag) =	ssettag s2;
	_ =	strace s9  }
0x27: {  	s1 =	sld [smem:$0x3F74]  }
0x28: {  	s2 =	sld [smem:$0x3F75]  }
0x29: {  	s4 =	sld [smem:$0x3F77]  }
0x2a: {  	p0 =	seq.s32 s5, $0x0;
	s5 =	sld [smem:$0x3F78]  }
0x2b: {  	s6 =	sld [smem:$0x3F79]  }
0x2c: {  	s7 =	sld [smem:$0x3F7A]  }
0x2d: {  	s3 =	simm.s32 $0x108;
	s8 =	sld [smem:$0x3F7B]  }
0x2e: {  	s3 =	simm.s32 @!p0 $0x1082;
	s9 =	sld [smem:$0x3F7C]  }
0x2f: {  	lr =	sadd.s32 s0, s3;
	s0 =	sld [smem:$0x3F73]  }
0x30: {  	s3 =	sld [smem:$0x3F76]  }
0x31: {  	[smem:$0x3F7F] =	sst s10  }
0x32: {  	s10 =	sld [smem:$0x3F7D];
	_ =	sdelay $0x3  }
0x33: {  	p0 =	seq.s32 s10, $0x1;
	s10 =	sld [smem:$0x3F7F];
	_ =	sdelay $0x3  }
0x34: {  	[smem:$0x3F7F] =	sst s10  }
0x35: {  	s10 =	sld [smem:$0x3F7E];
	_ =	sdelay $0x3  }
0x36: {  	p1 =	seq.s32 s10, $0x1;
	s10 =	sld [smem:$0x3F7F];
	_ =	sdelay $0x3  }
0x37: {  	[smem:$0x3F7F] =	sst s10  }
0x38: {  	s10 =	sld [smem:$0x3F80]  }
0x39: {  	_ = 	snop;
	(pc) =	sbr.ind lr, $3  }
0x3a: {  	_ = 	snop  }
0x3b: {  	_ = 	snop  }
0x3c: {  	p2 =	seq.s32 s10, $0x1;
	s10 =	sld [smem:$0x3F7F]  }
0x3d: {  	_ =	shalt  }
0x3e: {  	_ =	shalt  }
0x3f: {  	_ =	shalt  }
0x40: {  	_ =	shalt  }
0x41: {  	_ =	shalt  }
0x42: {  	_ =	shalt  }
0x43: {  	_ =	shalt  }
0x44: {  	_ =	shalt  }
0x45: {  	_ =	shalt  }
0x46: {  	_ =	shalt  }
0x47: {  	_ =	shalt  }
0x48: {  	_ =	shalt  }
0x49: {  	_ =	shalt  }
0x4a: {  	_ =	shalt  }
0x4b: {  	_ =	shalt  }
0x4c: {  	_ =	shalt  }
0x4d: {  	_ =	shalt  }
0x4e: {  	_ =	shalt  }
0x4f: {  	_ =	shalt  }
0x50: {  	_ =	shalt  }
0x51: {  	_ =	shalt  }
0x52: {  	_ =	shalt  }
0x53: {  	_ =	shalt  }
0x54: {  	_ =	shalt  }
0x55: {  	_ =	shalt  }
0x56: {  	_ =	shalt  }
0x57: {  	_ =	shalt  }
0x58: {  	_ =	shalt  }
0x59: {  	_ =	shalt  }
0x5a: {  	_ =	shalt  }
0x5b: {  	_ =	shalt  }
0x5c: {  	_ =	shalt  }
0x5d: {  	_ =	shalt  }
0x5e: {  	_ =	shalt  }
0x5f: {  	_ =	shalt  }
0x60: {  	_ =	shalt  }
0x61: {  	_ =	shalt  }
0x62: {  	_ =	shalt  }
0x63: {  	_ =	shalt  }
0x64: {  	_ =	shalt  }
0x65: {  	_ =	shalt  }
0x66: {  	_ =	shalt  }
0x67: {  	_ =	shalt  }
0x68: {  	_ =	shalt  }
0x69: {  	_ =	shalt  }
0x6a: {  	_ =	shalt  }
0x6b: {  	_ =	shalt  }
0x6c: {  	_ =	shalt  }
0x6d: {  	_ =	shalt  }
0x6e: {  	_ =	shalt  }
0x6f: {  	_ =	shalt  }
0x70: {  	_ =	shalt  }
0x71: {  	_ =	shalt  }
0x72: {  	_ =	shalt  }
0x73: {  	_ =	shalt  }
0x74: {  	_ =	shalt  }
0x75: {  	_ =	shalt  }
0x76: {  	_ =	shalt  }
0x77: {  	_ =	shalt  }
0x78: {  	_ =	shalt  }
0x79: {  	_ =	shalt  }
0x7a: {  	_ =	shalt  }
0x7b: {  	_ =	shalt  }
0x7c: {  	_ =	shalt  }
0x7d: {  	_ =	shalt  }
0x7e: {  	_ =	shalt  }
0x7f: {  	_ =	shalt  }
0x80: {  	_ =	shalt  }
0x81: {  	_ =	shalt  }
0x82: {  	_ =	shalt  }
0x83: {  	_ =	shalt  }
0x84: {  	_ =	shalt  }
0x85: {  	_ =	shalt  }
0x86: {  	_ =	shalt  }
0x87: {  	_ =	shalt  }
.Lfunc_end0:
.L_simem_size_0:
called_computation.1_lowered:
.L_overlay_start_0:
0x88: {  	s2 =	sld [smem:$0x3FD9]  }
0x89: {  	s3 =	sld [smem:$0x3FFE];
	_ =	sdelay $0x1  }
0x8a: {  	s1 =	srdreg.scid  }
0x8b: {  	s0 =	sand.u32 $0x1, s1  }
0x8c: {  	s16 =	sshll.u32 s0, $0xA;
	s2 =	sadd.s32 s3, s2  }
0x8d: {  	s2 =	sadd.s32 s2, s16  }
0x8e: {  	[smem:$0x3F8B] =	sst s2  }
0x8f: {  	_ = 	snop  }
0x90: {  	(tm) =	ssettm $0x1  }
0x91: {  	s17 =	sld [smem:$0x3FFB];
	_ =	sdelay $0x3  }
0x92: {  	_ =	strace s17  }
0x93: {  	s2 =	sld [smem:$0x3FFC];
	_ =	sdelay $0x3  }
0x94: {  	_ =	strace s2  }
0x95: {  	s2 =	sld [smem:$0x3FFD];
	_ =	sdelay $0x3  }
0x96: {  	_ =	strace s2  }
0x97: {  	_ =	strace $0x8FFFFFFF  }
0x98: {  	s18 =	sld [smem:$0x3FDB];
	_ =	sdelay $0x1  }
0x99: {  	s19 =	simm.s32 $_scs_section_size  }
0x9a: {  	s4 =	simm.s32 $_size__tile_overlayer_lowered;
	s5 =	simm.s32 $_tile_overlayer_lowered  }
0x9b: {  	s22 =	simm.s32 $0x1BFF;
	s21 =	sshll.u32 s5, $0x1;
	s2 =	sadd.s32 s19, s18  }
0x9c: {  	s6 =	simm.s32 $0x0;
	s20 =	sshll.u32 s4, $0x1;
	s4 =	sadd.s32 s21, s2  }
0x9d: {  	[timem:s6], [sflag:s22] =	dma.local [hbm:s4], s20  }
0x9e: {  	_ =	swait.ge [sflag:s22], s20  }
0x9f: {  	s3 =	ssub.s32 $0x0, s20;
	[sflag:s22] =	ssyncset.done $0x0  }
0xa0: {  	[sflag:s22] =	ssyncadd.s32 s3;
	_ =	sdelay $0x1  }
0xa1: {  	s23 =	simm.s32 $0x1B8B  }
0xa2: {  	_ =	swait.ge [sflag:s23], $0x1  }
0xa3: {  	[sflag:s23] =	ssyncset.done $0x0  }
0xa4: {  	s25 =	simm.s32 $0x1B8E;
	s24 =	sld [smem:$0x3FFE];
	[sflag:s23] =	ssyncadd.s32 $0xFFFFFFFF  }
0xa5: {  	s26 =	simm.s32 $execute0_lowered;
	[smem:$0x3FD2] =	sst s25  }
0xa6: {  	s4 =	sshll.u32 s26, $0x1;
	_ =	strace $0x80000049;
	[dreg:$0x1] =	wrdreg $0xFFFFFFFF  }
0xa7: {  	s28 =	simm.s32 $_size_execute0_lowered;
	s2 =	sadd.s32 s2, s4;
	[dreg:$0x0] =	wrdreg $0x0  }
0xa8: {  	s4 =	sshll.u32 s28, $0x1;
	[dreg:$0x2] =	wrdreg s2  }
0xa9: {  	[dreg:$0x3] =	wrdreg s4  }
0xaa: {  	[dreg:$0x4] =	wrdreg $0xC0  }
0xab: {  	_ =	task [dreg:s6], $0x5FFFF  }
0xac: {  	[dreg:$0x1] =	wrdreg $0xFFFFFFFF  }
0xad: {  	[dreg:$0x0] =	wrdreg $0x60  }
0xae: {  	[dreg:$0x2] =	wrdreg s24  }
0xaf: {  	[dreg:$0x3] =	wrdreg $0x9  }
0xb0: {  	_ =	task.clear_ibuf [dreg:s6], $0x4FFFF;
	_ =	strace $0x90000049  }
0xb1: {  	s29 =	simm.s32 $0x9;
	_ =	strace $0x8000004B  }
0xb2: {  	_ =	swait.ge [sflag:s29], $0x1  }
0xb3: {  	[sflag:s29] =	ssyncadd.s32 $0xFFFFFFFF  }
0xb4: {  	_ =	strace $0x9000004B  }
0xb5: {  	_ =	sfence  }
0xb6: {  	s30 =	sld [smem:$0x0];
	_ =	sdelay $0x2  }
0xb7: {  	s31 =	sshll.u32 s1, $0xD;
	s1 =	sshrl.u32 s1, $0x2  }
0xb8: {  	s3 =	sand.u32 $0x4000, s31;
	s1 =	sadd.s32 s1, s30  }
0xb9: {  	s0 =	sor.u32 s3, s0;
	s1 =	sshll.u32 s1, $0x11  }
0xba: {  	s0 =	sor.u32 s1, s0  }
0xbb: {  	s0 =	sadd.s32 $0x8F2B, s0  }
0xbc: {  	[sflag:s0] =	ssyncadd.remote.s32 $0x1  }
0xbd: {  	_ =	sfence.sel $0xFFFF  }
0xbe: {  	[dreg:$0x0] =	wrdreg $0xFFFFFFFF;
	(pc) =	sbr.abs _section_cstart, $3  }
0xbf: {  	[dreg:$0x1] =	wrdreg $0xFFFFFFFF  }
0xc0: {  	_ =	task.clear_ibuf [dreg:s6], $0x2FFFF;
	_ =	strace $0x9FFFFFFF  }
0xc1: {  	(tm) =	ssettm $0x7FFFFFFF  }
tec
execute0_lowered:
.L_overlay_start_1:
0x0: {  	(tag) =	ssettag $0x1  }
0x1: {  	s4 =	rddreg [dreg:$0x0]  }
0x2: {  	s0 =	rddreg [dreg:$0x1];
	s3 =	srdreg.scid  }
0x3: {  	s1 =	stileid.u32;
	s2 =	simm.s32 $0x0;
	s10 =	simm.s32 $0x80  }
0x4: {  	s11 =	simm.s32 $0x1;
	s12 =	simm.s32 $0x5000;
	s13 =	simm.s32 $0x0  }
0x5: {  	s5 =	sand.u32 $0x1, s3;
	s31 =	sshll.u32 s1, $0x1;
	[smem:$0x7FF] =	sst s2  }
0x6: {  	s3 =	sadd.s32 $0x40800, s4;
	s6 =	sor.u32 s5, s31;
	_ =	strace $0x8000004A  }
0x7: {  	s5 =	ssub.s32 $0x2, s5;
	s7 =	sshll.u32 s6, $0x9;
	s8 =	sshll.u32 s6, $0xB  }
0x8: {  	s6 =	sshll.u32 s6, $0x10;
	s9 =	sshrl.u32 s5, $0x1;
	s7 =	sadd.s32 s7, s4  }
0x9: {  	s8 =	sadd.s32 s8, s4;
	s6 =	sadd.s32 s6, s4;
	s9 =	ssub.s32 s5, s9  }
0xa: {  	s4 =	sadd.s32 $0x271200, s7;
	s5 =	sadd.s32 $0x20800, s8;
	s6 =	sadd.s32 $0x50800, s6  }
0xb: {  	s7 =	smax.u32 s9, $0x1;
	s8 =	simm.s32 $0x2;
	s9 =	simm.s32 $0x1000  }
.LBB2_1:
0xc: {  	[tilespmem:s2], [sflag:$0x2] =	stream.linear.gather [hbm4b:s4+s2], $0x1000, $0x38;
	[tilespmem:$0x9000] =	vst v63  }
0xd: {  	_ =	swait.ge [sflag:s8], $0x1000  }
0xe: {  	[sflag:s8] =	ssyncset.done $0x0  }
0xf: {  	[sflag:s8] =	ssyncadd.s32 $0xFFFFF000  }
0x10: {  	[tilespmem:s9], [sflag:$0x2] =	stream.linear.gather [hbm4b:s5+s2], $0x4000, $0x38;
	[tilespmem:$0x9000] =	vst v63  }
0x11: {  	_ =	swait.ge [sflag:s8], $0x4000  }
0x12: {  	[sflag:s8] =	ssyncset.done $0x0  }
0x13: {  	s14 =	simm.s32 $0x0;
	[sflag:s8] =	ssyncadd.s32 $0xFFFFC000  }
.LBB2_2:
0x14: {  	s15 =	sshll.u32 s14, $0xB  }
0x15: {  	s17 =	sshll.u32 s14, $0x7;
	s16 =	sshrl.u32 s15, $0x2  }
0x16: {  	s17 =	sand.u32 $0x3FFFFF80, s17;
	s18 =	sadd.s32 $0x1000, s16;
	s16 =	simm.s32 $0x5000  }
0x17: {  	v0 =	vmov s18;
	[tilespmem:s16], [sflag:$0x1] =	stream.indirect.gather [hbm4b:s3+s10], $0x80, s17, s10, $0xb8;
	[tilespmem:$0x9000] =	vst v63  }
0x18: {  	_ =	swait.ge [sflag:s11], $0x4000  }
0x19: {  	s30 =	simm.s32 $0x0;
	[sflag:s11] =	ssyncset.done $0x0  }
0x1a: {  	s17 =	sand.u32 $0x600, s30;
	[sflag:s11] =	ssyncadd.s32 $0xFFFFC000  }
0x1b: {  	s17 =	sshrl.u32 s17, $0x2;
	v2 =	vld [tilespmem:s16+$0x0]  }
0x1c: {  	v1 =	vld.idx.msk [tilespmem:v0+s17+$0x0 ss:$0x1], $0xffff;
	_ =	sdelay $0x4  }
0x1d: {  	s31 =	simm.s32 $0x10;
	v1 =	vsub.f32 v2, v1  }
0x1e: {  	s18 =	sand.u32 $0x600, s31;
	s17 =	simm.s32 $0x20  }
.LBB2_3:
0x1f: {  	p0 =	sne.s32 s17, $0x7F0;
	s18 =	sshrl.u32 s18, $0x2;
	[tilespmem:s16+$0x0] =	vst v1  }
0x20: {  	s16 =	sadd.s32 $0x80, s16;
	v1 =	vld.idx.msk [tilespmem:v0+s18+$0x0 ss:$0x1], $0xffff  }
0x21: {  	v2 =	vld [tilespmem:s16+$0x0];
	_ =	sdelay $0x1  }
.Ltmp0:
0x22: {  	(pc) =	sbr.rel @p0 .LBB2_3-.Ltmp0, $3  }
0x23: {  	_ =	sdelay $0x1  }
0x24: {  	v1 =	vsub.f32 v2, v1  }
0x25: {  	s18 =	sand.u32 $0x600, s17;
	s17 =	sadd.s32 $0x10, s17  }
0x26: {  	_ =	sdelay $0x2  }
0x27: {  	s17 =	sshrl.u32 s18, $0x2;
	[tilespmem:s16+$0x0] =	vst v1  }
0x28: {  	s31 =	sadd.s32 $0x80, s16;
	v0 =	vld.idx.msk [tilespmem:v0+s17+$0x0 ss:$0x1], $0xffff  }
0x29: {  	v1 =	vld [tilespmem:s31+$0x0];
	_ =	sdelay $0x4  }
0x2a: {  	s14 =	sadd.s32 $0x1, s14;
	v0 =	vsub.f32 v1, v0  }
0x2b: {  	p0 =	sne.s32 s14, $0x20  }
.Ltmp1:
0x2c: {  	s15 =	sadd.s32 s15, s6;
	[tilespmem:s31+$0x0] =	vst v0;
	(pc) =	sbr.rel @p0 .LBB2_2-.Ltmp1, $4  }
0x2d: {  	[hbm4b:s15+s2] =	stream.linear.scatter [tilespmem:s12], [sflag:$0x2], $0x4000, $0x38;
	[tilespmem:$0x9000] =	vst v63  }
0x2e: {  	_ =	swait.ge [sflag:s8], $0x4000  }
0x2f: {  	[sflag:s8] =	ssyncset.done $0x0  }
0x30: {  	[sflag:s8] =	ssyncadd.s32 $0xFFFFC000  }
0x31: {  	s13 =	sadd.s32 $0x1, s13  }
0x32: {  	p0 =	sne.s32 s13, s7  }
.Ltmp2:
0x33: {  	_ = 	snop;
	(pc) =	sbr.rel @p0 .LBB2_1-.Ltmp2, $1  }
0x34: {  	_ =	sdelay $0x3  }
0x35: {  	_ =	sfence.sel $0x180000  }
0x36: {  	[bflag:$0x0] =	sbarrier.arrive $0xFFFF  }
0x37: {  	p0 =	sne.s32 s1, $0x0;
	_ =	strace $0x9000004A  }
0x38: {  	s0 =	sadd.s32 @!p0 $0x100000, s0;
	[bflag:$0x2] =	sbarrier.arrive $0xFFFF  }
0x39: {  	[sflag:s0] =	ssyncadd.tile.s32 @!p0 $0x1;
	_ =	shalt  }
.Lfunc_end2:
_tile_overlayer_lowered:
.L_overlay_start_2:
0x3a: {  	(tag) =	ssettag $0x2  }
0x3b: {  	s0 =	rddreg [dreg:$0x0];
	s2 =	stileid.u32  }
0x3c: {  	s1 =	rddreg [dreg:$0x1];
	p0 =	sne.s32 s2, $0x0  }
0x3d: {  	s3 =	rddreg [dreg:$0x2];
	[bflag:$0x3] =	sbarrier.arrive $0xFFFF;
	s2 =	simm.s32 @!p0 $0x1C02  }
0x3e: {  	[timem:s3], [sflag:s2] =	dma.local @!p0 [hbm:s0], s1  }
0x3f: {  	s0 =	simm.s32 @!p0 $0x2  }
0x40: {  	_ =	swait.ge @!p0 [sflag:s0], s1  }
0x41: {  	s1 =	ssub.s32 @!p0 $0x0, s1;
	[sflag:s0] =	ssyncset.done @!p0 $0x0  }
0x42: {  	[sflag:s0] =	ssyncadd.s32 @!p0 s1  }
0x43: {  	[bflag:$0x3] =	sbarrier.arrive $0xFFFF  }
0x44: {  	_ =	shalt  }

// kernel: kernel.68.cloned.1.call-start
scs
__scs_entry_jumppad:
0x0: {  	(pc) =	sbr.rel $0x88, $3  }
0x1: {  	(tag) =	ssettag $0x0;
	lr =	simm.s32 $0x1  }
0x2: {  	[smem:$0x3F64] =	sst lr;
	_ =	strace $0xD0000000  }
0x3: {  	_ = 	snop  }
0x4: {  	_ = 	snop  }
0x5: {  	_ = 	snop  }
0x6: {  	_ = 	snop  }
0x7: {  	_ = 	snop  }
__scs_overlays_trampoline_lowered:
0x8: {  	[smem:$0x3F73] =	sst s0  }
0x9: {  	[smem:$0x3F74] =	sst s1  }
0xa: {  	[smem:$0x3F75] =	sst s2  }
0xb: {  	[smem:$0x3F76] =	sst s3  }
0xc: {  	[smem:$0x3F77] =	sst s4  }
0xd: {  	[smem:$0x3F78] =	sst s5  }
0xe: {  	[smem:$0x3F79] =	sst s6  }
0xf: {  	[smem:$0x3F7A] =	sst s7  }
0x10: {  	[smem:$0x3F7B] =	sst s8  }
0x11: {  	[smem:$0x3F7C] =	sst s9;
	s0 =	simm.s32 @!p0 $0x0  }
0x12: {  	s1 =	sld [smem:$0x3F62];
	s0 =	simm.s32 @p0 $0x1  }
0x13: {  	[smem:$0x3F7D] =	sst s0;
	s0 =	simm.s32 @!p1 $0x0  }
0x14: {  	s2 =	sld [smem:$0x3F61];
	s0 =	simm.s32 @p1 $0x1  }
0x15: {  	[smem:$0x3F7E] =	sst s0;
	s0 =	simm.s32 @!p2 $0x0  }
0x16: {  	s3 =	sld [smem:$0x3FDB];
	s0 =	simm.s32 @p2 $0x1  }
0x17: {  	s4 =	simm.s32 $0x1BF5;
	[smem:$0x3F80] =	sst s0  }
0x18: {  	s0 =	sld [smem:$0x3F63];
	_ =	swait.ge [sflag:s4], $0x0  }
0x19: {  	s7 =	sld [smem:$0x3F64]  }
0x1a: {  	s8 =	sadd.s32 $0xFFFFE003, lr  }
0x1b: {  	s9 =	sadd.s32 $0xFFFFFEF7, lr;
	s5 =	simm.s32 $0xFFFFFFFF;
	p2 =	slt.u32 s8, $0xFFFFF086  }
0x1c: {  	p1 =	slt.u32 s9, $0xF7A;
	s5 =	simm.s32 @!p2 $0x0  }
0x1d: {  	s5 =	simm.s32 @p1 $0x1;
	p0 =	seq.s32 s7, s2  }
0x1e: {  	s7 =	smul.u32 @!p0 $0xF7A, s2;
	p2 =	seq.s32 @!p0 s5, $0x0  }
0x1f: {  	s9 =	smul.u32 $0xF7A, s1;
	s8 =	simm.s32 @!p0 $0x1BF5;
	p2 =	por !p2, p0  }
0x20: {  	[sflag:s8] =	ssyncset.s32 @!p0 $0xFFFFF086;
	s6 =	sadd.s32 @!p0 s3, s7;
	s7 =	simm.s32 @!p0 $0x108  }
0x21: {  	s3 =	sadd.s32 s3, s9;
	s6 =	sadd.s32 @!p0 $0x88, s6;
	s7 =	simm.s32 @p2 $0x1082  }
0x22: {  	[simem:s7], [sflag:s8] =	dma.local @!p0 [hbm:s6], $0xF7A  }
0x23: {  	s9 =	sor.u32 $0xD0000000, s2;
	s6 =	simm.s32 $0x108;
	_ =	swait.ge @!p0 [sflag:s8], $0x0  }
0x24: {  	s3 =	sadd.s32 $0x88, s3;
	s6 =	simm.s32 @!p1 $0x1082;
	[sflag:s4] =	ssyncset.s32 $0xFFFFF086  }
0x25: {  	[simem:s6], [sflag:s4] =	dma.local [hbm:s3], $0xF7A  }
0x26: {  	[smem:$0x3F64] =	sst s1;
	(tag) =	ssettag s2;
	_ =	strace s9  }
0x27: {  	s1 =	sld [smem:$0x3F74]  }
0x28: {  	s2 =	sld [smem:$0x3F75]  }
0x29: {  	s4 =	sld [smem:$0x3F77]  }
0x2a: {  	p0 =	seq.s32 s5, $0x0;
	s5 =	sld [smem:$0x3F78]  }
0x2b: {  	s6 =	sld [smem:$0x3F79]  }
0x2c: {  	s7 =	sld [smem:$0x3F7A]  }
0x2d: {  	s3 =	simm.s32 $0x108;
	s8 =	sld [smem:$0x3F7B]  }
0x2e: {  	s3 =	simm.s32 @!p0 $0x1082;
	s9 =	sld [smem:$0x3F7C]  }
0x2f: {  	lr =	sadd.s32 s0, s3;
	s0 =	sld [smem:$0x3F73]  }
0x30: {  	s3 =	sld [smem:$0x3F76]  }
0x31: {  	[smem:$0x3F7F] =	sst s10  }
0x32: {  	s10 =	sld [smem:$0x3F7D];
	_ =	sdelay $0x3  }
0x33: {  	p0 =	seq.s32 s10, $0x1;
	s10 =	sld [smem:$0x3F7F];
	_ =	sdelay $0x3  }
0x34: {  	[smem:$0x3F7F] =	sst s10  }
0x35: {  	s10 =	sld [smem:$0x3F7E];
	_ =	sdelay $0x3  }
0x36: {  	p1 =	seq.s32 s10, $0x1;
	s10 =	sld [smem:$0x3F7F];
	_ =	sdelay $0x3  }
0x37: {  	[smem:$0x3F7F] =	sst s10  }
0x38: {  	s10 =	sld [smem:$0x3F80]  }
0x39: {  	_ = 	snop;
	(pc) =	sbr.ind lr, $3  }
0x3a: {  	_ = 	snop  }
0x3b: {  	_ = 	snop  }
0x3c: {  	p2 =	seq.s32 s10, $0x1;
	s10 =	sld [smem:$0x3F7F]  }
0x3d: {  	_ =	shalt  }
0x3e: {  	_ =	shalt  }
0x3f: {  	_ =	shalt  }
0x40: {  	_ =	shalt  }
0x41: {  	_ =	shalt  }
0x42: {  	_ =	shalt  }
0x43: {  	_ =	shalt  }
0x44: {  	_ =	shalt  }
0x45: {  	_ =	shalt  }
0x46: {  	_ =	shalt  }
0x47: {  	_ =	shalt  }
0x48: {  	_ =	shalt  }
0x49: {  	_ =	shalt  }
0x4a: {  	_ =	shalt  }
0x4b: {  	_ =	shalt  }
0x4c: {  	_ =	shalt  }
0x4d: {  	_ =	shalt  }
0x4e: {  	_ =	shalt  }
0x4f: {  	_ =	shalt  }
0x50: {  	_ =	shalt  }
0x51: {  	_ =	shalt  }
0x52: {  	_ =	shalt  }
0x53: {  	_ =	shalt  }
0x54: {  	_ =	shalt  }
0x55: {  	_ =	shalt  }
0x56: {  	_ =	shalt  }
0x57: {  	_ =	shalt  }
0x58: {  	_ =	shalt  }
0x59: {  	_ =	shalt  }
0x5a: {  	_ =	shalt  }
0x5b: {  	_ =	shalt  }
0x5c: {  	_ =	shalt  }
0x5d: {  	_ =	shalt  }
0x5e: {  	_ =	shalt  }
0x5f: {  	_ =	shalt  }
0x60: {  	_ =	shalt  }
0x61: {  	_ =	shalt  }
0x62: {  	_ =	shalt  }
0x63: {  	_ =	shalt  }
0x64: {  	_ =	shalt  }
0x65: {  	_ =	shalt  }
0x66: {  	_ =	shalt  }
0x67: {  	_ =	shalt  }
0x68: {  	_ =	shalt  }
0x69: {  	_ =	shalt  }
0x6a: {  	_ =	shalt  }
0x6b: {  	_ =	shalt  }
0x6c: {  	_ =	shalt  }
0x6d: {  	_ =	shalt  }
0x6e: {  	_ =	shalt  }
0x6f: {  	_ =	shalt  }
0x70: {  	_ =	shalt  }
0x71: {  	_ =	shalt  }
0x72: {  	_ =	shalt  }
0x73: {  	_ =	shalt  }
0x74: {  	_ =	shalt  }
0x75: {  	_ =	shalt  }
0x76: {  	_ =	shalt  }
0x77: {  	_ =	shalt  }
0x78: {  	_ =	shalt  }
0x79: {  	_ =	shalt  }
0x7a: {  	_ =	shalt  }
0x7b: {  	_ =	shalt  }
0x7c: {  	_ =	shalt  }
0x7d: {  	_ =	shalt  }
0x7e: {  	_ =	shalt  }
0x7f: {  	_ =	shalt  }
0x80: {  	_ =	shalt  }
0x81: {  	_ =	shalt  }
0x82: {  	_ =	shalt  }
0x83: {  	_ =	shalt  }
0x84: {  	_ =	shalt  }
0x85: {  	_ =	shalt  }
0x86: {  	_ =	shalt  }
0x87: {  	_ =	shalt  }
.Lfunc_end0:
.L_simem_size_0:
called_computation.2_lowered:
.L_overlay_start_0:
0x88: {  	s2 =	sld [smem:$0x3FD9]  }
0x89: {  	s3 =	sld [smem:$0x3FFE];
	_ =	sdelay $0x1  }
0x8a: {  	s1 =	srdreg.scid  }
0x8b: {  	s0 =	sand.u32 $0x1, s1  }
0x8c: {  	s17 =	sshll.u32 s0, $0xA;
	s2 =	sadd.s32 s3, s2  }
0x8d: {  	s2 =	sadd.s32 s2, s17  }
0x8e: {  	[smem:$0x3F8B] =	sst s2  }
0x8f: {  	_ = 	snop  }
0x90: {  	s2 =	sld [smem:$0x3FD0];
	(tm) =	ssettm $0x1  }
0x91: {  	s18 =	sld [smem:$0x3FFB];
	_ =	sdelay $0x3  }
0x92: {  	_ =	strace s18  }
0x93: {  	s3 =	sld [smem:$0x3FFC];
	_ =	sdelay $0x3  }
0x94: {  	_ =	strace s3  }
0x95: {  	s3 =	sld [smem:$0x3FFD];
	_ =	sdelay $0x3  }
0x96: {  	_ =	strace s3  }
0x97: {  	_ =	strace $0x8FFFFFFF  }
0x98: {  	s19 =	sld [smem:$0x3FDB];
	_ =	sdelay $0x1  }
0x99: {  	s4 =	simm.s32 $_scs_section_size  }
0x9a: {  	s5 =	simm.s32 $_size__tile_overlayer_lowered;
	s6 =	simm.s32 $_tile_overlayer_lowered  }
0x9b: {  	s22 =	simm.s32 $0x1BFF;
	s21 =	sshll.u32 s6, $0x1;
	s3 =	sadd.s32 s4, s19  }
0x9c: {  	s7 =	simm.s32 $0x0;
	s20 =	sshll.u32 s5, $0x1;
	s5 =	sadd.s32 s21, s3  }
0x9d: {  	[timem:s7], [sflag:s22] =	dma.local [hbm:s5], s20  }
0x9e: {  	_ =	swait.ge [sflag:s22], s20  }
0x9f: {  	s4 =	ssub.s32 $0x0, s20;
	[sflag:s22] =	ssyncset.done $0x0  }
0xa0: {  	[sflag:s22] =	ssyncadd.s32 s4;
	_ =	sdelay $0x1  }
0xa1: {  	s23 =	simm.s32 $0x1B8B  }
0xa2: {  	_ =	swait.ge [sflag:s23], $0x1  }
0xa3: {  	[sflag:s23] =	ssyncset.done $0x0  }
0xa4: {  	s25 =	simm.s32 $0x1B8E;
	s24 =	sld [smem:$0x3FFE];
	[sflag:s23] =	ssyncadd.s32 $0xFFFFFFFF  }
0xa5: {  	s26 =	simm.s32 $execute0_lowered;
	[smem:$0x3FD2] =	sst s25  }
0xa6: {  	s5 =	sshll.u32 s26, $0x1;
	_ =	strace $0x8000004C;
	[dreg:$0x1] =	wrdreg $0xFFFFFFFF  }
0xa7: {  	s28 =	simm.s32 $_size_execute0_lowered;
	s3 =	sadd.s32 s3, s5;
	[dreg:$0x0] =	wrdreg $0x0  }
0xa8: {  	s5 =	sshll.u32 s28, $0x1;
	[dreg:$0x2] =	wrdreg s3  }
0xa9: {  	[dreg:$0x3] =	wrdreg s5  }
0xaa: {  	[dreg:$0x4] =	wrdreg $0xC0  }
0xab: {  	_ =	task [dreg:s7], $0x5FFFF  }
0xac: {  	[dreg:$0x1] =	wrdreg $0xFFFFFFFF  }
0xad: {  	[dreg:$0x0] =	wrdreg $0x60  }
0xae: {  	[dreg:$0x2] =	wrdreg s24  }
0xaf: {  	[dreg:$0x3] =	wrdreg s2  }
0xb0: {  	[dreg:$0x4] =	wrdreg $0x9  }
0xb1: {  	_ =	task.clear_ibuf [dreg:s7], $0x5FFFF;
	_ =	strace $0x9000004C  }
0xb2: {  	s29 =	simm.s32 $0x9;
	_ =	strace $0x8000004E  }
0xb3: {  	_ =	swait.ge [sflag:s29], $0x1  }
0xb4: {  	[sflag:s29] =	ssyncadd.s32 $0xFFFFFFFF  }
0xb5: {  	_ =	strace $0x9000004E  }
0xb6: {  	_ =	sfence  }
0xb7: {  	s30 =	sld [smem:$0x0];
	_ =	sdelay $0x2  }
0xb8: {  	s31 =	sshll.u32 s1, $0xD;
	s1 =	sshrl.u32 s1, $0x2  }
0xb9: {  	s3 =	sand.u32 $0x4000, s31;
	s1 =	sadd.s32 s1, s30  }
0xba: {  	s0 =	sor.u32 s3, s0;
	s1 =	sshll.u32 s1, $0x11  }
0xbb: {  	s0 =	sor.u32 s1, s0  }
0xbc: {  	s0 =	sadd.s32 $0x8F2B, s0  }
0xbd: {  	[sflag:s0] =	ssyncadd.remote.s32 $0x1  }
0xbe: {  	_ =	sfence.sel $0xFFFF  }
0xbf: {  	[dreg:$0x0] =	wrdreg $0xFFFFFFFF;
	(pc) =	sbr.abs _section_cstart, $3  }
0xc0: {  	[dreg:$0x1] =	wrdreg $0xFFFFFFFF  }
0xc1: {  	_ =	task.clear_ibuf [dreg:s7], $0x2FFFF;
	_ =	strace $0x9FFFFFFF  }
0xc2: {  	(tm) =	ssettm $0x7FFFFFFF  }
0xc3: {  	_ =	shalt  }
tec
execute0_lowered:
.L_overlay_start_1:
0x0: {  	(tag) =	ssettag $0x1  }
0x1: {  	s4 =	rddreg [dreg:$0x0]  }
0x2: {  	s5 =	rddreg [dreg:$0x1]  }
0x3: {  	s0 =	rddreg [dreg:$0x2]  }
0x4: {  	s3 =	srdreg.scid;
	s1 =	stileid.u32;
	s2 =	simm.s32 $0x0  }
0x5: {  	s11 =	simm.s32 $0x1;
	s12 =	simm.s32 $0x1400;
	s13 =	simm.s32 $0x0  }
0x6: {  	s6 =	sand.u32 $0x1, s3;
	s31 =	sshll.u32 s1, $0x1;
	[smem:$0x7FF] =	sst s2  }
0x7: {  	s3 =	sadd.s32 $0xC800, s4;
	s7 =	sor.u32 s6, s31;
	_ =	strace $0x8000004D  }
0x8: {  	s6 =	ssub.s32 $0x2, s6;
	s8 =	sshll.u32 s7, $0x9;
	s9 =	sshll.u32 s7, $0xE  }
0x9: {  	s10 =	sshrl.u32 s6, $0x1;
	s7 =	sshll.u32 s7, $0x7;
	s8 =	sadd.s32 s8, s4  }
0xa: {  	s9 =	sadd.s32 s9, s4;
	s10 =	ssub.s32 s6, s10;
	s4 =	sadd.s32 s5, s7  }
0xb: {  	s5 =	sadd.s32 $0x1C800, s8;
	s6 =	sadd.s32 $0x20800, s9;
	s7 =	smax.u32 s10, $0x1  }
0xc: {  	s8 =	simm.s32 $0x2;
	s9 =	simm.s32 $0x400;
	s10 =	simm.s32 $0x80  }
.LBB2_1:
0xd: {  	[tilespmem:s2], [sflag:$0x2] =	stream.linear.gather [hbm4b:s4+s2], $0x400, $0x38;
	[tilespmem:$0x5400] =	vst v63  }
0xe: {  	_ =	swait.ge [sflag:s8], $0x400  }
0xf: {  	[sflag:s8] =	ssyncset.done $0x0  }
0x10: {  	[sflag:s8] =	ssyncadd.s32 $0xFFFFFC00  }
0x11: {  	[tilespmem:s9], [sflag:$0x2] =	stream.linear.gather [hbm4b:s5+s2], $0x1000, $0x38;
	[tilespmem:$0x5400] =	vst v63  }
0x12: {  	_ =	swait.ge [sflag:s8], $0x1000  }
0x13: {  	[sflag:s8] =	ssyncset.done $0x0  }
0x14: {  	s14 =	simm.s32 $0x0;
	[sflag:s8] =	ssyncadd.s32 $0xFFFFF000  }
.LBB2_2:
0x15: {  	s15 =	sshll.u32 s14, $0xB  }
0x16: {  	s17 =	sshll.u32 s14, $0x7;
	s16 =	sshrl.u32 s15, $0x2  }
0x17: {  	s17 =	sand.u32 $0x3FFFFF80, s17;
	s18 =	sadd.s32 $0x400, s16;
	s16 =	simm.s32 $0x1400  }
0x18: {  	v0 =	vmov s18;
	[tilespmem:s16], [sflag:$0x1] =	stream.indirect.gather [hbm4b:s3+s10], $0x80, s17, s10, $0xb8;
	[tilespmem:$0x5400] =	vst v63  }
0x19: {  	_ =	swait.ge [sflag:s11], $0x4000  }
0x1a: {  	s30 =	simm.s32 $0x0;
	[sflag:s11] =	ssyncset.done $0x0  }
0x1b: {  	s17 =	sand.u32 $0x600, s30;
	[sflag:s11] =	ssyncadd.s32 $0xFFFFC000  }
0x1c: {  	s17 =	sshrl.u32 s17, $0x2;
	v2 =	vld [tilespmem:s16+$0x0]  }
0x1d: {  	v1 =	vld.idx.msk [tilespmem:v0+s17+$0x0 ss:$0x1], $0xffff;
	_ =	sdelay $0x4  }
0x1e: {  	s31 =	simm.s32 $0x10;
	v1 =	vsub.f32 v2, v1  }
0x1f: {  	s18 =	sand.u32 $0x600, s31;
	s17 =	simm.s32 $0x20  }
.LBB2_3:
0x20: {  	p0 =	sne.s32 s17, $0x7F0;
	s18 =	sshrl.u32 s18, $0x2;
	[tilespmem:s16+$0x0] =	vst v1  }
0x21: {  	s16 =	sadd.s32 $0x80, s16;
	v1 =	vld.idx.msk [tilespmem:v0+s18+$0x0 ss:$0x1], $0xffff  }
0x22: {  	v2 =	vld [tilespmem:s16+$0x0];
	_ =	sdelay $0x1  }
.Ltmp0:
0x23: {  	(pc) =	sbr.rel @p0 .LBB2_3-.Ltmp0, $3  }
0x24: {  	_ =	sdelay $0x1  }
0x25: {  	v1 =	vsub.f32 v2, v1  }
0x26: {  	s18 =	sand.u32 $0x600, s17;
	s17 =	sadd.s32 $0x10, s17  }
0x27: {  	_ =	sdelay $0x2  }
0x28: {  	s17 =	sshrl.u32 s18, $0x2;
	[tilespmem:s16+$0x0] =	vst v1  }
0x29: {  	s31 =	sadd.s32 $0x80, s16;
	v0 =	vld.idx.msk [tilespmem:v0+s17+$0x0 ss:$0x1], $0xffff  }
0x2a: {  	v1 =	vld [tilespmem:s31+$0x0];
	_ =	sdelay $0x4  }
0x2b: {  	s14 =	sadd.s32 $0x1, s14;
	v0 =	vsub.f32 v1, v0  }
0x2c: {  	p0 =	sne.s32 s14, $0x8  }
.Ltmp1:
0x2d: {  	s15 =	sadd.s32 s15, s6;
	[tilespmem:s31+$0x0] =	vst v0;
	(pc) =	sbr.rel @p0 .LBB2_2-.Ltmp1, $4  }
0x2e: {  	[hbm4b:s15+s2] =	stream.linear.scatter [tilespmem:s12], [sflag:$0x2], $0x4000, $0x38;
	[tilespmem:$0x5400] =	vst v63  }
0x2f: {  	_ =	swait.ge [sflag:s8], $0x4000  }
0x30: {  	[sflag:s8] =	ssyncset.done $0x0  }
0x31: {  	[sflag:s8] =	ssyncadd.s32 $0xFFFFC000  }
0x32: {  	s13 =	sadd.s32 $0x1, s13  }
0x33: {  	p0 =	sne.s32 s13, s7  }
.Ltmp2:
0x34: {  	_ = 	snop;
	(pc) =	sbr.rel @p0 .LBB2_1-.Ltmp2, $1  }
0x35: {  	_ =	sdelay $0x3  }
0x36: {  	_ =	sfence.sel $0x180000  }
0x37: {  	[bflag:$0x0] =	sbarrier.arrive $0xFFFF  }
0x38: {  	p0 =	sne.s32 s1, $0x0;
	_ =	strace $0x9000004D  }
0x39: {  	s0 =	sadd.s32 @!p0 $0x100000, s0;
	[bflag:$0x2] =	sbarrier.arrive $0xFFFF  }
0x3a: {  	[sflag:s0] =	ssyncadd.tile.s32 @!p0 $0x1;
	_ =	shalt  }
.Lfunc_end2:
_tile_overlayer_lowered:
.L_overlay_start_2:
0x3b: {  	(tag) =	ssettag $0x2  }
0x3c: {  	s0 =	rddreg [dreg:$0x0];
	s2 =	stileid.u32  }
0x3d: {  	s1 =	rddreg [dreg:$0x1];
	p0 =	sne.s32 s2, $0x0  }
0x3e: {  	s3 =	rddreg [dreg:$0x2];
	[bflag:$0x3] =	sbarrier.arrive $0xFFFF;
	s2 =	simm.s32 @!p0 $0x1C02  }
0x3f: {  	[timem:s3], [sflag:s2] =	dma.local @!p0 [hbm:s0], s1  }
0x40: {  	s0 =	simm.s32 @!p0 $0x2  }
0x41: {  	_ =	swait.ge @!p0 [sflag:s0], s1  }
0x42: {  	s1 =	ssub.s32 @!p0 $0x0, s1;
	[sflag:s0] =	ssyncset.done @!p0 $0x0  }
0x43: {  	[sflag:s0] =	ssyncadd.s32 @!p0 s1  }
0x44: {  	[bflag:$0x3] =	sbarrier.arrive $0xFFFF  }
0x45: {  	_ =	shalt  }

// kernel: kernel.71.cloned.1.call-start
scs
__scs_entry_jumppad:
0x0: {  	(pc) =	sbr.rel $0x88, $3  }
0x1: {  	(tag) =	ssettag $0x0;
	lr =	simm.s32 $0x1  }
0x2: {  	[smem:$0x3F64] =	sst lr;
	_ =	strace $0xD0000000  }
0x3: {  	_ = 	snop  }
0x4: {  	_ = 	snop  }
0x5: {  	_ = 	snop  }
0x6: {  	_ = 	snop  }
0x7: {  	_ = 	snop  }
__scs_overlays_trampoline_lowered:
0x8: {  	[smem:$0x3F73] =	sst s0  }
0x9: {  	[smem:$0x3F74] =	sst s1  }
0xa: {  	[smem:$0x3F75] =	sst s2  }
0xb: {  	[smem:$0x3F76] =	sst s3  }
0xc: {  	[smem:$0x3F77] =	sst s4  }
0xd: {  	[smem:$0x3F78] =	sst s5  }
0xe: {  	[smem:$0x3F79] =	sst s6  }
0xf: {  	[smem:$0x3F7A] =	sst s7  }
0x10: {  	[smem:$0x3F7B] =	sst s8  }
0x11: {  	[smem:$0x3F7C] =	sst s9;
	s0 =	simm.s32 @!p0 $0x0  }
0x12: {  	s1 =	sld [smem:$0x3F62];
	s0 =	simm.s32 @p0 $0x1  }
0x13: {  	[smem:$0x3F7D] =	sst s0;
	s0 =	simm.s32 @!p1 $0x0  }
0x14: {  	s2 =	sld [smem:$0x3F61];
	s0 =	simm.s32 @p1 $0x1  }
0x15: {  	[smem:$0x3F7E] =	sst s0;
	s0 =	simm.s32 @!p2 $0x0  }
0x16: {  	s3 =	sld [smem:$0x3FDB];
	s0 =	simm.s32 @p2 $0x1  }
0x17: {  	s4 =	simm.s32 $0x1BF5;
	[smem:$0x3F80] =	sst s0  }
0x18: {  	s0 =	sld [smem:$0x3F63];
	_ =	swait.ge [sflag:s4], $0x0  }
0x19: {  	s7 =	sld [smem:$0x3F64]  }
0x1a: {  	s8 =	sadd.s32 $0xFFFFE003, lr  }
0x1b: {  	s9 =	sadd.s32 $0xFFFFFEF7, lr;
	s5 =	simm.s32 $0xFFFFFFFF;
	p2 =	slt.u32 s8, $0xFFFFF086  }
0x1c: {  	p1 =	slt.u32 s9, $0xF7A;
	s5 =	simm.s32 @!p2 $0x0  }
0x1d: {  	s5 =	simm.s32 @p1 $0x1;
	p0 =	seq.s32 s7, s2  }
0x1e: {  	s7 =	smul.u32 @!p0 $0xF7A, s2;
	p2 =	seq.s32 @!p0 s5, $0x0  }
0x1f: {  	s9 =	smul.u32 $0xF7A, s1;
	s8 =	simm.s32 @!p0 $0x1BF5;
	p2 =	por !p2, p0  }
0x20: {  	[sflag:s8] =	ssyncset.s32 @!p0 $0xFFFFF086;
	s6 =	sadd.s32 @!p0 s3, s7;
	s7 =	simm.s32 @!p0 $0x108  }
0x21: {  	s3 =	sadd.s32 s3, s9;
	s6 =	sadd.s32 @!p0 $0x88, s6;
	s7 =	simm.s32 @p2 $0x1082  }
0x22: {  	[simem:s7], [sflag:s8] =	dma.local @!p0 [hbm:s6], $0xF7A  }
0x23: {  	s9 =	sor.u32 $0xD0000000, s2;
	s6 =	simm.s32 $0x108;
	_ =	swait.ge @!p0 [sflag:s8], $0x0  }
0x24: {  	s3 =	sadd.s32 $0x88, s3;
	s6 =	simm.s32 @!p1 $0x1082;
	[sflag:s4] =	ssyncset.s32 $0xFFFFF086  }
0x25: {  	[simem:s6], [sflag:s4] =	dma.local [hbm:s3], $0xF7A  }
0x26: {  	[smem:$0x3F64] =	sst s1;
	(tag) =	ssettag s2;
	_ =	strace s9  }
0x27: {  	s1 =	sld [smem:$0x3F74]  }
0x28: {  	s2 =	sld [smem:$0x3F75]  }
0x29: {  	s4 =	sld [smem:$0x3F77]  }
0x2a: {  	p0 =	seq.s32 s5, $0x0;
	s5 =	sld [smem:$0x3F78]  }
0x2b: {  	s6 =	sld [smem:$0x3F79]  }
0x2c: {  	s7 =	sld [smem:$0x3F7A]  }
0x2d: {  	s3 =	simm.s32 $0x108;
	s8 =	sld [smem:$0x3F7B]  }
0x2e: {  	s3 =	simm.s32 @!p0 $0x1082;
	s9 =	sld [smem:$0x3F7C]  }
0x2f: {  	lr =	sadd.s32 s0, s3;
	s0 =	sld [smem:$0x3F73]  }
0x30: {  	s3 =	sld [smem:$0x3F76]  }
0x31: {  	[smem:$0x3F7F] =	sst s10  }
0x32: {  	s10 =	sld [smem:$0x3F7D];
	_ =	sdelay $0x3  }
0x33: {  	p0 =	seq.s32 s10, $0x1;
	s10 =	sld [smem:$0x3F7F];
	_ =	sdelay $0x3  }
0x34: {  	[smem:$0x3F7F] =	sst s10  }
0x35: {  	s10 =	sld [smem:$0x3F7E];
	_ =	sdelay $0x3  }
0x36: {  	p1 =	seq.s32 s10, $0x1;
	s10 =	sld [smem:$0x3F7F];
	_ =	sdelay $0x3  }
0x37: {  	[smem:$0x3F7F] =	sst s10  }
0x38: {  	s10 =	sld [smem:$0x3F80]  }
0x39: {  	_ = 	snop;
	(pc) =	sbr.ind lr, $3  }
0x3a: {  	_ = 	snop  }
0x3b: {  	_ = 	snop  }
0x3c: {  	p2 =	seq.s32 s10, $0x1;
	s10 =	sld [smem:$0x3F7F]  }
0x3d: {  	_ =	shalt  }
0x3e: {  	_ =	shalt  }
0x3f: {  	_ =	shalt  }
0x40: {  	_ =	shalt  }
0x41: {  	_ =	shalt  }
0x42: {  	_ =	shalt  }
0x43: {  	_ =	shalt  }
0x44: {  	_ =	shalt  }
0x45: {  	_ =	shalt  }
0x46: {  	_ =	shalt  }
0x47: {  	_ =	shalt  }
0x48: {  	_ =	shalt  }
0x49: {  	_ =	shalt  }
0x4a: {  	_ =	shalt  }
0x4b: {  	_ =	shalt  }
0x4c: {  	_ =	shalt  }
0x4d: {  	_ =	shalt  }
0x4e: {  	_ =	shalt  }
0x4f: {  	_ =	shalt  }
0x50: {  	_ =	shalt  }
0x51: {  	_ =	shalt  }
0x52: {  	_ =	shalt  }
0x53: {  	_ =	shalt  }
0x54: {  	_ =	shalt  }
0x55: {  	_ =	shalt  }
0x56: {  	_ =	shalt  }
0x57: {  	_ =	shalt  }
0x58: {  	_ =	shalt  }
0x59: {  	_ =	shalt  }
0x5a: {  	_ =	shalt  }
0x5b: {  	_ =	shalt  }
0x5c: {  	_ =	shalt  }
0x5d: {  	_ =	shalt  }
0x5e: {  	_ =	shalt  }
0x5f: {  	_ =	shalt  }
0x60: {  	_ =	shalt  }
0x61: {  	_ =	shalt  }
0x62: {  	_ =	shalt  }
0x63: {  	_ =	shalt  }
0x64: {  	_ =	shalt  }
0x65: {  	_ =	shalt  }
0x66: {  	_ =	shalt  }
0x67: {  	_ =	shalt  }
0x68: {  	_ =	shalt  }
0x69: {  	_ =	shalt  }
0x6a: {  	_ =	shalt  }
0x6b: {  	_ =	shalt  }
0x6c: {  	_ =	shalt  }
0x6d: {  	_ =	shalt  }
0x6e: {  	_ =	shalt  }
0x6f: {  	_ =	shalt  }
0x70: {  	_ =	shalt  }
0x71: {  	_ =	shalt  }
0x72: {  	_ =	shalt  }
0x73: {  	_ =	shalt  }
0x74: {  	_ =	shalt  }
0x75: {  	_ =	shalt  }
0x76: {  	_ =	shalt  }
0x77: {  	_ =	shalt  }
0x78: {  	_ =	shalt  }
0x79: {  	_ =	shalt  }
0x7a: {  	_ =	shalt  }
0x7b: {  	_ =	shalt  }
0x7c: {  	_ =	shalt  }
0x7d: {  	_ =	shalt  }
0x7e: {  	_ =	shalt  }
0x7f: {  	_ =	shalt  }
0x80: {  	_ =	shalt  }
0x81: {  	_ =	shalt  }
0x82: {  	_ =	shalt  }
0x83: {  	_ =	shalt  }
0x84: {  	_ =	shalt  }
0x85: {  	_ =	shalt  }
0x86: {  	_ =	shalt  }
0x87: {  	_ =	shalt  }
.Lfunc_end0:
.L_simem_size_0:
called_computation.3_lowered:
.L_overlay_start_0:
0x88: {  	s2 =	sld [smem:$0x3FD9]  }
0x89: {  	s3 =	sld [smem:$0x3FFE];
	_ =	sdelay $0x1  }
0x8a: {  	s1 =	srdreg.scid  }
0x8b: {  	s0 =	sand.u32 $0x1, s1  }
0x8c: {  	s16 =	sshll.u32 s0, $0xA;
	s2 =	sadd.s32 s3, s2  }
0x8d: {  	s2 =	sadd.s32 s2, s16  }
0x8e: {  	[smem:$0x3F8B] =	sst s2  }
0x8f: {  	_ = 	snop  }
0x90: {  	(tm) =	ssettm $0x1  }
0x91: {  	s17 =	sld [smem:$0x3FFB];
	_ =	sdelay $0x3  }
0x92: {  	_ =	strace s17  }
0x93: {  	s2 =	sld [smem:$0x3FFC];
	_ =	sdelay $0x3  }
0x94: {  	_ =	strace s2  }
0x95: {  	s2 =	sld [smem:$0x3FFD];
	_ =	sdelay $0x3  }
0x96: {  	_ =	strace s2  }
0x97: {  	_ =	strace $0x8FFFFFFF  }
0x98: {  	s18 =	sld [smem:$0x3FDB];
	_ =	sdelay $0x1  }
0x99: {  	s19 =	simm.s32 $_scs_section_size  }
0x9a: {  	s4 =	simm.s32 $_size__tile_overlayer_lowered;
	s5 =	simm.s32 $_tile_overlayer_lowered  }
0x9b: {  	s22 =	simm.s32 $0x1BFF;
	s21 =	sshll.u32 s5, $0x1;
	s2 =	sadd.s32 s19, s18  }
0x9c: {  	s6 =	simm.s32 $0x0;
	s20 =	sshll.u32 s4, $0x1;
	s4 =	sadd.s32 s21, s2  }
0x9d: {  	[timem:s6], [sflag:s22] =	dma.local [hbm:s4], s20  }
0x9e: {  	_ =	swait.ge [sflag:s22], s20  }
0x9f: {  	s3 =	ssub.s32 $0x0, s20;
	[sflag:s22] =	ssyncset.done $0x0  }
0xa0: {  	[sflag:s22] =	ssyncadd.s32 s3;
	_ =	sdelay $0x1  }
0xa1: {  	s23 =	simm.s32 $0x1B8B  }
0xa2: {  	_ =	swait.ge [sflag:s23], $0x1  }
0xa3: {  	[sflag:s23] =	ssyncset.done $0x0  }
0xa4: {  	s25 =	simm.s32 $0x1B8E;
	s24 =	sld [smem:$0x3FFE];
	[sflag:s23] =	ssyncadd.s32 $0xFFFFFFFF  }
0xa5: {  	s26 =	simm.s32 $execute0_lowered;
	[smem:$0x3FD2] =	sst s25  }
0xa6: {  	s4 =	sshll.u32 s26, $0x1;
	_ =	strace $0x8000004F;
	[dreg:$0x1] =	wrdreg $0xFFFFFFFF  }
0xa7: {  	s28 =	simm.s32 $_size_execute0_lowered;
	s2 =	sadd.s32 s2, s4;
	[dreg:$0x0] =	wrdreg $0x0  }
0xa8: {  	s4 =	sshll.u32 s28, $0x1;
	[dreg:$0x2] =	wrdreg s2  }
0xa9: {  	[dreg:$0x3] =	wrdreg s4  }
0xaa: {  	[dreg:$0x4] =	wrdreg $0xC0  }
0xab: {  	_ =	task [dreg:s6], $0x5FFFF  }
0xac: {  	[dreg:$0x1] =	wrdreg $0xFFFFFFFF  }
0xad: {  	[dreg:$0x0] =	wrdreg $0x60  }
0xae: {  	[dreg:$0x2] =	wrdreg s24  }
0xaf: {  	[dreg:$0x3] =	wrdreg $0x9  }
0xb0: {  	_ =	task.clear_ibuf [dreg:s6], $0x4FFFF;
	_ =	strace $0x9000004F  }
0xb1: {  	s29 =	simm.s32 $0x9;
	_ =	strace $0x80000051  }
0xb2: {  	_ =	swait.ge [sflag:s29], $0x1  }
0xb3: {  	[sflag:s29] =	ssyncadd.s32 $0xFFFFFFFF  }
0xb4: {  	_ =	strace $0x90000051  }
0xb5: {  	_ =	sfence  }
0xb6: {  	s30 =	sld [smem:$0x0];
	_ =	sdelay $0x2  }
0xb7: {  	s31 =	sshll.u32 s1, $0xD;
	s1 =	sshrl.u32 s1, $0x2  }
0xb8: {  	s3 =	sand.u32 $0x4000, s31;
	s1 =	sadd.s32 s1, s30  }
0xb9: {  	s0 =	sor.u32 s3, s0;
	s1 =	sshll.u32 s1, $0x11  }
0xba: {  	s0 =	sor.u32 s1, s0  }
0xbb: {  	s0 =	sadd.s32 $0x8F2B, s0  }
0xbc: {  	[sflag:s0] =	ssyncadd.remote.s32 $0x1  }
0xbd: {  	_ =	sfence.sel $0xFFFF  }
0xbe: {  	[dreg:$0x0] =	wrdreg $0xFFFFFFFF;
	(pc) =	sbr.abs _section_cstart, $3  }
0xbf: {  	[dreg:$0x1] =	wrdreg $0xFFFFFFFF  }
0xc0: {  	_ =	task.clear_ibuf [dreg:s6], $0x2FFFF;
	_ =	strace $0x9FFFFFFF  }
0xc1: {  	(tm) =	ssettm $0x7FFFFFFF  }
tec
execute0_lowered:
.L_overlay_start_1:
0x0: {  	(tag) =	ssettag $0x1  }
0x1: {  	s0 =	rddreg [dreg:$0x0];
	s1 =	srdreg.scid  }
0x2: {  	s3 =	stileid.u32;
	s2 =	simm.s32 $0x0;
	s8 =	simm.s32 $0x2  }
0x3: {  	s10 =	simm.s32 $0x1400;
	s11 =	simm.s32 $0x1C00;
	s12 =	simm.s32 $0x2400  }
0x4: {  	s13 =	simm.s32 $0x2C00;
	s14 =	simm.s32 $0x3400;
	s15 =	simm.s32 $0x3C00  }
0x5: {  	s16 =	simm.s32 $0x4400;
	s17 =	simm.s32 $0x4C00;
	s18 =	simm.s32 $0x5400  }
0x6: {  	s19 =	simm.s32 $0x5C00;
	s20 =	simm.s32 $0x6400;
	s21 =	simm.s32 $0x6C00  }
0x7: {  	s22 =	simm.s32 $0x7400;
	s23 =	simm.s32 $0x7C00;
	s24 =	simm.s32 $0x8400  }
0x8: {  	s25 =	simm.s32 $0x8C00;
	s26 =	simm.s32 $0x1;
	s28 =	simm.s32 $0x0  }
0x9: {  	s1 =	sand.u32 $0x1, s1;
	s3 =	sshll.u32 s3, $0x1;
	[smem:$0x7FF] =	sst s2  }
0xa: {  	s4 =	sor.u32 s1, s3;
	_ =	strace $0x80000050;
	s3 =	sadd.s32 $0xC800, s0  }
0xb: {  	s1 =	ssub.s32 $0x2, s1;
	s5 =	sshll.u32 s4, $0x7;
	s6 =	sshll.u32 s4, $0x9  }
0xc: {  	s4 =	sshll.u32 s4, $0xF;
	s7 =	sshrl.u32 s1, $0x1;
	s5 =	sadd.s32 s5, s0  }
0xd: {  	v2 =	vlaneseq.u32;
	s6 =	sadd.s32 s6, s0;
	s0 =	sadd.s32 s4, s0;
	s30 =	sadd.s32 $0xA0A00, s5  }
0xe: {  	vm0 =	vmmov $0xffff;
	v1 =	vshrl.u32 v2, $0x3;
	s1 =	ssub.s32 s1, s7;
	s31 =	sadd.s32 $0x1C800, s6;
	[dreg:$0x2] =	wrdreg s30  }
0xf: {  	v0 =	vand.u32 $0x7, v2;
	v2 =	vor.u32 $0x8, v2;
	v1 =	vmul.u32 $0x8, v1;
	s6 =	sadd.s32 $0xA1A00, s0;
	s7 =	smax.u32 s1, $0x1;
	[dreg:$0x3] =	wrdreg s31  }
.LBB2_1:
0x10: {  	s0 =	rddreg [dreg:$0x2]  }
0x11: {  	[tilespmem:s2], [sflag:$0x2] =	stream.linear.gather [hbm4b:s0+s2], $0x400, $0x38;
	[tilespmem:$0x9400] =	vst v63  }
0x12: {  	_ =	swait.ge [sflag:s8], $0x400  }
0x13: {  	[sflag:s8] =	ssyncset.done $0x0  }
0x14: {  	s1 =	simm.s32 $0x400;
	s31 =	rddreg [dreg:$0x3];
	[sflag:s8] =	ssyncadd.s32 $0xFFFFFC00  }
0x15: {  	[tilespmem:s1], [sflag:$0x2] =	stream.linear.gather [hbm4b:s31+s2], $0x1000, $0x38;
	[tilespmem:$0x9400] =	vst v63  }
0x16: {  	_ =	swait.ge [sflag:s8], $0x1000  }
0x17: {  	[sflag:s8] =	ssyncset.done $0x0  }
0x18: {  	s29 =	simm.s32 $0x0;
	[sflag:s8] =	ssyncadd.s32 $0xFFFFF000  }
.LBB2_2:
0x19: {  	s30 =	sshll.u32 s29, $0x9  }
0x1a: {  	s0 =	sshra.s32 s30, $0x2  }
0x1b: {  	v3 =	vld [tilespmem:s0+$0x0];
	_ =	sdelay $0x4  }
0x1c: {  	v4 =	vshll.u32 v3, $0x1  }
0x1d: {  	v3 =	vand.u32 $0x7, v3;
	v4 =	vand.u32 $0xFFFFFFF0, v4  }
0x1e: {  	v3 =	vor.u32 v3, v4  }
0x1f: {  	v4 =	vperm.xlane v3, v0;
	_ =	sdelay $0x1  }
0x20: {  	v3 =	vperm.xlane v3, v2;
	v4 =	vadd.s32 v1, v4;
	_ =	sdelay $0x1  }
0x21: {  	v3 =	vadd.s32 v1, v3;
	_ =	sdelay $0x1  }
0x22: {  	s31 =	simm.s32 $0x0  }
0x23: {  	[tilespmem:s10], [sflag:$0x1] =	stream.indirect_vreg.gather [hbm4b:s3+s31], $0x80, v4, vm0, $0xb8;
	[tilespmem:$0x9400] =	vst v63  }
0x24: {  	_ = 	snop  }
0x25: {  	[tilespmem:s11], [sflag:$0x1] =	stream.indirect_vreg.gather [hbm4b:s3+s31], $0x80, v3, vm0, $0xb8;
	[tilespmem:$0x9400] =	vst v63  }
0x26: {  	v3 =	vld [tilespmem:s0+$0x10];
	_ =	sdelay $0x4  }
0x27: {  	v4 =	vshll.u32 v3, $0x1  }
0x28: {  	v3 =	vand.u32 $0x7, v3;
	v4 =	vand.u32 $0xFFFFFFF0, v4  }
0x29: {  	v3 =	vor.u32 v3, v4  }
0x2a: {  	v4 =	vperm.xlane v3, v0;
	_ =	sdelay $0x1  }
0x2b: {  	v3 =	vperm.xlane v3, v2;
	v4 =	vadd.s32 v1, v4;
	_ =	sdelay $0x1  }
0x2c: {  	v3 =	vadd.s32 v1, v3;
	_ =	sdelay $0x2  }
0x2d: {  	[tilespmem:s12], [sflag:$0x1] =	stream.indirect_vreg.gather [hbm4b:s3+s31], $0x80, v4, vm0, $0xb8;
	[tilespmem:$0x9400] =	vst v63  }
0x2e: {  	_ = 	snop  }
0x2f: {  	[tilespmem:s13], [sflag:$0x1] =	stream.indirect_vreg.gather [hbm4b:s3+s31], $0x80, v3, vm0, $0xb8;
	[tilespmem:$0x9400] =	vst v63  }
0x30: {  	v3 =	vld [tilespmem:s0+$0x20];
	_ =	sdelay $0x4  }
0x31: {  	v4 =	vshll.u32 v3, $0x1  }
0x32: {  	v3 =	vand.u32 $0x7, v3;
	v4 =	vand.u32 $0xFFFFFFF0, v4  }
0x33: {  	v3 =	vor.u32 v3, v4  }
0x34: {  	v4 =	vperm.xlane v3, v0;
	_ =	sdelay $0x1  }
0x35: {  	v3 =	vperm.xlane v3, v2;
	v4 =	vadd.s32 v1, v4;
	_ =	sdelay $0x1  }
0x36: {  	v3 =	vadd.s32 v1, v3;
	_ =	sdelay $0x2  }
0x37: {  	[tilespmem:s14], [sflag:$0x1] =	stream.indirect_vreg.gather [hbm4b:s3+s31], $0x80, v4, vm0, $0xb8;
	[tilespmem:$0x9400] =	vst v63  }
0x38: {  	_ = 	snop  }
0x39: {  	[tilespmem:s15], [sflag:$0x1] =	stream.indirect_vreg.gather [hbm4b:s3+s31], $0x80, v3, vm0, $0xb8;
	[tilespmem:$0x9400] =	vst v63  }
0x3a: {  	v3 =	vld [tilespmem:s0+$0x30];
	_ =	sdelay $0x4  }
0x3b: {  	v4 =	vshll.u32 v3, $0x1  }
0x3c: {  	v3 =	vand.u32 $0x7, v3;
	v4 =	vand.u32 $0xFFFFFFF0, v4  }
0x3d: {  	v3 =	vor.u32 v3, v4  }
0x3e: {  	v4 =	vperm.xlane v3, v0;
	_ =	sdelay $0x1  }
0x3f: {  	v3 =	vperm.xlane v3, v2;
	v4 =	vadd.s32 v1, v4;
	_ =	sdelay $0x1  }
0x40: {  	v3 =	vadd.s32 v1, v3;
	_ =	sdelay $0x2  }
0x41: {  	[tilespmem:s16], [sflag:$0x1] =	stream.indirect_vreg.gather [hbm4b:s3+s31], $0x80, v4, vm0, $0xb8;
	[tilespmem:$0x9400] =	vst v63  }
0x42: {  	_ = 	snop  }
0x43: {  	[tilespmem:s17], [sflag:$0x1] =	stream.indirect_vreg.gather [hbm4b:s3+s31], $0x80, v3, vm0, $0xb8;
	[tilespmem:$0x9400] =	vst v63  }
0x44: {  	v3 =	vld [tilespmem:s0+$0x40];
	_ =	sdelay $0x4  }
0x45: {  	v4 =	vshll.u32 v3, $0x1  }
0x46: {  	v3 =	vand.u32 $0x7, v3;
	v4 =	vand.u32 $0xFFFFFFF0, v4  }
0x47: {  	v3 =	vor.u32 v3, v4  }
0x48: {  	v4 =	vperm.xlane v3, v0;
	_ =	sdelay $0x1  }
0x49: {  	v3 =	vperm.xlane v3, v2;
	v4 =	vadd.s32 v1, v4;
	_ =	sdelay $0x1  }
0x4a: {  	v3 =	vadd.s32 v1, v3;
	_ =	sdelay $0x2  }
0x4b: {  	[tilespmem:s18], [sflag:$0x1] =	stream.indirect_vreg.gather [hbm4b:s3+s31], $0x80, v4, vm0, $0xb8;
	[tilespmem:$0x9400] =	vst v63  }
0x4c: {  	_ = 	snop  }
0x4d: {  	[tilespmem:s19], [sflag:$0x1] =	stream.indirect_vreg.gather [hbm4b:s3+s31], $0x80, v3, vm0, $0xb8;
	[tilespmem:$0x9400] =	vst v63  }
0x4e: {  	v3 =	vld [tilespmem:s0+$0x50];
	_ =	sdelay $0x4  }
0x4f: {  	v4 =	vshll.u32 v3, $0x1  }
0x50: {  	v3 =	vand.u32 $0x7, v3;
	v4 =	vand.u32 $0xFFFFFFF0, v4  }
0x51: {  	v3 =	vor.u32 v3, v4  }
0x52: {  	v4 =	vperm.xlane v3, v0;
	_ =	sdelay $0x1  }
0x53: {  	v3 =	vperm.xlane v3, v2;
	v4 =	vadd.s32 v1, v4;
	_ =	sdelay $0x1  }
0x54: {  	v3 =	vadd.s32 v1, v3;
	_ =	sdelay $0x2  }
0x55: {  	[tilespmem:s20], [sflag:$0x1] =	stream.indirect_vreg.gather [hbm4b:s3+s31], $0x80, v4, vm0, $0xb8;
	[tilespmem:$0x9400] =	vst v63  }
0x56: {  	_ = 	snop  }
0x57: {  	[tilespmem:s21], [sflag:$0x1] =	stream.indirect_vreg.gather [hbm4b:s3+s31], $0x80, v3, vm0, $0xb8;
	[tilespmem:$0x9400] =	vst v63  }
0x58: {  	v3 =	vld [tilespmem:s0+$0x60];
	_ =	sdelay $0x4  }
0x59: {  	v4 =	vshll.u32 v3, $0x1  }
0x5a: {  	v3 =	vand.u32 $0x7, v3;
	v4 =	vand.u32 $0xFFFFFFF0, v4  }
0x5b: {  	v3 =	vor.u32 v3, v4  }
0x5c: {  	v4 =	vperm.xlane v3, v0;
	_ =	sdelay $0x1  }
0x5d: {  	v3 =	vperm.xlane v3, v2;
	v4 =	vadd.s32 v1, v4;
	_ =	sdelay $0x1  }
0x5e: {  	v3 =	vadd.s32 v1, v3;
	_ =	sdelay $0x2  }
0x5f: {  	[tilespmem:s22], [sflag:$0x1] =	stream.indirect_vreg.gather [hbm4b:s3+s31], $0x80, v4, vm0, $0xb8;
	[tilespmem:$0x9400] =	vst v63  }
0x60: {  	_ = 	snop  }
0x61: {  	[tilespmem:s23], [sflag:$0x1] =	stream.indirect_vreg.gather [hbm4b:s3+s31], $0x80, v3, vm0, $0xb8;
	[tilespmem:$0x9400] =	vst v63  }
0x62: {  	v3 =	vld [tilespmem:s0+$0x70];
	_ =	sdelay $0x4  }
0x63: {  	v4 =	vshll.u32 v3, $0x1  }
0x64: {  	v3 =	vand.u32 $0x7, v3;
	v4 =	vand.u32 $0xFFFFFFF0, v4  }
0x65: {  	v3 =	vor.u32 v3, v4  }
0x66: {  	v4 =	vperm.xlane v3, v0;
	_ =	sdelay $0x1  }
0x67: {  	v3 =	vperm.xlane v3, v2;
	v4 =	vadd.s32 v1, v4;
	_ =	sdelay $0x1  }
0x68: {  	v3 =	vadd.s32 v1, v3;
	_ =	sdelay $0x1  }
0x69: {  	s5 =	sand.u32 $0x3FFFFE00, s30  }
0x6a: {  	[tilespmem:s24], [sflag:$0x1] =	stream.indirect_vreg.gather [hbm4b:s3+s31], $0x80, v4, vm0, $0xb8;
	[tilespmem:$0x9400] =	vst v63  }
0x6b: {  	s0 =	sadd.s32 $0x400, s5  }
0x6c: {  	[tilespmem:s25], [sflag:$0x1] =	stream.indirect_vreg.gather [hbm4b:s3+s31], $0x80, v3, vm0, $0xb8;
	v3 =	vmov s0;
	[tilespmem:$0x9400] =	vst v63  }
0x6d: {  	_ =	swait.ge [sflag:s26], $0x8000  }
0x6e: {  	s1 =	sand.u32 $0x7800, s31;
	s4 =	sand.u32 $0x380, s31;
	[sflag:s26] =	ssyncset.done $0x0  }
0x6f: {  	s9 =	sand.u32 $0x600, s31;
	s0 =	sor.u32 s4, s1;
	[sflag:s26] =	ssyncadd.s32 $0xFFFF8000  }
0x70: {  	s9 =	sshrl.u32 s9, $0x2;
	v5 =	vld [tilespmem:s0+$0x1400]  }
0x71: {  	v4 =	vld.idx.msk [tilespmem:v3+s9+$0x0 ss:$0x1], $0xffff;
	_ =	sdelay $0x4  }
0x72: {  	s30 =	simm.s32 $0x80;
	s5 =	simm.s32 $0x10;
	s31 =	simm.s32 $0x100;
	v4 =	vsub.f32 v5, v4  }
0x73: {  	s4 =	sand.u32 $0x600, s5;
	s1 =	simm.s32 $0x20;
	s9 =	sand.u32 $0x7800, s31  }
.LBB2_3:
0x74: {  	p0 =	sne.s32 s1, $0x7F0;
	s5 =	sand.u32 $0x380, s30;
	s4 =	sshrl.u32 s4, $0x2;
	[tilespmem:s0+$0x1400] =	vst v4  }
0x75: {  	s0 =	sor.u32 s5, s9;
	v4 =	vld.idx.msk [tilespmem:v3+s4+$0x0 ss:$0x1], $0xffff  }
0x76: {  	v5 =	vld [tilespmem:s0+$0x1400];
	_ =	sdelay $0x1  }
.Ltmp0:
0x77: {  	(pc) =	sbr.rel @p0 .LBB2_3-.Ltmp0, $3  }
0x78: {  	_ =	sdelay $0x1  }
0x79: {  	s30 =	sadd.s32 $0x80, s30;
	s31 =	sadd.s32 $0x100, s31;
	v4 =	vsub.f32 v5, v4  }
0x7a: {  	s9 =	sand.u32 $0x7800, s31;
	s4 =	sand.u32 $0x600, s1;
	s1 =	sadd.s32 $0x10, s1  }
0x7b: {  	_ =	sdelay $0x2  }
0x7c: {  	s1 =	sand.u32 $0x380, s30;
	s4 =	sshrl.u32 s4, $0x2;
	[tilespmem:s0+$0x1400] =	vst v4  }
0x7d: {  	s9 =	sor.u32 s1, s9;
	v3 =	vld.idx.msk [tilespmem:v3+s4+$0x0 ss:$0x1], $0xffff  }
0x7e: {  	v4 =	vld [tilespmem:s9+$0x1400];
	_ =	sdelay $0x4  }
0x7f: {  	s30 =	sshll.u32 s29, $0xC;
	s29 =	sadd.s32 $0x1, s29;
	v3 =	vsub.f32 v4, v3  }
0x80: {  	p0 =	sne.s32 s29, $0x8  }
.Ltmp1:
0x81: {  	s31 =	sadd.s32 s30, s6;
	[tilespmem:s9+$0x1400] =	vst v3;
	(pc) =	sbr.rel @p0 .LBB2_2-.Ltmp1, $4  }
0x82: {  	[hbm4b:s31+s2] =	stream.linear.scatter [tilespmem:s10], [sflag:$0x2], $0x8000, $0x38;
	[tilespmem:$0x9400] =	vst v63  }
0x83: {  	_ =	swait.ge [sflag:s8], $0x8000  }
0x84: {  	[sflag:s8] =	ssyncset.done $0x0  }
0x85: {  	[sflag:s8] =	ssyncadd.s32 $0xFFFF8000  }
0x86: {  	s28 =	sadd.s32 $0x1, s28  }
0x87: {  	p0 =	sne.s32 s28, s7  }
.Ltmp2:
0x88: {  	_ = 	snop;
	(pc) =	sbr.rel @p0 .LBB2_1-.Ltmp2, $1  }
0x89: {  	_ =	sdelay $0x3  }
0x8a: {  	_ =	sfence.sel $0x180000  }
0x8b: {  	[bflag:$0x0] =	sbarrier.arrive $0xFFFF  }
0x8c: {  	_ =	strace $0x90000050  }
0x8d: {  	s0 =	stileid.u32;
	[bflag:$0x2] =	sbarrier.arrive $0xFFFF  }
0x8e: {  	p0 =	sne.s32 s0, $0x0;
	s0 =	rddreg [dreg:$0x1]  }
0x8f: {  	s0 =	sadd.s32 @!p0 $0x100000, s0  }
0x90: {  	[sflag:s0] =	ssyncadd.tile.s32 @!p0 $0x1;
	_ =	shalt  }
.Lfunc_end2:
_tile_overlayer_lowered:
.L_overlay_start_2:
0x91: {  	(tag) =	ssettag $0x2  }
0x92: {  	s0 =	rddreg [dreg:$0x0];
	s2 =	stileid.u32  }
0x93: {  	s1 =	rddreg [dreg:$0x1];
	p0 =	sne.s32 s2, $0x0  }
0x94: {  	s3 =	rddreg [dreg:$0x2];
	[bflag:$0x3] =	sbarrier.arrive $0xFFFF;
	s2 =	simm.s32 @!p0 $0x1C02  }
0x95: {  	[timem:s3], [sflag:s2] =	dma.local @!p0 [hbm:s0], s1  }
0x96: {  	s0 =	simm.s32 @!p0 $0x2  }
0x97: {  	_ =	swait.ge @!p0 [sflag:s0], s1  }
0x98: {  	s1 =	ssub.s32 @!p0 $0x0, s1;
	[sflag:s0] =	ssyncset.done @!p0 $0x0  }
0x99: {  	[sflag:s0] =	ssyncadd.s32 @!p0 s1  }
0x9a: {  	[bflag:$0x3] =	sbarrier.arrive $0xFFFF  }
0x9b: {  	_ =	shalt  }

// kernel: kernel.74.cloned.1.call-start
scs
__scs_entry_jumppad:
0x0: {  	(pc) =	sbr.rel $0x88, $3  }
0x1: {  	(tag) =	ssettag $0x0;
	lr =	simm.s32 $0x1  }
0x2: {  	[smem:$0x3F64] =	sst lr;
	_ =	strace $0xD0000000  }
0x3: {  	_ = 	snop  }
0x4: {  	_ = 	snop  }
0x5: {  	_ = 	snop  }
0x6: {  	_ = 	snop  }
0x7: {  	_ = 	snop  }
__scs_overlays_trampoline_lowered:
0x8: {  	[smem:$0x3F73] =	sst s0  }
0x9: {  	[smem:$0x3F74] =	sst s1  }
0xa: {  	[smem:$0x3F75] =	sst s2  }
0xb: {  	[smem:$0x3F76] =	sst s3  }
0xc: {  	[smem:$0x3F77] =	sst s4  }
0xd: {  	[smem:$0x3F78] =	sst s5  }
0xe: {  	[smem:$0x3F79] =	sst s6  }
0xf: {  	[smem:$0x3F7A] =	sst s7  }
0x10: {  	[smem:$0x3F7B] =	sst s8  }
0x11: {  	[smem:$0x3F7C] =	sst s9;
	s0 =	simm.s32 @!p0 $0x0  }
0x12: {  	s1 =	sld [smem:$0x3F62];
	s0 =	simm.s32 @p0 $0x1  }
0x13: {  	[smem:$0x3F7D] =	sst s0;
	s0 =	simm.s32 @!p1 $0x0  }
0x14: {  	s2 =	sld [smem:$0x3F61];
	s0 =	simm.s32 @p1 $0x1  }
0x15: {  	[smem:$0x3F7E] =	sst s0;
	s0 =	simm.s32 @!p2 $0x0  }
0x16: {  	s3 =	sld [smem:$0x3FDB];
	s0 =	simm.s32 @p2 $0x1  }
0x17: {  	s4 =	simm.s32 $0x1BF5;
	[smem:$0x3F80] =	sst s0  }
0x18: {  	s0 =	sld [smem:$0x3F63];
	_ =	swait.ge [sflag:s4], $0x0  }
0x19: {  	s7 =	sld [smem:$0x3F64]  }
0x1a: {  	s8 =	sadd.s32 $0xFFFFE003, lr  }
0x1b: {  	s9 =	sadd.s32 $0xFFFFFEF7, lr;
	s5 =	simm.s32 $0xFFFFFFFF;
	p2 =	slt.u32 s8, $0xFFFFF086  }
0x1c: {  	p1 =	slt.u32 s9, $0xF7A;
	s5 =	simm.s32 @!p2 $0x0  }
0x1d: {  	s5 =	simm.s32 @p1 $0x1;
	p0 =	seq.s32 s7, s2  }
0x1e: {  	s7 =	smul.u32 @!p0 $0xF7A, s2;
	p2 =	seq.s32 @!p0 s5, $0x0  }
0x1f: {  	s9 =	smul.u32 $0xF7A, s1;
	s8 =	simm.s32 @!p0 $0x1BF5;
	p2 =	por !p2, p0  }
0x20: {  	[sflag:s8] =	ssyncset.s32 @!p0 $0xFFFFF086;
	s6 =	sadd.s32 @!p0 s3, s7;
	s7 =	simm.s32 @!p0 $0x108  }
0x21: {  	s3 =	sadd.s32 s3, s9;
	s6 =	sadd.s32 @!p0 $0x88, s6;
	s7 =	simm.s32 @p2 $0x1082  }
0x22: {  	[simem:s7], [sflag:s8] =	dma.local @!p0 [hbm:s6], $0xF7A  }
0x23: {  	s9 =	sor.u32 $0xD0000000, s2;
	s6 =	simm.s32 $0x108;
	_ =	swait.ge @!p0 [sflag:s8], $0x0  }
0x24: {  	s3 =	sadd.s32 $0x88, s3;
	s6 =	simm.s32 @!p1 $0x1082;
	[sflag:s4] =	ssyncset.s32 $0xFFFFF086  }
0x25: {  	[simem:s6], [sflag:s4] =	dma.local [hbm:s3], $0xF7A  }
0x26: {  	[smem:$0x3F64] =	sst s1;
	(tag) =	ssettag s2;
	_ =	strace s9  }
0x27: {  	s1 =	sld [smem:$0x3F74]  }
0x28: {  	s2 =	sld [smem:$0x3F75]  }
0x29: {  	s4 =	sld [smem:$0x3F77]  }
0x2a: {  	p0 =	seq.s32 s5, $0x0;
	s5 =	sld [smem:$0x3F78]  }
0x2b: {  	s6 =	sld [smem:$0x3F79]  }
0x2c: {  	s7 =	sld [smem:$0x3F7A]  }
0x2d: {  	s3 =	simm.s32 $0x108;
	s8 =	sld [smem:$0x3F7B]  }
0x2e: {  	s3 =	simm.s32 @!p0 $0x1082;
	s9 =	sld [smem:$0x3F7C]  }
0x2f: {  	lr =	sadd.s32 s0, s3;
	s0 =	sld [smem:$0x3F73]  }
0x30: {  	s3 =	sld [smem:$0x3F76]  }
0x31: {  	[smem:$0x3F7F] =	sst s10  }
0x32: {  	s10 =	sld [smem:$0x3F7D];
	_ =	sdelay $0x3  }
0x33: {  	p0 =	seq.s32 s10, $0x1;
	s10 =	sld [smem:$0x3F7F];
	_ =	sdelay $0x3  }
0x34: {  	[smem:$0x3F7F] =	sst s10  }
0x35: {  	s10 =	sld [smem:$0x3F7E];
	_ =	sdelay $0x3  }
0x36: {  	p1 =	seq.s32 s10, $0x1;
	s10 =	sld [smem:$0x3F7F];
	_ =	sdelay $0x3  }
0x37: {  	[smem:$0x3F7F] =	sst s10  }
0x38: {  	s10 =	sld [smem:$0x3F80]  }
0x39: {  	_ = 	snop;
	(pc) =	sbr.ind lr, $3  }
0x3a: {  	_ = 	snop  }
0x3b: {  	_ = 	snop  }
0x3c: {  	p2 =	seq.s32 s10, $0x1;
	s10 =	sld [smem:$0x3F7F]  }
0x3d: {  	_ =	shalt  }
0x3e: {  	_ =	shalt  }
0x3f: {  	_ =	shalt  }
0x40: {  	_ =	shalt  }
0x41: {  	_ =	shalt  }
0x42: {  	_ =	shalt  }
0x43: {  	_ =	shalt  }
0x44: {  	_ =	shalt  }
0x45: {  	_ =	shalt  }
0x46: {  	_ =	shalt  }
0x47: {  	_ =	shalt  }
0x48: {  	_ =	shalt  }
0x49: {  	_ =	shalt  }
0x4a: {  	_ =	shalt  }
0x4b: {  	_ =	shalt  }
0x4c: {  	_ =	shalt  }
0x4d: {  	_ =	shalt  }
0x4e: {  	_ =	shalt  }
0x4f: {  	_ =	shalt  }
0x50: {  	_ =	shalt  }
0x51: {  	_ =	shalt  }
0x52: {  	_ =	shalt  }
0x53: {  	_ =	shalt  }
0x54: {  	_ =	shalt  }
0x55: {  	_ =	shalt  }
0x56: {  	_ =	shalt  }
0x57: {  	_ =	shalt  }
0x58: {  	_ =	shalt  }
0x59: {  	_ =	shalt  }
0x5a: {  	_ =	shalt  }
0x5b: {  	_ =	shalt  }
0x5c: {  	_ =	shalt  }
0x5d: {  	_ =	shalt  }
0x5e: {  	_ =	shalt  }
0x5f: {  	_ =	shalt  }
0x60: {  	_ =	shalt  }
0x61: {  	_ =	shalt  }
0x62: {  	_ =	shalt  }
0x63: {  	_ =	shalt  }
0x64: {  	_ =	shalt  }
0x65: {  	_ =	shalt  }
0x66: {  	_ =	shalt  }
0x67: {  	_ =	shalt  }
0x68: {  	_ =	shalt  }
0x69: {  	_ =	shalt  }
0x6a: {  	_ =	shalt  }
0x6b: {  	_ =	shalt  }
0x6c: {  	_ =	shalt  }
0x6d: {  	_ =	shalt  }
0x6e: {  	_ =	shalt  }
0x6f: {  	_ =	shalt  }
0x70: {  	_ =	shalt  }
0x71: {  	_ =	shalt  }
0x72: {  	_ =	shalt  }
0x73: {  	_ =	shalt  }
0x74: {  	_ =	shalt  }
0x75: {  	_ =	shalt  }
0x76: {  	_ =	shalt  }
0x77: {  	_ =	shalt  }
0x78: {  	_ =	shalt  }
0x79: {  	_ =	shalt  }
0x7a: {  	_ =	shalt  }
0x7b: {  	_ =	shalt  }
0x7c: {  	_ =	shalt  }
0x7d: {  	_ =	shalt  }
0x7e: {  	_ =	shalt  }
0x7f: {  	_ =	shalt  }
0x80: {  	_ =	shalt  }
0x81: {  	_ =	shalt  }
0x82: {  	_ =	shalt  }
0x83: {  	_ =	shalt  }
0x84: {  	_ =	shalt  }
0x85: {  	_ =	shalt  }
0x86: {  	_ =	shalt  }
0x87: {  	_ =	shalt  }
.Lfunc_end0:
.L_simem_size_0:
called_computation.4_lowered:
.L_overlay_start_0:
0x88: {  	s2 =	sld [smem:$0x3FD9]  }
0x89: {  	s3 =	sld [smem:$0x3FFE];
	_ =	sdelay $0x1  }
0x8a: {  	s1 =	srdreg.scid  }
0x8b: {  	s0 =	sand.u32 $0x1, s1  }
0x8c: {  	s16 =	sshll.u32 s0, $0xA;
	s2 =	sadd.s32 s3, s2  }
0x8d: {  	s2 =	sadd.s32 s2, s16  }
0x8e: {  	[smem:$0x3F8B] =	sst s2  }
0x8f: {  	_ = 	snop  }
0x90: {  	(tm) =	ssettm $0x1  }
0x91: {  	s17 =	sld [smem:$0x3FFB];
	_ =	sdelay $0x3  }
0x92: {  	_ =	strace s17  }
0x93: {  	s2 =	sld [smem:$0x3FFC];
	_ =	sdelay $0x3  }
0x94: {  	_ =	strace s2  }
0x95: {  	s2 =	sld [smem:$0x3FFD];
	_ =	sdelay $0x3  }
0x96: {  	_ =	strace s2  }
0x97: {  	_ =	strace $0x8FFFFFFF  }
0x98: {  	s18 =	sld [smem:$0x3FDB];
	_ =	sdelay $0x1  }
0x99: {  	s19 =	simm.s32 $_scs_section_size  }
0x9a: {  	s4 =	simm.s32 $_size__tile_overlayer_lowered;
	s5 =	simm.s32 $_tile_overlayer_lowered  }
0x9b: {  	s22 =	simm.s32 $0x1BFF;
	s21 =	sshll.u32 s5, $0x1;
	s2 =	sadd.s32 s19, s18  }
0x9c: {  	s6 =	simm.s32 $0x0;
	s20 =	sshll.u32 s4, $0x1;
	s4 =	sadd.s32 s21, s2  }
0x9d: {  	[timem:s6], [sflag:s22] =	dma.local [hbm:s4], s20  }
0x9e: {  	_ =	swait.ge [sflag:s22], s20  }
0x9f: {  	s3 =	ssub.s32 $0x0, s20;
	[sflag:s22] =	ssyncset.done $0x0  }
0xa0: {  	[sflag:s22] =	ssyncadd.s32 s3;
	_ =	sdelay $0x1  }
0xa1: {  	s23 =	simm.s32 $0x1B8B  }
0xa2: {  	_ =	swait.ge [sflag:s23], $0x1  }
0xa3: {  	[sflag:s23] =	ssyncset.done $0x0  }
0xa4: {  	s25 =	simm.s32 $0x1B8E;
	s24 =	sld [smem:$0x3FFE];
	[sflag:s23] =	ssyncadd.s32 $0xFFFFFFFF  }
0xa5: {  	s26 =	simm.s32 $execute0_lowered;
	[smem:$0x3FD2] =	sst s25  }
0xa6: {  	s4 =	sshll.u32 s26, $0x1;
	_ =	strace $0x80000052;
	[dreg:$0x1] =	wrdreg $0xFFFFFFFF  }
0xa7: {  	s28 =	simm.s32 $_size_execute0_lowered;
	s2 =	sadd.s32 s2, s4;
	[dreg:$0x0] =	wrdreg $0x0  }
0xa8: {  	s4 =	sshll.u32 s28, $0x1;
	[dreg:$0x2] =	wrdreg s2  }
0xa9: {  	[dreg:$0x3] =	wrdreg s4  }
0xaa: {  	[dreg:$0x4] =	wrdreg $0xC0  }
0xab: {  	_ =	task [dreg:s6], $0x5FFFF  }
0xac: {  	[dreg:$0x1] =	wrdreg $0xFFFFFFFF  }
0xad: {  	[dreg:$0x0] =	wrdreg $0x60  }
0xae: {  	[dreg:$0x2] =	wrdreg s24  }
0xaf: {  	[dreg:$0x3] =	wrdreg $0x9  }
0xb0: {  	_ =	task.clear_ibuf [dreg:s6], $0x4FFFF;
	_ =	strace $0x90000052  }
0xb1: {  	s29 =	simm.s32 $0x9;
	_ =	strace $0x80000054  }
0xb2: {  	_ =	swait.ge [sflag:s29], $0x1  }
0xb3: {  	[sflag:s29] =	ssyncadd.s32 $0xFFFFFFFF  }
0xb4: {  	_ =	strace $0x90000054  }
0xb5: {  	_ =	sfence  }
0xb6: {  	s30 =	sld [smem:$0x0];
	_ =	sdelay $0x2  }
0xb7: {  	s31 =	sshll.u32 s1, $0xD;
	s1 =	sshrl.u32 s1, $0x2  }
0xb8: {  	s3 =	sand.u32 $0x4000, s31;
	s1 =	sadd.s32 s1, s30  }
0xb9: {  	s0 =	sor.u32 s3, s0;
	s1 =	sshll.u32 s1, $0x11  }
0xba: {  	s0 =	sor.u32 s1, s0  }
0xbb: {  	s0 =	sadd.s32 $0x8F2B, s0  }
0xbc: {  	[sflag:s0] =	ssyncadd.remote.s32 $0x1  }
0xbd: {  	_ =	sfence.sel $0xFFFF  }
0xbe: {  	[dreg:$0x0] =	wrdreg $0xFFFFFFFF;
	(pc) =	sbr.abs _section_cstart, $3  }
0xbf: {  	[dreg:$0x1] =	wrdreg $0xFFFFFFFF  }
0xc0: {  	_ =	task.clear_ibuf [dreg:s6], $0x2FFFF;
	_ =	strace $0x9FFFFFFF  }
0xc1: {  	(tm) =	ssettm $0x7FFFFFFF  }
tec
execute0_lowered:
.L_overlay_start_1:
0x0: {  	(tag) =	ssettag $0x1  }
0x1: {  	s0 =	rddreg [dreg:$0x0];
	s1 =	srdreg.scid  }
0x2: {  	s3 =	stileid.u32;
	s2 =	simm.s32 $0x0;
	s8 =	simm.s32 $0x2  }
0x3: {  	s10 =	simm.s32 $0x1400;
	s11 =	simm.s32 $0x1C00;
	s12 =	simm.s32 $0x2400  }
0x4: {  	s13 =	simm.s32 $0x2C00;
	s14 =	simm.s32 $0x3400;
	s15 =	simm.s32 $0x3C00  }
0x5: {  	s16 =	simm.s32 $0x4400;
	s17 =	simm.s32 $0x4C00;
	s18 =	simm.s32 $0x5400  }
0x6: {  	s19 =	simm.s32 $0x5C00;
	s20 =	simm.s32 $0x6400;
	s21 =	simm.s32 $0x6C00  }
0x7: {  	s22 =	simm.s32 $0x7400;
	s23 =	simm.s32 $0x7C00;
	s24 =	simm.s32 $0x8400  }
0x8: {  	s25 =	simm.s32 $0x8C00;
	s26 =	simm.s32 $0x1;
	s28 =	simm.s32 $0x0  }
0x9: {  	s1 =	sand.u32 $0x1, s1;
	s3 =	sshll.u32 s3, $0x1;
	[smem:$0x7FF] =	sst s2  }
0xa: {  	s4 =	sor.u32 s1, s3;
	_ =	strace $0x80000053;
	s3 =	sadd.s32 $0xC800, s0  }
0xb: {  	s1 =	ssub.s32 $0x2, s1;
	s5 =	sshll.u32 s4, $0x7;
	s6 =	sshll.u32 s4, $0x9  }
0xc: {  	s4 =	sshll.u32 s4, $0xF;
	s7 =	sshrl.u32 s1, $0x1;
	s5 =	sadd.s32 s5, s0  }
0xd: {  	v2 =	vlaneseq.u32;
	s6 =	sadd.s32 s6, s0;
	s0 =	sadd.s32 s4, s0;
	s30 =	sadd.s32 $0xA0A00, s5  }
0xe: {  	vm0 =	vmmov $0xffff;
	v1 =	vshrl.u32 v2, $0x3;
	s1 =	ssub.s32 s1, s7;
	s31 =	sadd.s32 $0x1C800, s6;
	[dreg:$0x2] =	wrdreg s30  }
0xf: {  	v0 =	vand.u32 $0x7, v2;
	v2 =	vor.u32 $0x8, v2;
	v1 =	vmul.u32 $0x8, v1;
	s6 =	sadd.s32 $0xA1A00, s0;
	s7 =	smax.u32 s1, $0x1;
	[dreg:$0x3] =	wrdreg s31  }
.LBB2_1:
0x10: {  	s0 =	rddreg [dreg:$0x2]  }
0x11: {  	[tilespmem:s2], [sflag:$0x2] =	stream.linear.gather [hbm4b:s0+s2], $0x400, $0x38;
	[tilespmem:$0x9400] =	vst v63  }
0x12: {  	_ =	swait.ge [sflag:s8], $0x400  }
0x13: {  	[sflag:s8] =	ssyncset.done $0x0  }
0x14: {  	s1 =	simm.s32 $0x400;
	s31 =	rddreg [dreg:$0x3];
	[sflag:s8] =	ssyncadd.s32 $0xFFFFFC00  }
0x15: {  	[tilespmem:s1], [sflag:$0x2] =	stream.linear.gather [hbm4b:s31+s2], $0x1000, $0x38;
	[tilespmem:$0x9400] =	vst v63  }
0x16: {  	_ =	swait.ge [sflag:s8], $0x1000  }
0x17: {  	[sflag:s8] =	ssyncset.done $0x0  }
0x18: {  	s29 =	simm.s32 $0x0;
	[sflag:s8] =	ssyncadd.s32 $0xFFFFF000  }
.LBB2_2:
0x19: {  	s30 =	sshll.u32 s29, $0x9  }
0x1a: {  	s0 =	sshra.s32 s30, $0x2  }
0x1b: {  	v3 =	vld [tilespmem:s0+$0x0];
	_ =	sdelay $0x4  }
0x1c: {  	v4 =	vshll.u32 v3, $0x1  }
0x1d: {  	v3 =	vand.u32 $0x7, v3;
	v4 =	vand.u32 $0xFFFFFFF0, v4  }
0x1e: {  	v3 =	vor.u32 v3, v4  }
0x1f: {  	v4 =	vperm.xlane v3, v0;
	_ =	sdelay $0x1  }
0x20: {  	v3 =	vperm.xlane v3, v2;
	v4 =	vadd.s32 v1, v4;
	_ =	sdelay $0x1  }
0x21: {  	v3 =	vadd.s32 v1, v3;
	_ =	sdelay $0x1  }
0x22: {  	s31 =	simm.s32 $0x0  }
0x23: {  	[tilespmem:s10], [sflag:$0x1] =	stream.indirect_vreg.gather [hbm4b:s3+s31], $0x80, v4, vm0, $0xb8;
	[tilespmem:$0x9400] =	vst v63  }
0x24: {  	_ = 	snop  }
0x25: {  	[tilespmem:s11], [sflag:$0x1] =	stream.indirect_vreg.gather [hbm4b:s3+s31], $0x80, v3, vm0, $0xb8;
	[tilespmem:$0x9400] =	vst v63  }
0x26: {  	v3 =	vld [tilespmem:s0+$0x10];
	_ =	sdelay $0x4  }
0x27: {  	v4 =	vshll.u32 v3, $0x1  }
0x28: {  	v3 =	vand.u32 $0x7, v3;
	v4 =	vand.u32 $0xFFFFFFF0, v4  }
0x29: {  	v3 =	vor.u32 v3, v4  }
0x2a: {  	v4 =	vperm.xlane v3, v0;
	_ =	sdelay $0x1  }
0x2b: {  	v3 =	vperm.xlane v3, v2;
	v4 =	vadd.s32 v1, v4;
	_ =	sdelay $0x1  }
0x2c: {  	v3 =	vadd.s32 v1, v3;
	_ =	sdelay $0x2  }
0x2d: {  	[tilespmem:s12], [sflag:$0x1] =	stream.indirect_vreg.gather [hbm4b:s3+s31], $0x80, v4, vm0, $0xb8;
	[tilespmem:$0x9400] =	vst v63  }
0x2e: {  	_ = 	snop  }
0x2f: {  	[tilespmem:s13], [sflag:$0x1] =	stream.indirect_vreg.gather [hbm4b:s3+s31], $0x80, v3, vm0, $0xb8;
	[tilespmem:$0x9400] =	vst v63  }
0x30: {  	v3 =	vld [tilespmem:s0+$0x20];
	_ =	sdelay $0x4  }
0x31: {  	v4 =	vshll.u32 v3, $0x1  }
0x32: {  	v3 =	vand.u32 $0x7, v3;
	v4 =	vand.u32 $0xFFFFFFF0, v4  }
0x33: {  	v3 =	vor.u32 v3, v4  }
0x34: {  	v4 =	vperm.xlane v3, v0;
	_ =	sdelay $0x1  }
0x35: {  	v3 =	vperm.xlane v3, v2;
	v4 =	vadd.s32 v1, v4;
	_ =	sdelay $0x1  }
0x36: {  	v3 =	vadd.s32 v1, v3;
	_ =	sdelay $0x2  }
0x37: {  	[tilespmem:s14], [sflag:$0x1] =	stream.indirect_vreg.gather [hbm4b:s3+s31], $0x80, v4, vm0, $0xb8;
	[tilespmem:$0x9400] =	vst v63  }
0x38: {  	_ = 	snop  }
0x39: {  	[tilespmem:s15], [sflag:$0x1] =	stream.indirect_vreg.gather [hbm4b:s3+s31], $0x80, v3, vm0, $0xb8;
	[tilespmem:$0x9400] =	vst v63  }
0x3a: {  	v3 =	vld [tilespmem:s0+$0x30];
	_ =	sdelay $0x4  }
0x3b: {  	v4 =	vshll.u32 v3, $0x1  }
0x3c: {  	v3 =	vand.u32 $0x7, v3;
	v4 =	vand.u32 $0xFFFFFFF0, v4  }
0x3d: {  	v3 =	vor.u32 v3, v4  }
0x3e: {  	v4 =	vperm.xlane v3, v0;
	_ =	sdelay $0x1  }
0x3f: {  	v3 =	vperm.xlane v3, v2;
	v4 =	vadd.s32 v1, v4;
	_ =	sdelay $0x1  }
0x40: {  	v3 =	vadd.s32 v1, v3;
	_ =	sdelay $0x2  }
0x41: {  	[tilespmem:s16], [sflag:$0x1] =	stream.indirect_vreg.gather [hbm4b:s3+s31], $0x80, v4, vm0, $0xb8;
	[tilespmem:$0x9400] =	vst v63  }
0x42: {  	_ = 	snop  }
0x43: {  	[tilespmem:s17], [sflag:$0x1] =	stream.indirect_vreg.gather [hbm4b:s3+s31], $0x80, v3, vm0, $0xb8;
	[tilespmem:$0x9400] =	vst v63  }
0x44: {  	v3 =	vld [tilespmem:s0+$0x40];
	_ =	sdelay $0x4  }
0x45: {  	v4 =	vshll.u32 v3, $0x1  }
0x46: {  	v3 =	vand.u32 $0x7, v3;
	v4 =	vand.u32 $0xFFFFFFF0, v4  }
0x47: {  	v3 =	vor.u32 v3, v4  }
0x48: {  	v4 =	vperm.xlane v3, v0;
	_ =	sdelay $0x1  }
0x49: {  	v3 =	vperm.xlane v3, v2;
	v4 =	vadd.s32 v1, v4;
	_ =	sdelay $0x1  }
0x4a: {  	v3 =	vadd.s32 v1, v3;
	_ =	sdelay $0x2  }
0x4b: {  	[tilespmem:s18], [sflag:$0x1] =	stream.indirect_vreg.gather [hbm4b:s3+s31], $0x80, v4, vm0, $0xb8;
	[tilespmem:$0x9400] =	vst v63  }
0x4c: {  	_ = 	snop  }
0x4d: {  	[tilespmem:s19], [sflag:$0x1] =	stream.indirect_vreg.gather [hbm4b:s3+s31], $0x80, v3, vm0, $0xb8;
	[tilespmem:$0x9400] =	vst v63  }
0x4e: {  	v3 =	vld [tilespmem:s0+$0x50];
	_ =	sdelay $0x4  }
0x4f: {  	v4 =	vshll.u32 v3, $0x1  }
0x50: {  	v3 =	vand.u32 $0x7, v3;
	v4 =	vand.u32 $0xFFFFFFF0, v4  }
0x51: {  	v3 =	vor.u32 v3, v4  }
0x52: {  	v4 =	vperm.xlane v3, v0;
	_ =	sdelay $0x1  }
0x53: {  	v3 =	vperm.xlane v3, v2;
	v4 =	vadd.s32 v1, v4;
	_ =	sdelay $0x1  }
0x54: {  	v3 =	vadd.s32 v1, v3;
	_ =	sdelay $0x2  }
0x55: {  	[tilespmem:s20], [sflag:$0x1] =	stream.indirect_vreg.gather [hbm4b:s3+s31], $0x80, v4, vm0, $0xb8;
	[tilespmem:$0x9400] =	vst v63  }
0x56: {  	_ = 	snop  }
0x57: {  	[tilespmem:s21], [sflag:$0x1] =	stream.indirect_vreg.gather [hbm4b:s3+s31], $0x80, v3, vm0, $0xb8;
	[tilespmem:$0x9400] =	vst v63  }
0x58: {  	v3 =	vld [tilespmem:s0+$0x60];
	_ =	sdelay $0x4  }
0x59: {  	v4 =	vshll.u32 v3, $0x1  }
0x5a: {  	v3 =	vand.u32 $0x7, v3;
	v4 =	vand.u32 $0xFFFFFFF0, v4  }
0x5b: {  	v3 =	vor.u32 v3, v4  }
0x5c: {  	v4 =	vperm.xlane v3, v0;
	_ =	sdelay $0x1  }
0x5d: {  	v3 =	vperm.xlane v3, v2;
	v4 =	vadd.s32 v1, v4;
	_ =	sdelay $0x1  }
0x5e: {  	v3 =	vadd.s32 v1, v3;
	_ =	sdelay $0x2  }
0x5f: {  	[tilespmem:s22], [sflag:$0x1] =	stream.indirect_vreg.gather [hbm4b:s3+s31], $0x80, v4, vm0, $0xb8;
	[tilespmem:$0x9400] =	vst v63  }
0x60: {  	_ = 	snop  }
0x61: {  	[tilespmem:s23], [sflag:$0x1] =	stream.indirect_vreg.gather [hbm4b:s3+s31], $0x80, v3, vm0, $0xb8;
	[tilespmem:$0x9400] =	vst v63  }
0x62: {  	v3 =	vld [tilespmem:s0+$0x70];
	_ =	sdelay $0x4  }
0x63: {  	v4 =	vshll.u32 v3, $0x1  }
0x64: {  	v3 =	vand.u32 $0x7, v3;
	v4 =	vand.u32 $0xFFFFFFF0, v4  }
0x65: {  	v3 =	vor.u32 v3, v4  }
0x66: {  	v4 =	vperm.xlane v3, v0;
	_ =	sdelay $0x1  }
0x67: {  	v3 =	vperm.xlane v3, v2;
	v4 =	vadd.s32 v1, v4;
	_ =	sdelay $0x1  }
0x68: {  	v3 =	vadd.s32 v1, v3;
	_ =	sdelay $0x1  }
0x69: {  	s5 =	sand.u32 $0x3FFFFE00, s30  }
0x6a: {  	[tilespmem:s24], [sflag:$0x1] =	stream.indirect_vreg.gather [hbm4b:s3+s31], $0x80, v4, vm0, $0xb8;
	[tilespmem:$0x9400] =	vst v63  }
0x6b: {  	s0 =	sadd.s32 $0x400, s5  }
0x6c: {  	[tilespmem:s25], [sflag:$0x1] =	stream.indirect_vreg.gather [hbm4b:s3+s31], $0x80, v3, vm0, $0xb8;
	v3 =	vmov s0;
	[tilespmem:$0x9400] =	vst v63  }
0x6d: {  	_ =	swait.ge [sflag:s26], $0x8000  }
0x6e: {  	s1 =	sand.u32 $0x7800, s31;
	s4 =	sand.u32 $0x380, s31;
	[sflag:s26] =	ssyncset.done $0x0  }
0x6f: {  	s9 =	sand.u32 $0x600, s31;
	s0 =	sor.u32 s4, s1;
	[sflag:s26] =	ssyncadd.s32 $0xFFFF8000  }
0x70: {  	s9 =	sshrl.u32 s9, $0x2;
	v5 =	vld [tilespmem:s0+$0x1400]  }
0x71: {  	v4 =	vld.idx.msk [tilespmem:v3+s9+$0x0 ss:$0x1], $0xffff;
	_ =	sdelay $0x4  }
0x72: {  	s30 =	simm.s32 $0x80;
	s5 =	simm.s32 $0x10;
	s31 =	simm.s32 $0x100;
	v4 =	vsub.f32 v5, v4  }
0x73: {  	s4 =	sand.u32 $0x600, s5;
	s1 =	simm.s32 $0x20;
	s9 =	sand.u32 $0x7800, s31  }
.LBB2_3:
0x74: {  	p0 =	sne.s32 s1, $0x7F0;
	s5 =	sand.u32 $0x380, s30;
	s4 =	sshrl.u32 s4, $0x2;
	[tilespmem:s0+$0x1400] =	vst v4  }
0x75: {  	s0 =	sor.u32 s5, s9;
	v4 =	vld.idx.msk [tilespmem:v3+s4+$0x0 ss:$0x1], $0xffff  }
0x76: {  	v5 =	vld [tilespmem:s0+$0x1400];
	_ =	sdelay $0x1  }
.Ltmp0:
0x77: {  	(pc) =	sbr.rel @p0 .LBB2_3-.Ltmp0, $3  }
0x78: {  	_ =	sdelay $0x1  }
0x79: {  	s30 =	sadd.s32 $0x80, s30;
	s31 =	sadd.s32 $0x100, s31;
	v4 =	vsub.f32 v5, v4  }
0x7a: {  	s9 =	sand.u32 $0x7800, s31;
	s4 =	sand.u32 $0x600, s1;
	s1 =	sadd.s32 $0x10, s1  }
0x7b: {  	_ =	sdelay $0x2  }
0x7c: {  	s1 =	sand.u32 $0x380, s30;
	s4 =	sshrl.u32 s4, $0x2;
	[tilespmem:s0+$0x1400] =	vst v4  }
0x7d: {  	s9 =	sor.u32 s1, s9;
	v3 =	vld.idx.msk [tilespmem:v3+s4+$0x0 ss:$0x1], $0xffff  }
0x7e: {  	v4 =	vld [tilespmem:s9+$0x1400];
	_ =	sdelay $0x4  }
0x7f: {  	s30 =	sshll.u32 s29, $0xC;
	s29 =	sadd.s32 $0x1, s29;
	v3 =	vsub.f32 v4, v3  }
0x80: {  	p0 =	sne.s32 s29, $0x8  }
.Ltmp1:
0x81: {  	s31 =	sadd.s32 s30, s6;
	[tilespmem:s9+$0x1400] =	vst v3;
	(pc) =	sbr.rel @p0 .LBB2_2-.Ltmp1, $4  }
0x82: {  	[hbm4b:s31+s2] =	stream.linear.scatter [tilespmem:s10], [sflag:$0x2], $0x8000, $0x38;
	[tilespmem:$0x9400] =	vst v63  }
0x83: {  	_ =	swait.ge [sflag:s8], $0x8000  }
0x84: {  	[sflag:s8] =	ssyncset.done $0x0  }
0x85: {  	[sflag:s8] =	ssyncadd.s32 $0xFFFF8000  }
0x86: {  	s28 =	sadd.s32 $0x1, s28  }
0x87: {  	p0 =	sne.s32 s28, s7  }
.Ltmp2:
0x88: {  	_ = 	snop;
	(pc) =	sbr.rel @p0 .LBB2_1-.Ltmp2, $1  }
0x89: {  	_ =	sdelay $0x3  }
0x8a: {  	_ =	sfence.sel $0x180000  }
0x8b: {  	[bflag:$0x0] =	sbarrier.arrive $0xFFFF  }
0x8c: {  	_ =	strace $0x90000053  }
0x8d: {  	s0 =	stileid.u32;
	[bflag:$0x2] =	sbarrier.arrive $0xFFFF  }
0x8e: {  	p0 =	sne.s32 s0, $0x0;
	s0 =	rddreg [dreg:$0x1]  }
0x8f: {  	s0 =	sadd.s32 @!p0 $0x100000, s0  }
0x90: {  	[sflag:s0] =	ssyncadd.tile.s32 @!p0 $0x1;
	_ =	shalt  }
.Lfunc_end2:
_tile_overlayer_lowered:
.L_overlay_start_2:
0x91: {  	(tag) =	ssettag $0x2  }
0x92: {  	s0 =	rddreg [dreg:$0x0];
	s2 =	stileid.u32  }
0x93: {  	s1 =	rddreg [dreg:$0x1];
	p0 =	sne.s32 s2, $0x0  }
0x94: {  	s3 =	rddreg [dreg:$0x2];
	[bflag:$0x3] =	sbarrier.arrive $0xFFFF;
	s2 =	simm.s32 @!p0 $0x1C02  }
0x95: {  	[timem:s3], [sflag:s2] =	dma.local @!p0 [hbm:s0], s1  }
0x96: {  	s0 =	simm.s32 @!p0 $0x2  }
0x97: {  	_ =	swait.ge @!p0 [sflag:s0], s1  }
0x98: {  	s1 =	ssub.s32 @!p0 $0x0, s1;
	[sflag:s0] =	ssyncset.done @!p0 $0x0  }
0x99: {  	[sflag:s0] =	ssyncadd.s32 @!p0 s1  }
0x9a: {  	[bflag:$0x3] =	sbarrier.arrive $0xFFFF  }
0x9b: {  	_ =	shalt  }

// kernel: kernel.77.cloned.1.call-start
scs
__scs_entry_jumppad:
0x0: {  	(pc) =	sbr.rel $0x88, $3  }
0x1: {  	(tag) =	ssettag $0x0;
	lr =	simm.s32 $0x1  }
0x2: {  	[smem:$0x3F64] =	sst lr;
	_ =	strace $0xD0000000  }
0x3: {  	_ = 	snop  }
0x4: {  	_ = 	snop  }
0x5: {  	_ = 	snop  }
0x6: {  	_ = 	snop  }
0x7: {  	_ = 	snop  }
__scs_overlays_trampoline_lowered:
0x8: {  	[smem:$0x3F73] =	sst s0  }
0x9: {  	[smem:$0x3F74] =	sst s1  }
0xa: {  	[smem:$0x3F75] =	sst s2  }
0xb: {  	[smem:$0x3F76] =	sst s3  }
0xc: {  	[smem:$0x3F77] =	sst s4  }
0xd: {  	[smem:$0x3F78] =	sst s5  }
0xe: {  	[smem:$0x3F79] =	sst s6  }
0xf: {  	[smem:$0x3F7A] =	sst s7  }
0x10: {  	[smem:$0x3F7B] =	sst s8  }
0x11: {  	[smem:$0x3F7C] =	sst s9;
	s0 =	simm.s32 @!p0 $0x0  }
0x12: {  	s1 =	sld [smem:$0x3F62];
	s0 =	simm.s32 @p0 $0x1  }
0x13: {  	[smem:$0x3F7D] =	sst s0;
	s0 =	simm.s32 @!p1 $0x0  }
0x14: {  	s2 =	sld [smem:$0x3F61];
	s0 =	simm.s32 @p1 $0x1  }
0x15: {  	[smem:$0x3F7E] =	sst s0;
	s0 =	simm.s32 @!p2 $0x0  }
0x16: {  	s3 =	sld [smem:$0x3FDB];
	s0 =	simm.s32 @p2 $0x1  }
0x17: {  	s4 =	simm.s32 $0x1BF5;
	[smem:$0x3F80] =	sst s0  }
0x18: {  	s0 =	sld [smem:$0x3F63];
	_ =	swait.ge [sflag:s4], $0x0  }
0x19: {  	s7 =	sld [smem:$0x3F64]  }
0x1a: {  	s8 =	sadd.s32 $0xFFFFE003, lr  }
0x1b: {  	s9 =	sadd.s32 $0xFFFFFEF7, lr;
	s5 =	simm.s32 $0xFFFFFFFF;
	p2 =	slt.u32 s8, $0xFFFFF086  }
0x1c: {  	p1 =	slt.u32 s9, $0xF7A;
	s5 =	simm.s32 @!p2 $0x0  }
0x1d: {  	s5 =	simm.s32 @p1 $0x1;
	p0 =	seq.s32 s7, s2  }
0x1e: {  	s7 =	smul.u32 @!p0 $0xF7A, s2;
	p2 =	seq.s32 @!p0 s5, $0x0  }
0x1f: {  	s9 =	smul.u32 $0xF7A, s1;
	s8 =	simm.s32 @!p0 $0x1BF5;
	p2 =	por !p2, p0  }
0x20: {  	[sflag:s8] =	ssyncset.s32 @!p0 $0xFFFFF086;
	s6 =	sadd.s32 @!p0 s3, s7;
	s7 =	simm.s32 @!p0 $0x108  }
0x21: {  	s3 =	sadd.s32 s3, s9;
	s6 =	sadd.s32 @!p0 $0x88, s6;
	s7 =	simm.s32 @p2 $0x1082  }
0x22: {  	[simem:s7], [sflag:s8] =	dma.local @!p0 [hbm:s6], $0xF7A  }
0x23: {  	s9 =	sor.u32 $0xD0000000, s2;
	s6 =	simm.s32 $0x108;
	_ =	swait.ge @!p0 [sflag:s8], $0x0  }
0x24: {  	s3 =	sadd.s32 $0x88, s3;
	s6 =	simm.s32 @!p1 $0x1082;
	[sflag:s4] =	ssyncset.s32 $0xFFFFF086  }
0x25: {  	[simem:s6], [sflag:s4] =	dma.local [hbm:s3], $0xF7A  }
0x26: {  	[smem:$0x3F64] =	sst s1;
	(tag) =	ssettag s2;
	_ =	strace s9  }
0x27: {  	s1 =	sld [smem:$0x3F74]  }
0x28: {  	s2 =	sld [smem:$0x3F75]  }
0x29: {  	s4 =	sld [smem:$0x3F77]  }
0x2a: {  	p0 =	seq.s32 s5, $0x0;
	s5 =	sld [smem:$0x3F78]  }
0x2b: {  	s6 =	sld [smem:$0x3F79]  }
0x2c: {  	s7 =	sld [smem:$0x3F7A]  }
0x2d: {  	s3 =	simm.s32 $0x108;
	s8 =	sld [smem:$0x3F7B]  }
0x2e: {  	s3 =	simm.s32 @!p0 $0x1082;
	s9 =	sld [smem:$0x3F7C]  }
0x2f: {  	lr =	sadd.s32 s0, s3;
	s0 =	sld [smem:$0x3F73]  }
0x30: {  	s3 =	sld [smem:$0x3F76]  }
0x31: {  	[smem:$0x3F7F] =	sst s10  }
0x32: {  	s10 =	sld [smem:$0x3F7D];
	_ =	sdelay $0x3  }
0x33: {  	p0 =	seq.s32 s10, $0x1;
	s10 =	sld [smem:$0x3F7F];
	_ =	sdelay $0x3  }
0x34: {  	[smem:$0x3F7F] =	sst s10  }
0x35: {  	s10 =	sld [smem:$0x3F7E];
	_ =	sdelay $0x3  }
0x36: {  	p1 =	seq.s32 s10, $0x1;
	s10 =	sld [smem:$0x3F7F];
	_ =	sdelay $0x3  }
0x37: {  	[smem:$0x3F7F] =	sst s10  }
0x38: {  	s10 =	sld [smem:$0x3F80]  }
0x39: {  	_ = 	snop;
	(pc) =	sbr.ind lr, $3  }
0x3a: {  	_ = 	snop  }
0x3b: {  	_ = 	snop  }
0x3c: {  	p2 =	seq.s32 s10, $0x1;
	s10 =	sld [smem:$0x3F7F]  }
0x3d: {  	_ =	shalt  }
0x3e: {  	_ =	shalt  }
0x3f: {  	_ =	shalt  }
0x40: {  	_ =	shalt  }
0x41: {  	_ =	shalt  }
0x42: {  	_ =	shalt  }
0x43: {  	_ =	shalt  }
0x44: {  	_ =	shalt  }
0x45: {  	_ =	shalt  }
0x46: {  	_ =	shalt  }
0x47: {  	_ =	shalt  }
0x48: {  	_ =	shalt  }
0x49: {  	_ =	shalt  }
0x4a: {  	_ =	shalt  }
0x4b: {  	_ =	shalt  }
0x4c: {  	_ =	shalt  }
0x4d: {  	_ =	shalt  }
0x4e: {  	_ =	shalt  }
0x4f: {  	_ =	shalt  }
0x50: {  	_ =	shalt  }
0x51: {  	_ =	shalt  }
0x52: {  	_ =	shalt  }
0x53: {  	_ =	shalt  }
0x54: {  	_ =	shalt  }
0x55: {  	_ =	shalt  }
0x56: {  	_ =	shalt  }
0x57: {  	_ =	shalt  }
0x58: {  	_ =	shalt  }
0x59: {  	_ =	shalt  }
0x5a: {  	_ =	shalt  }
0x5b: {  	_ =	shalt  }
0x5c: {  	_ =	shalt  }
0x5d: {  	_ =	shalt  }
0x5e: {  	_ =	shalt  }
0x5f: {  	_ =	shalt  }
0x60: {  	_ =	shalt  }
0x61: {  	_ =	shalt  }
0x62: {  	_ =	shalt  }
0x63: {  	_ =	shalt  }
0x64: {  	_ =	shalt  }
0x65: {  	_ =	shalt  }
0x66: {  	_ =	shalt  }
0x67: {  	_ =	shalt  }
0x68: {  	_ =	shalt  }
0x69: {  	_ =	shalt  }
0x6a: {  	_ =	shalt  }
0x6b: {  	_ =	shalt  }
0x6c: {  	_ =	shalt  }
0x6d: {  	_ =	shalt  }
0x6e: {  	_ =	shalt  }
0x6f: {  	_ =	shalt  }
0x70: {  	_ =	shalt  }
0x71: {  	_ =	shalt  }
0x72: {  	_ =	shalt  }
0x73: {  	_ =	shalt  }
0x74: {  	_ =	shalt  }
0x75: {  	_ =	shalt  }
0x76: {  	_ =	shalt  }
0x77: {  	_ =	shalt  }
0x78: {  	_ =	shalt  }
0x79: {  	_ =	shalt  }
0x7a: {  	_ =	shalt  }
0x7b: {  	_ =	shalt  }
0x7c: {  	_ =	shalt  }
0x7d: {  	_ =	shalt  }
0x7e: {  	_ =	shalt  }
0x7f: {  	_ =	shalt  }
0x80: {  	_ =	shalt  }
0x81: {  	_ =	shalt  }
0x82: {  	_ =	shalt  }
0x83: {  	_ =	shalt  }
0x84: {  	_ =	shalt  }
0x85: {  	_ =	shalt  }
0x86: {  	_ =	shalt  }
0x87: {  	_ =	shalt  }
.Lfunc_end0:
.L_simem_size_0:
called_computation.5_lowered:
.L_overlay_start_0:
0x88: {  	s2 =	sld [smem:$0x3FD9]  }
0x89: {  	s3 =	sld [smem:$0x3FFE];
	_ =	sdelay $0x1  }
0x8a: {  	s1 =	srdreg.scid  }
0x8b: {  	s0 =	sand.u32 $0x1, s1  }
0x8c: {  	s17 =	sshll.u32 s0, $0xA;
	s2 =	sadd.s32 s3, s2  }
0x8d: {  	s2 =	sadd.s32 s2, s17  }
0x8e: {  	[smem:$0x3F8B] =	sst s2  }
0x8f: {  	_ = 	snop  }
0x90: {  	s2 =	sld [smem:$0x3FD0];
	(tm) =	ssettm $0x1  }
0x91: {  	s18 =	sld [smem:$0x3FFB];
	_ =	sdelay $0x3  }
0x92: {  	_ =	strace s18  }
0x93: {  	s3 =	sld [smem:$0x3FFC];
	_ =	sdelay $0x3  }
0x94: {  	_ =	strace s3  }
0x95: {  	s3 =	sld [smem:$0x3FFD];
	_ =	sdelay $0x3  }
0x96: {  	_ =	strace s3  }
0x97: {  	_ =	strace $0x8FFFFFFF  }
0x98: {  	s19 =	sld [smem:$0x3FDB];
	_ =	sdelay $0x1  }
0x99: {  	s4 =	simm.s32 $_scs_section_size  }
0x9a: {  	s5 =	simm.s32 $_size__tile_overlayer_lowered;
	s6 =	simm.s32 $_tile_overlayer_lowered  }
0x9b: {  	s22 =	simm.s32 $0x1BFF;
	s21 =	sshll.u32 s6, $0x1;
	s3 =	sadd.s32 s4, s19  }
0x9c: {  	s7 =	simm.s32 $0x0;
	s20 =	sshll.u32 s5, $0x1;
	s5 =	sadd.s32 s21, s3  }
0x9d: {  	[timem:s7], [sflag:s22] =	dma.local [hbm:s5], s20  }
0x9e: {  	_ =	swait.ge [sflag:s22], s20  }
0x9f: {  	s4 =	ssub.s32 $0x0, s20;
	[sflag:s22] =	ssyncset.done $0x0  }
0xa0: {  	[sflag:s22] =	ssyncadd.s32 s4;
	_ =	sdelay $0x1  }
0xa1: {  	s23 =	simm.s32 $0x1B8B  }
0xa2: {  	_ =	swait.ge [sflag:s23], $0x1  }
0xa3: {  	[sflag:s23] =	ssyncset.done $0x0  }
0xa4: {  	s25 =	simm.s32 $0x1B8E;
	s24 =	sld [smem:$0x3FFE];
	[sflag:s23] =	ssyncadd.s32 $0xFFFFFFFF  }
0xa5: {  	s26 =	simm.s32 $execute0_lowered;
	[smem:$0x3FD2] =	sst s25  }
0xa6: {  	s5 =	sshll.u32 s26, $0x1;
	_ =	strace $0x80000055;
	[dreg:$0x1] =	wrdreg $0xFFFFFFFF  }
0xa7: {  	s28 =	simm.s32 $_size_execute0_lowered;
	s3 =	sadd.s32 s3, s5;
	[dreg:$0x0] =	wrdreg $0x0  }
0xa8: {  	s5 =	sshll.u32 s28, $0x1;
	[dreg:$0x2] =	wrdreg s3  }
0xa9: {  	[dreg:$0x3] =	wrdreg s5  }
0xaa: {  	[dreg:$0x4] =	wrdreg $0xC0  }
0xab: {  	_ =	task [dreg:s7], $0x5FFFF  }
0xac: {  	[dreg:$0x1] =	wrdreg $0xFFFFFFFF  }
0xad: {  	[dreg:$0x0] =	wrdreg $0x60  }
0xae: {  	[dreg:$0x2] =	wrdreg s24  }
0xaf: {  	[dreg:$0x3] =	wrdreg s2  }
0xb0: {  	[dreg:$0x4] =	wrdreg $0x9  }
0xb1: {  	_ =	task.clear_ibuf [dreg:s7], $0x5FFFF;
	_ =	strace $0x90000055  }
0xb2: {  	s29 =	simm.s32 $0x9;
	_ =	strace $0x80000057  }
0xb3: {  	_ =	swait.ge [sflag:s29], $0x1  }
0xb4: {  	[sflag:s29] =	ssyncadd.s32 $0xFFFFFFFF  }
0xb5: {  	_ =	strace $0x90000057  }
0xb6: {  	_ =	sfence  }
0xb7: {  	s30 =	sld [smem:$0x0];
	_ =	sdelay $0x2  }
0xb8: {  	s31 =	sshll.u32 s1, $0xD;
	s1 =	sshrl.u32 s1, $0x2  }
0xb9: {  	s3 =	sand.u32 $0x4000, s31;
	s1 =	sadd.s32 s1, s30  }
0xba: {  	s0 =	sor.u32 s3, s0;
	s1 =	sshll.u32 s1, $0x11  }
0xbb: {  	s0 =	sor.u32 s1, s0  }
0xbc: {  	s0 =	sadd.s32 $0x8F2B, s0  }
0xbd: {  	[sflag:s0] =	ssyncadd.remote.s32 $0x1  }
0xbe: {  	_ =	sfence.sel $0xFFFF  }
0xbf: {  	[dreg:$0x0] =	wrdreg $0xFFFFFFFF;
	(pc) =	sbr.abs _section_cstart, $3  }
0xc0: {  	[dreg:$0x1] =	wrdreg $0xFFFFFFFF  }
0xc1: {  	_ =	task.clear_ibuf [dreg:s7], $0x2FFFF;
	_ =	strace $0x9FFFFFFF  }
0xc2: {  	(tm) =	ssettm $0x7FFFFFFF  }
0xc3: {  	_ =	shalt  }
tec
execute0_lowered:
.L_overlay_start_1:
0x0: {  	(tag) =	ssettag $0x1  }
0x1: {  	s0 =	rddreg [dreg:$0x0]  }
0x2: {  	s1 =	rddreg [dreg:$0x1]  }
0x3: {  	s2 =	simm.s32 $0x0;
	s3 =	srdreg.scid;
	s5 =	stileid.u32  }
0x4: {  	s10 =	simm.s32 $0x500;
	s11 =	simm.s32 $0xD00;
	s12 =	simm.s32 $0x1500  }
0x5: {  	s13 =	simm.s32 $0x1D00;
	s14 =	simm.s32 $0x2500;
	s15 =	simm.s32 $0x2D00  }
0x6: {  	s16 =	simm.s32 $0x3500;
	s17 =	simm.s32 $0x3D00;
	s18 =	simm.s32 $0x4500  }
0x7: {  	s19 =	simm.s32 $0x4D00;
	s20 =	simm.s32 $0x5500;
	s21 =	simm.s32 $0x5D00  }
0x8: {  	s22 =	simm.s32 $0x6500;
	s23 =	simm.s32 $0x6D00;
	s24 =	simm.s32 $0x7500  }
0x9: {  	s25 =	simm.s32 $0x7D00;
	s26 =	simm.s32 $0x1;
	s28 =	simm.s32 $0x0  }
0xa: {  	[smem:$0x7FF] =	sst s2;
	s4 =	sand.u32 $0x1, s3;
	s31 =	sshll.u32 s5, $0x1  }
0xb: {  	s3 =	sadd.s32 $0xC800, s0;
	_ =	strace $0x80000056;
	s5 =	sor.u32 s4, s31  }
0xc: {  	s4 =	ssub.s32 $0x2, s4;
	s6 =	sshll.u32 s5, $0x5;
	s7 =	sshll.u32 s5, $0xD  }
0xd: {  	s8 =	sshrl.u32 s4, $0x1;
	s5 =	sshll.u32 s5, $0x7;
	s6 =	sadd.s32 s6, s0  }
0xe: {  	v2 =	vlaneseq.u32;
	s0 =	sadd.s32 s7, s0;
	s4 =	ssub.s32 s4, s8;
	s1 =	sadd.s32 s1, s5  }
0xf: {  	vm0 =	vmmov $0xffff;
	v1 =	vshrl.u32 v2, $0x3;
	s8 =	simm.s32 $0x2;
	s6 =	sadd.s32 $0x14800, s6;
	[dreg:$0x4] =	wrdreg s1  }
0x10: {  	v0 =	vand.u32 $0x7, v2;
	v2 =	vor.u32 $0x8, v2;
	v1 =	vmul.u32 $0x8, v1;
	s7 =	smax.u32 s4, $0x1;
	[dreg:$0x3] =	wrdreg s6;
	s6 =	sadd.s32 $0x14C00, s0  }
.LBB2_1:
0x11: {  	s0 =	rddreg [dreg:$0x3]  }
0x12: {  	[tilespmem:s2], [sflag:$0x2] =	stream.linear.gather [hbm4b:s0+s2], $0x100, $0x38;
	[tilespmem:$0x8500] =	vst v63  }
0x13: {  	_ =	swait.ge [sflag:s8], $0x100  }
0x14: {  	[sflag:s8] =	ssyncset.done $0x0  }
0x15: {  	s1 =	simm.s32 $0x100;
	s31 =	rddreg [dreg:$0x4];
	[sflag:s8] =	ssyncadd.s32 $0xFFFFFF00  }
0x16: {  	[tilespmem:s1], [sflag:$0x2] =	stream.linear.gather [hbm4b:s31+s2], $0x400, $0x38;
	[tilespmem:$0x8500] =	vst v63  }
0x17: {  	_ =	swait.ge [sflag:s8], $0x400  }
0x18: {  	[sflag:s8] =	ssyncset.done $0x0  }
0x19: {  	p0 =	por $0x1, $0x1;
	s29 =	simm.s32 $0x0;
	[sflag:s8] =	ssyncadd.s32 $0xFFFFFC00  }
.LBB2_2:
0x1a: {  	s30 =	sshll.u32 s29, $0x9  }
0x1b: {  	s0 =	sshra.s32 s30, $0x2  }
0x1c: {  	v3 =	vld [tilespmem:s0+$0x0];
	_ =	sdelay $0x4  }
0x1d: {  	v4 =	vshll.u32 v3, $0x1  }
0x1e: {  	v3 =	vand.u32 $0x7, v3;
	v4 =	vand.u32 $0xFFFFFFF0, v4  }
0x1f: {  	v3 =	vor.u32 v3, v4  }
0x20: {  	v4 =	vperm.xlane v3, v0;
	_ =	sdelay $0x1  }
0x21: {  	v3 =	vperm.xlane v3, v2;
	v4 =	vadd.s32 v1, v4;
	_ =	sdelay $0x1  }
0x22: {  	v3 =	vadd.s32 v1, v3;
	_ =	sdelay $0x1  }
0x23: {  	s31 =	simm.s32 $0x0  }
0x24: {  	[tilespmem:s10], [sflag:$0x1] =	stream.indirect_vreg.gather [hbm4b:s3+s31], $0x80, v4, vm0, $0xb8;
	[tilespmem:$0x8500] =	vst v63  }
0x25: {  	_ = 	snop  }
0x26: {  	[tilespmem:s11], [sflag:$0x1] =	stream.indirect_vreg.gather [hbm4b:s3+s31], $0x80, v3, vm0, $0xb8;
	[tilespmem:$0x8500] =	vst v63  }
0x27: {  	v3 =	vld [tilespmem:s0+$0x10];
	_ =	sdelay $0x4  }
0x28: {  	v4 =	vshll.u32 v3, $0x1  }
0x29: {  	v3 =	vand.u32 $0x7, v3;
	v4 =	vand.u32 $0xFFFFFFF0, v4  }
0x2a: {  	v3 =	vor.u32 v3, v4  }
0x2b: {  	v4 =	vperm.xlane v3, v0;
	_ =	sdelay $0x1  }
0x2c: {  	v3 =	vperm.xlane v3, v2;
	v4 =	vadd.s32 v1, v4;
	_ =	sdelay $0x1  }
0x2d: {  	v3 =	vadd.s32 v1, v3;
	_ =	sdelay $0x2  }
0x2e: {  	[tilespmem:s12], [sflag:$0x1] =	stream.indirect_vreg.gather [hbm4b:s3+s31], $0x80, v4, vm0, $0xb8;
	[tilespmem:$0x8500] =	vst v63  }
0x2f: {  	_ = 	snop  }
0x30: {  	[tilespmem:s13], [sflag:$0x1] =	stream.indirect_vreg.gather [hbm4b:s3+s31], $0x80, v3, vm0, $0xb8;
	[tilespmem:$0x8500] =	vst v63  }
0x31: {  	v3 =	vld [tilespmem:s0+$0x20];
	_ =	sdelay $0x4  }
0x32: {  	v4 =	vshll.u32 v3, $0x1  }
0x33: {  	v3 =	vand.u32 $0x7, v3;
	v4 =	vand.u32 $0xFFFFFFF0, v4  }
0x34: {  	v3 =	vor.u32 v3, v4  }
0x35: {  	v4 =	vperm.xlane v3, v0;
	_ =	sdelay $0x1  }
0x36: {  	v3 =	vperm.xlane v3, v2;
	v4 =	vadd.s32 v1, v4;
	_ =	sdelay $0x1  }
0x37: {  	v3 =	vadd.s32 v1, v3;
	_ =	sdelay $0x2  }
0x38: {  	[tilespmem:s14], [sflag:$0x1] =	stream.indirect_vreg.gather [hbm4b:s3+s31], $0x80, v4, vm0, $0xb8;
	[tilespmem:$0x8500] =	vst v63  }
0x39: {  	_ = 	snop  }
0x3a: {  	[tilespmem:s15], [sflag:$0x1] =	stream.indirect_vreg.gather [hbm4b:s3+s31], $0x80, v3, vm0, $0xb8;
	[tilespmem:$0x8500] =	vst v63  }
0x3b: {  	v3 =	vld [tilespmem:s0+$0x30];
	_ =	sdelay $0x4  }
0x3c: {  	v4 =	vshll.u32 v3, $0x1  }
0x3d: {  	v3 =	vand.u32 $0x7, v3;
	v4 =	vand.u32 $0xFFFFFFF0, v4  }
0x3e: {  	v3 =	vor.u32 v3, v4  }
0x3f: {  	v4 =	vperm.xlane v3, v0;
	_ =	sdelay $0x1  }
0x40: {  	v3 =	vperm.xlane v3, v2;
	v4 =	vadd.s32 v1, v4;
	_ =	sdelay $0x1  }
0x41: {  	v3 =	vadd.s32 v1, v3;
	_ =	sdelay $0x2  }
0x42: {  	[tilespmem:s16], [sflag:$0x1] =	stream.indirect_vreg.gather [hbm4b:s3+s31], $0x80, v4, vm0, $0xb8;
	[tilespmem:$0x8500] =	vst v63  }
0x43: {  	_ = 	snop  }
0x44: {  	[tilespmem:s17], [sflag:$0x1] =	stream.indirect_vreg.gather [hbm4b:s3+s31], $0x80, v3, vm0, $0xb8;
	[tilespmem:$0x8500] =	vst v63  }
0x45: {  	v3 =	vld [tilespmem:s0+$0x40];
	_ =	sdelay $0x4  }
0x46: {  	v4 =	vshll.u32 v3, $0x1  }
0x47: {  	v3 =	vand.u32 $0x7, v3;
	v4 =	vand.u32 $0xFFFFFFF0, v4  }
0x48: {  	v3 =	vor.u32 v3, v4  }
0x49: {  	v4 =	vperm.xlane v3, v0;
	_ =	sdelay $0x1  }
0x4a: {  	v3 =	vperm.xlane v3, v2;
	v4 =	vadd.s32 v1, v4;
	_ =	sdelay $0x1  }
0x4b: {  	v3 =	vadd.s32 v1, v3;
	_ =	sdelay $0x2  }
0x4c: {  	[tilespmem:s18], [sflag:$0x1] =	stream.indirect_vreg.gather [hbm4b:s3+s31], $0x80, v4, vm0, $0xb8;
	[tilespmem:$0x8500] =	vst v63  }
0x4d: {  	_ = 	snop  }
0x4e: {  	[tilespmem:s19], [sflag:$0x1] =	stream.indirect_vreg.gather [hbm4b:s3+s31], $0x80, v3, vm0, $0xb8;
	[tilespmem:$0x8500] =	vst v63  }
0x4f: {  	v3 =	vld [tilespmem:s0+$0x50];
	_ =	sdelay $0x4  }
0x50: {  	v4 =	vshll.u32 v3, $0x1  }
0x51: {  	v3 =	vand.u32 $0x7, v3;
	v4 =	vand.u32 $0xFFFFFFF0, v4  }
0x52: {  	v3 =	vor.u32 v3, v4  }
0x53: {  	v4 =	vperm.xlane v3, v0;
	_ =	sdelay $0x1  }
0x54: {  	v3 =	vperm.xlane v3, v2;
	v4 =	vadd.s32 v1, v4;
	_ =	sdelay $0x1  }
0x55: {  	v3 =	vadd.s32 v1, v3;
	_ =	sdelay $0x2  }
0x56: {  	[tilespmem:s20], [sflag:$0x1] =	stream.indirect_vreg.gather [hbm4b:s3+s31], $0x80, v4, vm0, $0xb8;
	[tilespmem:$0x8500] =	vst v63  }
0x57: {  	_ = 	snop  }
0x58: {  	[tilespmem:s21], [sflag:$0x1] =	stream.indirect_vreg.gather [hbm4b:s3+s31], $0x80, v3, vm0, $0xb8;
	[tilespmem:$0x8500] =	vst v63  }
0x59: {  	v3 =	vld [tilespmem:s0+$0x60];
	_ =	sdelay $0x4  }
0x5a: {  	v4 =	vshll.u32 v3, $0x1  }
0x5b: {  	v3 =	vand.u32 $0x7, v3;
	v4 =	vand.u32 $0xFFFFFFF0, v4  }
0x5c: {  	v3 =	vor.u32 v3, v4  }
0x5d: {  	v4 =	vperm.xlane v3, v0;
	_ =	sdelay $0x1  }
0x5e: {  	v3 =	vperm.xlane v3, v2;
	v4 =	vadd.s32 v1, v4;
	_ =	sdelay $0x1  }
0x5f: {  	v3 =	vadd.s32 v1, v3;
	_ =	sdelay $0x2  }
0x60: {  	[tilespmem:s22], [sflag:$0x1] =	stream.indirect_vreg.gather [hbm4b:s3+s31], $0x80, v4, vm0, $0xb8;
	[tilespmem:$0x8500] =	vst v63  }
0x61: {  	_ = 	snop  }
0x62: {  	[tilespmem:s23], [sflag:$0x1] =	stream.indirect_vreg.gather [hbm4b:s3+s31], $0x80, v3, vm0, $0xb8;
	[tilespmem:$0x8500] =	vst v63  }
0x63: {  	v3 =	vld [tilespmem:s0+$0x70];
	_ =	sdelay $0x4  }
0x64: {  	v4 =	vshll.u32 v3, $0x1  }
0x65: {  	v3 =	vand.u32 $0x7, v3;
	v4 =	vand.u32 $0xFFFFFFF0, v4  }
0x66: {  	v3 =	vor.u32 v3, v4  }
0x67: {  	v4 =	vperm.xlane v3, v0;
	_ =	sdelay $0x1  }
0x68: {  	v3 =	vperm.xlane v3, v2;
	v4 =	vadd.s32 v1, v4;
	_ =	sdelay $0x1  }
0x69: {  	v3 =	vadd.s32 v1, v3;
	_ =	sdelay $0x1  }
0x6a: {  	s5 =	sand.u32 $0x3FFFFE00, s30  }
0x6b: {  	[tilespmem:s24], [sflag:$0x1] =	stream.indirect_vreg.gather [hbm4b:s3+s31], $0x80, v4, vm0, $0xb8;
	[tilespmem:$0x8500] =	vst v63  }
0x6c: {  	s0 =	sor.u32 $0x100, s5  }
0x6d: {  	[tilespmem:s25], [sflag:$0x1] =	stream.indirect_vreg.gather [hbm4b:s3+s31], $0x80, v3, vm0, $0xb8;
	v3 =	vmov s0;
	[tilespmem:$0x8500] =	vst v63  }
0x6e: {  	_ =	swait.ge [sflag:s26], $0x8000  }
0x6f: {  	s1 =	sand.u32 $0x7800, s31;
	s4 =	sand.u32 $0x380, s31;
	[sflag:s26] =	ssyncset.done $0x0  }
0x70: {  	s9 =	sand.u32 $0x600, s31;
	s0 =	sor.u32 s4, s1;
	[sflag:s26] =	ssyncadd.s32 $0xFFFF8000  }
0x71: {  	s9 =	sshrl.u32 s9, $0x2;
	v5 =	vld [tilespmem:s0+$0x500]  }
0x72: {  	v4 =	vld.idx.msk [tilespmem:v3+s9+$0x0 ss:$0x1], $0xffff;
	_ =	sdelay $0x3  }
0x73: {  	p1 =	por p0, p0  }
0x74: {  	s30 =	simm.s32 $0x80;
	s5 =	simm.s32 $0x10;
	s31 =	simm.s32 $0x100;
	v4 =	vsub.f32 v5, v4  }
0x75: {  	s4 =	sand.u32 $0x600, s5;
	s1 =	simm.s32 $0x20;
	s9 =	sand.u32 $0x7800, s31  }
.LBB2_3:
0x76: {  	p0 =	sne.s32 s1, $0x7F0;
	s5 =	sand.u32 $0x380, s30;
	s4 =	sshrl.u32 s4, $0x2;
	[tilespmem:s0+$0x500] =	vst v4  }
0x77: {  	s0 =	sor.u32 s5, s9;
	v4 =	vld.idx.msk [tilespmem:v3+s4+$0x0 ss:$0x1], $0xffff  }
0x78: {  	v5 =	vld [tilespmem:s0+$0x500];
	_ =	sdelay $0x1  }
.Ltmp0:
0x79: {  	(pc) =	sbr.rel @p0 .LBB2_3-.Ltmp0, $3  }
0x7a: {  	_ =	sdelay $0x1  }
0x7b: {  	s30 =	sadd.s32 $0x80, s30;
	s31 =	sadd.s32 $0x100, s31;
	v4 =	vsub.f32 v5, v4  }
0x7c: {  	s9 =	sand.u32 $0x7800, s31;
	s4 =	sand.u32 $0x600, s1;
	s1 =	sadd.s32 $0x10, s1  }
0x7d: {  	_ =	sdelay $0x2  }
0x7e: {  	s1 =	sand.u32 $0x380, s30;
	s4 =	sshrl.u32 s4, $0x2;
	[tilespmem:s0+$0x500] =	vst v4  }
0x7f: {  	s9 =	sor.u32 s1, s9;
	v3 =	vld.idx.msk [tilespmem:v3+s4+$0x0 ss:$0x1], $0xffff  }
0x80: {  	v4 =	vld [tilespmem:s9+$0x500];
	_ =	sdelay $0x4  }
0x81: {  	v3 =	vsub.f32 v4, v3  }
0x82: {  	s30 =	sshll.u32 s29, $0xC  }
.Ltmp1:
0x83: {  	s31 =	sadd.s32 s30, s6;
	[tilespmem:s9+$0x500] =	vst v3;
	(pc) =	sbr.rel @p1 .LBB2_2-.Ltmp1, $4  }
0x84: {  	[hbm4b:s31+s2] =	stream.linear.scatter [tilespmem:s10], [sflag:$0x2], $0x8000, $0x38;
	[tilespmem:$0x8500] =	vst v63  }
0x85: {  	_ =	swait.ge [sflag:s8], $0x8000  }
0x86: {  	[sflag:s8] =	ssyncset.done $0x0  }
0x87: {  	s29 =	simm.s32 $0x1;
	p0 =	por $0x0, $0x0;
	[sflag:s8] =	ssyncadd.s32 $0xFFFF8000  }
0x88: {  	s28 =	sadd.s32 $0x1, s28  }
0x89: {  	p0 =	sne.s32 s28, s7  }
.Ltmp2:
0x8a: {  	_ = 	snop;
	(pc) =	sbr.rel @p0 .LBB2_1-.Ltmp2, $1  }
0x8b: {  	_ =	sdelay $0x3  }
0x8c: {  	_ =	sfence.sel $0x180000  }
0x8d: {  	[bflag:$0x0] =	sbarrier.arrive $0xFFFF  }
0x8e: {  	_ =	strace $0x90000056  }
0x8f: {  	s0 =	stileid.u32;
	[bflag:$0x2] =	sbarrier.arrive $0xFFFF  }
0x90: {  	p0 =	sne.s32 s0, $0x0;
	s0 =	rddreg [dreg:$0x2]  }
0x91: {  	s0 =	sadd.s32 @!p0 $0x100000, s0  }
0x92: {  	[sflag:s0] =	ssyncadd.tile.s32 @!p0 $0x1;
	_ =	shalt  }
.Lfunc_end2:
_tile_overlayer_lowered:
.L_overlay_start_2:
0x93: {  	(tag) =	ssettag $0x2  }
0x94: {  	s0 =	rddreg [dreg:$0x0];
	s2 =	stileid.u32  }
0x95: {  	s1 =	rddreg [dreg:$0x1];
	p0 =	sne.s32 s2, $0x0  }
0x96: {  	s3 =	rddreg [dreg:$0x2];
	[bflag:$0x3] =	sbarrier.arrive $0xFFFF;
	s2 =	simm.s32 @!p0 $0x1C02  }
0x97: {  	[timem:s3], [sflag:s2] =	dma.local @!p0 [hbm:s0], s1  }
0x98: {  	s0 =	simm.s32 @!p0 $0x2  }
0x99: {  	_ =	swait.ge @!p0 [sflag:s0], s1  }
0x9a: {  	s1 =	ssub.s32 @!p0 $0x0, s1;
	[sflag:s0] =	ssyncset.done @!p0 $0x0  }
0x9b: {  	[sflag:s0] =	ssyncadd.s32 @!p0 s1  }
0x9c: {  	[bflag:$0x3] =	sbarrier.arrive $0xFFFF  }
0x9d: {  	_ =	shalt  }

// kernel: kernel.80.cloned.1.call-start
scs
__scs_entry_jumppad:
0x0: {  	(pc) =	sbr.rel $0x88, $3  }
0x1: {  	(tag) =	ssettag $0x0;
	lr =	simm.s32 $0x1  }
0x2: {  	[smem:$0x3F64] =	sst lr;
	_ =	strace $0xD0000000  }
0x3: {  	_ = 	snop  }
0x4: {  	_ = 	snop  }
0x5: {  	_ = 	snop  }
0x6: {  	_ = 	snop  }
0x7: {  	_ = 	snop  }
__scs_overlays_trampoline_lowered:
0x8: {  	[smem:$0x3F73] =	sst s0  }
0x9: {  	[smem:$0x3F74] =	sst s1  }
0xa: {  	[smem:$0x3F75] =	sst s2  }
0xb: {  	[smem:$0x3F76] =	sst s3  }
0xc: {  	[smem:$0x3F77] =	sst s4  }
0xd: {  	[smem:$0x3F78] =	sst s5  }
0xe: {  	[smem:$0x3F79] =	sst s6  }
0xf: {  	[smem:$0x3F7A] =	sst s7  }
0x10: {  	[smem:$0x3F7B] =	sst s8  }
0x11: {  	[smem:$0x3F7C] =	sst s9;
	s0 =	simm.s32 @!p0 $0x0  }
0x12: {  	s1 =	sld [smem:$0x3F62];
	s0 =	simm.s32 @p0 $0x1  }
0x13: {  	[smem:$0x3F7D] =	sst s0;
	s0 =	simm.s32 @!p1 $0x0  }
0x14: {  	s2 =	sld [smem:$0x3F61];
	s0 =	simm.s32 @p1 $0x1  }
0x15: {  	[smem:$0x3F7E] =	sst s0;
	s0 =	simm.s32 @!p2 $0x0  }
0x16: {  	s3 =	sld [smem:$0x3FDB];
	s0 =	simm.s32 @p2 $0x1  }
0x17: {  	s4 =	simm.s32 $0x1BF5;
	[smem:$0x3F80] =	sst s0  }
0x18: {  	s0 =	sld [smem:$0x3F63];
	_ =	swait.ge [sflag:s4], $0x0  }
0x19: {  	s7 =	sld [smem:$0x3F64]  }
0x1a: {  	s8 =	sadd.s32 $0xFFFFE003, lr  }
0x1b: {  	s9 =	sadd.s32 $0xFFFFFEF7, lr;
	s5 =	simm.s32 $0xFFFFFFFF;
	p2 =	slt.u32 s8, $0xFFFFF086  }
0x1c: {  	p1 =	slt.u32 s9, $0xF7A;
	s5 =	simm.s32 @!p2 $0x0  }
0x1d: {  	s5 =	simm.s32 @p1 $0x1;
	p0 =	seq.s32 s7, s2  }
0x1e: {  	s7 =	smul.u32 @!p0 $0xF7A, s2;
	p2 =	seq.s32 @!p0 s5, $0x0  }
0x1f: {  	s9 =	smul.u32 $0xF7A, s1;
	s8 =	simm.s32 @!p0 $0x1BF5;
	p2 =	por !p2, p0  }
0x20: {  	[sflag:s8] =	ssyncset.s32 @!p0 $0xFFFFF086;
	s6 =	sadd.s32 @!p0 s3, s7;
	s7 =	simm.s32 @!p0 $0x108  }
0x21: {  	s3 =	sadd.s32 s3, s9;
	s6 =	sadd.s32 @!p0 $0x88, s6;
	s7 =	simm.s32 @p2 $0x1082  }
0x22: {  	[simem:s7], [sflag:s8] =	dma.local @!p0 [hbm:s6], $0xF7A  }
0x23: {  	s9 =	sor.u32 $0xD0000000, s2;
	s6 =	simm.s32 $0x108;
	_ =	swait.ge @!p0 [sflag:s8], $0x0  }
0x24: {  	s3 =	sadd.s32 $0x88, s3;
	s6 =	simm.s32 @!p1 $0x1082;
	[sflag:s4] =	ssyncset.s32 $0xFFFFF086  }
0x25: {  	[simem:s6], [sflag:s4] =	dma.local [hbm:s3], $0xF7A  }
0x26: {  	[smem:$0x3F64] =	sst s1;
	(tag) =	ssettag s2;
	_ =	strace s9  }
0x27: {  	s1 =	sld [smem:$0x3F74]  }
0x28: {  	s2 =	sld [smem:$0x3F75]  }
0x29: {  	s4 =	sld [smem:$0x3F77]  }
0x2a: {  	p0 =	seq.s32 s5, $0x0;
	s5 =	sld [smem:$0x3F78]  }
0x2b: {  	s6 =	sld [smem:$0x3F79]  }
0x2c: {  	s7 =	sld [smem:$0x3F7A]  }
0x2d: {  	s3 =	simm.s32 $0x108;
	s8 =	sld [smem:$0x3F7B]  }
0x2e: {  	s3 =	simm.s32 @!p0 $0x1082;
	s9 =	sld [smem:$0x3F7C]  }
0x2f: {  	lr =	sadd.s32 s0, s3;
	s0 =	sld [smem:$0x3F73]  }
0x30: {  	s3 =	sld [smem:$0x3F76]  }
0x31: {  	[smem:$0x3F7F] =	sst s10  }
0x32: {  	s10 =	sld [smem:$0x3F7D];
	_ =	sdelay $0x3  }
0x33: {  	p0 =	seq.s32 s10, $0x1;
	s10 =	sld [smem:$0x3F7F];
	_ =	sdelay $0x3  }
0x34: {  	[smem:$0x3F7F] =	sst s10  }
0x35: {  	s10 =	sld [smem:$0x3F7E];
	_ =	sdelay $0x3  }
0x36: {  	p1 =	seq.s32 s10, $0x1;
	s10 =	sld [smem:$0x3F7F];
	_ =	sdelay $0x3  }
0x37: {  	[smem:$0x3F7F] =	sst s10  }
0x38: {  	s10 =	sld [smem:$0x3F80]  }
0x39: {  	_ = 	snop;
	(pc) =	sbr.ind lr, $3  }
0x3a: {  	_ = 	snop  }
0x3b: {  	_ = 	snop  }
0x3c: {  	p2 =	seq.s32 s10, $0x1;
	s10 =	sld [smem:$0x3F7F]  }
0x3d: {  	_ =	shalt  }
0x3e: {  	_ =	shalt  }
0x3f: {  	_ =	shalt  }
0x40: {  	_ =	shalt  }
0x41: {  	_ =	shalt  }
0x42: {  	_ =	shalt  }
0x43: {  	_ =	shalt  }
0x44: {  	_ =	shalt  }
0x45: {  	_ =	shalt  }
0x46: {  	_ =	shalt  }
0x47: {  	_ =	shalt  }
0x48: {  	_ =	shalt  }
0x49: {  	_ =	shalt  }
0x4a: {  	_ =	shalt  }
0x4b: {  	_ =	shalt  }
0x4c: {  	_ =	shalt  }
0x4d: {  	_ =	shalt  }
0x4e: {  	_ =	shalt  }
0x4f: {  	_ =	shalt  }
0x50: {  	_ =	shalt  }
0x51: {  	_ =	shalt  }
0x52: {  	_ =	shalt  }
0x53: {  	_ =	shalt  }
0x54: {  	_ =	shalt  }
0x55: {  	_ =	shalt  }
0x56: {  	_ =	shalt  }
0x57: {  	_ =	shalt  }
0x58: {  	_ =	shalt  }
0x59: {  	_ =	shalt  }
0x5a: {  	_ =	shalt  }
0x5b: {  	_ =	shalt  }
0x5c: {  	_ =	shalt  }
0x5d: {  	_ =	shalt  }
0x5e: {  	_ =	shalt  }
0x5f: {  	_ =	shalt  }
0x60: {  	_ =	shalt  }
0x61: {  	_ =	shalt  }
0x62: {  	_ =	shalt  }
0x63: {  	_ =	shalt  }
0x64: {  	_ =	shalt  }
0x65: {  	_ =	shalt  }
0x66: {  	_ =	shalt  }
0x67: {  	_ =	shalt  }
0x68: {  	_ =	shalt  }
0x69: {  	_ =	shalt  }
0x6a: {  	_ =	shalt  }
0x6b: {  	_ =	shalt  }
0x6c: {  	_ =	shalt  }
0x6d: {  	_ =	shalt  }
0x6e: {  	_ =	shalt  }
0x6f: {  	_ =	shalt  }
0x70: {  	_ =	shalt  }
0x71: {  	_ =	shalt  }
0x72: {  	_ =	shalt  }
0x73: {  	_ =	shalt  }
0x74: {  	_ =	shalt  }
0x75: {  	_ =	shalt  }
0x76: {  	_ =	shalt  }
0x77: {  	_ =	shalt  }
0x78: {  	_ =	shalt  }
0x79: {  	_ =	shalt  }
0x7a: {  	_ =	shalt  }
0x7b: {  	_ =	shalt  }
0x7c: {  	_ =	shalt  }
0x7d: {  	_ =	shalt  }
0x7e: {  	_ =	shalt  }
0x7f: {  	_ =	shalt  }
0x80: {  	_ =	shalt  }
0x81: {  	_ =	shalt  }
0x82: {  	_ =	shalt  }
0x83: {  	_ =	shalt  }
0x84: {  	_ =	shalt  }
0x85: {  	_ =	shalt  }
0x86: {  	_ =	shalt  }
0x87: {  	_ =	shalt  }
.Lfunc_end0:
.L_simem_size_0:
called_computation.6_lowered:
.L_overlay_start_0:
0x88: {  	s2 =	sld [smem:$0x3FD9]  }
0x89: {  	s3 =	sld [smem:$0x3FFE];
	_ =	sdelay $0x1  }
0x8a: {  	s1 =	srdreg.scid  }
0x8b: {  	s0 =	sand.u32 $0x1, s1  }
0x8c: {  	s17 =	sshll.u32 s0, $0xA;
	s2 =	sadd.s32 s3, s2  }
0x8d: {  	s2 =	sadd.s32 s2, s17  }
0x8e: {  	[smem:$0x3F8B] =	sst s2  }
0x8f: {  	_ = 	snop  }
0x90: {  	s2 =	sld [smem:$0x3FD0];
	(tm) =	ssettm $0x1  }
0x91: {  	s18 =	sld [smem:$0x3FFB];
	_ =	sdelay $0x3  }
0x92: {  	_ =	strace s18  }
0x93: {  	s3 =	sld [smem:$0x3FFC];
	_ =	sdelay $0x3  }
0x94: {  	_ =	strace s3  }
0x95: {  	s3 =	sld [smem:$0x3FFD];
	_ =	sdelay $0x3  }
0x96: {  	_ =	strace s3  }
0x97: {  	_ =	strace $0x8FFFFFFF  }
0x98: {  	s19 =	sld [smem:$0x3FDB];
	_ =	sdelay $0x1  }
0x99: {  	s4 =	simm.s32 $_scs_section_size  }
0x9a: {  	s5 =	simm.s32 $_size__tile_overlayer_lowered;
	s6 =	simm.s32 $_tile_overlayer_lowered  }
0x9b: {  	s22 =	simm.s32 $0x1BFF;
	s21 =	sshll.u32 s6, $0x1;
	s3 =	sadd.s32 s4, s19  }
0x9c: {  	s7 =	simm.s32 $0x0;
	s20 =	sshll.u32 s5, $0x1;
	s5 =	sadd.s32 s21, s3  }
0x9d: {  	[timem:s7], [sflag:s22] =	dma.local [hbm:s5], s20  }
0x9e: {  	_ =	swait.ge [sflag:s22], s20  }
0x9f: {  	s4 =	ssub.s32 $0x0, s20;
	[sflag:s22] =	ssyncset.done $0x0  }
0xa0: {  	[sflag:s22] =	ssyncadd.s32 s4;
	_ =	sdelay $0x1  }
0xa1: {  	s23 =	simm.s32 $0x1B8B  }
0xa2: {  	_ =	swait.ge [sflag:s23], $0x1  }
0xa3: {  	[sflag:s23] =	ssyncset.done $0x0  }
0xa4: {  	s25 =	simm.s32 $0x1B8E;
	s24 =	sld [smem:$0x3FFE];
	[sflag:s23] =	ssyncadd.s32 $0xFFFFFFFF  }
0xa5: {  	s26 =	simm.s32 $execute0_lowered;
	[smem:$0x3FD2] =	sst s25  }
0xa6: {  	s5 =	sshll.u32 s26, $0x1;
	_ =	strace $0x80000058;
	[dreg:$0x1] =	wrdreg $0xFFFFFFFF  }
0xa7: {  	s28 =	simm.s32 $_size_execute0_lowered;
	s3 =	sadd.s32 s3, s5;
	[dreg:$0x0] =	wrdreg $0x0  }
0xa8: {  	s5 =	sshll.u32 s28, $0x1;
	[dreg:$0x2] =	wrdreg s3  }
0xa9: {  	[dreg:$0x3] =	wrdreg s5  }
0xaa: {  	[dreg:$0x4] =	wrdreg $0xC0  }
0xab: {  	_ =	task [dreg:s7], $0x5FFFF  }
0xac: {  	[dreg:$0x1] =	wrdreg $0xFFFFFFFF  }
0xad: {  	[dreg:$0x0] =	wrdreg $0x60  }
0xae: {  	[dreg:$0x2] =	wrdreg s24  }
0xaf: {  	[dreg:$0x3] =	wrdreg s2  }
0xb0: {  	[dreg:$0x4] =	wrdreg $0x9  }
0xb1: {  	_ =	task.clear_ibuf [dreg:s7], $0x5FFFF;
	_ =	strace $0x90000058  }
0xb2: {  	s29 =	simm.s32 $0x9;
	_ =	strace $0x8000005A  }
0xb3: {  	_ =	swait.ge [sflag:s29], $0x1  }
0xb4: {  	[sflag:s29] =	ssyncadd.s32 $0xFFFFFFFF  }
0xb5: {  	_ =	strace $0x9000005A  }
0xb6: {  	_ =	sfence  }
0xb7: {  	s30 =	sld [smem:$0x0];
	_ =	sdelay $0x2  }
0xb8: {  	s31 =	sshll.u32 s1, $0xD;
	s1 =	sshrl.u32 s1, $0x2  }
0xb9: {  	s3 =	sand.u32 $0x4000, s31;
	s1 =	sadd.s32 s1, s30  }
0xba: {  	s0 =	sor.u32 s3, s0;
	s1 =	sshll.u32 s1, $0x11  }
0xbb: {  	s0 =	sor.u32 s1, s0  }
0xbc: {  	s0 =	sadd.s32 $0x8F2B, s0  }
0xbd: {  	[sflag:s0] =	ssyncadd.remote.s32 $0x1  }
0xbe: {  	_ =	sfence.sel $0xFFFF  }
0xbf: {  	[dreg:$0x0] =	wrdreg $0xFFFFFFFF;
	(pc) =	sbr.abs _section_cstart, $3  }
0xc0: {  	[dreg:$0x1] =	wrdreg $0xFFFFFFFF  }
0xc1: {  	_ =	task.clear_ibuf [dreg:s7], $0x2FFFF;
	_ =	strace $0x9FFFFFFF  }
0xc2: {  	(tm) =	ssettm $0x7FFFFFFF  }
0xc3: {  	_ =	shalt  }
tec
execute0_lowered:
.L_overlay_start_1:
0x0: {  	(tag) =	ssettag $0x1  }
0x1: {  	s0 =	rddreg [dreg:$0x0]  }
0x2: {  	s1 =	rddreg [dreg:$0x1];
	s4 =	simm.s32 $0x0  }
0x3: {  	s2 =	srdreg.scid;
	s3 =	stileid.u32;
	s10 =	simm.s32 $0x2  }
0x4: {  	s12 =	simm.s32 $0x500;
	s30 =	simm.s32 $0x6D00;
	s31 =	simm.s32 $0x7100  }
0x5: {  	s11 =	simm.s32 $0x8500;
	s9 =	simm.s32 $0x9500;
	s13 =	simm.s32 $0xA100  }
0x6: {  	s14 =	simm.s32 $0xA900;
	s15 =	simm.s32 $0xAD00;
	s16 =	simm.s32 $0xB500  }
0x7: {  	s17 =	simm.s32 $0xB900;
	s18 =	simm.s32 $0xC100;
	s19 =	simm.s32 $0x1  }
0x8: {  	s21 =	simm.s32 $0x0;
	s29 =	simm.s32 $0x0;
	[smem:$0x7FF] =	sst s4  }
0x9: {  	s2 =	sand.u32 $0x1, s2;
	s3 =	sshll.u32 s3, $0x1;
	s5 =	sadd.s32 $0x55000, s0  }
0xa: {  	_ =	strace $0x80000059;
	s6 =	sor.u32 s2, s3;
	s2 =	ssub.s32 $0x2, s2  }
0xb: {  	s3 =	sadd.s32 $0xC800, s0;
	s4 =	sshll.u32 s6, $0x5;
	s8 =	sshrl.u32 s2, $0x1  }
0xc: {  	s6 =	sshll.u32 s6, $0x7;
	s7 =	sadd.s32 s4, s0;
	s2 =	ssub.s32 s2, s8  }
0xd: {  	s1 =	sadd.s32 s1, s6;
	s8 =	sadd.s32 $0xC900, s0;
	s0 =	simm.s32 $0x7900  }
0xe: {  	v2 =	vlaneseq.u32;
	s6 =	simm.s32 $0x8900;
	s7 =	sadd.s32 $0x54C00, s7;
	[dreg:$0x4] =	wrdreg s1  }
0xf: {  	vm0 =	vmmov $0xffff;
	vm1 =	vmmov $0xff;
	v1 =	vshrl.u32 v2, $0x3;
	s28 =	smax.u32 s2, $0x1;
	s1 =	simm.s32 $0x7D00;
	[dreg:$0x3] =	wrdreg s7  }
0x10: {  	v0 =	vand.u32 $0x7, v2;
	v2 =	vor.u32 $0x8, v2;
	v1 =	vmul.u32 $0x8, v1;
	s2 =	simm.s32 $0x9D00;
	[dreg:$0x5] =	wrdreg s28;
	s7 =	simm.s32 $0x9100  }
.LBB2_1:
0x11: {  	[dreg:$0x6] =	wrdreg s21  }
0x12: {  	s20 =	simm.s32 $0x0;
	s26 =	rddreg [dreg:$0x3]  }
0x13: {  	[tilespmem:s20], [sflag:$0x2] =	stream.linear.gather [hbm4b:s26+s20], $0x100, $0x38;
	[tilespmem:$0xC500] =	vst v63  }
0x14: {  	_ =	swait.ge [sflag:s10], $0x100  }
0x15: {  	[sflag:s10] =	ssyncset.done $0x0  }
0x16: {  	s22 =	simm.s32 $0x100;
	s28 =	rddreg [dreg:$0x4];
	[sflag:s10] =	ssyncadd.s32 $0xFFFFFF00  }
0x17: {  	[tilespmem:s22], [sflag:$0x2] =	stream.linear.gather [hbm4b:s28+s20], $0x400, $0x38;
	[tilespmem:$0xC500] =	vst v63  }
0x18: {  	_ =	swait.ge [sflag:s10], $0x400  }
0x19: {  	[sflag:s10] =	ssyncset.done $0x0  }
0x1a: {  	p0 =	por $0x1, $0x1;
	s20 =	simm.s32 $0x0;
	[sflag:s10] =	ssyncadd.s32 $0xFFFFFC00  }
.LBB2_2:
0x1b: {  	s22 =	sshll.u32 s20, $0x9  }
0x1c: {  	s23 =	sshra.s32 s22, $0x2  }
0x1d: {  	v3 =	vld [tilespmem:s23+$0x0];
	_ =	sdelay $0x4  }
0x1e: {  	v4 =	vshrl.u32 v3, $0x3  }
0x1f: {  	v4 =	vmul.u32 $0x18, v4  }
0x20: {  	v3 =	vand.u32 $0x7, v3  }
0x21: {  	v3 =	vor.u32 v3, v4  }
0x22: {  	v4 =	vperm.xlane v3, v0;
	_ =	sdelay $0x1  }
0x23: {  	v4 =	vadd.s32 v1, v4;
	_ =	sdelay $0x1  }
0x24: {  	v3 =	vperm.xlane v3, v2;
	_ =	sdelay $0x1  }
0x25: {  	s21 =	simm.s32 $0x0;
	v3 =	vadd.s32 v1, v3  }
0x26: {  	[tilespmem:s12], [sflag:$0x1] =	stream.indirect_vreg.gather [hbm4b:s3+s21], $0x80, v4, vm0, $0xb8;
	[tilespmem:$0xC500] =	vst v63  }
0x27: {  	s24 =	simm.s32 $0xD00  }
0x28: {  	[tilespmem:s24], [sflag:$0x1] =	stream.indirect_vreg.gather [hbm4b:s8+s21], $0x80, v4, vm1, $0xb8;
	[tilespmem:$0xC500] =	vst v63  }
0x29: {  	s25 =	simm.s32 $0x1100  }
0x2a: {  	[tilespmem:s25], [sflag:$0x1] =	stream.indirect_vreg.gather [hbm4b:s3+s21], $0x80, v3, vm0, $0xb8;
	[tilespmem:$0xC500] =	vst v63  }
0x2b: {  	s26 =	simm.s32 $0x1900  }
0x2c: {  	[tilespmem:s26], [sflag:$0x1] =	stream.indirect_vreg.gather [hbm4b:s8+s21], $0x80, v3, vm1, $0xb8;
	[tilespmem:$0xC500] =	vst v63  }
0x2d: {  	v3 =	vld [tilespmem:s23+$0x10];
	_ =	sdelay $0x4  }
0x2e: {  	v4 =	vshrl.u32 v3, $0x3  }
0x2f: {  	v4 =	vmul.u32 $0x18, v4  }
0x30: {  	v3 =	vand.u32 $0x7, v3  }
0x31: {  	v3 =	vor.u32 v3, v4  }
0x32: {  	v4 =	vperm.xlane v3, v0;
	_ =	sdelay $0x1  }
0x33: {  	v4 =	vadd.s32 v1, v4;
	_ =	sdelay $0x1  }
0x34: {  	v3 =	vperm.xlane v3, v2;
	_ =	sdelay $0x1  }
0x35: {  	s28 =	simm.s32 $0x1D00;
	v3 =	vadd.s32 v1, v3  }
0x36: {  	[tilespmem:s28], [sflag:$0x1] =	stream.indirect_vreg.gather [hbm4b:s3+s21], $0x80, v4, vm0, $0xb8;
	[tilespmem:$0xC500] =	vst v63  }
0x37: {  	s25 =	simm.s32 $0x2500  }
0x38: {  	[tilespmem:s25], [sflag:$0x1] =	stream.indirect_vreg.gather [hbm4b:s8+s21], $0x80, v4, vm1, $0xb8;
	[tilespmem:$0xC500] =	vst v63  }
0x39: {  	s26 =	simm.s32 $0x2900  }
0x3a: {  	[tilespmem:s26], [sflag:$0x1] =	stream.indirect_vreg.gather [hbm4b:s3+s21], $0x80, v3, vm0, $0xb8;
	[tilespmem:$0xC500] =	vst v63  }
0x3b: {  	s28 =	simm.s32 $0x3100  }
0x3c: {  	[tilespmem:s28], [sflag:$0x1] =	stream.indirect_vreg.gather [hbm4b:s8+s21], $0x80, v3, vm1, $0xb8;
	[tilespmem:$0xC500] =	vst v63  }
0x3d: {  	v3 =	vld [tilespmem:s23+$0x20];
	_ =	sdelay $0x4  }
0x3e: {  	v4 =	vshrl.u32 v3, $0x3  }
0x3f: {  	v4 =	vmul.u32 $0x18, v4  }
0x40: {  	v3 =	vand.u32 $0x7, v3  }
0x41: {  	v3 =	vor.u32 v3, v4  }
0x42: {  	v4 =	vperm.xlane v3, v0;
	_ =	sdelay $0x1  }
0x43: {  	v4 =	vadd.s32 v1, v4;
	_ =	sdelay $0x1  }
0x44: {  	v3 =	vperm.xlane v3, v2;
	_ =	sdelay $0x1  }
0x45: {  	s25 =	simm.s32 $0x3500;
	v3 =	vadd.s32 v1, v3  }
0x46: {  	[tilespmem:s25], [sflag:$0x1] =	stream.indirect_vreg.gather [hbm4b:s3+s21], $0x80, v4, vm0, $0xb8;
	[tilespmem:$0xC500] =	vst v63  }
0x47: {  	s26 =	simm.s32 $0x3D00  }
0x48: {  	[tilespmem:s26], [sflag:$0x1] =	stream.indirect_vreg.gather [hbm4b:s8+s21], $0x80, v4, vm1, $0xb8;
	[tilespmem:$0xC500] =	vst v63  }
0x49: {  	s28 =	simm.s32 $0x4100  }
0x4a: {  	[tilespmem:s28], [sflag:$0x1] =	stream.indirect_vreg.gather [hbm4b:s3+s21], $0x80, v3, vm0, $0xb8;
	[tilespmem:$0xC500] =	vst v63  }
0x4b: {  	s25 =	simm.s32 $0x4900  }
0x4c: {  	[tilespmem:s25], [sflag:$0x1] =	stream.indirect_vreg.gather [hbm4b:s8+s21], $0x80, v3, vm1, $0xb8;
	[tilespmem:$0xC500] =	vst v63  }
0x4d: {  	v3 =	vld [tilespmem:s23+$0x30];
	_ =	sdelay $0x4  }
0x4e: {  	v4 =	vshrl.u32 v3, $0x3  }
0x4f: {  	v4 =	vmul.u32 $0x18, v4  }
0x50: {  	v3 =	vand.u32 $0x7, v3  }
0x51: {  	v3 =	vor.u32 v3, v4  }
0x52: {  	v4 =	vperm.xlane v3, v0;
	_ =	sdelay $0x1  }
0x53: {  	v4 =	vadd.s32 v1, v4;
	_ =	sdelay $0x1  }
0x54: {  	v3 =	vperm.xlane v3, v2;
	_ =	sdelay $0x1  }
0x55: {  	s26 =	simm.s32 $0x4D00;
	v3 =	vadd.s32 v1, v3  }
0x56: {  	[tilespmem:s26], [sflag:$0x1] =	stream.indirect_vreg.gather [hbm4b:s3+s21], $0x80, v4, vm0, $0xb8;
	[tilespmem:$0xC500] =	vst v63  }
0x57: {  	s28 =	simm.s32 $0x5500  }
0x58: {  	[tilespmem:s28], [sflag:$0x1] =	stream.indirect_vreg.gather [hbm4b:s8+s21], $0x80, v4, vm1, $0xb8;
	[tilespmem:$0xC500] =	vst v63  }
0x59: {  	s25 =	simm.s32 $0x5900  }
0x5a: {  	[tilespmem:s25], [sflag:$0x1] =	stream.indirect_vreg.gather [hbm4b:s3+s21], $0x80, v3, vm0, $0xb8;
	[tilespmem:$0xC500] =	vst v63  }
0x5b: {  	s26 =	simm.s32 $0x6100  }
0x5c: {  	[tilespmem:s26], [sflag:$0x1] =	stream.indirect_vreg.gather [hbm4b:s8+s21], $0x80, v3, vm1, $0xb8;
	[tilespmem:$0xC500] =	vst v63  }
0x5d: {  	v3 =	vld [tilespmem:s23+$0x40];
	_ =	sdelay $0x4  }
0x5e: {  	v4 =	vshrl.u32 v3, $0x3  }
0x5f: {  	v4 =	vmul.u32 $0x18, v4  }
0x60: {  	v3 =	vand.u32 $0x7, v3  }
0x61: {  	v3 =	vor.u32 v3, v4  }
0x62: {  	v4 =	vperm.xlane v3, v0;
	_ =	sdelay $0x1  }
0x63: {  	v4 =	vadd.s32 v1, v4;
	_ =	sdelay $0x1  }
0x64: {  	v3 =	vperm.xlane v3, v2;
	_ =	sdelay $0x1  }
0x65: {  	s28 =	simm.s32 $0x6500;
	v3 =	vadd.s32 v1, v3  }
0x66: {  	[tilespmem:s28], [sflag:$0x1] =	stream.indirect_vreg.gather [hbm4b:s3+s21], $0x80, v4, vm0, $0xb8;
	[tilespmem:$0xC500] =	vst v63  }
0x67: {  	_ = 	snop  }
0x68: {  	[tilespmem:s30], [sflag:$0x1] =	stream.indirect_vreg.gather [hbm4b:s8+s21], $0x80, v4, vm1, $0xb8;
	[tilespmem:$0xC500] =	vst v63  }
0x69: {  	_ = 	snop  }
0x6a: {  	[tilespmem:s31], [sflag:$0x1] =	stream.indirect_vreg.gather [hbm4b:s3+s21], $0x80, v3, vm0, $0xb8;
	[tilespmem:$0xC500] =	vst v63  }
0x6b: {  	_ = 	snop  }
0x6c: {  	[tilespmem:s0], [sflag:$0x1] =	stream.indirect_vreg.gather [hbm4b:s8+s21], $0x80, v3, vm1, $0xb8;
	[tilespmem:$0xC500] =	vst v63  }
0x6d: {  	v3 =	vld [tilespmem:s23+$0x50];
	_ =	sdelay $0x4  }
0x6e: {  	v4 =	vshrl.u32 v3, $0x3  }
0x6f: {  	v4 =	vmul.u32 $0x18, v4  }
0x70: {  	v3 =	vand.u32 $0x7, v3  }
0x71: {  	v3 =	vor.u32 v3, v4  }
0x72: {  	v4 =	vperm.xlane v3, v0;
	_ =	sdelay $0x1  }
0x73: {  	v4 =	vadd.s32 v1, v4;
	_ =	sdelay $0x1  }
0x74: {  	v3 =	vperm.xlane v3, v2;
	_ =	sdelay $0x1  }
0x75: {  	v3 =	vadd.s32 v1, v3  }
0x76: {  	[tilespmem:s1], [sflag:$0x1] =	stream.indirect_vreg.gather [hbm4b:s3+s21], $0x80, v4, vm0, $0xb8;
	[tilespmem:$0xC500] =	vst v63  }
0x77: {  	_ = 	snop  }
0x78: {  	[tilespmem:s11], [sflag:$0x1] =	stream.indirect_vreg.gather [hbm4b:s8+s21], $0x80, v4, vm1, $0xb8;
	[tilespmem:$0xC500] =	vst v63  }
0x79: {  	_ = 	snop  }
0x7a: {  	[tilespmem:s6], [sflag:$0x1] =	stream.indirect_vreg.gather [hbm4b:s3+s21], $0x80, v3, vm0, $0xb8;
	[tilespmem:$0xC500] =	vst v63  }
0x7b: {  	_ = 	snop  }
0x7c: {  	[tilespmem:s7], [sflag:$0x1] =	stream.indirect_vreg.gather [hbm4b:s8+s21], $0x80, v3, vm1, $0xb8;
	[tilespmem:$0xC500] =	vst v63  }
0x7d: {  	v3 =	vld [tilespmem:s23+$0x60];
	_ =	sdelay $0x4  }
0x7e: {  	v4 =	vshrl.u32 v3, $0x3  }
0x7f: {  	v4 =	vmul.u32 $0x18, v4  }
0x80: {  	v3 =	vand.u32 $0x7, v3  }
0x81: {  	v3 =	vor.u32 v3, v4  }
0x82: {  	v4 =	vperm.xlane v3, v0;
	_ =	sdelay $0x1  }
0x83: {  	v4 =	vadd.s32 v1, v4;
	_ =	sdelay $0x1  }
0x84: {  	v3 =	vperm.xlane v3, v2;
	_ =	sdelay $0x1  }
0x85: {  	v3 =	vadd.s32 v1, v3  }
0x86: {  	[tilespmem:s9], [sflag:$0x1] =	stream.indirect_vreg.gather [hbm4b:s3+s21], $0x80, v4, vm0, $0xb8;
	[tilespmem:$0xC500] =	vst v63  }
0x87: {  	_ = 	snop  }
0x88: {  	[tilespmem:s2], [sflag:$0x1] =	stream.indirect_vreg.gather [hbm4b:s8+s21], $0x80, v4, vm1, $0xb8;
	[tilespmem:$0xC500] =	vst v63  }
0x89: {  	_ = 	snop  }
0x8a: {  	[tilespmem:s13], [sflag:$0x1] =	stream.indirect_vreg.gather [hbm4b:s3+s21], $0x80, v3, vm0, $0xb8;
	[tilespmem:$0xC500] =	vst v63  }
0x8b: {  	_ = 	snop  }
0x8c: {  	[tilespmem:s14], [sflag:$0x1] =	stream.indirect_vreg.gather [hbm4b:s8+s21], $0x80, v3, vm1, $0xb8;
	[tilespmem:$0xC500] =	vst v63  }
0x8d: {  	v3 =	vld [tilespmem:s23+$0x70];
	_ =	sdelay $0x4  }
0x8e: {  	v4 =	vshrl.u32 v3, $0x3  }
0x8f: {  	v4 =	vmul.u32 $0x18, v4  }
0x90: {  	v3 =	vand.u32 $0x7, v3  }
0x91: {  	v3 =	vor.u32 v3, v4  }
0x92: {  	v4 =	vperm.xlane v3, v0;
	_ =	sdelay $0x1  }
0x93: {  	v4 =	vadd.s32 v1, v4;
	_ =	sdelay $0x1  }
0x94: {  	v3 =	vperm.xlane v3, v2;
	_ =	sdelay $0x1  }
0x95: {  	v3 =	vadd.s32 v1, v3  }
0x96: {  	[tilespmem:s15], [sflag:$0x1] =	stream.indirect_vreg.gather [hbm4b:s3+s21], $0x80, v4, vm0, $0xb8;
	[tilespmem:$0xC500] =	vst v63  }
0x97: {  	_ = 	snop  }
0x98: {  	[tilespmem:s16], [sflag:$0x1] =	stream.indirect_vreg.gather [hbm4b:s8+s21], $0x80, v4, vm1, $0xb8;
	[tilespmem:$0xC500] =	vst v63  }
0x99: {  	s22 =	sand.u32 $0x3FFFFE00, s22  }
0x9a: {  	[tilespmem:s17], [sflag:$0x1] =	stream.indirect_vreg.gather [hbm4b:s3+s21], $0x80, v3, vm0, $0xb8;
	[tilespmem:$0xC500] =	vst v63  }
0x9b: {  	s22 =	sor.u32 $0x100, s22;
	s25 =	simm.s32 $0x0  }
0x9c: {  	[tilespmem:s18], [sflag:$0x1] =	stream.indirect_vreg.gather [hbm4b:s8+s21], $0x80, v3, vm1, $0xb8;
	[tilespmem:$0xC500] =	vst v63  }
0x9d: {  	v3 =	vmov s22;
	s22 =	smul.u32 $0x3000, s25  }
0x9e: {  	_ =	swait.ge [sflag:s19], $0xC000  }
0x9f: {  	s28 =	sand.u32 $0x380, s21;
	[sflag:s19] =	ssyncset.done $0x0;
	s22 =	sshra.s32 s22, $0x2  }
0xa0: {  	s26 =	sand.u32 $0x600, s21;
	[sflag:s19] =	ssyncadd.s32 $0xFFFF4000;
	s22 =	sor.u32 s28, s22  }
0xa1: {  	s23 =	sshrl.u32 s26, $0x2;
	v5 =	vld [tilespmem:s22+$0x500]  }
0xa2: {  	v4 =	vld.idx.msk [tilespmem:v3+s23+$0x0 ss:$0x1], $0xffff;
	_ =	sdelay $0x2  }
0xa3: {  	p1 =	por p0, p0  }
0xa4: {  	s24 =	simm.s32 $0x2;
	s25 =	simm.s32 $0x0;
	s23 =	simm.s32 $0x0  }
.LBB2_3:
0xa5: {  	p0 =	sne.s32 s24, $0x7F;
	s25 =	smul.u32 $0x3000, s25;
	v4 =	vsub.f32 v5, v4;
	s21 =	sadd.s32 $0x10, s21  }
0xa6: {  	s23 =	sadd.s32 $0x80, s23;
	s26 =	sand.u32 $0x600, s21  }
0xa7: {  	s28 =	sand.u32 $0x380, s23;
	s25 =	sshra.s32 s25, $0x2;
	s26 =	sshrl.u32 s26, $0x2;
	[tilespmem:s22+$0x500] =	vst v4  }
0xa8: {  	s22 =	sor.u32 s28, s25;
	v4 =	vld.idx.msk [tilespmem:v3+s26+$0x0 ss:$0x1], $0xffff  }
.Ltmp0:
0xa9: {  	v5 =	vld [tilespmem:s22+$0x500];
	(pc) =	sbr.rel @p0 .LBB2_3-.Ltmp0, $2  }
0xaa: {  	_ =	sdelay $0x2  }
0xab: {  	s25 =	sshrl.u32 s24, $0x3;
	s24 =	sadd.s32 $0x1, s24  }
0xac: {  	_ = 	snop  }
0xad: {  	s24 =	smul.u32 $0x3000, s25;
	v4 =	vsub.f32 v5, v4;
	s21 =	sadd.s32 $0x10, s21  }
0xae: {  	s23 =	sadd.s32 $0x80, s23;
	s21 =	sand.u32 $0x600, s21  }
0xaf: {  	s23 =	sand.u32 $0x380, s23;
	s24 =	sshra.s32 s24, $0x2;
	s21 =	sshrl.u32 s21, $0x2;
	[tilespmem:s22+$0x500] =	vst v4  }
0xb0: {  	s28 =	sor.u32 s23, s24;
	v3 =	vld.idx.msk [tilespmem:v3+s21+$0x0 ss:$0x1], $0xffff  }
0xb1: {  	v4 =	vld [tilespmem:s28+$0x500];
	_ =	sdelay $0x2  }
0xb2: {  	s20 =	sshll.u32 s20, $0x4  }
0xb3: {  	s20 =	sor.u32 s4, s20  }
0xb4: {  	s20 =	smul.u32 $0x180, s20;
	v3 =	vsub.f32 v4, v3;
	_ =	sdelay $0x1  }
.Ltmp1:
0xb5: {  	s20 =	sadd.s32 s5, s20;
	[tilespmem:s28+$0x500] =	vst v3;
	(pc) =	sbr.rel @p1 .LBB2_2-.Ltmp1, $4  }
0xb6: {  	[hbm4b:s20+s29] =	stream.linear.scatter [tilespmem:s12], [sflag:$0x2], $0xC000, $0x38;
	[tilespmem:$0xC500] =	vst v63  }
0xb7: {  	_ =	swait.ge [sflag:s10], $0xC000  }
0xb8: {  	[sflag:s10] =	ssyncset.done $0x0  }
0xb9: {  	p0 =	por $0x0, $0x0;
	s20 =	simm.s32 $0x1;
	[sflag:s10] =	ssyncadd.s32 $0xFFFF4000  }
0xba: {  	s21 =	rddreg [dreg:$0x6]  }
0xbb: {  	s20 =	rddreg [dreg:$0x5];
	s21 =	sadd.s32 $0x1, s21  }
0xbc: {  	p0 =	sne.s32 s21, s20  }
.Ltmp2:
0xbd: {  	_ = 	snop;
	(pc) =	sbr.rel @p0 .LBB2_1-.Ltmp2, $1  }
0xbe: {  	_ =	sdelay $0x3  }
0xbf: {  	_ =	sfence.sel $0x180000  }
0xc0: {  	[bflag:$0x0] =	sbarrier.arrive $0xFFFF  }
0xc1: {  	_ =	strace $0x90000059  }
0xc2: {  	s0 =	stileid.u32;
	[bflag:$0x2] =	sbarrier.arrive $0xFFFF  }
0xc3: {  	p0 =	sne.s32 s0, $0x0;
	s0 =	rddreg [dreg:$0x2]  }
0xc4: {  	s0 =	sadd.s32 @!p0 $0x100000, s0  }
0xc5: {  	[sflag:s0] =	ssyncadd.tile.s32 @!p0 $0x1;
	_ =	shalt  }
.Lfunc_end2:
_tile_overlayer_lowered:
.L_overlay_start_2:
0xc6: {  	(tag) =	ssettag $0x2  }
0xc7: {  	s0 =	rddreg [dreg:$0x0];
	s2 =	stileid.u32  }
0xc8: {  	s1 =	rddreg [dreg:$0x1];
	p0 =	sne.s32 s2, $0x0  }
0xc9: {  	s3 =	rddreg [dreg:$0x2];
	[bflag:$0x3] =	sbarrier.arrive $0xFFFF;
	s2 =	simm.s32 @!p0 $0x1C02  }
0xca: {  	[timem:s3], [sflag:s2] =	dma.local @!p0 [hbm:s0], s1  }
0xcb: {  	s0 =	simm.s32 @!p0 $0x2  }
0xcc: {  	_ =	swait.ge @!p0 [sflag:s0], s1  }
0xcd: {  	s1 =	ssub.s32 @!p0 $0x0, s1;
	[sflag:s0] =	ssyncset.done @!p0 $0x0  }
0xce: {  	[sflag:s0] =	ssyncadd.s32 @!p0 s1  }
0xcf: {  	[bflag:$0x3] =	sbarrier.arrive $0xFFFF  }
0xd0: {  	_ =	shalt  }

// kernel: kernel.83.cloned.1.call-start
scs
__scs_entry_jumppad:
0x0: {  	(pc) =	sbr.rel $0x88, $3  }
0x1: {  	(tag) =	ssettag $0x0;
	lr =	simm.s32 $0x1  }
0x2: {  	[smem:$0x3F64] =	sst lr;
	_ =	strace $0xD0000000  }
0x3: {  	_ = 	snop  }
0x4: {  	_ = 	snop  }
0x5: {  	_ = 	snop  }
0x6: {  	_ = 	snop  }
0x7: {  	_ = 	snop  }
__scs_overlays_trampoline_lowered:
0x8: {  	[smem:$0x3F73] =	sst s0  }
0x9: {  	[smem:$0x3F74] =	sst s1  }
0xa: {  	[smem:$0x3F75] =	sst s2  }
0xb: {  	[smem:$0x3F76] =	sst s3  }
0xc: {  	[smem:$0x3F77] =	sst s4  }
0xd: {  	[smem:$0x3F78] =	sst s5  }
0xe: {  	[smem:$0x3F79] =	sst s6  }
0xf: {  	[smem:$0x3F7A] =	sst s7  }
0x10: {  	[smem:$0x3F7B] =	sst s8  }
0x11: {  	[smem:$0x3F7C] =	sst s9;
	s0 =	simm.s32 @!p0 $0x0  }
0x12: {  	s1 =	sld [smem:$0x3F62];
	s0 =	simm.s32 @p0 $0x1  }
0x13: {  	[smem:$0x3F7D] =	sst s0;
	s0 =	simm.s32 @!p1 $0x0  }
0x14: {  	s2 =	sld [smem:$0x3F61];
	s0 =	simm.s32 @p1 $0x1  }
0x15: {  	[smem:$0x3F7E] =	sst s0;
	s0 =	simm.s32 @!p2 $0x0  }
0x16: {  	s3 =	sld [smem:$0x3FDB];
	s0 =	simm.s32 @p2 $0x1  }
0x17: {  	s4 =	simm.s32 $0x1BF5;
	[smem:$0x3F80] =	sst s0  }
0x18: {  	s0 =	sld [smem:$0x3F63];
	_ =	swait.ge [sflag:s4], $0x0  }
0x19: {  	s7 =	sld [smem:$0x3F64]  }
0x1a: {  	s8 =	sadd.s32 $0xFFFFE003, lr  }
0x1b: {  	s9 =	sadd.s32 $0xFFFFFEF7, lr;
	s5 =	simm.s32 $0xFFFFFFFF;
	p2 =	slt.u32 s8, $0xFFFFF086  }
0x1c: {  	p1 =	slt.u32 s9, $0xF7A;
	s5 =	simm.s32 @!p2 $0x0  }
0x1d: {  	s5 =	simm.s32 @p1 $0x1;
	p0 =	seq.s32 s7, s2  }
0x1e: {  	s7 =	smul.u32 @!p0 $0xF7A, s2;
	p2 =	seq.s32 @!p0 s5, $0x0  }
0x1f: {  	s9 =	smul.u32 $0xF7A, s1;
	s8 =	simm.s32 @!p0 $0x1BF5;
	p2 =	por !p2, p0  }
0x20: {  	[sflag:s8] =	ssyncset.s32 @!p0 $0xFFFFF086;
	s6 =	sadd.s32 @!p0 s3, s7;
	s7 =	simm.s32 @!p0 $0x108  }
0x21: {  	s3 =	sadd.s32 s3, s9;
	s6 =	sadd.s32 @!p0 $0x88, s6;
	s7 =	simm.s32 @p2 $0x1082  }
0x22: {  	[simem:s7], [sflag:s8] =	dma.local @!p0 [hbm:s6], $0xF7A  }
0x23: {  	s9 =	sor.u32 $0xD0000000, s2;
	s6 =	simm.s32 $0x108;
	_ =	swait.ge @!p0 [sflag:s8], $0x0  }
0x24: {  	s3 =	sadd.s32 $0x88, s3;
	s6 =	simm.s32 @!p1 $0x1082;
	[sflag:s4] =	ssyncset.s32 $0xFFFFF086  }
0x25: {  	[simem:s6], [sflag:s4] =	dma.local [hbm:s3], $0xF7A  }
0x26: {  	[smem:$0x3F64] =	sst s1;
	(tag) =	ssettag s2;
	_ =	strace s9  }
0x27: {  	s1 =	sld [smem:$0x3F74]  }
0x28: {  	s2 =	sld [smem:$0x3F75]  }
0x29: {  	s4 =	sld [smem:$0x3F77]  }
0x2a: {  	p0 =	seq.s32 s5, $0x0;
	s5 =	sld [smem:$0x3F78]  }
0x2b: {  	s6 =	sld [smem:$0x3F79]  }
0x2c: {  	s7 =	sld [smem:$0x3F7A]  }
0x2d: {  	s3 =	simm.s32 $0x108;
	s8 =	sld [smem:$0x3F7B]  }
0x2e: {  	s3 =	simm.s32 @!p0 $0x1082;
	s9 =	sld [smem:$0x3F7C]  }
0x2f: {  	lr =	sadd.s32 s0, s3;
	s0 =	sld [smem:$0x3F73]  }
0x30: {  	s3 =	sld [smem:$0x3F76]  }
0x31: {  	[smem:$0x3F7F] =	sst s10  }
0x32: {  	s10 =	sld [smem:$0x3F7D];
	_ =	sdelay $0x3  }
0x33: {  	p0 =	seq.s32 s10, $0x1;
	s10 =	sld [smem:$0x3F7F];
	_ =	sdelay $0x3  }
0x34: {  	[smem:$0x3F7F] =	sst s10  }
0x35: {  	s10 =	sld [smem:$0x3F7E];
	_ =	sdelay $0x3  }
0x36: {  	p1 =	seq.s32 s10, $0x1;
	s10 =	sld [smem:$0x3F7F];
	_ =	sdelay $0x3  }
0x37: {  	[smem:$0x3F7F] =	sst s10  }
0x38: {  	s10 =	sld [smem:$0x3F80]  }
0x39: {  	_ = 	snop;
	(pc) =	sbr.ind lr, $3  }
0x3a: {  	_ = 	snop  }
0x3b: {  	_ = 	snop  }
0x3c: {  	p2 =	seq.s32 s10, $0x1;
	s10 =	sld [smem:$0x3F7F]  }
0x3d: {  	_ =	shalt  }
0x3e: {  	_ =	shalt  }
0x3f: {  	_ =	shalt  }
0x40: {  	_ =	shalt  }
0x41: {  	_ =	shalt  }
0x42: {  	_ =	shalt  }
0x43: {  	_ =	shalt  }
0x44: {  	_ =	shalt  }
0x45: {  	_ =	shalt  }
0x46: {  	_ =	shalt  }
0x47: {  	_ =	shalt  }
0x48: {  	_ =	shalt  }
0x49: {  	_ =	shalt  }
0x4a: {  	_ =	shalt  }
0x4b: {  	_ =	shalt  }
0x4c: {  	_ =	shalt  }
0x4d: {  	_ =	shalt  }
0x4e: {  	_ =	shalt  }
0x4f: {  	_ =	shalt  }
0x50: {  	_ =	shalt  }
0x51: {  	_ =	shalt  }
0x52: {  	_ =	shalt  }
0x53: {  	_ =	shalt  }
0x54: {  	_ =	shalt  }
0x55: {  	_ =	shalt  }
0x56: {  	_ =	shalt  }
0x57: {  	_ =	shalt  }
0x58: {  	_ =	shalt  }
0x59: {  	_ =	shalt  }
0x5a: {  	_ =	shalt  }
0x5b: {  	_ =	shalt  }
0x5c: {  	_ =	shalt  }
0x5d: {  	_ =	shalt  }
0x5e: {  	_ =	shalt  }
0x5f: {  	_ =	shalt  }
0x60: {  	_ =	shalt  }
0x61: {  	_ =	shalt  }
0x62: {  	_ =	shalt  }
0x63: {  	_ =	shalt  }
0x64: {  	_ =	shalt  }
0x65: {  	_ =	shalt  }
0x66: {  	_ =	shalt  }
0x67: {  	_ =	shalt  }
0x68: {  	_ =	shalt  }
0x69: {  	_ =	shalt  }
0x6a: {  	_ =	shalt  }
0x6b: {  	_ =	shalt  }
0x6c: {  	_ =	shalt  }
0x6d: {  	_ =	shalt  }
0x6e: {  	_ =	shalt  }
0x6f: {  	_ =	shalt  }
0x70: {  	_ =	shalt  }
0x71: {  	_ =	shalt  }
0x72: {  	_ =	shalt  }
0x73: {  	_ =	shalt  }
0x74: {  	_ =	shalt  }
0x75: {  	_ =	shalt  }
0x76: {  	_ =	shalt  }
0x77: {  	_ =	shalt  }
0x78: {  	_ =	shalt  }
0x79: {  	_ =	shalt  }
0x7a: {  	_ =	shalt  }
0x7b: {  	_ =	shalt  }
0x7c: {  	_ =	shalt  }
0x7d: {  	_ =	shalt  }
0x7e: {  	_ =	shalt  }
0x7f: {  	_ =	shalt  }
0x80: {  	_ =	shalt  }
0x81: {  	_ =	shalt  }
0x82: {  	_ =	shalt  }
0x83: {  	_ =	shalt  }
0x84: {  	_ =	shalt  }
0x85: {  	_ =	shalt  }
0x86: {  	_ =	shalt  }
0x87: {  	_ =	shalt  }
.Lfunc_end0:
.L_simem_size_0:
called_computation.7_lowered:
.L_overlay_start_0:
0x88: {  	s2 =	sld [smem:$0x3FD9]  }
0x89: {  	s3 =	sld [smem:$0x3FFE];
	_ =	sdelay $0x1  }
0x8a: {  	s1 =	srdreg.scid  }
0x8b: {  	s0 =	sand.u32 $0x1, s1  }
0x8c: {  	s16 =	sshll.u32 s0, $0xA;
	s2 =	sadd.s32 s3, s2  }
0x8d: {  	s2 =	sadd.s32 s2, s16  }
0x8e: {  	[smem:$0x3F8B] =	sst s2  }
0x8f: {  	_ = 	snop  }
0x90: {  	(tm) =	ssettm $0x1  }
0x91: {  	s17 =	sld [smem:$0x3FFB];
	_ =	sdelay $0x3  }
0x92: {  	_ =	strace s17  }
0x93: {  	s2 =	sld [smem:$0x3FFC];
	_ =	sdelay $0x3  }
0x94: {  	_ =	strace s2  }
0x95: {  	s2 =	sld [smem:$0x3FFD];
	_ =	sdelay $0x3  }
0x96: {  	_ =	strace s2  }
0x97: {  	_ =	strace $0x8FFFFFFF  }
0x98: {  	s18 =	sld [smem:$0x3FDB];
	_ =	sdelay $0x1  }
0x99: {  	s19 =	simm.s32 $_scs_section_size  }
0x9a: {  	s4 =	simm.s32 $_size__tile_overlayer_lowered;
	s5 =	simm.s32 $_tile_overlayer_lowered  }
0x9b: {  	s22 =	simm.s32 $0x1BFF;
	s21 =	sshll.u32 s5, $0x1;
	s2 =	sadd.s32 s19, s18  }
0x9c: {  	s6 =	simm.s32 $0x0;
	s20 =	sshll.u32 s4, $0x1;
	s4 =	sadd.s32 s21, s2  }
0x9d: {  	[timem:s6], [sflag:s22] =	dma.local [hbm:s4], s20  }
0x9e: {  	_ =	swait.ge [sflag:s22], s20  }
0x9f: {  	s3 =	ssub.s32 $0x0, s20;
	[sflag:s22] =	ssyncset.done $0x0  }
0xa0: {  	[sflag:s22] =	ssyncadd.s32 s3;
	_ =	sdelay $0x1  }
0xa1: {  	s23 =	simm.s32 $0x1B8B  }
0xa2: {  	_ =	swait.ge [sflag:s23], $0x1  }
0xa3: {  	[sflag:s23] =	ssyncset.done $0x0  }
0xa4: {  	s25 =	simm.s32 $0x1B8E;
	s24 =	sld [smem:$0x3FFE];
	[sflag:s23] =	ssyncadd.s32 $0xFFFFFFFF  }
0xa5: {  	s26 =	simm.s32 $execute0_lowered;
	[smem:$0x3FD2] =	sst s25  }
0xa6: {  	s4 =	sshll.u32 s26, $0x1;
	_ =	strace $0x8000005B;
	[dreg:$0x1] =	wrdreg $0xFFFFFFFF  }
0xa7: {  	s28 =	simm.s32 $_size_execute0_lowered;
	s2 =	sadd.s32 s2, s4;
	[dreg:$0x0] =	wrdreg $0x0  }
0xa8: {  	s4 =	sshll.u32 s28, $0x1;
	[dreg:$0x2] =	wrdreg s2  }
0xa9: {  	[dreg:$0x3] =	wrdreg s4  }
0xaa: {  	[dreg:$0x4] =	wrdreg $0xC0  }
0xab: {  	_ =	task [dreg:s6], $0x5FFFF  }
0xac: {  	[dreg:$0x1] =	wrdreg $0xFFFFFFFF  }
0xad: {  	[dreg:$0x0] =	wrdreg $0x60  }
0xae: {  	[dreg:$0x2] =	wrdreg s24  }
0xaf: {  	[dreg:$0x3] =	wrdreg $0x9  }
0xb0: {  	_ =	task.clear_ibuf [dreg:s6], $0x4FFFF;
	_ =	strace $0x9000005B  }
0xb1: {  	s29 =	simm.s32 $0x9;
	_ =	strace $0x8000005D  }
0xb2: {  	_ =	swait.ge [sflag:s29], $0x1  }
0xb3: {  	[sflag:s29] =	ssyncadd.s32 $0xFFFFFFFF  }
0xb4: {  	_ =	strace $0x9000005D  }
0xb5: {  	_ =	sfence  }
0xb6: {  	s30 =	sld [smem:$0x0];
	_ =	sdelay $0x2  }
0xb7: {  	s31 =	sshll.u32 s1, $0xD;
	s1 =	sshrl.u32 s1, $0x2  }
0xb8: {  	s3 =	sand.u32 $0x4000, s31;
	s1 =	sadd.s32 s1, s30  }
0xb9: {  	s0 =	sor.u32 s3, s0;
	s1 =	sshll.u32 s1, $0x11  }
0xba: {  	s0 =	sor.u32 s1, s0  }
0xbb: {  	s0 =	sadd.s32 $0x8F2B, s0  }
0xbc: {  	[sflag:s0] =	ssyncadd.remote.s32 $0x1  }
0xbd: {  	_ =	sfence.sel $0xFFFF  }
0xbe: {  	[dreg:$0x0] =	wrdreg $0xFFFFFFFF;
	(pc) =	sbr.abs _section_cstart, $3  }
0xbf: {  	[dreg:$0x1] =	wrdreg $0xFFFFFFFF  }
0xc0: {  	_ =	task.clear_ibuf [dreg:s6], $0x2FFFF;
	_ =	strace $0x9FFFFFFF  }
0xc1: {  	(tm) =	ssettm $0x7FFFFFFF  }
tec
execute0_lowered:
.L_overlay_start_1:
0x0: {  	(tag) =	ssettag $0x1  }
0x1: {  	s0 =	rddreg [dreg:$0x0];
	s1 =	srdreg.scid  }
0x2: {  	s3 =	stileid.u32;
	s2 =	simm.s32 $0x0;
	s9 =	simm.s32 $0x2  }
0x3: {  	s11 =	simm.s32 $0x180;
	s14 =	simm.s32 $0x1580;
	s15 =	simm.s32 $0x1980  }
0x4: {  	s16 =	simm.s32 $0x2180;
	s17 =	simm.s32 $0x2580;
	s18 =	simm.s32 $0x2D80  }
0x5: {  	s19 =	simm.s32 $0x3180;
	s20 =	simm.s32 $0x3980;
	s21 =	simm.s32 $0x3D80  }
0x6: {  	s22 =	simm.s32 $0x4580;
	s23 =	simm.s32 $0x4980;
	s24 =	simm.s32 $0x5180  }
0x7: {  	s25 =	simm.s32 $0x5580;
	s26 =	simm.s32 $0x5D80;
	s28 =	simm.s32 $0x1  }
0x8: {  	s1 =	sand.u32 $0x1, s1;
	s3 =	sshll.u32 s3, $0x1;
	[smem:$0x7FF] =	sst s2  }
0x9: {  	s29 =	simm.s32 $0x0;
	s4 =	sor.u32 s1, s3;
	_ =	strace $0x8000005C  }
0xa: {  	s3 =	sadd.s32 $0xC800, s0;
	s1 =	ssub.s32 $0x2, s1;
	s5 =	sshll.u32 s4, $0x3  }
0xb: {  	s6 =	sshll.u32 s4, $0x5;
	s4 =	smul.u32 $0xC00, s4;
	s7 =	sshrl.u32 s1, $0x1  }
0xc: {  	v2 =	vlaneseq.u32;
	s5 =	sadd.s32 s5, s0;
	s6 =	sadd.s32 s6, s0;
	s1 =	ssub.s32 s1, s7  }
0xd: {  	vm0 =	vmmov $0xffff;
	vm1 =	vmmov $0xff;
	v1 =	vshrl.u32 v2, $0x3;
	s8 =	sadd.s32 s4, s0;
	s4 =	sadd.s32 $0xF800, s5;
	s5 =	sadd.s32 $0xFA00, s6  }
0xe: {  	v0 =	vand.u32 $0x7, v2;
	v2 =	vor.u32 $0x8, v2;
	v1 =	vmul.u32 $0x8, v1;
	s6 =	sadd.s32 $0xC900, s0;
	s7 =	sadd.s32 $0xFE00, s8;
	s8 =	smax.u32 s1, $0x1  }
.LBB2_1:
0xf: {  	[tilespmem:s2], [sflag:$0x2] =	stream.linear.gather [hbm4b:s4+s2], $0x40, $0x38;
	[tilespmem:$0x6180] =	vst v63  }
0x10: {  	_ =	swait.ge [sflag:s9], $0x40  }
0x11: {  	[sflag:s9] =	ssyncset.done $0x0  }
0x12: {  	s0 =	simm.s32 $0x80;
	[sflag:s9] =	ssyncadd.s32 $0xFFFFFFC0  }
0x13: {  	[tilespmem:s0], [sflag:$0x2] =	stream.linear.gather [hbm4b:s5+s2], $0x100, $0x38;
	[tilespmem:$0x6180] =	vst v63  }
0x14: {  	_ =	swait.ge [sflag:s9], $0x100  }
0x15: {  	[sflag:s9] =	ssyncset.done $0x0  }
0x16: {  	[sflag:s9] =	ssyncadd.s32 $0xFFFFFF00  }
0x17: {  	v3 =	vld [tilespmem:$0x0];
	_ =	sdelay $0x4  }
0x18: {  	v4 =	vshrl.u32 v3, $0x3  }
0x19: {  	v4 =	vmul.u32 $0x18, v4  }
0x1a: {  	v3 =	vand.u32 $0x7, v3  }
0x1b: {  	v3 =	vor.u32 v3, v4  }
0x1c: {  	v4 =	vperm.xlane v3, v0;
	_ =	sdelay $0x1  }
0x1d: {  	v4 =	vadd.s32 v1, v4;
	_ =	sdelay $0x1  }
0x1e: {  	v3 =	vperm.xlane v3, v2;
	_ =	sdelay $0x1  }
0x1f: {  	v3 =	vadd.s32 v1, v3  }
0x20: {  	[tilespmem:s11], [sflag:$0x1] =	stream.indirect_vreg.gather [hbm4b:s3+s2], $0x80, v4, vm0, $0xb8;
	[tilespmem:$0x6180] =	vst v63  }
0x21: {  	s10 =	simm.s32 $0x980  }
0x22: {  	[tilespmem:s10], [sflag:$0x1] =	stream.indirect_vreg.gather [hbm4b:s6+s2], $0x80, v4, vm1, $0xb8;
	[tilespmem:$0x6180] =	vst v63  }
0x23: {  	s12 =	simm.s32 $0xD80  }
0x24: {  	[tilespmem:s12], [sflag:$0x1] =	stream.indirect_vreg.gather [hbm4b:s3+s2], $0x80, v3, vm0, $0xb8;
	[tilespmem:$0x6180] =	vst v63  }
0x25: {  	_ = 	snop  }
0x26: {  	[tilespmem:s14], [sflag:$0x1] =	stream.indirect_vreg.gather [hbm4b:s6+s2], $0x80, v3, vm1, $0xb8;
	[tilespmem:$0x6180] =	vst v63  }
0x27: {  	v3 =	vld [tilespmem:$0x10];
	_ =	sdelay $0x4  }
0x28: {  	v4 =	vshrl.u32 v3, $0x3  }
0x29: {  	v4 =	vmul.u32 $0x18, v4  }
0x2a: {  	v3 =	vand.u32 $0x7, v3  }
0x2b: {  	v3 =	vor.u32 v3, v4  }
0x2c: {  	v4 =	vperm.xlane v3, v0;
	_ =	sdelay $0x1  }
0x2d: {  	v4 =	vadd.s32 v1, v4;
	_ =	sdelay $0x1  }
0x2e: {  	v3 =	vperm.xlane v3, v2;
	_ =	sdelay $0x1  }
0x2f: {  	v3 =	vadd.s32 v1, v3  }
0x30: {  	[tilespmem:s15], [sflag:$0x1] =	stream.indirect_vreg.gather [hbm4b:s3+s2], $0x80, v4, vm0, $0xb8;
	[tilespmem:$0x6180] =	vst v63  }
0x31: {  	_ = 	snop  }
0x32: {  	[tilespmem:s16], [sflag:$0x1] =	stream.indirect_vreg.gather [hbm4b:s6+s2], $0x80, v4, vm1, $0xb8;
	[tilespmem:$0x6180] =	vst v63  }
0x33: {  	_ = 	snop  }
0x34: {  	[tilespmem:s17], [sflag:$0x1] =	stream.indirect_vreg.gather [hbm4b:s3+s2], $0x80, v3, vm0, $0xb8;
	[tilespmem:$0x6180] =	vst v63  }
0x35: {  	_ = 	snop  }
0x36: {  	[tilespmem:s18], [sflag:$0x1] =	stream.indirect_vreg.gather [hbm4b:s6+s2], $0x80, v3, vm1, $0xb8;
	[tilespmem:$0x6180] =	vst v63  }
0x37: {  	v3 =	vld [tilespmem:$0x20];
	_ =	sdelay $0x4  }
0x38: {  	v4 =	vshrl.u32 v3, $0x3  }
0x39: {  	v4 =	vmul.u32 $0x18, v4  }
0x3a: {  	v3 =	vand.u32 $0x7, v3  }
0x3b: {  	v3 =	vor.u32 v3, v4  }
0x3c: {  	v4 =	vperm.xlane v3, v0;
	_ =	sdelay $0x1  }
0x3d: {  	v4 =	vadd.s32 v1, v4;
	_ =	sdelay $0x1  }
0x3e: {  	v3 =	vperm.xlane v3, v2;
	_ =	sdelay $0x1  }
0x3f: {  	v3 =	vadd.s32 v1, v3  }
0x40: {  	[tilespmem:s19], [sflag:$0x1] =	stream.indirect_vreg.gather [hbm4b:s3+s2], $0x80, v4, vm0, $0xb8;
	[tilespmem:$0x6180] =	vst v63  }
0x41: {  	_ = 	snop  }
0x42: {  	[tilespmem:s20], [sflag:$0x1] =	stream.indirect_vreg.gather [hbm4b:s6+s2], $0x80, v4, vm1, $0xb8;
	[tilespmem:$0x6180] =	vst v63  }
0x43: {  	_ = 	snop  }
0x44: {  	[tilespmem:s21], [sflag:$0x1] =	stream.indirect_vreg.gather [hbm4b:s3+s2], $0x80, v3, vm0, $0xb8;
	[tilespmem:$0x6180] =	vst v63  }
0x45: {  	_ = 	snop  }
0x46: {  	[tilespmem:s22], [sflag:$0x1] =	stream.indirect_vreg.gather [hbm4b:s6+s2], $0x80, v3, vm1, $0xb8;
	[tilespmem:$0x6180] =	vst v63  }
0x47: {  	v3 =	vld [tilespmem:$0x30];
	_ =	sdelay $0x4  }
0x48: {  	v4 =	vshrl.u32 v3, $0x3  }
0x49: {  	v4 =	vmul.u32 $0x18, v4  }
0x4a: {  	v3 =	vand.u32 $0x7, v3  }
0x4b: {  	v3 =	vor.u32 v3, v4  }
0x4c: {  	v4 =	vperm.xlane v3, v0;
	_ =	sdelay $0x1  }
0x4d: {  	v4 =	vadd.s32 v1, v4;
	_ =	sdelay $0x1  }
0x4e: {  	v3 =	vperm.xlane v3, v2;
	_ =	sdelay $0x1  }
0x4f: {  	v3 =	vadd.s32 v1, v3  }
0x50: {  	[tilespmem:s23], [sflag:$0x1] =	stream.indirect_vreg.gather [hbm4b:s3+s2], $0x80, v4, vm0, $0xb8;
	[tilespmem:$0x6180] =	vst v63  }
0x51: {  	_ = 	snop  }
0x52: {  	[tilespmem:s24], [sflag:$0x1] =	stream.indirect_vreg.gather [hbm4b:s6+s2], $0x80, v4, vm1, $0xb8;
	[tilespmem:$0x6180] =	vst v63  }
0x53: {  	_ = 	snop  }
0x54: {  	[tilespmem:s25], [sflag:$0x1] =	stream.indirect_vreg.gather [hbm4b:s3+s2], $0x80, v3, vm0, $0xb8;
	[tilespmem:$0x6180] =	vst v63  }
0x55: {  	s13 =	simm.s32 $0x0  }
0x56: {  	[tilespmem:s26], [sflag:$0x1] =	stream.indirect_vreg.gather [hbm4b:s6+s2], $0x80, v3, vm1, $0xb8;
	[tilespmem:$0x6180] =	vst v63  }
0x57: {  	s1 =	sand.u32 $0x200, s2;
	s0 =	smul.u32 $0x3000, s13;
	_ =	swait.ge [sflag:s28], $0x6000  }
0x58: {  	s1 =	sshrl.u32 s1, $0x2;
	[sflag:s28] =	ssyncset.done $0x0  }
0x59: {  	s0 =	sshra.s32 s0, $0x2;
	s10 =	sand.u32 $0x380, s2;
	[sflag:s28] =	ssyncadd.s32 $0xFFFFA000  }
0x5a: {  	s30 =	sor.u32 s10, s0;
	v3 =	vld [tilespmem:s1+$0x80]  }
0x5b: {  	v4 =	vld [tilespmem:s30+$0x180];
	_ =	sdelay $0x2  }
0x5c: {  	s31 =	simm.s32 $0x0  }
0x5d: {  	s10 =	simm.s32 $0x0;
	s0 =	simm.s32 $0x0;
	s1 =	simm.s32 $0x2  }
.LBB2_2:
0x5e: {  	p0 =	sne.s32 s1, $0x3F;
	s10 =	smul.u32 $0x3000, s10;
	v3 =	vsub.f32 v4, v3;
	s0 =	sadd.s32 $0x10, s0  }
0x5f: {  	s31 =	sadd.s32 $0x80, s31;
	s12 =	sand.u32 $0x200, s0  }
0x60: {  	s13 =	sand.u32 $0x380, s31;
	s10 =	sshra.s32 s10, $0x2;
	s12 =	sshrl.u32 s12, $0x2;
	[tilespmem:s30+$0x180] =	vst v3  }
0x61: {  	s30 =	sor.u32 s13, s10;
	v3 =	vld [tilespmem:s12+$0x80]  }
.Ltmp0:
0x62: {  	v4 =	vld [tilespmem:s30+$0x180];
	(pc) =	sbr.rel @p0 .LBB2_2-.Ltmp0, $2  }
0x63: {  	_ =	sdelay $0x2  }
0x64: {  	s10 =	sshrl.u32 s1, $0x3;
	s1 =	sadd.s32 $0x1, s1  }
0x65: {  	s1 =	smul.u32 $0x3000, s10;
	v3 =	vsub.f32 v4, v3;
	s0 =	sadd.s32 $0x10, s0  }
0x66: {  	s31 =	sadd.s32 $0x80, s31;
	s0 =	sand.u32 $0x200, s0  }
0x67: {  	s10 =	sand.u32 $0x380, s31;
	s1 =	sshra.s32 s1, $0x2;
	s0 =	sshrl.u32 s0, $0x2;
	[tilespmem:s30+$0x180] =	vst v3  }
0x68: {  	s1 =	sor.u32 s10, s1;
	v3 =	vld [tilespmem:s0+$0x80]  }
0x69: {  	v63 =	vld [tilespmem:s1+$0x180];
	_ =	sdelay $0x4  }
0x6a: {  	s29 =	sadd.s32 $0x1, s29;
	v3 =	vsub.f32 v63, v3  }
0x6b: {  	p0 =	sne.s32 s29, s8  }
.Ltmp1:
0x6c: {  	[tilespmem:s1+$0x180] =	vst v3;
	(pc) =	sbr.rel @p0 .LBB2_1-.Ltmp1, $4  }
0x6d: {  	[hbm4b:s7+s2] =	stream.linear.scatter [tilespmem:s11], [sflag:$0x2], $0x6000, $0x38;
	[tilespmem:$0x6180] =	vst v63  }
0x6e: {  	_ =	swait.ge [sflag:s9], $0x6000  }
0x6f: {  	[sflag:s9] =	ssyncset.done $0x0  }
0x70: {  	[sflag:s9] =	ssyncadd.s32 $0xFFFFA000  }
0x71: {  	_ =	sfence.sel $0x180000  }
0x72: {  	[bflag:$0x0] =	sbarrier.arrive $0xFFFF  }
0x73: {  	_ =	strace $0x9000005C  }
0x74: {  	s0 =	stileid.u32;
	[bflag:$0x2] =	sbarrier.arrive $0xFFFF  }
0x75: {  	p0 =	sne.s32 s0, $0x0;
	s0 =	rddreg [dreg:$0x1]  }
0x76: {  	s0 =	sadd.s32 @!p0 $0x100000, s0  }
0x77: {  	[sflag:s0] =	ssyncadd.tile.s32 @!p0 $0x1;
	_ =	shalt  }
.Lfunc_end2:
_tile_overlayer_lowered:
.L_overlay_start_2:
0x78: {  	(tag) =	ssettag $0x2  }
0x79: {  	s0 =	rddreg [dreg:$0x0];
	s2 =	stileid.u32  }
0x7a: {  	s1 =	rddreg [dreg:$0x1];
	p0 =	sne.s32 s2, $0x0  }
0x7b: {  	s3 =	rddreg [dreg:$0x2];
	[bflag:$0x3] =	sbarrier.arrive $0xFFFF;
	s2 =	simm.s32 @!p0 $0x1C02  }
0x7c: {  	[timem:s3], [sflag:s2] =	dma.local @!p0 [hbm:s0], s1  }
0x7d: {  	s0 =	simm.s32 @!p0 $0x2  }
0x7e: {  	_ =	swait.ge @!p0 [sflag:s0], s1  }
0x7f: {  	s1 =	ssub.s32 @!p0 $0x0, s1;
	[sflag:s0] =	ssyncset.done @!p0 $0x0  }
0x80: {  	[sflag:s0] =	ssyncadd.s32 @!p0 s1  }
0x81: {  	[bflag:$0x3] =	sbarrier.arrive $0xFFFF  }
0x82: {  	_ =	shalt  }

// kernel: kernel.86.cloned.1.call-start
scs
__scs_entry_jumppad:
0x0: {  	(pc) =	sbr.rel $0x88, $3  }
0x1: {  	(tag) =	ssettag $0x0;
	lr =	simm.s32 $0x1  }
0x2: {  	[smem:$0x3F64] =	sst lr;
	_ =	strace $0xD0000000  }
0x3: {  	_ = 	snop  }
0x4: {  	_ = 	snop  }
0x5: {  	_ = 	snop  }
0x6: {  	_ = 	snop  }
0x7: {  	_ = 	snop  }
__scs_overlays_trampoline_lowered:
0x8: {  	[smem:$0x3F73] =	sst s0  }
0x9: {  	[smem:$0x3F74] =	sst s1  }
0xa: {  	[smem:$0x3F75] =	sst s2  }
0xb: {  	[smem:$0x3F76] =	sst s3  }
0xc: {  	[smem:$0x3F77] =	sst s4  }
0xd: {  	[smem:$0x3F78] =	sst s5  }
0xe: {  	[smem:$0x3F79] =	sst s6  }
0xf: {  	[smem:$0x3F7A] =	sst s7  }
0x10: {  	[smem:$0x3F7B] =	sst s8  }
0x11: {  	[smem:$0x3F7C] =	sst s9;
	s0 =	simm.s32 @!p0 $0x0  }
0x12: {  	s1 =	sld [smem:$0x3F62];
	s0 =	simm.s32 @p0 $0x1  }
0x13: {  	[smem:$0x3F7D] =	sst s0;
	s0 =	simm.s32 @!p1 $0x0  }
0x14: {  	s2 =	sld [smem:$0x3F61];
	s0 =	simm.s32 @p1 $0x1  }
0x15: {  	[smem:$0x3F7E] =	sst s0;
	s0 =	simm.s32 @!p2 $0x0  }
0x16: {  	s3 =	sld [smem:$0x3FDB];
	s0 =	simm.s32 @p2 $0x1  }
0x17: {  	s4 =	simm.s32 $0x1BF5;
	[smem:$0x3F80] =	sst s0  }
0x18: {  	s0 =	sld [smem:$0x3F63];
	_ =	swait.ge [sflag:s4], $0x0  }
0x19: {  	s7 =	sld [smem:$0x3F64]  }
0x1a: {  	s8 =	sadd.s32 $0xFFFFE003, lr  }
0x1b: {  	s9 =	sadd.s32 $0xFFFFFEF7, lr;
	s5 =	simm.s32 $0xFFFFFFFF;
	p2 =	slt.u32 s8, $0xFFFFF086  }
0x1c: {  	p1 =	slt.u32 s9, $0xF7A;
	s5 =	simm.s32 @!p2 $0x0  }
0x1d: {  	s5 =	simm.s32 @p1 $0x1;
	p0 =	seq.s32 s7, s2  }
0x1e: {  	s7 =	smul.u32 @!p0 $0xF7A, s2;
	p2 =	seq.s32 @!p0 s5, $0x0  }
0x1f: {  	s9 =	smul.u32 $0xF7A, s1;
	s8 =	simm.s32 @!p0 $0x1BF5;
	p2 =	por !p2, p0  }
0x20: {  	[sflag:s8] =	ssyncset.s32 @!p0 $0xFFFFF086;
	s6 =	sadd.s32 @!p0 s3, s7;
	s7 =	simm.s32 @!p0 $0x108  }
0x21: {  	s3 =	sadd.s32 s3, s9;
	s6 =	sadd.s32 @!p0 $0x88, s6;
	s7 =	simm.s32 @p2 $0x1082  }
0x22: {  	[simem:s7], [sflag:s8] =	dma.local @!p0 [hbm:s6], $0xF7A  }
0x23: {  	s9 =	sor.u32 $0xD0000000, s2;
	s6 =	simm.s32 $0x108;
	_ =	swait.ge @!p0 [sflag:s8], $0x0  }
0x24: {  	s3 =	sadd.s32 $0x88, s3;
	s6 =	simm.s32 @!p1 $0x1082;
	[sflag:s4] =	ssyncset.s32 $0xFFFFF086  }
0x25: {  	[simem:s6], [sflag:s4] =	dma.local [hbm:s3], $0xF7A  }
0x26: {  	[smem:$0x3F64] =	sst s1;
	(tag) =	ssettag s2;
	_ =	strace s9  }
0x27: {  	s1 =	sld [smem:$0x3F74]  }
0x28: {  	s2 =	sld [smem:$0x3F75]  }
0x29: {  	s4 =	sld [smem:$0x3F77]  }
0x2a: {  	p0 =	seq.s32 s5, $0x0;
	s5 =	sld [smem:$0x3F78]  }
0x2b: {  	s6 =	sld [smem:$0x3F79]  }
0x2c: {  	s7 =	sld [smem:$0x3F7A]  }
0x2d: {  	s3 =	simm.s32 $0x108;
	s8 =	sld [smem:$0x3F7B]  }
0x2e: {  	s3 =	simm.s32 @!p0 $0x1082;
	s9 =	sld [smem:$0x3F7C]  }
0x2f: {  	lr =	sadd.s32 s0, s3;
	s0 =	sld [smem:$0x3F73]  }
0x30: {  	s3 =	sld [smem:$0x3F76]  }
0x31: {  	[smem:$0x3F7F] =	sst s10  }
0x32: {  	s10 =	sld [smem:$0x3F7D];
	_ =	sdelay $0x3  }
0x33: {  	p0 =	seq.s32 s10, $0x1;
	s10 =	sld [smem:$0x3F7F];
	_ =	sdelay $0x3  }
0x34: {  	[smem:$0x3F7F] =	sst s10  }
0x35: {  	s10 =	sld [smem:$0x3F7E];
	_ =	sdelay $0x3  }
0x36: {  	p1 =	seq.s32 s10, $0x1;
	s10 =	sld [smem:$0x3F7F];
	_ =	sdelay $0x3  }
0x37: {  	[smem:$0x3F7F] =	sst s10  }
0x38: {  	s10 =	sld [smem:$0x3F80]  }
0x39: {  	_ = 	snop;
	(pc) =	sbr.ind lr, $3  }
0x3a: {  	_ = 	snop  }
0x3b: {  	_ = 	snop  }
0x3c: {  	p2 =	seq.s32 s10, $0x1;
	s10 =	sld [smem:$0x3F7F]  }
0x3d: {  	_ =	shalt  }
0x3e: {  	_ =	shalt  }
0x3f: {  	_ =	shalt  }
0x40: {  	_ =	shalt  }
0x41: {  	_ =	shalt  }
0x42: {  	_ =	shalt  }
0x43: {  	_ =	shalt  }
0x44: {  	_ =	shalt  }
0x45: {  	_ =	shalt  }
0x46: {  	_ =	shalt  }
0x47: {  	_ =	shalt  }
0x48: {  	_ =	shalt  }
0x49: {  	_ =	shalt  }
0x4a: {  	_ =	shalt  }
0x4b: {  	_ =	shalt  }
0x4c: {  	_ =	shalt  }
0x4d: {  	_ =	shalt  }
0x4e: {  	_ =	shalt  }
0x4f: {  	_ =	shalt  }
0x50: {  	_ =	shalt  }
0x51: {  	_ =	shalt  }
0x52: {  	_ =	shalt  }
0x53: {  	_ =	shalt  }
0x54: {  	_ =	shalt  }
0x55: {  	_ =	shalt  }
0x56: {  	_ =	shalt  }
0x57: {  	_ =	shalt  }
0x58: {  	_ =	shalt  }
0x59: {  	_ =	shalt  }
0x5a: {  	_ =	shalt  }
0x5b: {  	_ =	shalt  }
0x5c: {  	_ =	shalt  }
0x5d: {  	_ =	shalt  }
0x5e: {  	_ =	shalt  }
0x5f: {  	_ =	shalt  }
0x60: {  	_ =	shalt  }
0x61: {  	_ =	shalt  }
0x62: {  	_ =	shalt  }
0x63: {  	_ =	shalt  }
0x64: {  	_ =	shalt  }
0x65: {  	_ =	shalt  }
0x66: {  	_ =	shalt  }
0x67: {  	_ =	shalt  }
0x68: {  	_ =	shalt  }
0x69: {  	_ =	shalt  }
0x6a: {  	_ =	shalt  }
0x6b: {  	_ =	shalt  }
0x6c: {  	_ =	shalt  }
0x6d: {  	_ =	shalt  }
0x6e: {  	_ =	shalt  }
0x6f: {  	_ =	shalt  }
0x70: {  	_ =	shalt  }
0x71: {  	_ =	shalt  }
0x72: {  	_ =	shalt  }
0x73: {  	_ =	shalt  }
0x74: {  	_ =	shalt  }
0x75: {  	_ =	shalt  }
0x76: {  	_ =	shalt  }
0x77: {  	_ =	shalt  }
0x78: {  	_ =	shalt  }
0x79: {  	_ =	shalt  }
0x7a: {  	_ =	shalt  }
0x7b: {  	_ =	shalt  }
0x7c: {  	_ =	shalt  }
0x7d: {  	_ =	shalt  }
0x7e: {  	_ =	shalt  }
0x7f: {  	_ =	shalt  }
0x80: {  	_ =	shalt  }
0x81: {  	_ =	shalt  }
0x82: {  	_ =	shalt  }
0x83: {  	_ =	shalt  }
0x84: {  	_ =	shalt  }
0x85: {  	_ =	shalt  }
0x86: {  	_ =	shalt  }
0x87: {  	_ =	shalt  }
.Lfunc_end0:
.L_simem_size_0:
called_computation.8_lowered:
.L_overlay_start_0:
0x88: {  	s2 =	sld [smem:$0x3FD9]  }
0x89: {  	s3 =	sld [smem:$0x3FFE];
	_ =	sdelay $0x1  }
0x8a: {  	s1 =	srdreg.scid  }
0x8b: {  	s0 =	sand.u32 $0x1, s1  }
0x8c: {  	s17 =	sshll.u32 s0, $0xA;
	s2 =	sadd.s32 s3, s2  }
0x8d: {  	s2 =	sadd.s32 s2, s17  }
0x8e: {  	[smem:$0x3F8B] =	sst s2  }
0x8f: {  	_ = 	snop  }
0x90: {  	s2 =	sld [smem:$0x3FD0];
	(tm) =	ssettm $0x1  }
0x91: {  	s18 =	sld [smem:$0x3FFB];
	_ =	sdelay $0x3  }
0x92: {  	_ =	strace s18  }
0x93: {  	s3 =	sld [smem:$0x3FFC];
	_ =	sdelay $0x3  }
0x94: {  	_ =	strace s3  }
0x95: {  	s3 =	sld [smem:$0x3FFD];
	_ =	sdelay $0x3  }
0x96: {  	_ =	strace s3  }
0x97: {  	_ =	strace $0x8FFFFFFF  }
0x98: {  	s19 =	sld [smem:$0x3FDB];
	_ =	sdelay $0x1  }
0x99: {  	s4 =	simm.s32 $_scs_section_size  }
0x9a: {  	s5 =	simm.s32 $_size__tile_overlayer_lowered;
	s6 =	simm.s32 $_tile_overlayer_lowered  }
0x9b: {  	s22 =	simm.s32 $0x1BFF;
	s21 =	sshll.u32 s6, $0x1;
	s3 =	sadd.s32 s4, s19  }
0x9c: {  	s7 =	simm.s32 $0x0;
	s20 =	sshll.u32 s5, $0x1;
	s5 =	sadd.s32 s21, s3  }
0x9d: {  	[timem:s7], [sflag:s22] =	dma.local [hbm:s5], s20  }
0x9e: {  	_ =	swait.ge [sflag:s22], s20  }
0x9f: {  	s4 =	ssub.s32 $0x0, s20;
	[sflag:s22] =	ssyncset.done $0x0  }
0xa0: {  	[sflag:s22] =	ssyncadd.s32 s4;
	_ =	sdelay $0x1  }
0xa1: {  	s23 =	simm.s32 $0x1B8B  }
0xa2: {  	_ =	swait.ge [sflag:s23], $0x1  }
0xa3: {  	[sflag:s23] =	ssyncset.done $0x0  }
0xa4: {  	s25 =	simm.s32 $0x1B8E;
	s24 =	sld [smem:$0x3FFE];
	[sflag:s23] =	ssyncadd.s32 $0xFFFFFFFF  }
0xa5: {  	s26 =	simm.s32 $execute0_lowered;
	[smem:$0x3FD2] =	sst s25  }
0xa6: {  	s5 =	sshll.u32 s26, $0x1;
	_ =	strace $0x8000005E;
	[dreg:$0x1] =	wrdreg $0xFFFFFFFF  }
0xa7: {  	s28 =	simm.s32 $_size_execute0_lowered;
	s3 =	sadd.s32 s3, s5;
	[dreg:$0x0] =	wrdreg $0x0  }
0xa8: {  	s5 =	sshll.u32 s28, $0x1;
	[dreg:$0x2] =	wrdreg s3  }
0xa9: {  	[dreg:$0x3] =	wrdreg s5  }
0xaa: {  	[dreg:$0x4] =	wrdreg $0xC0  }
0xab: {  	_ =	task [dreg:s7], $0x5FFFF  }
0xac: {  	[dreg:$0x1] =	wrdreg $0xFFFFFFFF  }
0xad: {  	[dreg:$0x0] =	wrdreg $0x60  }
0xae: {  	[dreg:$0x2] =	wrdreg s24  }
0xaf: {  	[dreg:$0x3] =	wrdreg s2  }
0xb0: {  	[dreg:$0x4] =	wrdreg $0x9  }
0xb1: {  	_ =	task.clear_ibuf [dreg:s7], $0x5FFFF;
	_ =	strace $0x9000005E  }
0xb2: {  	s29 =	simm.s32 $0x9;
	_ =	strace $0x80000060  }
0xb3: {  	_ =	swait.ge [sflag:s29], $0x1  }
0xb4: {  	[sflag:s29] =	ssyncadd.s32 $0xFFFFFFFF  }
0xb5: {  	_ =	strace $0x90000060  }
0xb6: {  	_ =	sfence  }
0xb7: {  	s30 =	sld [smem:$0x0];
	_ =	sdelay $0x2  }
0xb8: {  	s31 =	sshll.u32 s1, $0xD;
	s1 =	sshrl.u32 s1, $0x2  }
0xb9: {  	s3 =	sand.u32 $0x4000, s31;
	s1 =	sadd.s32 s1, s30  }
0xba: {  	s0 =	sor.u32 s3, s0;
	s1 =	sshll.u32 s1, $0x11  }
0xbb: {  	s0 =	sor.u32 s1, s0  }
0xbc: {  	s0 =	sadd.s32 $0x8F2B, s0  }
0xbd: {  	[sflag:s0] =	ssyncadd.remote.s32 $0x1  }
0xbe: {  	_ =	sfence.sel $0xFFFF  }
0xbf: {  	[dreg:$0x0] =	wrdreg $0xFFFFFFFF;
	(pc) =	sbr.abs _section_cstart, $3  }
0xc0: {  	[dreg:$0x1] =	wrdreg $0xFFFFFFFF  }
0xc1: {  	_ =	task.clear_ibuf [dreg:s7], $0x2FFFF;
	_ =	strace $0x9FFFFFFF  }
0xc2: {  	(tm) =	ssettm $0x7FFFFFFF  }
0xc3: {  	_ =	shalt  }
tec
execute0_lowered:
.L_overlay_start_1:
0x0: {  	(tag) =	ssettag $0x1  }
0x1: {  	s0 =	rddreg [dreg:$0x0]  }
0x2: {  	s1 =	rddreg [dreg:$0x1]  }
0x3: {  	s2 =	simm.s32 $0x0;
	s3 =	srdreg.scid;
	s5 =	stileid.u32  }
0x4: {  	s12 =	simm.s32 $0x180;
	s24 =	simm.s32 $0x5180;
	s25 =	simm.s32 $0x5980  }
0x5: {  	s26 =	simm.s32 $0x6180;
	s28 =	simm.s32 $0x6580;
	s29 =	simm.s32 $0x6D80  }
0x6: {  	s30 =	simm.s32 $0x7580;
	s31 =	simm.s32 $0x7980;
	s11 =	simm.s32 $0x8D80  }
0x7: {  	s13 =	simm.s32 $0x9580;
	s14 =	simm.s32 $0x9D80;
	s15 =	simm.s32 $0x1  }
0x8: {  	s16 =	simm.s32 $0x0;
	s4 =	sand.u32 $0x1, s3;
	s5 =	sshll.u32 s5, $0x1  }
0x9: {  	[smem:$0x7FF] =	sst s2;
	s3 =	sadd.s32 $0xC800, s0;
	s5 =	sor.u32 s4, s5  }
0xa: {  	_ =	strace $0x8000005F;
	s4 =	ssub.s32 $0x2, s4;
	s6 =	sshll.u32 s5, $0x5  }
0xb: {  	s7 =	smul.u32 $0x1400, s5;
	s8 =	sshrl.u32 s4, $0x1;
	s5 =	sshll.u32 s5, $0x3  }
0xc: {  	s6 =	sadd.s32 s6, s0;
	s10 =	ssub.s32 s4, s8;
	s4 =	sadd.s32 s1, s5  }
0xd: {  	v2 =	vlaneseq.u32;
	s1 =	simm.s32 $0x8980;
	s9 =	sadd.s32 s7, s0;
	s5 =	sadd.s32 $0xFA00, s6  }
0xe: {  	vm0 =	vmmov $0xffff;
	vm1 =	vmmov $0xff;
	v1 =	vshrl.u32 v2, $0x3;
	s6 =	sadd.s32 $0xC900, s0;
	s7 =	sadd.s32 $0xCA00, s0;
	s0 =	simm.s32 $0x8180  }
0xf: {  	v0 =	vand.u32 $0x7, v2;
	v2 =	vor.u32 $0x8, v2;
	v1 =	vmul.u32 $0x8, v1;
	s8 =	sadd.s32 $0xFE00, s9;
	s9 =	smax.u32 s10, $0x1;
	s10 =	simm.s32 $0x2  }
.LBB2_1:
0x10: {  	[tilespmem:s2], [sflag:$0x2] =	stream.linear.gather [hbm4b:s4+s2], $0x40, $0x38;
	[tilespmem:$0xA180] =	vst v63  }
0x11: {  	_ =	swait.ge [sflag:s10], $0x40  }
0x12: {  	[sflag:s10] =	ssyncset.done $0x0  }
0x13: {  	s17 =	simm.s32 $0x80;
	[sflag:s10] =	ssyncadd.s32 $0xFFFFFFC0  }
0x14: {  	[tilespmem:s17], [sflag:$0x2] =	stream.linear.gather [hbm4b:s5+s2], $0x100, $0x38;
	[tilespmem:$0xA180] =	vst v63  }
0x15: {  	_ =	swait.ge [sflag:s10], $0x100  }
0x16: {  	[sflag:s10] =	ssyncset.done $0x0  }
0x17: {  	[sflag:s10] =	ssyncadd.s32 $0xFFFFFF00  }
0x18: {  	v3 =	vld [tilespmem:$0x0];
	_ =	sdelay $0x4  }
0x19: {  	v4 =	vshrl.u32 v3, $0x3  }
0x1a: {  	v4 =	vmul.u32 $0x28, v4  }
0x1b: {  	v3 =	vand.u32 $0x7, v3  }
0x1c: {  	v3 =	vor.u32 v3, v4  }
0x1d: {  	v4 =	vperm.xlane v3, v0;
	_ =	sdelay $0x1  }
0x1e: {  	v4 =	vadd.s32 v1, v4;
	_ =	sdelay $0x3  }
0x1f: {  	v3 =	vperm.xlane v3, v2  }
0x20: {  	[tilespmem:s12], [sflag:$0x1] =	stream.indirect_vreg.gather [hbm4b:s3+s2], $0x80, v4, vm0, $0xb8;
	[tilespmem:$0xA180] =	vst v63  }
0x21: {  	s18 =	simm.s32 $0x980;
	v3 =	vadd.s32 v1, v3  }
0x22: {  	[tilespmem:s18], [sflag:$0x1] =	stream.indirect_vreg.gather [hbm4b:s6+s2], $0x80, v4, vm0, $0xb8;
	[tilespmem:$0xA180] =	vst v63  }
0x23: {  	s19 =	simm.s32 $0x1180  }
0x24: {  	[tilespmem:s19], [sflag:$0x1] =	stream.indirect_vreg.gather [hbm4b:s7+s2], $0x80, v4, vm1, $0xb8;
	[tilespmem:$0xA180] =	vst v63  }
0x25: {  	s20 =	simm.s32 $0x1580  }
0x26: {  	[tilespmem:s20], [sflag:$0x1] =	stream.indirect_vreg.gather [hbm4b:s3+s2], $0x80, v3, vm0, $0xb8;
	[tilespmem:$0xA180] =	vst v63  }
0x27: {  	s21 =	simm.s32 $0x1D80  }
0x28: {  	[tilespmem:s21], [sflag:$0x1] =	stream.indirect_vreg.gather [hbm4b:s6+s2], $0x80, v3, vm0, $0xb8;
	[tilespmem:$0xA180] =	vst v63  }
0x29: {  	s22 =	simm.s32 $0x2580  }
0x2a: {  	[tilespmem:s22], [sflag:$0x1] =	stream.indirect_vreg.gather [hbm4b:s7+s2], $0x80, v3, vm1, $0xb8;
	[tilespmem:$0xA180] =	vst v63  }
0x2b: {  	v3 =	vld [tilespmem:$0x10];
	_ =	sdelay $0x4  }
0x2c: {  	v4 =	vshrl.u32 v3, $0x3  }
0x2d: {  	v4 =	vmul.u32 $0x28, v4  }
0x2e: {  	v3 =	vand.u32 $0x7, v3  }
0x2f: {  	v3 =	vor.u32 v3, v4  }
0x30: {  	v4 =	vperm.xlane v3, v0;
	_ =	sdelay $0x1  }
0x31: {  	v4 =	vadd.s32 v1, v4;
	_ =	sdelay $0x3  }
0x32: {  	s23 =	simm.s32 $0x2980;
	v3 =	vperm.xlane v3, v2  }
0x33: {  	[tilespmem:s23], [sflag:$0x1] =	stream.indirect_vreg.gather [hbm4b:s3+s2], $0x80, v4, vm0, $0xb8;
	[tilespmem:$0xA180] =	vst v63  }
0x34: {  	s18 =	simm.s32 $0x3180;
	v3 =	vadd.s32 v1, v3  }
0x35: {  	[tilespmem:s18], [sflag:$0x1] =	stream.indirect_vreg.gather [hbm4b:s6+s2], $0x80, v4, vm0, $0xb8;
	[tilespmem:$0xA180] =	vst v63  }
0x36: {  	s19 =	simm.s32 $0x3980  }
0x37: {  	[tilespmem:s19], [sflag:$0x1] =	stream.indirect_vreg.gather [hbm4b:s7+s2], $0x80, v4, vm1, $0xb8;
	[tilespmem:$0xA180] =	vst v63  }
0x38: {  	s20 =	simm.s32 $0x3D80  }
0x39: {  	[tilespmem:s20], [sflag:$0x1] =	stream.indirect_vreg.gather [hbm4b:s3+s2], $0x80, v3, vm0, $0xb8;
	[tilespmem:$0xA180] =	vst v63  }
0x3a: {  	s21 =	simm.s32 $0x4580  }
0x3b: {  	[tilespmem:s21], [sflag:$0x1] =	stream.indirect_vreg.gather [hbm4b:s6+s2], $0x80, v3, vm0, $0xb8;
	[tilespmem:$0xA180] =	vst v63  }
0x3c: {  	s22 =	simm.s32 $0x4D80  }
0x3d: {  	[tilespmem:s22], [sflag:$0x1] =	stream.indirect_vreg.gather [hbm4b:s7+s2], $0x80, v3, vm1, $0xb8;
	[tilespmem:$0xA180] =	vst v63  }
0x3e: {  	v3 =	vld [tilespmem:$0x20];
	_ =	sdelay $0x4  }
0x3f: {  	v4 =	vshrl.u32 v3, $0x3  }
0x40: {  	v4 =	vmul.u32 $0x28, v4  }
0x41: {  	v3 =	vand.u32 $0x7, v3  }
0x42: {  	v3 =	vor.u32 v3, v4  }
0x43: {  	v4 =	vperm.xlane v3, v0;
	_ =	sdelay $0x1  }
0x44: {  	v4 =	vadd.s32 v1, v4;
	_ =	sdelay $0x3  }
0x45: {  	v3 =	vperm.xlane v3, v2  }
0x46: {  	[tilespmem:s24], [sflag:$0x1] =	stream.indirect_vreg.gather [hbm4b:s3+s2], $0x80, v4, vm0, $0xb8;
	[tilespmem:$0xA180] =	vst v63  }
0x47: {  	v3 =	vadd.s32 v1, v3  }
0x48: {  	[tilespmem:s25], [sflag:$0x1] =	stream.indirect_vreg.gather [hbm4b:s6+s2], $0x80, v4, vm0, $0xb8;
	[tilespmem:$0xA180] =	vst v63  }
0x49: {  	_ = 	snop  }
0x4a: {  	[tilespmem:s26], [sflag:$0x1] =	stream.indirect_vreg.gather [hbm4b:s7+s2], $0x80, v4, vm1, $0xb8;
	[tilespmem:$0xA180] =	vst v63  }
0x4b: {  	_ = 	snop  }
0x4c: {  	[tilespmem:s28], [sflag:$0x1] =	stream.indirect_vreg.gather [hbm4b:s3+s2], $0x80, v3, vm0, $0xb8;
	[tilespmem:$0xA180] =	vst v63  }
0x4d: {  	_ = 	snop  }
0x4e: {  	[tilespmem:s29], [sflag:$0x1] =	stream.indirect_vreg.gather [hbm4b:s6+s2], $0x80, v3, vm0, $0xb8;
	[tilespmem:$0xA180] =	vst v63  }
0x4f: {  	_ = 	snop  }
0x50: {  	[tilespmem:s30], [sflag:$0x1] =	stream.indirect_vreg.gather [hbm4b:s7+s2], $0x80, v3, vm1, $0xb8;
	[tilespmem:$0xA180] =	vst v63  }
0x51: {  	v3 =	vld [tilespmem:$0x30];
	_ =	sdelay $0x4  }
0x52: {  	v4 =	vshrl.u32 v3, $0x3  }
0x53: {  	v4 =	vmul.u32 $0x28, v4  }
0x54: {  	v3 =	vand.u32 $0x7, v3  }
0x55: {  	v3 =	vor.u32 v3, v4  }
0x56: {  	v4 =	vperm.xlane v3, v0;
	_ =	sdelay $0x1  }
0x57: {  	v4 =	vadd.s32 v1, v4;
	_ =	sdelay $0x3  }
0x58: {  	v3 =	vperm.xlane v3, v2  }
0x59: {  	[tilespmem:s31], [sflag:$0x1] =	stream.indirect_vreg.gather [hbm4b:s3+s2], $0x80, v4, vm0, $0xb8;
	[tilespmem:$0xA180] =	vst v63  }
0x5a: {  	v3 =	vadd.s32 v1, v3  }
0x5b: {  	[tilespmem:s0], [sflag:$0x1] =	stream.indirect_vreg.gather [hbm4b:s6+s2], $0x80, v4, vm0, $0xb8;
	[tilespmem:$0xA180] =	vst v63  }
0x5c: {  	_ = 	snop  }
0x5d: {  	[tilespmem:s1], [sflag:$0x1] =	stream.indirect_vreg.gather [hbm4b:s7+s2], $0x80, v4, vm1, $0xb8;
	[tilespmem:$0xA180] =	vst v63  }
0x5e: {  	_ = 	snop  }
0x5f: {  	[tilespmem:s11], [sflag:$0x1] =	stream.indirect_vreg.gather [hbm4b:s3+s2], $0x80, v3, vm0, $0xb8;
	[tilespmem:$0xA180] =	vst v63  }
0x60: {  	s23 =	simm.s32 $0x0  }
0x61: {  	[tilespmem:s13], [sflag:$0x1] =	stream.indirect_vreg.gather [hbm4b:s6+s2], $0x80, v3, vm0, $0xb8;
	[tilespmem:$0xA180] =	vst v63  }
0x62: {  	s17 =	smul.u32 $0x5000, s23  }
0x63: {  	[tilespmem:s14], [sflag:$0x1] =	stream.indirect_vreg.gather [hbm4b:s7+s2], $0x80, v3, vm1, $0xb8;
	[tilespmem:$0xA180] =	vst v63  }
0x64: {  	_ =	swait.ge [sflag:s15], $0xA000  }
0x65: {  	s18 =	sand.u32 $0x200, s2;
	s17 =	sshra.s32 s17, $0x2;
	[sflag:s15] =	ssyncset.done $0x0  }
0x66: {  	s18 =	sshrl.u32 s18, $0x2;
	s19 =	sand.u32 $0x380, s2;
	[sflag:s15] =	ssyncadd.s32 $0xFFFF6000  }
0x67: {  	s17 =	sor.u32 s19, s17;
	v3 =	vld [tilespmem:s18+$0x80]  }
0x68: {  	v4 =	vld [tilespmem:s17+$0x180];
	_ =	sdelay $0x2  }
0x69: {  	s19 =	simm.s32 $0x0  }
0x6a: {  	s20 =	simm.s32 $0x2;
	s21 =	simm.s32 $0x0;
	s18 =	simm.s32 $0x0  }
.LBB2_2:
0x6b: {  	p0 =	sne.s32 s20, $0x3F;
	s21 =	smul.u32 $0x5000, s21;
	v3 =	vsub.f32 v4, v3;
	s19 =	sadd.s32 $0x10, s19  }
0x6c: {  	s18 =	sadd.s32 $0x80, s18;
	s22 =	sand.u32 $0x200, s19  }
0x6d: {  	s23 =	sand.u32 $0x380, s18;
	s21 =	sshra.s32 s21, $0x2;
	s22 =	sshrl.u32 s22, $0x2;
	[tilespmem:s17+$0x180] =	vst v3  }
0x6e: {  	s17 =	sor.u32 s23, s21;
	v3 =	vld [tilespmem:s22+$0x80]  }
.Ltmp0:
0x6f: {  	v4 =	vld [tilespmem:s17+$0x180];
	(pc) =	sbr.rel @p0 .LBB2_2-.Ltmp0, $2  }
0x70: {  	_ =	sdelay $0x2  }
0x71: {  	s21 =	sshrl.u32 s20, $0x3;
	s20 =	sadd.s32 $0x1, s20  }
0x72: {  	s20 =	smul.u32 $0x5000, s21;
	v3 =	vsub.f32 v4, v3;
	s19 =	sadd.s32 $0x10, s19  }
0x73: {  	s18 =	sadd.s32 $0x80, s18;
	s19 =	sand.u32 $0x200, s19  }
0x74: {  	s18 =	sand.u32 $0x380, s18;
	s20 =	sshra.s32 s20, $0x2;
	s19 =	sshrl.u32 s19, $0x2;
	[tilespmem:s17+$0x180] =	vst v3  }
0x75: {  	s23 =	sor.u32 s18, s20;
	v3 =	vld [tilespmem:s19+$0x80]  }
0x76: {  	v63 =	vld [tilespmem:s23+$0x180];
	_ =	sdelay $0x4  }
0x77: {  	s16 =	sadd.s32 $0x1, s16;
	v3 =	vsub.f32 v63, v3  }
0x78: {  	p0 =	sne.s32 s16, s9  }
.Ltmp1:
0x79: {  	[tilespmem:s23+$0x180] =	vst v3;
	(pc) =	sbr.rel @p0 .LBB2_1-.Ltmp1, $4  }
0x7a: {  	[hbm4b:s8+s2] =	stream.linear.scatter [tilespmem:s12], [sflag:$0x2], $0xA000, $0x38;
	[tilespmem:$0xA180] =	vst v63  }
0x7b: {  	_ =	swait.ge [sflag:s10], $0xA000  }
0x7c: {  	[sflag:s10] =	ssyncset.done $0x0  }
0x7d: {  	[sflag:s10] =	ssyncadd.s32 $0xFFFF6000  }
0x7e: {  	_ =	sfence.sel $0x180000  }
0x7f: {  	[bflag:$0x0] =	sbarrier.arrive $0xFFFF  }
0x80: {  	_ =	strace $0x9000005F  }
0x81: {  	s0 =	stileid.u32;
	[bflag:$0x2] =	sbarrier.arrive $0xFFFF  }
0x82: {  	p0 =	sne.s32 s0, $0x0;
	s0 =	rddreg [dreg:$0x2]  }
0x83: {  	s0 =	sadd.s32 @!p0 $0x100000, s0  }
0x84: {  	[sflag:s0] =	ssyncadd.tile.s32 @!p0 $0x1;
	_ =	shalt  }
.Lfunc_end2:
_tile_overlayer_lowered:
.L_overlay_start_2:
0x85: {  	(tag) =	ssettag $0x2  }
0x86: {  	s0 =	rddreg [dreg:$0x0];
	s2 =	stileid.u32  }
0x87: {  	s1 =	rddreg [dreg:$0x1];
	p0 =	sne.s32 s2, $0x0  }
0x88: {  	s3 =	rddreg [dreg:$0x2];
	[bflag:$0x3] =	sbarrier.arrive $0xFFFF;
	s2 =	simm.s32 @!p0 $0x1C02  }
0x89: {  	[timem:s3], [sflag:s2] =	dma.local @!p0 [hbm:s0], s1  }
0x8a: {  	s0 =	simm.s32 @!p0 $0x2  }
0x8b: {  	_ =	swait.ge @!p0 [sflag:s0], s1  }
0x8c: {  	s1 =	ssub.s32 @!p0 $0x0, s1;
	[sflag:s0] =	ssyncset.done @!p0 $0x0  }
0x8d: {  	[sflag:s0] =	ssyncadd.s32 @!p0 s1  }
0x8e: {  	[bflag:$0x3] =	sbarrier.arrive $0xFFFF  }
0x8f: {  	_ =	shalt  }

</sc_bundles>
